<compile_context>
chip_gen: v7x
topology: tpu7x:2x2x1
jax: 0.10.2.dev20260603
libtpu: 0.0.44.dev20260713+nightly
codegen_flags: <defaults>
</compile_context>

<pallas_src>
import functools

import jax
import jax.numpy as jnp
from jax import lax
from jax.experimental import pallas as pl
from jax.experimental.pallas import tpu as pltpu
from jax.experimental.pallas import tpu_sc as plsc

MAXLEN = 200
VOCAB = 100000
EMBED = 64
BATCH = 4096

NC = 2
NS = 16
L = 16
NW = NC * NS
BT = BATCH // 128
MT = MAXLEN // 8
ET = EMBED // 8
TILE = 8 * 128

_mesh = plsc.VectorSubcoreMesh(
    core_axis_name="c", subcore_axis_name="s", num_cores=NC, num_subcores=NS
)


@functools.partial(
    pl.kernel,
    out_type=jax.ShapeDtypeStruct((MAXLEN, ET, BT, TILE), jnp.float32),
    mesh=_mesh,
    scratch_types=[
        pltpu.VMEM((MT, 8, 128), jnp.int32),
        pltpu.VMEM((MAXLEN, EMBED), jnp.float32),
        pltpu.VMEM((4, 128, EMBED), jnp.float32),
        pltpu.VMEM((128 * 65,), jnp.float32),
        pltpu.VMEM((4, ET, TILE), jnp.float32),
        pltpu.SemaphoreType.DMA((4,)),
        pltpu.SemaphoreType.DMA((4,)),
    ],
    compiler_params=pltpu.CompilerParams(
        use_tc_tiling_on_sc=False, needs_layout_passes=False
    ),
)
def _tok_pos_embed(x_hbm, tok_hbm, pos_hbm, out_hbm, idx_v, pos_v, rows_v, pad_v, otile_v, gsem, osem):
    wid = lax.axis_index("s") * NC + lax.axis_index("c")

    def gather(m, p):
        return pltpu.make_async_copy(
            tok_hbm.at[idx_v.at[m // 8].at[m % 8]], rows_v.at[p], gsem.at[p]
        )

    def out_copy(m, p):
        return pltpu.make_async_copy(
            otile_v.at[p], out_hbm.at[m].at[:, wid], osem.at[p]
        )

    pltpu.sync_copy(x_hbm.at[:, wid], idx_v)
    pltpu.sync_copy(pos_hbm, pos_v)
    for p0 in range(4):
        gather(p0, p0).start()

    iota = lax.iota(jnp.int32, L)
    iota65 = iota * 65

    def half(m, p):
        gather(m, p).wait()

        @pl.when(m >= 4)
        def _():
            out_copy(m - 4, p).wait()

        otile_p = otile_v.at[p]
        pv = [pos_v[m, pl.ds(j * L, L)] for j in range(EMBED // L)]

        @plsc.parallel_loop(0, 128, unroll=8)
        def _bi(bi):
            base = bi * 65
            for j in range(EMBED // L):
                pad_v[pl.ds(base + j * L, L)] = (
                    rows_v[p, bi, pl.ds(j * L, L)] + pv[j]
                )

        @plsc.parallel_loop(0, EMBED, unroll=4)
        def _e(e):
            et = e >> 3
            col = (e & 7) * 128
            for c in range(8):
                idx = iota65 + (c * (L * 65) + e)
                v = plsc.load_gather(pad_v, [idx])
                otile_p[et, pl.ds(col + c * L, L)] = v

        out_copy(m, p).start()

        @pl.when(m + 4 < MAXLEN)
        def _():
            gather(m + 4, p).start()

    @pl.loop(0, MAXLEN, step=4)
    def _m(m):
        for p0 in range(4):
            half(m + p0, p0)

    for p0 in range(4):
        out_copy(MAXLEN - 4 + p0, p0).wait()


def kernel(x, token_table, pos_table):
    x4 = (
        x.astype(jnp.int32)
        .T.reshape(MT, 8, BT, 128)
        .transpose(0, 2, 1, 3)
    )
    out = _tok_pos_embed(x4, token_table, pos_table)
    return (
        out.reshape(MAXLEN, ET, BT, 8, 128)
        .transpose(2, 4, 0, 1, 3)
        .reshape(BATCH, MAXLEN, EMBED)
    )

# --- scband reference (transcript-rebuilt; emitter-appended) ---
"""Pipeline reference for scband-token-and-position-embedding-33380485824772 (READ-ONLY COPY).

The authoritative reference and input builder live on the scoring server;
editing this copy changes nothing except your own understanding.
"""

import jax, jax.numpy as jnp
import numpy as np

MAXLEN = 200
VOCAB = 100000
EMBED = 64
BATCH = 4096

def setup_inputs(seed: int = 0) -> dict:
    key = jax.random.key(seed)
    k1, k2, k3 = jax.random.split(key, 3)
    x = jax.random.randint(k1, (BATCH, MAXLEN), 0, VOCAB, dtype=jnp.int64 if jax.config.jax_enable_x64 else jnp.int32)
    token_table = jax.random.normal(k2, (VOCAB, EMBED), dtype=jnp.float32) * 0.05
    pos_table = jax.random.normal(k3, (MAXLEN, EMBED), dtype=jnp.float32) * 0.05
    return {"x": x, "token_table": token_table, "pos_table": pos_table}

def reference(x, token_table, pos_table):
    # TokenAndPositionEmbedding.call:
    # positions = range(maxlen); pos_emb(positions); token_emb(x); sum
    maxlen = x.shape[-1]
    positions = jnp.arange(maxlen)
    pos = jnp.take(pos_table, positions, axis=0)            # [maxlen, embed]
    tok = jnp.take(token_table, x, axis=0)                  # [B, maxlen, embed]
    return tok + pos[None, :, :]

if __name__ == "__main__":
    import jax
    _d = setup_inputs()
    print(jax.jit(kernel)(*tuple(_d.values())))

</pallas_src>

<mosaic_0001>
#map = affine_map<(d0, d1) -> (0, 0, 0, 0)>
#map1 = affine_map<(d0, d1) -> (0, 0)>
module attributes {stable_mosaic.version = 14 : i64} {
  func.func @_tok_pos_embed(%arg0: i32, %arg1: i32, %arg2: memref<25x32x8x128xi32, #tpu.memory_space<hbm>>, %arg3: memref<100000x64xf32, #tpu.memory_space<hbm>>, %arg4: memref<200x64xf32, #tpu.memory_space<hbm>>, %arg5: memref<200x8x32x1024xf32, #tpu.memory_space<hbm>>, %arg6: memref<25x8x128xi32, #tpu.memory_space<vmem>>, %arg7: memref<200x64xf32, #tpu.memory_space<vmem>>, %arg8: memref<4x128x64xf32, #tpu.memory_space<vmem>>, %arg9: memref<8320xf32, #tpu.memory_space<vmem>>, %arg10: memref<4x8x1024xf32, #tpu.memory_space<vmem>>, %arg11: memref<4x!tpu.dma_semaphore, #tpu.memory_space<semaphore_mem>>, %arg12: memref<4x!tpu.dma_semaphore, #tpu.memory_space<semaphore_mem>>) attributes {dimension_semantics = [#tpu.dimension_semantics<core_parallel>, #tpu.dimension_semantics<subcore_parallel>], iteration_bounds = array<i64: 2, 16>, scalar_prefetch = 0 : i64, scratch_operands = 7 : i64, tpu.core_type = #tpu.core_type<sc_vector_subcore>, window_params = [{transform_indices = #map}, {transform_indices = #map1}, {transform_indices = #map1}, {transform_indices = #map}]} {
    %mul3A = arith.constant 2 : i32
    %mul3A_0 = arith.muli %arg1, %mul3A : i32
    %add3A = arith.addi %mul3A_0, %arg0 : i32
    "tpu.region"() ({
      %run_scoped3A = tpu.sem_alloc : memref<!tpu.dma_semaphore, #tpu.memory_space<semaphore_mem>>
      %dma_start3A_210 = arith.constant 0 : i32
      %dma_start3A_211 = arith.constant 0 : i32
      %dma_start3A_212 = arith.constant 0 : i32
      %dma_start3A_213 = tpu.memref_slice %arg2[%dma_start3A_210, %add3A, %dma_start3A_211, %dma_start3A_212] : memref<25x32x8x128xi32, #tpu.memory_space<hbm>> -> memref<25x1x8x128xi32, #tpu.memory_space<hbm>>
      %dma_start3A_214 = tpu.memref_squeeze %dma_start3A_213 : memref<25x1x8x128xi32, #tpu.memory_space<hbm>> -> memref<25x8x128xi32, #tpu.memory_space<hbm>>
      %dma_start3A_215 = arith.constant 0 : i32
      %dma_start3A_216 = arith.constant 0 : i32
      %dma_start3A_217 = arith.constant 0 : i32
      %dma_start3A_218 = tpu.memref_slice %arg2[%dma_start3A_215, %add3A, %dma_start3A_216, %dma_start3A_217] : memref<25x32x8x128xi32, #tpu.memory_space<hbm>> -> memref<25x1x8x128xi32, #tpu.memory_space<hbm>>
      %dma_start3A_219 = tpu.memref_squeeze %dma_start3A_218 : memref<25x1x8x128xi32, #tpu.memory_space<hbm>> -> memref<25x8x128xi32, #tpu.memory_space<hbm>>
      tpu.enqueue_dma source(%dma_start3A_219 : memref<25x8x128xi32, #tpu.memory_space<hbm>>) target(%arg6 : memref<25x8x128xi32, #tpu.memory_space<vmem>>) target_semaphore(%run_scoped3A : memref<!tpu.dma_semaphore, #tpu.memory_space<semaphore_mem>>)
      %dma_wait3A_220 = arith.constant 0 : i32
      %dma_wait3A_221 = arith.constant 0 : i32
      %dma_wait3A_222 = arith.constant 0 : i32
      %dma_wait3A_223 = tpu.memref_slice %arg2[%dma_wait3A_220, %add3A, %dma_wait3A_221, %dma_wait3A_222] : memref<25x32x8x128xi32, #tpu.memory_space<hbm>> -> memref<25x1x8x128xi32, #tpu.memory_space<hbm>>
      %dma_wait3A_224 = tpu.memref_squeeze %dma_wait3A_223 : memref<25x1x8x128xi32, #tpu.memory_space<hbm>> -> memref<25x8x128xi32, #tpu.memory_space<hbm>>
      %dma_wait3A_225 = arith.constant 0 : i32
      %dma_wait3A_226 = arith.constant 0 : i32
      %dma_wait3A_227 = arith.constant 0 : i32
      %dma_wait3A_228 = tpu.memref_slice %arg2[%dma_wait3A_225, %add3A, %dma_wait3A_226, %dma_wait3A_227] : memref<25x32x8x128xi32, #tpu.memory_space<hbm>> -> memref<25x1x8x128xi32, #tpu.memory_space<hbm>>
      %dma_wait3A_229 = tpu.memref_squeeze %dma_wait3A_228 : memref<25x1x8x128xi32, #tpu.memory_space<hbm>> -> memref<25x8x128xi32, #tpu.memory_space<hbm>>
      tpu.wait_dma2 semaphore(%run_scoped3A : memref<!tpu.dma_semaphore, #tpu.memory_space<semaphore_mem>>) src(%dma_wait3A_229 : memref<25x8x128xi32, #tpu.memory_space<hbm>>) dst(%arg6 : memref<25x8x128xi32, #tpu.memory_space<vmem>>)
      tpu.yield
    }) : () -> ()
    "tpu.region"() ({
      %run_scoped3A = tpu.sem_alloc : memref<!tpu.dma_semaphore, #tpu.memory_space<semaphore_mem>>
      tpu.enqueue_dma source(%arg4 : memref<200x64xf32, #tpu.memory_space<hbm>>) target(%arg7 : memref<200x64xf32, #tpu.memory_space<vmem>>) target_semaphore(%run_scoped3A : memref<!tpu.dma_semaphore, #tpu.memory_space<semaphore_mem>>)
      tpu.wait_dma2 semaphore(%run_scoped3A : memref<!tpu.dma_semaphore, #tpu.memory_space<semaphore_mem>>) src(%arg4 : memref<200x64xf32, #tpu.memory_space<hbm>>) dst(%arg7 : memref<200x64xf32, #tpu.memory_space<vmem>>)
      tpu.yield
    }) : () -> ()
    %dma_start3A = arith.constant 0 : i32
    %dma_start3A_1 = arith.constant 0 : i32
    %dma_start3A_2 = arith.constant 0 : i32
    %dma_start3A_3 = arith.constant 0 : i32
    %dma_start3A_4 = arith.constant 0 : i32
    %dma_start3A_5 = arith.constant 0 : i32
    %dma_start3A_6 = tpu.memref_slice %arg8[%dma_start3A_2, %dma_start3A_4, %dma_start3A_5] : memref<4x128x64xf32, #tpu.memory_space<vmem>> -> memref<1x128x64xf32, #tpu.memory_space<vmem>>
    %dma_start3A_7 = tpu.memref_squeeze %dma_start3A_6 : memref<1x128x64xf32, #tpu.memory_space<vmem>> -> memref<128x64xf32, #tpu.memory_space<vmem>>
    %dma_start3A_8 = arith.constant 0 : i32
    %dma_start3A_9 = arith.constant 0 : i32
    %dma_start3A_10 = tpu.memref_slice %arg6[%dma_start3A, %dma_start3A_8, %dma_start3A_9] : memref<25x8x128xi32, #tpu.memory_space<vmem>> -> memref<1x8x128xi32, #tpu.memory_space<vmem>>
    %dma_start3A_11 = tpu.memref_squeeze %dma_start3A_10 : memref<1x8x128xi32, #tpu.memory_space<vmem>> -> memref<8x128xi32, #tpu.memory_space<vmem>>
    %dma_start3A_12 = arith.constant 0 : i32
    %dma_start3A_13 = tpu.memref_slice %dma_start3A_11[%dma_start3A_1, %dma_start3A_12] : memref<8x128xi32, #tpu.memory_space<vmem>> -> memref<1x128xi32, #tpu.memory_space<vmem>>
    %dma_start3A_14 = tpu.memref_squeeze %dma_start3A_13 : memref<1x128xi32, #tpu.memory_space<vmem>> -> memref<128xi32, #tpu.memory_space<vmem>>
    %dma_start3A_15 = arith.constant 0 : i32
    %dma_start3A_16 = arith.constant 0 : i32
    %dma_start3A_17 = tpu.memref_slice %arg3[%dma_start3A_15, %dma_start3A_16] : memref<100000x64xf32, #tpu.memory_space<hbm>> -> memref<100000x64xf32, #tpu.memory_space<hbm>>
    %dma_start3A_18 = tpu.memref_slice %arg11[%dma_start3A_3] : memref<4x!tpu.dma_semaphore, #tpu.memory_space<semaphore_mem>> -> memref<1x!tpu.dma_semaphore, #tpu.memory_space<semaphore_mem>>
    %dma_start3A_19 = tpu.memref_squeeze %dma_start3A_18 : memref<1x!tpu.dma_semaphore, #tpu.memory_space<semaphore_mem>> -> memref<!tpu.dma_semaphore, #tpu.memory_space<semaphore_mem>>
    tpu.enqueue_indirect_dma source(%dma_start3A_17 : memref<100000x64xf32, #tpu.memory_space<hbm>>) target(%dma_start3A_7 : memref<128x64xf32, #tpu.memory_space<vmem>>) offsets(%dma_start3A_14 : memref<128xi32, #tpu.memory_space<vmem>>) semaphore(%dma_start3A_19 : memref<!tpu.dma_semaphore, #tpu.memory_space<semaphore_mem>>)
    %dma_start3A_20 = arith.constant 0 : i32
    %dma_start3A_21 = arith.constant 1 : i32
    %dma_start3A_22 = arith.constant 1 : i32
    %dma_start3A_23 = arith.constant 1 : i32
    %dma_start3A_24 = arith.constant 0 : i32
    %dma_start3A_25 = arith.constant 0 : i32
    %dma_start3A_26 = tpu.memref_slice %arg8[%dma_start3A_22, %dma_start3A_24, %dma_start3A_25] : memref<4x128x64xf32, #tpu.memory_space<vmem>> -> memref<1x128x64xf32, #tpu.memory_space<vmem>>
    %dma_start3A_27 = tpu.memref_squeeze %dma_start3A_26 : memref<1x128x64xf32, #tpu.memory_space<vmem>> -> memref<128x64xf32, #tpu.memory_space<vmem>>
    %dma_start3A_28 = arith.constant 0 : i32
    %dma_start3A_29 = arith.constant 0 : i32
    %dma_start3A_30 = tpu.memref_slice %arg6[%dma_start3A_20, %dma_start3A_28, %dma_start3A_29] : memref<25x8x128xi32, #tpu.memory_space<vmem>> -> memref<1x8x128xi32, #tpu.memory_space<vmem>>
    %dma_start3A_31 = tpu.memref_squeeze %dma_start3A_30 : memref<1x8x128xi32, #tpu.memory_space<vmem>> -> memref<8x128xi32, #tpu.memory_space<vmem>>
    %dma_start3A_32 = arith.constant 0 : i32
    %dma_start3A_33 = tpu.memref_slice %dma_start3A_31[%dma_start3A_21, %dma_start3A_32] : memref<8x128xi32, #tpu.memory_space<vmem>> -> memref<1x128xi32, #tpu.memory_space<vmem>>
    %dma_start3A_34 = tpu.memref_squeeze %dma_start3A_33 : memref<1x128xi32, #tpu.memory_space<vmem>> -> memref<128xi32, #tpu.memory_space<vmem>>
    %dma_start3A_35 = arith.constant 0 : i32
    %dma_start3A_36 = arith.constant 0 : i32
    %dma_start3A_37 = tpu.memref_slice %arg3[%dma_start3A_35, %dma_start3A_36] : memref<100000x64xf32, #tpu.memory_space<hbm>> -> memref<100000x64xf32, #tpu.memory_space<hbm>>
    %dma_start3A_38 = tpu.memref_slice %arg11[%dma_start3A_23] : memref<4x!tpu.dma_semaphore, #tpu.memory_space<semaphore_mem>> -> memref<1x!tpu.dma_semaphore, #tpu.memory_space<semaphore_mem>>
    %dma_start3A_39 = tpu.memref_squeeze %dma_start3A_38 : memref<1x!tpu.dma_semaphore, #tpu.memory_space<semaphore_mem>> -> memref<!tpu.dma_semaphore, #tpu.memory_space<semaphore_mem>>
    tpu.enqueue_indirect_dma source(%dma_start3A_37 : memref<100000x64xf32, #tpu.memory_space<hbm>>) target(%dma_start3A_27 : memref<128x64xf32, #tpu.memory_space<vmem>>) offsets(%dma_start3A_34 : memref<128xi32, #tpu.memory_space<vmem>>) semaphore(%dma_start3A_39 : memref<!tpu.dma_semaphore, #tpu.memory_space<semaphore_mem>>)
    %dma_start3A_40 = arith.constant 0 : i32
    %dma_start3A_41 = arith.constant 2 : i32
    %dma_start3A_42 = arith.constant 2 : i32
    %dma_start3A_43 = arith.constant 2 : i32
    %dma_start3A_44 = arith.constant 0 : i32
    %dma_start3A_45 = arith.constant 0 : i32
    %dma_start3A_46 = tpu.memref_slice %arg8[%dma_start3A_42, %dma_start3A_44, %dma_start3A_45] : memref<4x128x64xf32, #tpu.memory_space<vmem>> -> memref<1x128x64xf32, #tpu.memory_space<vmem>>
    %dma_start3A_47 = tpu.memref_squeeze %dma_start3A_46 : memref<1x128x64xf32, #tpu.memory_space<vmem>> -> memref<128x64xf32, #tpu.memory_space<vmem>>
    %dma_start3A_48 = arith.constant 0 : i32
    %dma_start3A_49 = arith.constant 0 : i32
    %dma_start3A_50 = tpu.memref_slice %arg6[%dma_start3A_40, %dma_start3A_48, %dma_start3A_49] : memref<25x8x128xi32, #tpu.memory_space<vmem>> -> memref<1x8x128xi32, #tpu.memory_space<vmem>>
    %dma_start3A_51 = tpu.memref_squeeze %dma_start3A_50 : memref<1x8x128xi32, #tpu.memory_space<vmem>> -> memref<8x128xi32, #tpu.memory_space<vmem>>
    %dma_start3A_52 = arith.constant 0 : i32
    %dma_start3A_53 = tpu.memref_slice %dma_start3A_51[%dma_start3A_41, %dma_start3A_52] : memref<8x128xi32, #tpu.memory_space<vmem>> -> memref<1x128xi32, #tpu.memory_space<vmem>>
    %dma_start3A_54 = tpu.memref_squeeze %dma_start3A_53 : memref<1x128xi32, #tpu.memory_space<vmem>> -> memref<128xi32, #tpu.memory_space<vmem>>
    %dma_start3A_55 = arith.constant 0 : i32
    %dma_start3A_56 = arith.constant 0 : i32
    %dma_start3A_57 = tpu.memref_slice %arg3[%dma_start3A_55, %dma_start3A_56] : memref<100000x64xf32, #tpu.memory_space<hbm>> -> memref<100000x64xf32, #tpu.memory_space<hbm>>
    %dma_start3A_58 = tpu.memref_slice %arg11[%dma_start3A_43] : memref<4x!tpu.dma_semaphore, #tpu.memory_space<semaphore_mem>> -> memref<1x!tpu.dma_semaphore, #tpu.memory_space<semaphore_mem>>
    %dma_start3A_59 = tpu.memref_squeeze %dma_start3A_58 : memref<1x!tpu.dma_semaphore, #tpu.memory_space<semaphore_mem>> -> memref<!tpu.dma_semaphore, #tpu.memory_space<semaphore_mem>>
    tpu.enqueue_indirect_dma source(%dma_start3A_57 : memref<100000x64xf32, #tpu.memory_space<hbm>>) target(%dma_start3A_47 : memref<128x64xf32, #tpu.memory_space<vmem>>) offsets(%dma_start3A_54 : memref<128xi32, #tpu.memory_space<vmem>>) semaphore(%dma_start3A_59 : memref<!tpu.dma_semaphore, #tpu.memory_space<semaphore_mem>>)
    %dma_start3A_60 = arith.constant 0 : i32
    %dma_start3A_61 = arith.constant 3 : i32
    %dma_start3A_62 = arith.constant 3 : i32
    %dma_start3A_63 = arith.constant 3 : i32
    %dma_start3A_64 = arith.constant 0 : i32
    %dma_start3A_65 = arith.constant 0 : i32
    %dma_start3A_66 = tpu.memref_slice %arg8[%dma_start3A_62, %dma_start3A_64, %dma_start3A_65] : memref<4x128x64xf32, #tpu.memory_space<vmem>> -> memref<1x128x64xf32, #tpu.memory_space<vmem>>
    %dma_start3A_67 = tpu.memref_squeeze %dma_start3A_66 : memref<1x128x64xf32, #tpu.memory_space<vmem>> -> memref<128x64xf32, #tpu.memory_space<vmem>>
    %dma_start3A_68 = arith.constant 0 : i32
    %dma_start3A_69 = arith.constant 0 : i32
    %dma_start3A_70 = tpu.memref_slice %arg6[%dma_start3A_60, %dma_start3A_68, %dma_start3A_69] : memref<25x8x128xi32, #tpu.memory_space<vmem>> -> memref<1x8x128xi32, #tpu.memory_space<vmem>>
    %dma_start3A_71 = tpu.memref_squeeze %dma_start3A_70 : memref<1x8x128xi32, #tpu.memory_space<vmem>> -> memref<8x128xi32, #tpu.memory_space<vmem>>
    %dma_start3A_72 = arith.constant 0 : i32
    %dma_start3A_73 = tpu.memref_slice %dma_start3A_71[%dma_start3A_61, %dma_start3A_72] : memref<8x128xi32, #tpu.memory_space<vmem>> -> memref<1x128xi32, #tpu.memory_space<vmem>>
    %dma_start3A_74 = tpu.memref_squeeze %dma_start3A_73 : memref<1x128xi32, #tpu.memory_space<vmem>> -> memref<128xi32, #tpu.memory_space<vmem>>
    %dma_start3A_75 = arith.constant 0 : i32
    %dma_start3A_76 = arith.constant 0 : i32
    %dma_start3A_77 = tpu.memref_slice %arg3[%dma_start3A_75, %dma_start3A_76] : memref<100000x64xf32, #tpu.memory_space<hbm>> -> memref<100000x64xf32, #tpu.memory_space<hbm>>
    %dma_start3A_78 = tpu.memref_slice %arg11[%dma_start3A_63] : memref<4x!tpu.dma_semaphore, #tpu.memory_space<semaphore_mem>> -> memref<1x!tpu.dma_semaphore, #tpu.memory_space<semaphore_mem>>
    %dma_start3A_79 = tpu.memref_squeeze %dma_start3A_78 : memref<1x!tpu.dma_semaphore, #tpu.memory_space<semaphore_mem>> -> memref<!tpu.dma_semaphore, #tpu.memory_space<semaphore_mem>>
    tpu.enqueue_indirect_dma source(%dma_start3A_77 : memref<100000x64xf32, #tpu.memory_space<hbm>>) target(%dma_start3A_67 : memref<128x64xf32, #tpu.memory_space<vmem>>) offsets(%dma_start3A_74 : memref<128xi32, #tpu.memory_space<vmem>>) semaphore(%dma_start3A_79 : memref<!tpu.dma_semaphore, #tpu.memory_space<semaphore_mem>>)
    %iota3A = tpu.iota {dimensions = array<i32: 0>} : vector<16xi32>
    %mul3A_80 = arith.constant 65 : i32
    %mul3A_81 = vector.broadcast %mul3A_80 : i32 to vector<16xi32>
    %mul3A_82 = arith.muli %iota3A, %mul3A_81 : vector<16xi32>
    %scan3A = arith.constant 0 : i32
    %scan3A_83 = arith.constant 50 : i32
    %scan3A_84 = arith.addi %scan3A, %scan3A_83 : i32
    %scan3A_85 = arith.constant 1 : i32
    scf.for %scan3A_210 = %scan3A to %scan3A_84 step %scan3A_85  : i32 {
      %mul3A_211 = arith.constant 4 : i32
      %mul3A_212 = arith.muli %scan3A_210, %mul3A_211 : i32
      %add3A_213 = arith.constant 0 : i32
      %add3A_214 = arith.addi %add3A_213, %mul3A_212 : i32
      %add3A_215 = arith.constant 0 : i32
      %add3A_216 = arith.addi %add3A_214, %add3A_215 : i32
      %jit3A = arith.constant 8 : i32
      %div3A = arith.divsi %add3A_216, %jit3A : i32
      %sign3A = arith.constant 0 : i32
      %sign3A_217 = arith.cmpi sgt, %add3A_216, %sign3A : i32
      %sign3A_218 = arith.extui %sign3A_217 : i1 to i32
      %sign3A_219 = arith.constant 0 : i32
      %sign3A_220 = arith.cmpi slt, %add3A_216, %sign3A_219 : i32
      %sign3A_221 = arith.extui %sign3A_220 : i1 to i32
      %sign3A_222 = arith.subi %sign3A_218, %sign3A_221 : i32
      %sign3A_223 = arith.constant 0 : i32
      %sign3A_224 = arith.cmpi sgt, %jit3A, %sign3A_223 : i32
      %sign3A_225 = arith.extui %sign3A_224 : i1 to i32
      %sign3A_226 = arith.constant 0 : i32
      %sign3A_227 = arith.cmpi slt, %jit3A, %sign3A_226 : i32
      %sign3A_228 = arith.extui %sign3A_227 : i1 to i32
      %sign3A_229 = arith.subi %sign3A_225, %sign3A_228 : i32
      %ne3A = arith.cmpi ne, %sign3A_222, %sign3A_229 : i32
      %rem3A = arith.remsi %add3A_216, %jit3A : i32
      %ne3A_230 = arith.constant 0 : i32
      %ne3A_231 = arith.cmpi ne, %rem3A, %ne3A_230 : i32
      %and3A = arith.andi %ne3A, %ne3A_231 : i1
      %sub3A = arith.constant 1 : i32
      %sub3A_232 = arith.subi %div3A, %sub3A : i32
      %select_n3A = arith.select %and3A, %sub3A_232, %div3A : i32
      %jit3A_233 = arith.constant 8 : i32
      %eq3A = arith.constant 0 : i32
      %eq3A_234 = arith.cmpi eq, %jit3A_233, %eq3A : i32
      %jit3A_235 = arith.constant 1 : i32
      %select_n3A_236 = arith.select %eq3A_234, %jit3A_235, %jit3A_233 : i32
      %rem3A_237 = arith.remsi %add3A_216, %select_n3A_236 : i32
      %ne3A_238 = arith.constant 0 : i32
      %ne3A_239 = arith.cmpi ne, %rem3A_237, %ne3A_238 : i32
      %lt3A = arith.constant 0 : i32
      %lt3A_240 = arith.cmpi slt, %rem3A_237, %lt3A : i32
      %lt3A_241 = arith.constant 0 : i32
      %lt3A_242 = arith.cmpi slt, %select_n3A_236, %lt3A_241 : i32
      %ne3A_243 = arith.xori %lt3A_240, %lt3A_242 : i1
      %and3A_244 = arith.andi %ne3A_243, %ne3A_239 : i1
      %add3A_245 = arith.addi %rem3A_237, %select_n3A_236 : i32
      %select_n3A_246 = arith.select %and3A_244, %add3A_245, %rem3A_237 : i32
      %dma_wait3A_247 = arith.constant 0 : i32
      %dma_wait3A_248 = arith.constant 0 : i32
      %dma_wait3A_249 = arith.constant 0 : i32
      %dma_wait3A_250 = arith.constant 0 : i32
      %dma_wait3A_251 = tpu.memref_slice %arg8[%dma_wait3A_247, %dma_wait3A_249, %dma_wait3A_250] : memref<4x128x64xf32, #tpu.memory_space<vmem>> -> memref<1x128x64xf32, #tpu.memory_space<vmem>>
      %dma_wait3A_252 = tpu.memref_squeeze %dma_wait3A_251 : memref<1x128x64xf32, #tpu.memory_space<vmem>> -> memref<128x64xf32, #tpu.memory_space<vmem>>
      %dma_wait3A_253 = arith.constant 0 : i32
      %dma_wait3A_254 = arith.constant 0 : i32
      %dma_wait3A_255 = tpu.memref_slice %arg6[%select_n3A, %dma_wait3A_253, %dma_wait3A_254] : memref<25x8x128xi32, #tpu.memory_space<vmem>> -> memref<1x8x128xi32, #tpu.memory_space<vmem>>
      %dma_wait3A_256 = tpu.memref_squeeze %dma_wait3A_255 : memref<1x8x128xi32, #tpu.memory_space<vmem>> -> memref<8x128xi32, #tpu.memory_space<vmem>>
      %dma_wait3A_257 = arith.constant 0 : i32
      %dma_wait3A_258 = tpu.memref_slice %dma_wait3A_256[%select_n3A_246, %dma_wait3A_257] : memref<8x128xi32, #tpu.memory_space<vmem>> -> memref<1x128xi32, #tpu.memory_space<vmem>>
      %dma_wait3A_259 = tpu.memref_squeeze %dma_wait3A_258 : memref<1x128xi32, #tpu.memory_space<vmem>> -> memref<128xi32, #tpu.memory_space<vmem>>
      %dma_wait3A_260 = arith.constant 0 : i32
      %dma_wait3A_261 = arith.constant 0 : i32
      %dma_wait3A_262 = tpu.memref_slice %arg3[%dma_wait3A_260, %dma_wait3A_261] : memref<100000x64xf32, #tpu.memory_space<hbm>> -> memref<100000x64xf32, #tpu.memory_space<hbm>>
      %dma_wait3A_263 = tpu.memref_slice %arg11[%dma_wait3A_248] : memref<4x!tpu.dma_semaphore, #tpu.memory_space<semaphore_mem>> -> memref<1x!tpu.dma_semaphore, #tpu.memory_space<semaphore_mem>>
      %dma_wait3A_264 = tpu.memref_squeeze %dma_wait3A_263 : memref<1x!tpu.dma_semaphore, #tpu.memory_space<semaphore_mem>> -> memref<!tpu.dma_semaphore, #tpu.memory_space<semaphore_mem>>
      tpu.wait_indirect_dma semaphore(%dma_wait3A_264 : memref<!tpu.dma_semaphore, #tpu.memory_space<semaphore_mem>>) src(%dma_wait3A_262 : memref<100000x64xf32, #tpu.memory_space<hbm>>) dst(%dma_wait3A_252 : memref<128x64xf32, #tpu.memory_space<vmem>>)
      %ge3A = arith.constant 4 : i32
      %ge3A_265 = arith.cmpi sge, %add3A_216, %ge3A : i32
      %convert_element_type3A = arith.extui %ge3A_265 : i1 to i32
      %cond3A = arith.constant 0 : i32
      %cond3A_266 = arith.cmpi ne, %convert_element_type3A, %cond3A : i32
      scf.if %cond3A_266 {
        %sub3A_684 = arith.constant 4 : i32
        %sub3A_685 = arith.subi %add3A_216, %sub3A_684 : i32
        %dma_wait3A_686 = arith.constant 0 : i32
        %dma_wait3A_687 = arith.constant 0 : i32
        %dma_wait3A_688 = arith.constant 0 : i32
        %dma_wait3A_689 = arith.constant 0 : i32
        %dma_wait3A_690 = tpu.memref_slice %arg10[%dma_wait3A_686, %dma_wait3A_688, %dma_wait3A_689] : memref<4x8x1024xf32, #tpu.memory_space<vmem>> -> memref<1x8x1024xf32, #tpu.memory_space<vmem>>
        %dma_wait3A_691 = tpu.memref_squeeze %dma_wait3A_690 : memref<1x8x1024xf32, #tpu.memory_space<vmem>> -> memref<8x1024xf32, #tpu.memory_space<vmem>>
        %dma_wait3A_692 = arith.constant 0 : i32
        %dma_wait3A_693 = arith.constant 0 : i32
        %dma_wait3A_694 = arith.constant 0 : i32
        %dma_wait3A_695 = tpu.memref_slice %arg5[%sub3A_685, %dma_wait3A_692, %dma_wait3A_693, %dma_wait3A_694] : memref<200x8x32x1024xf32, #tpu.memory_space<hbm>> -> memref<1x8x32x1024xf32, #tpu.memory_space<hbm>>
        %dma_wait3A_696 = tpu.memref_squeeze %dma_wait3A_695 : memref<1x8x32x1024xf32, #tpu.memory_space<hbm>> -> memref<8x32x1024xf32, #tpu.memory_space<hbm>>
        %dma_wait3A_697 = arith.constant 0 : i32
        %dma_wait3A_698 = arith.constant 0 : i32
        %dma_wait3A_699 = tpu.memref_slice %dma_wait3A_696[%dma_wait3A_697, %add3A, %dma_wait3A_698] : memref<8x32x1024xf32, #tpu.memory_space<hbm>> -> memref<8x1x1024xf32, #tpu.memory_space<hbm>>
        %dma_wait3A_700 = tpu.memref_squeeze %dma_wait3A_699 : memref<8x1x1024xf32, #tpu.memory_space<hbm>> -> memref<8x1024xf32, #tpu.memory_space<hbm>>
        %dma_wait3A_701 = tpu.memref_slice %arg12[%dma_wait3A_687] : memref<4x!tpu.dma_semaphore, #tpu.memory_space<semaphore_mem>> -> memref<1x!tpu.dma_semaphore, #tpu.memory_space<semaphore_mem>>
        %dma_wait3A_702 = tpu.memref_squeeze %dma_wait3A_701 : memref<1x!tpu.dma_semaphore, #tpu.memory_space<semaphore_mem>> -> memref<!tpu.dma_semaphore, #tpu.memory_space<semaphore_mem>>
        %dma_wait3A_703 = arith.constant 0 : i32
        %dma_wait3A_704 = arith.constant 0 : i32
        %dma_wait3A_705 = arith.constant 0 : i32
        %dma_wait3A_706 = tpu.memref_slice %arg5[%sub3A_685, %dma_wait3A_703, %dma_wait3A_704, %dma_wait3A_705] : memref<200x8x32x1024xf32, #tpu.memory_space<hbm>> -> memref<1x8x32x1024xf32, #tpu.memory_space<hbm>>
        %dma_wait3A_707 = tpu.memref_squeeze %dma_wait3A_706 : memref<1x8x32x1024xf32, #tpu.memory_space<hbm>> -> memref<8x32x1024xf32, #tpu.memory_space<hbm>>
        %dma_wait3A_708 = arith.constant 0 : i32
        %dma_wait3A_709 = arith.constant 0 : i32
        %dma_wait3A_710 = tpu.memref_slice %dma_wait3A_707[%dma_wait3A_708, %add3A, %dma_wait3A_709] : memref<8x32x1024xf32, #tpu.memory_space<hbm>> -> memref<8x1x1024xf32, #tpu.memory_space<hbm>>
        %dma_wait3A_711 = tpu.memref_squeeze %dma_wait3A_710 : memref<8x1x1024xf32, #tpu.memory_space<hbm>> -> memref<8x1024xf32, #tpu.memory_space<hbm>>
        %dma_wait3A_712 = arith.constant 0 : i32
        %dma_wait3A_713 = arith.constant 0 : i32
        %dma_wait3A_714 = tpu.memref_slice %arg10[%dma_wait3A_686, %dma_wait3A_712, %dma_wait3A_713] : memref<4x8x1024xf32, #tpu.memory_space<vmem>> -> memref<1x8x1024xf32, #tpu.memory_space<vmem>>
        %dma_wait3A_715 = tpu.memref_squeeze %dma_wait3A_714 : memref<1x8x1024xf32, #tpu.memory_space<vmem>> -> memref<8x1024xf32, #tpu.memory_space<vmem>>
        tpu.wait_dma2 semaphore(%dma_wait3A_702 : memref<!tpu.dma_semaphore, #tpu.memory_space<semaphore_mem>>) src(%dma_wait3A_715 : memref<8x1024xf32, #tpu.memory_space<vmem>>) dst(%dma_wait3A_711 : memref<8x1024xf32, #tpu.memory_space<hbm>>)
      } else {
      }
      %get3A = arith.index_cast %add3A_216 : i32 to index
      %get3A_267 = arith.constant 0 : index
      %get3A_268 = tpu.vector_load %arg7[%get3A, %get3A_267] {strides = array<i32>} : memref<200x64xf32, #tpu.memory_space<vmem>>, vector<16xf32>,
      %get3A_269 = arith.index_cast %add3A_216 : i32 to index
      %get3A_270 = arith.constant 16 : index
      %get3A_271 = tpu.vector_load %arg7[%get3A_269, %get3A_270] {strides = array<i32>} : memref<200x64xf32, #tpu.memory_space<vmem>>, vector<16xf32>,
      %get3A_272 = arith.index_cast %add3A_216 : i32 to index
      %get3A_273 = arith.constant 32 : index
      %get3A_274 = tpu.vector_load %arg7[%get3A_272, %get3A_273] {strides = array<i32>} : memref<200x64xf32, #tpu.memory_space<vmem>>, vector<16xf32>,
      %get3A_275 = arith.index_cast %add3A_216 : i32 to index
      %get3A_276 = arith.constant 48 : index
      %get3A_277 = tpu.vector_load %arg7[%get3A_275, %get3A_276] {strides = array<i32>} : memref<200x64xf32, #tpu.memory_space<vmem>>, vector<16xf32>,
      %parallel_loop3A = arith.constant 0 : i32
      %parallel_loop3A_278 = arith.constant 128 : i32
      %parallel_loop3A_279 = arith.constant 1 : i32
      scf.for %parallel_loop3A_684 = %parallel_loop3A to %parallel_loop3A_278 step %parallel_loop3A_279  : i32 {
        %parallel_loop3A_685 = arith.constant 65 : i32
        %parallel_loop3A_686 = arith.muli %parallel_loop3A_684, %parallel_loop3A_685 : i32
        %parallel_loop3A_687 = arith.constant 0 : i32
        %parallel_loop3A_688 = arith.index_cast %parallel_loop3A_687 : i32 to index
        %parallel_loop3A_689 = arith.index_cast %parallel_loop3A_684 : i32 to index
        %parallel_loop3A_690 = arith.constant 0 : index
        %parallel_loop3A_691 = tpu.vector_load %arg8[%parallel_loop3A_688, %parallel_loop3A_689, %parallel_loop3A_690] {strides = array<i32>} : memref<4x128x64xf32, #tpu.memory_space<vmem>>, vector<16xf32>,
        %parallel_loop3A_692 = arith.addf %parallel_loop3A_691, %get3A_268 : vector<16xf32>
        %parallel_loop3A_693 = arith.constant 0 : i32
        %parallel_loop3A_694 = arith.addi %parallel_loop3A_686, %parallel_loop3A_693 : i32
        %parallel_loop3A_695 = arith.index_cast %parallel_loop3A_694 : i32 to index
        %parallel_loop3A_696 = tpu.vector_load %arg9[%parallel_loop3A_695] {strides = array<i32>} : memref<8320xf32, #tpu.memory_space<vmem>>, vector<16xf32>,
        tpu.vector_store %arg9[%parallel_loop3A_695], %parallel_loop3A_692 {strides = array<i32>} : memref<8320xf32, #tpu.memory_space<vmem>>, vector<16xf32>,
        %parallel_loop3A_697 = arith.constant 0 : i32
        %parallel_loop3A_698 = arith.index_cast %parallel_loop3A_697 : i32 to index
        %parallel_loop3A_699 = arith.index_cast %parallel_loop3A_684 : i32 to index
        %parallel_loop3A_700 = arith.constant 16 : index
        %parallel_loop3A_701 = tpu.vector_load %arg8[%parallel_loop3A_698, %parallel_loop3A_699, %parallel_loop3A_700] {strides = array<i32>} : memref<4x128x64xf32, #tpu.memory_space<vmem>>, vector<16xf32>,
        %parallel_loop3A_702 = arith.addf %parallel_loop3A_701, %get3A_271 : vector<16xf32>
        %parallel_loop3A_703 = arith.constant 16 : i32
        %parallel_loop3A_704 = arith.addi %parallel_loop3A_686, %parallel_loop3A_703 : i32
        %parallel_loop3A_705 = arith.index_cast %parallel_loop3A_704 : i32 to index
        %parallel_loop3A_706 = tpu.vector_load %arg9[%parallel_loop3A_705] {strides = array<i32>} : memref<8320xf32, #tpu.memory_space<vmem>>, vector<16xf32>,
        tpu.vector_store %arg9[%parallel_loop3A_705], %parallel_loop3A_702 {strides = array<i32>} : memref<8320xf32, #tpu.memory_space<vmem>>, vector<16xf32>,
        %parallel_loop3A_707 = arith.constant 0 : i32
        %parallel_loop3A_708 = arith.index_cast %parallel_loop3A_707 : i32 to index
        %parallel_loop3A_709 = arith.index_cast %parallel_loop3A_684 : i32 to index
        %parallel_loop3A_710 = arith.constant 32 : index
        %parallel_loop3A_711 = tpu.vector_load %arg8[%parallel_loop3A_708, %parallel_loop3A_709, %parallel_loop3A_710] {strides = array<i32>} : memref<4x128x64xf32, #tpu.memory_space<vmem>>, vector<16xf32>,
        %parallel_loop3A_712 = arith.addf %parallel_loop3A_711, %get3A_274 : vector<16xf32>
        %parallel_loop3A_713 = arith.constant 32 : i32
        %parallel_loop3A_714 = arith.addi %parallel_loop3A_686, %parallel_loop3A_713 : i32
        %parallel_loop3A_715 = arith.index_cast %parallel_loop3A_714 : i32 to index
        %parallel_loop3A_716 = tpu.vector_load %arg9[%parallel_loop3A_715] {strides = array<i32>} : memref<8320xf32, #tpu.memory_space<vmem>>, vector<16xf32>,
        tpu.vector_store %arg9[%parallel_loop3A_715], %parallel_loop3A_712 {strides = array<i32>} : memref<8320xf32, #tpu.memory_space<vmem>>, vector<16xf32>,
        %parallel_loop3A_717 = arith.constant 0 : i32
        %parallel_loop3A_718 = arith.index_cast %parallel_loop3A_717 : i32 to index
        %parallel_loop3A_719 = arith.index_cast %parallel_loop3A_684 : i32 to index
        %parallel_loop3A_720 = arith.constant 48 : index
        %parallel_loop3A_721 = tpu.vector_load %arg8[%parallel_loop3A_718, %parallel_loop3A_719, %parallel_loop3A_720] {strides = array<i32>} : memref<4x128x64xf32, #tpu.memory_space<vmem>>, vector<16xf32>,
        %parallel_loop3A_722 = arith.addf %parallel_loop3A_721, %get3A_277 : vector<16xf32>
        %parallel_loop3A_723 = arith.constant 48 : i32
        %parallel_loop3A_724 = arith.addi %parallel_loop3A_686, %parallel_loop3A_723 : i32
        %parallel_loop3A_725 = arith.index_cast %parallel_loop3A_724 : i32 to index
        %parallel_loop3A_726 = tpu.vector_load %arg9[%parallel_loop3A_725] {strides = array<i32>} : memref<8320xf32, #tpu.memory_space<vmem>>, vector<16xf32>,
        tpu.vector_store %arg9[%parallel_loop3A_725], %parallel_loop3A_722 {strides = array<i32>} : memref<8320xf32, #tpu.memory_space<vmem>>, vector<16xf32>,
      } {sc.loop_unroll_factor = 8 : i64, sc.parallel_access}
      %parallel_loop3A_280 = arith.constant 0 : i32
      %parallel_loop3A_281 = arith.constant 64 : i32
      %parallel_loop3A_282 = arith.constant 1 : i32
      %parallel_loop3A_283 = arith.constant 0 : i32
      scf.for %parallel_loop3A_684 = %parallel_loop3A_280 to %parallel_loop3A_281 step %parallel_loop3A_282  : i32 {
        %parallel_loop3A_685 = arith.constant 3 : i32
        %parallel_loop3A_686 = arith.shrsi %parallel_loop3A_684, %parallel_loop3A_685 : i32
        %parallel_loop3A_687 = arith.constant 7 : i32
        %parallel_loop3A_688 = arith.andi %parallel_loop3A_684, %parallel_loop3A_687 : i32
        %parallel_loop3A_689 = arith.constant 128 : i32
        %parallel_loop3A_690 = arith.muli %parallel_loop3A_688, %parallel_loop3A_689 : i32
        %parallel_loop3A_691 = arith.constant 0 : i32
        %parallel_loop3A_692 = arith.addi %parallel_loop3A_691, %parallel_loop3A_684 : i32
        %parallel_loop3A_693 = vector.broadcast %parallel_loop3A_692 : i32 to vector<16xi32>
        %parallel_loop3A_694 = arith.addi %mul3A_82, %parallel_loop3A_693 : vector<16xi32>
        %parallel_loop3A_695 = tpu.vector_load_idx %arg9[%parallel_loop3A_694] : memref<8320xf32, #tpu.memory_space<vmem>>[vector<16xi32>], vector<16xf32>,
        %parallel_loop3A_696 = arith.constant 0 : i32
        %parallel_loop3A_697 = arith.addi %parallel_loop3A_690, %parallel_loop3A_696 : i32
        %parallel_loop3A_698 = arith.constant 0 : i32
        %parallel_loop3A_699 = arith.constant 0 : i32
        %parallel_loop3A_700 = tpu.memref_slice %arg10[%parallel_loop3A_283, %parallel_loop3A_698, %parallel_loop3A_699] : memref<4x8x1024xf32, #tpu.memory_space<vmem>> -> memref<1x8x1024xf32, #tpu.memory_space<vmem>>
        %parallel_loop3A_701 = tpu.memref_squeeze %parallel_loop3A_700 : memref<1x8x1024xf32, #tpu.memory_space<vmem>> -> memref<8x1024xf32, #tpu.memory_space<vmem>>
        %parallel_loop3A_702 = arith.index_cast %parallel_loop3A_686 : i32 to index
        %parallel_loop3A_703 = arith.index_cast %parallel_loop3A_697 : i32 to index
        %parallel_loop3A_704 = tpu.vector_load %parallel_loop3A_701[%parallel_loop3A_702, %parallel_loop3A_703] {strides = array<i32>} : memref<8x1024xf32, #tpu.memory_space<vmem>>, vector<16xf32>,
        tpu.vector_store %parallel_loop3A_701[%parallel_loop3A_702, %parallel_loop3A_703], %parallel_loop3A_695 {strides = array<i32>} : memref<8x1024xf32, #tpu.memory_space<vmem>>, vector<16xf32>,
        %parallel_loop3A_705 = arith.constant 1040 : i32
        %parallel_loop3A_706 = arith.addi %parallel_loop3A_705, %parallel_loop3A_684 : i32
        %parallel_loop3A_707 = vector.broadcast %parallel_loop3A_706 : i32 to vector<16xi32>
        %parallel_loop3A_708 = arith.addi %mul3A_82, %parallel_loop3A_707 : vector<16xi32>
        %parallel_loop3A_709 = tpu.vector_load_idx %arg9[%parallel_loop3A_708] : memref<8320xf32, #tpu.memory_space<vmem>>[vector<16xi32>], vector<16xf32>,
        %parallel_loop3A_710 = arith.constant 16 : i32
        %parallel_loop3A_711 = arith.addi %parallel_loop3A_690, %parallel_loop3A_710 : i32
        %parallel_loop3A_712 = arith.constant 0 : i32
        %parallel_loop3A_713 = arith.constant 0 : i32
        %parallel_loop3A_714 = tpu.memref_slice %arg10[%parallel_loop3A_283, %parallel_loop3A_712, %parallel_loop3A_713] : memref<4x8x1024xf32, #tpu.memory_space<vmem>> -> memref<1x8x1024xf32, #tpu.memory_space<vmem>>
        %parallel_loop3A_715 = tpu.memref_squeeze %parallel_loop3A_714 : memref<1x8x1024xf32, #tpu.memory_space<vmem>> -> memref<8x1024xf32, #tpu.memory_space<vmem>>
        %parallel_loop3A_716 = arith.index_cast %parallel_loop3A_686 : i32 to index
        %parallel_loop3A_717 = arith.index_cast %parallel_loop3A_711 : i32 to index
        %parallel_loop3A_718 = tpu.vector_load %parallel_loop3A_715[%parallel_loop3A_716, %parallel_loop3A_717] {strides = array<i32>} : memref<8x1024xf32, #tpu.memory_space<vmem>>, vector<16xf32>,
        tpu.vector_store %parallel_loop3A_715[%parallel_loop3A_716, %parallel_loop3A_717], %parallel_loop3A_709 {strides = array<i32>} : memref<8x1024xf32, #tpu.memory_space<vmem>>, vector<16xf32>,
        %parallel_loop3A_719 = arith.constant 2080 : i32
        %parallel_loop3A_720 = arith.addi %parallel_loop3A_719, %parallel_loop3A_684 : i32
        %parallel_loop3A_721 = vector.broadcast %parallel_loop3A_720 : i32 to vector<16xi32>
        %parallel_loop3A_722 = arith.addi %mul3A_82, %parallel_loop3A_721 : vector<16xi32>
        %parallel_loop3A_723 = tpu.vector_load_idx %arg9[%parallel_loop3A_722] : memref<8320xf32, #tpu.memory_space<vmem>>[vector<16xi32>], vector<16xf32>,
        %parallel_loop3A_724 = arith.constant 32 : i32
        %parallel_loop3A_725 = arith.addi %parallel_loop3A_690, %parallel_loop3A_724 : i32
        %parallel_loop3A_726 = arith.constant 0 : i32
        %parallel_loop3A_727 = arith.constant 0 : i32
        %parallel_loop3A_728 = tpu.memref_slice %arg10[%parallel_loop3A_283, %parallel_loop3A_726, %parallel_loop3A_727] : memref<4x8x1024xf32, #tpu.memory_space<vmem>> -> memref<1x8x1024xf32, #tpu.memory_space<vmem>>
        %parallel_loop3A_729 = tpu.memref_squeeze %parallel_loop3A_728 : memref<1x8x1024xf32, #tpu.memory_space<vmem>> -> memref<8x1024xf32, #tpu.memory_space<vmem>>
        %parallel_loop3A_730 = arith.index_cast %parallel_loop3A_686 : i32 to index
        %parallel_loop3A_731 = arith.index_cast %parallel_loop3A_725 : i32 to index
        %parallel_loop3A_732 = tpu.vector_load %parallel_loop3A_729[%parallel_loop3A_730, %parallel_loop3A_731] {strides = array<i32>} : memref<8x1024xf32, #tpu.memory_space<vmem>>, vector<16xf32>,
        tpu.vector_store %parallel_loop3A_729[%parallel_loop3A_730, %parallel_loop3A_731], %parallel_loop3A_723 {strides = array<i32>} : memref<8x1024xf32, #tpu.memory_space<vmem>>, vector<16xf32>,
        %parallel_loop3A_733 = arith.constant 3120 : i32
        %parallel_loop3A_734 = arith.addi %parallel_loop3A_733, %parallel_loop3A_684 : i32
        %parallel_loop3A_735 = vector.broadcast %parallel_loop3A_734 : i32 to vector<16xi32>
        %parallel_loop3A_736 = arith.addi %mul3A_82, %parallel_loop3A_735 : vector<16xi32>
        %parallel_loop3A_737 = tpu.vector_load_idx %arg9[%parallel_loop3A_736] : memref<8320xf32, #tpu.memory_space<vmem>>[vector<16xi32>], vector<16xf32>,
        %parallel_loop3A_738 = arith.constant 48 : i32
        %parallel_loop3A_739 = arith.addi %parallel_loop3A_690, %parallel_loop3A_738 : i32
        %parallel_loop3A_740 = arith.constant 0 : i32
        %parallel_loop3A_741 = arith.constant 0 : i32
        %parallel_loop3A_742 = tpu.memref_slice %arg10[%parallel_loop3A_283, %parallel_loop3A_740, %parallel_loop3A_741] : memref<4x8x1024xf32, #tpu.memory_space<vmem>> -> memref<1x8x1024xf32, #tpu.memory_space<vmem>>
        %parallel_loop3A_743 = tpu.memref_squeeze %parallel_loop3A_742 : memref<1x8x1024xf32, #tpu.memory_space<vmem>> -> memref<8x1024xf32, #tpu.memory_space<vmem>>
        %parallel_loop3A_744 = arith.index_cast %parallel_loop3A_686 : i32 to index
        %parallel_loop3A_745 = arith.index_cast %parallel_loop3A_739 : i32 to index
        %parallel_loop3A_746 = tpu.vector_load %parallel_loop3A_743[%parallel_loop3A_744, %parallel_loop3A_745] {strides = array<i32>} : memref<8x1024xf32, #tpu.memory_space<vmem>>, vector<16xf32>,
        tpu.vector_store %parallel_loop3A_743[%parallel_loop3A_744, %parallel_loop3A_745], %parallel_loop3A_737 {strides = array<i32>} : memref<8x1024xf32, #tpu.memory_space<vmem>>, vector<16xf32>,
        %parallel_loop3A_747 = arith.constant 4160 : i32
        %parallel_loop3A_748 = arith.addi %parallel_loop3A_747, %parallel_loop3A_684 : i32
        %parallel_loop3A_749 = vector.broadcast %parallel_loop3A_748 : i32 to vector<16xi32>
        %parallel_loop3A_750 = arith.addi %mul3A_82, %parallel_loop3A_749 : vector<16xi32>
        %parallel_loop3A_751 = tpu.vector_load_idx %arg9[%parallel_loop3A_750] : memref<8320xf32, #tpu.memory_space<vmem>>[vector<16xi32>], vector<16xf32>,
        %parallel_loop3A_752 = arith.constant 64 : i32
        %parallel_loop3A_753 = arith.addi %parallel_loop3A_690, %parallel_loop3A_752 : i32
        %parallel_loop3A_754 = arith.constant 0 : i32
        %parallel_loop3A_755 = arith.constant 0 : i32
        %parallel_loop3A_756 = tpu.memref_slice %arg10[%parallel_loop3A_283, %parallel_loop3A_754, %parallel_loop3A_755] : memref<4x8x1024xf32, #tpu.memory_space<vmem>> -> memref<1x8x1024xf32, #tpu.memory_space<vmem>>
        %parallel_loop3A_757 = tpu.memref_squeeze %parallel_loop3A_756 : memref<1x8x1024xf32, #tpu.memory_space<vmem>> -> memref<8x1024xf32, #tpu.memory_space<vmem>>
        %parallel_loop3A_758 = arith.index_cast %parallel_loop3A_686 : i32 to index
        %parallel_loop3A_759 = arith.index_cast %parallel_loop3A_753 : i32 to index
        %parallel_loop3A_760 = tpu.vector_load %parallel_loop3A_757[%parallel_loop3A_758, %parallel_loop3A_759] {strides = array<i32>} : memref<8x1024xf32, #tpu.memory_space<vmem>>, vector<16xf32>,
        tpu.vector_store %parallel_loop3A_757[%parallel_loop3A_758, %parallel_loop3A_759], %parallel_loop3A_751 {strides = array<i32>} : memref<8x1024xf32, #tpu.memory_space<vmem>>, vector<16xf32>,
        %parallel_loop3A_761 = arith.constant 5200 : i32
        %parallel_loop3A_762 = arith.addi %parallel_loop3A_761, %parallel_loop3A_684 : i32
        %parallel_loop3A_763 = vector.broadcast %parallel_loop3A_762 : i32 to vector<16xi32>
        %parallel_loop3A_764 = arith.addi %mul3A_82, %parallel_loop3A_763 : vector<16xi32>
        %parallel_loop3A_765 = tpu.vector_load_idx %arg9[%parallel_loop3A_764] : memref<8320xf32, #tpu.memory_space<vmem>>[vector<16xi32>], vector<16xf32>,
        %parallel_loop3A_766 = arith.constant 80 : i32
        %parallel_loop3A_767 = arith.addi %parallel_loop3A_690, %parallel_loop3A_766 : i32
        %parallel_loop3A_768 = arith.constant 0 : i32
        %parallel_loop3A_769 = arith.constant 0 : i32
        %parallel_loop3A_770 = tpu.memref_slice %arg10[%parallel_loop3A_283, %parallel_loop3A_768, %parallel_loop3A_769] : memref<4x8x1024xf32, #tpu.memory_space<vmem>> -> memref<1x8x1024xf32, #tpu.memory_space<vmem>>
        %parallel_loop3A_771 = tpu.memref_squeeze %parallel_loop3A_770 : memref<1x8x1024xf32, #tpu.memory_space<vmem>> -> memref<8x1024xf32, #tpu.memory_space<vmem>>
        %parallel_loop3A_772 = arith.index_cast %parallel_loop3A_686 : i32 to index
        %parallel_loop3A_773 = arith.index_cast %parallel_loop3A_767 : i32 to index
        %parallel_loop3A_774 = tpu.vector_load %parallel_loop3A_771[%parallel_loop3A_772, %parallel_loop3A_773] {strides = array<i32>} : memref<8x1024xf32, #tpu.memory_space<vmem>>, vector<16xf32>,
        tpu.vector_store %parallel_loop3A_771[%parallel_loop3A_772, %parallel_loop3A_773], %parallel_loop3A_765 {strides = array<i32>} : memref<8x1024xf32, #tpu.memory_space<vmem>>, vector<16xf32>,
        %parallel_loop3A_775 = arith.constant 6240 : i32
        %parallel_loop3A_776 = arith.addi %parallel_loop3A_775, %parallel_loop3A_684 : i32
        %parallel_loop3A_777 = vector.broadcast %parallel_loop3A_776 : i32 to vector<16xi32>
        %parallel_loop3A_778 = arith.addi %mul3A_82, %parallel_loop3A_777 : vector<16xi32>
        %parallel_loop3A_779 = tpu.vector_load_idx %arg9[%parallel_loop3A_778] : memref<8320xf32, #tpu.memory_space<vmem>>[vector<16xi32>], vector<16xf32>,
        %parallel_loop3A_780 = arith.constant 96 : i32
        %parallel_loop3A_781 = arith.addi %parallel_loop3A_690, %parallel_loop3A_780 : i32
        %parallel_loop3A_782 = arith.constant 0 : i32
        %parallel_loop3A_783 = arith.constant 0 : i32
        %parallel_loop3A_784 = tpu.memref_slice %arg10[%parallel_loop3A_283, %parallel_loop3A_782, %parallel_loop3A_783] : memref<4x8x1024xf32, #tpu.memory_space<vmem>> -> memref<1x8x1024xf32, #tpu.memory_space<vmem>>
        %parallel_loop3A_785 = tpu.memref_squeeze %parallel_loop3A_784 : memref<1x8x1024xf32, #tpu.memory_space<vmem>> -> memref<8x1024xf32, #tpu.memory_space<vmem>>
        %parallel_loop3A_786 = arith.index_cast %parallel_loop3A_686 : i32 to index
        %parallel_loop3A_787 = arith.index_cast %parallel_loop3A_781 : i32 to index
        %parallel_loop3A_788 = tpu.vector_load %parallel_loop3A_785[%parallel_loop3A_786, %parallel_loop3A_787] {strides = array<i32>} : memref<8x1024xf32, #tpu.memory_space<vmem>>, vector<16xf32>,
        tpu.vector_store %parallel_loop3A_785[%parallel_loop3A_786, %parallel_loop3A_787], %parallel_loop3A_779 {strides = array<i32>} : memref<8x1024xf32, #tpu.memory_space<vmem>>, vector<16xf32>,
        %parallel_loop3A_789 = arith.constant 7280 : i32
        %parallel_loop3A_790 = arith.addi %parallel_loop3A_789, %parallel_loop3A_684 : i32
        %parallel_loop3A_791 = vector.broadcast %parallel_loop3A_790 : i32 to vector<16xi32>
        %parallel_loop3A_792 = arith.addi %mul3A_82, %parallel_loop3A_791 : vector<16xi32>
        %parallel_loop3A_793 = tpu.vector_load_idx %arg9[%parallel_loop3A_792] : memref<8320xf32, #tpu.memory_space<vmem>>[vector<16xi32>], vector<16xf32>,
        %parallel_loop3A_794 = arith.constant 112 : i32
        %parallel_loop3A_795 = arith.addi %parallel_loop3A_690, %parallel_loop3A_794 : i32
        %parallel_loop3A_796 = arith.constant 0 : i32
        %parallel_loop3A_797 = arith.constant 0 : i32
        %parallel_loop3A_798 = tpu.memref_slice %arg10[%parallel_loop3A_283, %parallel_loop3A_796, %parallel_loop3A_797] : memref<4x8x1024xf32, #tpu.memory_space<vmem>> -> memref<1x8x1024xf32, #tpu.memory_space<vmem>>
        %parallel_loop3A_799 = tpu.memref_squeeze %parallel_loop3A_798 : memref<1x8x1024xf32, #tpu.memory_space<vmem>> -> memref<8x1024xf32, #tpu.memory_space<vmem>>
        %parallel_loop3A_800 = arith.index_cast %parallel_loop3A_686 : i32 to index
        %parallel_loop3A_801 = arith.index_cast %parallel_loop3A_795 : i32 to index
        %parallel_loop3A_802 = tpu.vector_load %parallel_loop3A_799[%parallel_loop3A_800, %parallel_loop3A_801] {strides = array<i32>} : memref<8x1024xf32, #tpu.memory_space<vmem>>, vector<16xf32>,
        tpu.vector_store %parallel_loop3A_799[%parallel_loop3A_800, %parallel_loop3A_801], %parallel_loop3A_793 {strides = array<i32>} : memref<8x1024xf32, #tpu.memory_space<vmem>>, vector<16xf32>,
      } {sc.loop_unroll_factor = 4 : i64, sc.parallel_access}
      %dma_start3A_284 = arith.constant 0 : i32
      %dma_start3A_285 = arith.constant 0 : i32
      %dma_start3A_286 = arith.constant 0 : i32
      %dma_start3A_287 = arith.constant 0 : i32
      %dma_start3A_288 = tpu.memref_slice %arg10[%dma_start3A_284, %dma_start3A_286, %dma_start3A_287] : memref<4x8x1024xf32, #tpu.memory_space<vmem>> -> memref<1x8x1024xf32, #tpu.memory_space<vmem>>
      %dma_start3A_289 = tpu.memref_squeeze %dma_start3A_288 : memref<1x8x1024xf32, #tpu.memory_space<vmem>> -> memref<8x1024xf32, #tpu.memory_space<vmem>>
      %dma_start3A_290 = arith.constant 0 : i32
      %dma_start3A_291 = arith.constant 0 : i32
      %dma_start3A_292 = arith.constant 0 : i32
      %dma_start3A_293 = tpu.memref_slice %arg5[%add3A_216, %dma_start3A_290, %dma_start3A_291, %dma_start3A_292] : memref<200x8x32x1024xf32, #tpu.memory_space<hbm>> -> memref<1x8x32x1024xf32, #tpu.memory_space<hbm>>
      %dma_start3A_294 = tpu.memref_squeeze %dma_start3A_293 : memref<1x8x32x1024xf32, #tpu.memory_space<hbm>> -> memref<8x32x1024xf32, #tpu.memory_space<hbm>>
      %dma_start3A_295 = arith.constant 0 : i32
      %dma_start3A_296 = arith.constant 0 : i32
      %dma_start3A_297 = tpu.memref_slice %dma_start3A_294[%dma_start3A_295, %add3A, %dma_start3A_296] : memref<8x32x1024xf32, #tpu.memory_space<hbm>> -> memref<8x1x1024xf32, #tpu.memory_space<hbm>>
      %dma_start3A_298 = tpu.memref_squeeze %dma_start3A_297 : memref<8x1x1024xf32, #tpu.memory_space<hbm>> -> memref<8x1024xf32, #tpu.memory_space<hbm>>
      %dma_start3A_299 = tpu.memref_slice %arg12[%dma_start3A_285] : memref<4x!tpu.dma_semaphore, #tpu.memory_space<semaphore_mem>> -> memref<1x!tpu.dma_semaphore, #tpu.memory_space<semaphore_mem>>
      %dma_start3A_300 = tpu.memref_squeeze %dma_start3A_299 : memref<1x!tpu.dma_semaphore, #tpu.memory_space<semaphore_mem>> -> memref<!tpu.dma_semaphore, #tpu.memory_space<semaphore_mem>>
      %dma_start3A_301 = arith.constant 0 : i32
      %dma_start3A_302 = arith.constant 0 : i32
      %dma_start3A_303 = arith.constant 0 : i32
      %dma_start3A_304 = tpu.memref_slice %arg5[%add3A_216, %dma_start3A_301, %dma_start3A_302, %dma_start3A_303] : memref<200x8x32x1024xf32, #tpu.memory_space<hbm>> -> memref<1x8x32x1024xf32, #tpu.memory_space<hbm>>
      %dma_start3A_305 = tpu.memref_squeeze %dma_start3A_304 : memref<1x8x32x1024xf32, #tpu.memory_space<hbm>> -> memref<8x32x1024xf32, #tpu.memory_space<hbm>>
      %dma_start3A_306 = arith.constant 0 : i32
      %dma_start3A_307 = arith.constant 0 : i32
      %dma_start3A_308 = tpu.memref_slice %dma_start3A_305[%dma_start3A_306, %add3A, %dma_start3A_307] : memref<8x32x1024xf32, #tpu.memory_space<hbm>> -> memref<8x1x1024xf32, #tpu.memory_space<hbm>>
      %dma_start3A_309 = tpu.memref_squeeze %dma_start3A_308 : memref<8x1x1024xf32, #tpu.memory_space<hbm>> -> memref<8x1024xf32, #tpu.memory_space<hbm>>
      %dma_start3A_310 = arith.constant 0 : i32
      %dma_start3A_311 = arith.constant 0 : i32
      %dma_start3A_312 = tpu.memref_slice %arg10[%dma_start3A_284, %dma_start3A_310, %dma_start3A_311] : memref<4x8x1024xf32, #tpu.memory_space<vmem>> -> memref<1x8x1024xf32, #tpu.memory_space<vmem>>
      %dma_start3A_313 = tpu.memref_squeeze %dma_start3A_312 : memref<1x8x1024xf32, #tpu.memory_space<vmem>> -> memref<8x1024xf32, #tpu.memory_space<vmem>>
      tpu.enqueue_dma source(%dma_start3A_313 : memref<8x1024xf32, #tpu.memory_space<vmem>>) target(%dma_start3A_309 : memref<8x1024xf32, #tpu.memory_space<hbm>>) target_semaphore(%dma_start3A_300 : memref<!tpu.dma_semaphore, #tpu.memory_space<semaphore_mem>>)
      %add3A_314 = arith.constant 4 : i32
      %add3A_315 = arith.addi %add3A_216, %add3A_314 : i32
      %lt3A_316 = arith.constant 200 : i32
      %lt3A_317 = arith.cmpi slt, %add3A_315, %lt3A_316 : i32
      %convert_element_type3A_318 = arith.extui %lt3A_317 : i1 to i32
      %cond3A_319 = arith.constant 0 : i32
      %cond3A_320 = arith.cmpi ne, %convert_element_type3A_318, %cond3A_319 : i32
      scf.if %cond3A_320 {
        %add3A_684 = arith.constant 4 : i32
        %add3A_685 = arith.addi %add3A_216, %add3A_684 : i32
        %jit3A_686 = arith.constant 8 : i32
        %div3A_687 = arith.divsi %add3A_685, %jit3A_686 : i32
        %sign3A_688 = arith.constant 0 : i32
        %sign3A_689 = arith.cmpi sgt, %add3A_685, %sign3A_688 : i32
        %sign3A_690 = arith.extui %sign3A_689 : i1 to i32
        %sign3A_691 = arith.constant 0 : i32
        %sign3A_692 = arith.cmpi slt, %add3A_685, %sign3A_691 : i32
        %sign3A_693 = arith.extui %sign3A_692 : i1 to i32
        %sign3A_694 = arith.subi %sign3A_690, %sign3A_693 : i32
        %sign3A_695 = arith.constant 0 : i32
        %sign3A_696 = arith.cmpi sgt, %jit3A_686, %sign3A_695 : i32
        %sign3A_697 = arith.extui %sign3A_696 : i1 to i32
        %sign3A_698 = arith.constant 0 : i32
        %sign3A_699 = arith.cmpi slt, %jit3A_686, %sign3A_698 : i32
        %sign3A_700 = arith.extui %sign3A_699 : i1 to i32
        %sign3A_701 = arith.subi %sign3A_697, %sign3A_700 : i32
        %ne3A_702 = arith.cmpi ne, %sign3A_694, %sign3A_701 : i32
        %rem3A_703 = arith.remsi %add3A_685, %jit3A_686 : i32
        %ne3A_704 = arith.constant 0 : i32
        %ne3A_705 = arith.cmpi ne, %rem3A_703, %ne3A_704 : i32
        %and3A_706 = arith.andi %ne3A_702, %ne3A_705 : i1
        %sub3A_707 = arith.constant 1 : i32
        %sub3A_708 = arith.subi %div3A_687, %sub3A_707 : i32
        %select_n3A_709 = arith.select %and3A_706, %sub3A_708, %div3A_687 : i32
        %jit3A_710 = arith.constant 8 : i32
        %eq3A_711 = arith.constant 0 : i32
        %eq3A_712 = arith.cmpi eq, %jit3A_710, %eq3A_711 : i32
        %jit3A_713 = arith.constant 1 : i32
        %select_n3A_714 = arith.select %eq3A_712, %jit3A_713, %jit3A_710 : i32
        %rem3A_715 = arith.remsi %add3A_685, %select_n3A_714 : i32
        %ne3A_716 = arith.constant 0 : i32
        %ne3A_717 = arith.cmpi ne, %rem3A_715, %ne3A_716 : i32
        %lt3A_718 = arith.constant 0 : i32
        %lt3A_719 = arith.cmpi slt, %rem3A_715, %lt3A_718 : i32
        %lt3A_720 = arith.constant 0 : i32
        %lt3A_721 = arith.cmpi slt, %select_n3A_714, %lt3A_720 : i32
        %ne3A_722 = arith.xori %lt3A_719, %lt3A_721 : i1
        %and3A_723 = arith.andi %ne3A_722, %ne3A_717 : i1
        %add3A_724 = arith.addi %rem3A_715, %select_n3A_714 : i32
        %select_n3A_725 = arith.select %and3A_723, %add3A_724, %rem3A_715 : i32
        %dma_start3A_726 = arith.constant 0 : i32
        %dma_start3A_727 = arith.constant 0 : i32
        %dma_start3A_728 = arith.constant 0 : i32
        %dma_start3A_729 = arith.constant 0 : i32
        %dma_start3A_730 = tpu.memref_slice %arg8[%dma_start3A_726, %dma_start3A_728, %dma_start3A_729] : memref<4x128x64xf32, #tpu.memory_space<vmem>> -> memref<1x128x64xf32, #tpu.memory_space<vmem>>
        %dma_start3A_731 = tpu.memref_squeeze %dma_start3A_730 : memref<1x128x64xf32, #tpu.memory_space<vmem>> -> memref<128x64xf32, #tpu.memory_space<vmem>>
        %dma_start3A_732 = arith.constant 0 : i32
        %dma_start3A_733 = arith.constant 0 : i32
        %dma_start3A_734 = tpu.memref_slice %arg6[%select_n3A_709, %dma_start3A_732, %dma_start3A_733] : memref<25x8x128xi32, #tpu.memory_space<vmem>> -> memref<1x8x128xi32, #tpu.memory_space<vmem>>
        %dma_start3A_735 = tpu.memref_squeeze %dma_start3A_734 : memref<1x8x128xi32, #tpu.memory_space<vmem>> -> memref<8x128xi32, #tpu.memory_space<vmem>>
        %dma_start3A_736 = arith.constant 0 : i32
        %dma_start3A_737 = tpu.memref_slice %dma_start3A_735[%select_n3A_725, %dma_start3A_736] : memref<8x128xi32, #tpu.memory_space<vmem>> -> memref<1x128xi32, #tpu.memory_space<vmem>>
        %dma_start3A_738 = tpu.memref_squeeze %dma_start3A_737 : memref<1x128xi32, #tpu.memory_space<vmem>> -> memref<128xi32, #tpu.memory_space<vmem>>
        %dma_start3A_739 = arith.constant 0 : i32
        %dma_start3A_740 = arith.constant 0 : i32
        %dma_start3A_741 = tpu.memref_slice %arg3[%dma_start3A_739, %dma_start3A_740] : memref<100000x64xf32, #tpu.memory_space<hbm>> -> memref<100000x64xf32, #tpu.memory_space<hbm>>
        %dma_start3A_742 = tpu.memref_slice %arg11[%dma_start3A_727] : memref<4x!tpu.dma_semaphore, #tpu.memory_space<semaphore_mem>> -> memref<1x!tpu.dma_semaphore, #tpu.memory_space<semaphore_mem>>
        %dma_start3A_743 = tpu.memref_squeeze %dma_start3A_742 : memref<1x!tpu.dma_semaphore, #tpu.memory_space<semaphore_mem>> -> memref<!tpu.dma_semaphore, #tpu.memory_space<semaphore_mem>>
        tpu.enqueue_indirect_dma source(%dma_start3A_741 : memref<100000x64xf32, #tpu.memory_space<hbm>>) target(%dma_start3A_731 : memref<128x64xf32, #tpu.memory_space<vmem>>) offsets(%dma_start3A_738 : memref<128xi32, #tpu.memory_space<vmem>>) semaphore(%dma_start3A_743 : memref<!tpu.dma_semaphore, #tpu.memory_space<semaphore_mem>>)
      } else {
      }
      %add3A_321 = arith.constant 1 : i32
      %add3A_322 = arith.addi %add3A_214, %add3A_321 : i32
      %jit3A_323 = arith.constant 8 : i32
      %div3A_324 = arith.divsi %add3A_322, %jit3A_323 : i32
      %sign3A_325 = arith.constant 0 : i32
      %sign3A_326 = arith.cmpi sgt, %add3A_322, %sign3A_325 : i32
      %sign3A_327 = arith.extui %sign3A_326 : i1 to i32
      %sign3A_328 = arith.constant 0 : i32
      %sign3A_329 = arith.cmpi slt, %add3A_322, %sign3A_328 : i32
      %sign3A_330 = arith.extui %sign3A_329 : i1 to i32
      %sign3A_331 = arith.subi %sign3A_327, %sign3A_330 : i32
      %sign3A_332 = arith.constant 0 : i32
      %sign3A_333 = arith.cmpi sgt, %jit3A_323, %sign3A_332 : i32
      %sign3A_334 = arith.extui %sign3A_333 : i1 to i32
      %sign3A_335 = arith.constant 0 : i32
      %sign3A_336 = arith.cmpi slt, %jit3A_323, %sign3A_335 : i32
      %sign3A_337 = arith.extui %sign3A_336 : i1 to i32
      %sign3A_338 = arith.subi %sign3A_334, %sign3A_337 : i32
      %ne3A_339 = arith.cmpi ne, %sign3A_331, %sign3A_338 : i32
      %rem3A_340 = arith.remsi %add3A_322, %jit3A_323 : i32
      %ne3A_341 = arith.constant 0 : i32
      %ne3A_342 = arith.cmpi ne, %rem3A_340, %ne3A_341 : i32
      %and3A_343 = arith.andi %ne3A_339, %ne3A_342 : i1
      %sub3A_344 = arith.constant 1 : i32
      %sub3A_345 = arith.subi %div3A_324, %sub3A_344 : i32
      %select_n3A_346 = arith.select %and3A_343, %sub3A_345, %div3A_324 : i32
      %jit3A_347 = arith.constant 8 : i32
      %eq3A_348 = arith.constant 0 : i32
      %eq3A_349 = arith.cmpi eq, %jit3A_347, %eq3A_348 : i32
      %jit3A_350 = arith.constant 1 : i32
      %select_n3A_351 = arith.select %eq3A_349, %jit3A_350, %jit3A_347 : i32
      %rem3A_352 = arith.remsi %add3A_322, %select_n3A_351 : i32
      %ne3A_353 = arith.constant 0 : i32
      %ne3A_354 = arith.cmpi ne, %rem3A_352, %ne3A_353 : i32
      %lt3A_355 = arith.constant 0 : i32
      %lt3A_356 = arith.cmpi slt, %rem3A_352, %lt3A_355 : i32
      %lt3A_357 = arith.constant 0 : i32
      %lt3A_358 = arith.cmpi slt, %select_n3A_351, %lt3A_357 : i32
      %ne3A_359 = arith.xori %lt3A_356, %lt3A_358 : i1
      %and3A_360 = arith.andi %ne3A_359, %ne3A_354 : i1
      %add3A_361 = arith.addi %rem3A_352, %select_n3A_351 : i32
      %select_n3A_362 = arith.select %and3A_360, %add3A_361, %rem3A_352 : i32
      %dma_wait3A_363 = arith.constant 1 : i32
      %dma_wait3A_364 = arith.constant 1 : i32
      %dma_wait3A_365 = arith.constant 0 : i32
      %dma_wait3A_366 = arith.constant 0 : i32
      %dma_wait3A_367 = tpu.memref_slice %arg8[%dma_wait3A_363, %dma_wait3A_365, %dma_wait3A_366] : memref<4x128x64xf32, #tpu.memory_space<vmem>> -> memref<1x128x64xf32, #tpu.memory_space<vmem>>
      %dma_wait3A_368 = tpu.memref_squeeze %dma_wait3A_367 : memref<1x128x64xf32, #tpu.memory_space<vmem>> -> memref<128x64xf32, #tpu.memory_space<vmem>>
      %dma_wait3A_369 = arith.constant 0 : i32
      %dma_wait3A_370 = arith.constant 0 : i32
      %dma_wait3A_371 = tpu.memref_slice %arg6[%select_n3A_346, %dma_wait3A_369, %dma_wait3A_370] : memref<25x8x128xi32, #tpu.memory_space<vmem>> -> memref<1x8x128xi32, #tpu.memory_space<vmem>>
      %dma_wait3A_372 = tpu.memref_squeeze %dma_wait3A_371 : memref<1x8x128xi32, #tpu.memory_space<vmem>> -> memref<8x128xi32, #tpu.memory_space<vmem>>
      %dma_wait3A_373 = arith.constant 0 : i32
      %dma_wait3A_374 = tpu.memref_slice %dma_wait3A_372[%select_n3A_362, %dma_wait3A_373] : memref<8x128xi32, #tpu.memory_space<vmem>> -> memref<1x128xi32, #tpu.memory_space<vmem>>
      %dma_wait3A_375 = tpu.memref_squeeze %dma_wait3A_374 : memref<1x128xi32, #tpu.memory_space<vmem>> -> memref<128xi32, #tpu.memory_space<vmem>>
      %dma_wait3A_376 = arith.constant 0 : i32
      %dma_wait3A_377 = arith.constant 0 : i32
      %dma_wait3A_378 = tpu.memref_slice %arg3[%dma_wait3A_376, %dma_wait3A_377] : memref<100000x64xf32, #tpu.memory_space<hbm>> -> memref<100000x64xf32, #tpu.memory_space<hbm>>
      %dma_wait3A_379 = tpu.memref_slice %arg11[%dma_wait3A_364] : memref<4x!tpu.dma_semaphore, #tpu.memory_space<semaphore_mem>> -> memref<1x!tpu.dma_semaphore, #tpu.memory_space<semaphore_mem>>
      %dma_wait3A_380 = tpu.memref_squeeze %dma_wait3A_379 : memref<1x!tpu.dma_semaphore, #tpu.memory_space<semaphore_mem>> -> memref<!tpu.dma_semaphore, #tpu.memory_space<semaphore_mem>>
      tpu.wait_indirect_dma semaphore(%dma_wait3A_380 : memref<!tpu.dma_semaphore, #tpu.memory_space<semaphore_mem>>) src(%dma_wait3A_378 : memref<100000x64xf32, #tpu.memory_space<hbm>>) dst(%dma_wait3A_368 : memref<128x64xf32, #tpu.memory_space<vmem>>)
      %ge3A_381 = arith.constant 4 : i32
      %ge3A_382 = arith.cmpi sge, %add3A_322, %ge3A_381 : i32
      %convert_element_type3A_383 = arith.extui %ge3A_382 : i1 to i32
      %cond3A_384 = arith.constant 0 : i32
      %cond3A_385 = arith.cmpi ne, %convert_element_type3A_383, %cond3A_384 : i32
      scf.if %cond3A_385 {
        %sub3A_684 = arith.constant 4 : i32
        %sub3A_685 = arith.subi %add3A_322, %sub3A_684 : i32
        %dma_wait3A_686 = arith.constant 1 : i32
        %dma_wait3A_687 = arith.constant 1 : i32
        %dma_wait3A_688 = arith.constant 0 : i32
        %dma_wait3A_689 = arith.constant 0 : i32
        %dma_wait3A_690 = tpu.memref_slice %arg10[%dma_wait3A_686, %dma_wait3A_688, %dma_wait3A_689] : memref<4x8x1024xf32, #tpu.memory_space<vmem>> -> memref<1x8x1024xf32, #tpu.memory_space<vmem>>
        %dma_wait3A_691 = tpu.memref_squeeze %dma_wait3A_690 : memref<1x8x1024xf32, #tpu.memory_space<vmem>> -> memref<8x1024xf32, #tpu.memory_space<vmem>>
        %dma_wait3A_692 = arith.constant 0 : i32
        %dma_wait3A_693 = arith.constant 0 : i32
        %dma_wait3A_694 = arith.constant 0 : i32
        %dma_wait3A_695 = tpu.memref_slice %arg5[%sub3A_685, %dma_wait3A_692, %dma_wait3A_693, %dma_wait3A_694] : memref<200x8x32x1024xf32, #tpu.memory_space<hbm>> -> memref<1x8x32x1024xf32, #tpu.memory_space<hbm>>
        %dma_wait3A_696 = tpu.memref_squeeze %dma_wait3A_695 : memref<1x8x32x1024xf32, #tpu.memory_space<hbm>> -> memref<8x32x1024xf32, #tpu.memory_space<hbm>>
        %dma_wait3A_697 = arith.constant 0 : i32
        %dma_wait3A_698 = arith.constant 0 : i32
        %dma_wait3A_699 = tpu.memref_slice %dma_wait3A_696[%dma_wait3A_697, %add3A, %dma_wait3A_698] : memref<8x32x1024xf32, #tpu.memory_space<hbm>> -> memref<8x1x1024xf32, #tpu.memory_space<hbm>>
        %dma_wait3A_700 = tpu.memref_squeeze %dma_wait3A_699 : memref<8x1x1024xf32, #tpu.memory_space<hbm>> -> memref<8x1024xf32, #tpu.memory_space<hbm>>
        %dma_wait3A_701 = tpu.memref_slice %arg12[%dma_wait3A_687] : memref<4x!tpu.dma_semaphore, #tpu.memory_space<semaphore_mem>> -> memref<1x!tpu.dma_semaphore, #tpu.memory_space<semaphore_mem>>
        %dma_wait3A_702 = tpu.memref_squeeze %dma_wait3A_701 : memref<1x!tpu.dma_semaphore, #tpu.memory_space<semaphore_mem>> -> memref<!tpu.dma_semaphore, #tpu.memory_space<semaphore_mem>>
        %dma_wait3A_703 = arith.constant 0 : i32
        %dma_wait3A_704 = arith.constant 0 : i32
        %dma_wait3A_705 = arith.constant 0 : i32
        %dma_wait3A_706 = tpu.memref_slice %arg5[%sub3A_685, %dma_wait3A_703, %dma_wait3A_704, %dma_wait3A_705] : memref<200x8x32x1024xf32, #tpu.memory_space<hbm>> -> memref<1x8x32x1024xf32, #tpu.memory_space<hbm>>
        %dma_wait3A_707 = tpu.memref_squeeze %dma_wait3A_706 : memref<1x8x32x1024xf32, #tpu.memory_space<hbm>> -> memref<8x32x1024xf32, #tpu.memory_space<hbm>>
        %dma_wait3A_708 = arith.constant 0 : i32
        %dma_wait3A_709 = arith.constant 0 : i32
        %dma_wait3A_710 = tpu.memref_slice %dma_wait3A_707[%dma_wait3A_708, %add3A, %dma_wait3A_709] : memref<8x32x1024xf32, #tpu.memory_space<hbm>> -> memref<8x1x1024xf32, #tpu.memory_space<hbm>>
        %dma_wait3A_711 = tpu.memref_squeeze %dma_wait3A_710 : memref<8x1x1024xf32, #tpu.memory_space<hbm>> -> memref<8x1024xf32, #tpu.memory_space<hbm>>
        %dma_wait3A_712 = arith.constant 0 : i32
        %dma_wait3A_713 = arith.constant 0 : i32
        %dma_wait3A_714 = tpu.memref_slice %arg10[%dma_wait3A_686, %dma_wait3A_712, %dma_wait3A_713] : memref<4x8x1024xf32, #tpu.memory_space<vmem>> -> memref<1x8x1024xf32, #tpu.memory_space<vmem>>
        %dma_wait3A_715 = tpu.memref_squeeze %dma_wait3A_714 : memref<1x8x1024xf32, #tpu.memory_space<vmem>> -> memref<8x1024xf32, #tpu.memory_space<vmem>>
        tpu.wait_dma2 semaphore(%dma_wait3A_702 : memref<!tpu.dma_semaphore, #tpu.memory_space<semaphore_mem>>) src(%dma_wait3A_715 : memref<8x1024xf32, #tpu.memory_space<vmem>>) dst(%dma_wait3A_711 : memref<8x1024xf32, #tpu.memory_space<hbm>>)
      } else {
      }
      %get3A_386 = arith.index_cast %add3A_322 : i32 to index
      %get3A_387 = arith.constant 0 : index
      %get3A_388 = tpu.vector_load %arg7[%get3A_386, %get3A_387] {strides = array<i32>} : memref<200x64xf32, #tpu.memory_space<vmem>>, vector<16xf32>,
      %get3A_389 = arith.index_cast %add3A_322 : i32 to index
      %get3A_390 = arith.constant 16 : index
      %get3A_391 = tpu.vector_load %arg7[%get3A_389, %get3A_390] {strides = array<i32>} : memref<200x64xf32, #tpu.memory_space<vmem>>, vector<16xf32>,
      %get3A_392 = arith.index_cast %add3A_322 : i32 to index
      %get3A_393 = arith.constant 32 : index
      %get3A_394 = tpu.vector_load %arg7[%get3A_392, %get3A_393] {strides = array<i32>} : memref<200x64xf32, #tpu.memory_space<vmem>>, vector<16xf32>,
      %get3A_395 = arith.index_cast %add3A_322 : i32 to index
      %get3A_396 = arith.constant 48 : index
      %get3A_397 = tpu.vector_load %arg7[%get3A_395, %get3A_396] {strides = array<i32>} : memref<200x64xf32, #tpu.memory_space<vmem>>, vector<16xf32>,
      %parallel_loop3A_398 = arith.constant 0 : i32
      %parallel_loop3A_399 = arith.constant 128 : i32
      %parallel_loop3A_400 = arith.constant 1 : i32
      scf.for %parallel_loop3A_684 = %parallel_loop3A_398 to %parallel_loop3A_399 step %parallel_loop3A_400  : i32 {
        %parallel_loop3A_685 = arith.constant 65 : i32
        %parallel_loop3A_686 = arith.muli %parallel_loop3A_684, %parallel_loop3A_685 : i32
        %parallel_loop3A_687 = arith.constant 1 : i32
        %parallel_loop3A_688 = arith.index_cast %parallel_loop3A_687 : i32 to index
        %parallel_loop3A_689 = arith.index_cast %parallel_loop3A_684 : i32 to index
        %parallel_loop3A_690 = arith.constant 0 : index
        %parallel_loop3A_691 = tpu.vector_load %arg8[%parallel_loop3A_688, %parallel_loop3A_689, %parallel_loop3A_690] {strides = array<i32>} : memref<4x128x64xf32, #tpu.memory_space<vmem>>, vector<16xf32>,
        %parallel_loop3A_692 = arith.addf %parallel_loop3A_691, %get3A_388 : vector<16xf32>
        %parallel_loop3A_693 = arith.constant 0 : i32
        %parallel_loop3A_694 = arith.addi %parallel_loop3A_686, %parallel_loop3A_693 : i32
        %parallel_loop3A_695 = arith.index_cast %parallel_loop3A_694 : i32 to index
        %parallel_loop3A_696 = tpu.vector_load %arg9[%parallel_loop3A_695] {strides = array<i32>} : memref<8320xf32, #tpu.memory_space<vmem>>, vector<16xf32>,
        tpu.vector_store %arg9[%parallel_loop3A_695], %parallel_loop3A_692 {strides = array<i32>} : memref<8320xf32, #tpu.memory_space<vmem>>, vector<16xf32>,
        %parallel_loop3A_697 = arith.constant 1 : i32
        %parallel_loop3A_698 = arith.index_cast %parallel_loop3A_697 : i32 to index
        %parallel_loop3A_699 = arith.index_cast %parallel_loop3A_684 : i32 to index
        %parallel_loop3A_700 = arith.constant 16 : index
        %parallel_loop3A_701 = tpu.vector_load %arg8[%parallel_loop3A_698, %parallel_loop3A_699, %parallel_loop3A_700] {strides = array<i32>} : memref<4x128x64xf32, #tpu.memory_space<vmem>>, vector<16xf32>,
        %parallel_loop3A_702 = arith.addf %parallel_loop3A_701, %get3A_391 : vector<16xf32>
        %parallel_loop3A_703 = arith.constant 16 : i32
        %parallel_loop3A_704 = arith.addi %parallel_loop3A_686, %parallel_loop3A_703 : i32
        %parallel_loop3A_705 = arith.index_cast %parallel_loop3A_704 : i32 to index
        %parallel_loop3A_706 = tpu.vector_load %arg9[%parallel_loop3A_705] {strides = array<i32>} : memref<8320xf32, #tpu.memory_space<vmem>>, vector<16xf32>,
        tpu.vector_store %arg9[%parallel_loop3A_705], %parallel_loop3A_702 {strides = array<i32>} : memref<8320xf32, #tpu.memory_space<vmem>>, vector<16xf32>,
        %parallel_loop3A_707 = arith.constant 1 : i32
        %parallel_loop3A_708 = arith.index_cast %parallel_loop3A_707 : i32 to index
        %parallel_loop3A_709 = arith.index_cast %parallel_loop3A_684 : i32 to index
        %parallel_loop3A_710 = arith.constant 32 : index
        %parallel_loop3A_711 = tpu.vector_load %arg8[%parallel_loop3A_708, %parallel_loop3A_709, %parallel_loop3A_710] {strides = array<i32>} : memref<4x128x64xf32, #tpu.memory_space<vmem>>, vector<16xf32>,
        %parallel_loop3A_712 = arith.addf %parallel_loop3A_711, %get3A_394 : vector<16xf32>
        %parallel_loop3A_713 = arith.constant 32 : i32
        %parallel_loop3A_714 = arith.addi %parallel_loop3A_686, %parallel_loop3A_713 : i32
        %parallel_loop3A_715 = arith.index_cast %parallel_loop3A_714 : i32 to index
        %parallel_loop3A_716 = tpu.vector_load %arg9[%parallel_loop3A_715] {strides = array<i32>} : memref<8320xf32, #tpu.memory_space<vmem>>, vector<16xf32>,
        tpu.vector_store %arg9[%parallel_loop3A_715], %parallel_loop3A_712 {strides = array<i32>} : memref<8320xf32, #tpu.memory_space<vmem>>, vector<16xf32>,
        %parallel_loop3A_717 = arith.constant 1 : i32
        %parallel_loop3A_718 = arith.index_cast %parallel_loop3A_717 : i32 to index
        %parallel_loop3A_719 = arith.index_cast %parallel_loop3A_684 : i32 to index
        %parallel_loop3A_720 = arith.constant 48 : index
        %parallel_loop3A_721 = tpu.vector_load %arg8[%parallel_loop3A_718, %parallel_loop3A_719, %parallel_loop3A_720] {strides = array<i32>} : memref<4x128x64xf32, #tpu.memory_space<vmem>>, vector<16xf32>,
        %parallel_loop3A_722 = arith.addf %parallel_loop3A_721, %get3A_397 : vector<16xf32>
        %parallel_loop3A_723 = arith.constant 48 : i32
        %parallel_loop3A_724 = arith.addi %parallel_loop3A_686, %parallel_loop3A_723 : i32
        %parallel_loop3A_725 = arith.index_cast %parallel_loop3A_724 : i32 to index
        %parallel_loop3A_726 = tpu.vector_load %arg9[%parallel_loop3A_725] {strides = array<i32>} : memref<8320xf32, #tpu.memory_space<vmem>>, vector<16xf32>,
        tpu.vector_store %arg9[%parallel_loop3A_725], %parallel_loop3A_722 {strides = array<i32>} : memref<8320xf32, #tpu.memory_space<vmem>>, vector<16xf32>,
      } {sc.loop_unroll_factor = 8 : i64, sc.parallel_access}
      %parallel_loop3A_401 = arith.constant 0 : i32
      %parallel_loop3A_402 = arith.constant 64 : i32
      %parallel_loop3A_403 = arith.constant 1 : i32
      %parallel_loop3A_404 = arith.constant 1 : i32
      scf.for %parallel_loop3A_684 = %parallel_loop3A_401 to %parallel_loop3A_402 step %parallel_loop3A_403  : i32 {
        %parallel_loop3A_685 = arith.constant 3 : i32
        %parallel_loop3A_686 = arith.shrsi %parallel_loop3A_684, %parallel_loop3A_685 : i32
        %parallel_loop3A_687 = arith.constant 7 : i32
        %parallel_loop3A_688 = arith.andi %parallel_loop3A_684, %parallel_loop3A_687 : i32
        %parallel_loop3A_689 = arith.constant 128 : i32
        %parallel_loop3A_690 = arith.muli %parallel_loop3A_688, %parallel_loop3A_689 : i32
        %parallel_loop3A_691 = arith.constant 0 : i32
        %parallel_loop3A_692 = arith.addi %parallel_loop3A_691, %parallel_loop3A_684 : i32
        %parallel_loop3A_693 = vector.broadcast %parallel_loop3A_692 : i32 to vector<16xi32>
        %parallel_loop3A_694 = arith.addi %mul3A_82, %parallel_loop3A_693 : vector<16xi32>
        %parallel_loop3A_695 = tpu.vector_load_idx %arg9[%parallel_loop3A_694] : memref<8320xf32, #tpu.memory_space<vmem>>[vector<16xi32>], vector<16xf32>,
        %parallel_loop3A_696 = arith.constant 0 : i32
        %parallel_loop3A_697 = arith.addi %parallel_loop3A_690, %parallel_loop3A_696 : i32
        %parallel_loop3A_698 = arith.constant 0 : i32
        %parallel_loop3A_699 = arith.constant 0 : i32
        %parallel_loop3A_700 = tpu.memref_slice %arg10[%parallel_loop3A_404, %parallel_loop3A_698, %parallel_loop3A_699] : memref<4x8x1024xf32, #tpu.memory_space<vmem>> -> memref<1x8x1024xf32, #tpu.memory_space<vmem>>
        %parallel_loop3A_701 = tpu.memref_squeeze %parallel_loop3A_700 : memref<1x8x1024xf32, #tpu.memory_space<vmem>> -> memref<8x1024xf32, #tpu.memory_space<vmem>>
        %parallel_loop3A_702 = arith.index_cast %parallel_loop3A_686 : i32 to index
        %parallel_loop3A_703 = arith.index_cast %parallel_loop3A_697 : i32 to index
        %parallel_loop3A_704 = tpu.vector_load %parallel_loop3A_701[%parallel_loop3A_702, %parallel_loop3A_703] {strides = array<i32>} : memref<8x1024xf32, #tpu.memory_space<vmem>>, vector<16xf32>,
        tpu.vector_store %parallel_loop3A_701[%parallel_loop3A_702, %parallel_loop3A_703], %parallel_loop3A_695 {strides = array<i32>} : memref<8x1024xf32, #tpu.memory_space<vmem>>, vector<16xf32>,
        %parallel_loop3A_705 = arith.constant 1040 : i32
        %parallel_loop3A_706 = arith.addi %parallel_loop3A_705, %parallel_loop3A_684 : i32
        %parallel_loop3A_707 = vector.broadcast %parallel_loop3A_706 : i32 to vector<16xi32>
        %parallel_loop3A_708 = arith.addi %mul3A_82, %parallel_loop3A_707 : vector<16xi32>
        %parallel_loop3A_709 = tpu.vector_load_idx %arg9[%parallel_loop3A_708] : memref<8320xf32, #tpu.memory_space<vmem>>[vector<16xi32>], vector<16xf32>,
        %parallel_loop3A_710 = arith.constant 16 : i32
        %parallel_loop3A_711 = arith.addi %parallel_loop3A_690, %parallel_loop3A_710 : i32
        %parallel_loop3A_712 = arith.constant 0 : i32
        %parallel_loop3A_713 = arith.constant 0 : i32
        %parallel_loop3A_714 = tpu.memref_slice %arg10[%parallel_loop3A_404, %parallel_loop3A_712, %parallel_loop3A_713] : memref<4x8x1024xf32, #tpu.memory_space<vmem>> -> memref<1x8x1024xf32, #tpu.memory_space<vmem>>
        %parallel_loop3A_715 = tpu.memref_squeeze %parallel_loop3A_714 : memref<1x8x1024xf32, #tpu.memory_space<vmem>> -> memref<8x1024xf32, #tpu.memory_space<vmem>>
        %parallel_loop3A_716 = arith.index_cast %parallel_loop3A_686 : i32 to index
        %parallel_loop3A_717 = arith.index_cast %parallel_loop3A_711 : i32 to index
        %parallel_loop3A_718 = tpu.vector_load %parallel_loop3A_715[%parallel_loop3A_716, %parallel_loop3A_717] {strides = array<i32>} : memref<8x1024xf32, #tpu.memory_space<vmem>>, vector<16xf32>,
        tpu.vector_store %parallel_loop3A_715[%parallel_loop3A_716, %parallel_loop3A_717], %parallel_loop3A_709 {strides = array<i32>} : memref<8x1024xf32, #tpu.memory_space<vmem>>, vector<16xf32>,
        %parallel_loop3A_719 = arith.constant 2080 : i32
        %parallel_loop3A_720 = arith.addi %parallel_loop3A_719, %parallel_loop3A_684 : i32
        %parallel_loop3A_721 = vector.broadcast %parallel_loop3A_720 : i32 to vector<16xi32>
        %parallel_loop3A_722 = arith.addi %mul3A_82, %parallel_loop3A_721 : vector<16xi32>
        %parallel_loop3A_723 = tpu.vector_load_idx %arg9[%parallel_loop3A_722] : memref<8320xf32, #tpu.memory_space<vmem>>[vector<16xi32>], vector<16xf32>,
        %parallel_loop3A_724 = arith.constant 32 : i32
        %parallel_loop3A_725 = arith.addi %parallel_loop3A_690, %parallel_loop3A_724 : i32
        %parallel_loop3A_726 = arith.constant 0 : i32
        %parallel_loop3A_727 = arith.constant 0 : i32
        %parallel_loop3A_728 = tpu.memref_slice %arg10[%parallel_loop3A_404, %parallel_loop3A_726, %parallel_loop3A_727] : memref<4x8x1024xf32, #tpu.memory_space<vmem>> -> memref<1x8x1024xf32, #tpu.memory_space<vmem>>
        %parallel_loop3A_729 = tpu.memref_squeeze %parallel_loop3A_728 : memref<1x8x1024xf32, #tpu.memory_space<vmem>> -> memref<8x1024xf32, #tpu.memory_space<vmem>>
        %parallel_loop3A_730 = arith.index_cast %parallel_loop3A_686 : i32 to index
        %parallel_loop3A_731 = arith.index_cast %parallel_loop3A_725 : i32 to index
        %parallel_loop3A_732 = tpu.vector_load %parallel_loop3A_729[%parallel_loop3A_730, %parallel_loop3A_731] {strides = array<i32>} : memref<8x1024xf32, #tpu.memory_space<vmem>>, vector<16xf32>,
        tpu.vector_store %parallel_loop3A_729[%parallel_loop3A_730, %parallel_loop3A_731], %parallel_loop3A_723 {strides = array<i32>} : memref<8x1024xf32, #tpu.memory_space<vmem>>, vector<16xf32>,
        %parallel_loop3A_733 = arith.constant 3120 : i32
        %parallel_loop3A_734 = arith.addi %parallel_loop3A_733, %parallel_loop3A_684 : i32
        %parallel_loop3A_735 = vector.broadcast %parallel_loop3A_734 : i32 to vector<16xi32>
        %parallel_loop3A_736 = arith.addi %mul3A_82, %parallel_loop3A_735 : vector<16xi32>
        %parallel_loop3A_737 = tpu.vector_load_idx %arg9[%parallel_loop3A_736] : memref<8320xf32, #tpu.memory_space<vmem>>[vector<16xi32>], vector<16xf32>,
        %parallel_loop3A_738 = arith.constant 48 : i32
        %parallel_loop3A_739 = arith.addi %parallel_loop3A_690, %parallel_loop3A_738 : i32
        %parallel_loop3A_740 = arith.constant 0 : i32
        %parallel_loop3A_741 = arith.constant 0 : i32
        %parallel_loop3A_742 = tpu.memref_slice %arg10[%parallel_loop3A_404, %parallel_loop3A_740, %parallel_loop3A_741] : memref<4x8x1024xf32, #tpu.memory_space<vmem>> -> memref<1x8x1024xf32, #tpu.memory_space<vmem>>
        %parallel_loop3A_743 = tpu.memref_squeeze %parallel_loop3A_742 : memref<1x8x1024xf32, #tpu.memory_space<vmem>> -> memref<8x1024xf32, #tpu.memory_space<vmem>>
        %parallel_loop3A_744 = arith.index_cast %parallel_loop3A_686 : i32 to index
        %parallel_loop3A_745 = arith.index_cast %parallel_loop3A_739 : i32 to index
        %parallel_loop3A_746 = tpu.vector_load %parallel_loop3A_743[%parallel_loop3A_744, %parallel_loop3A_745] {strides = array<i32>} : memref<8x1024xf32, #tpu.memory_space<vmem>>, vector<16xf32>,
        tpu.vector_store %parallel_loop3A_743[%parallel_loop3A_744, %parallel_loop3A_745], %parallel_loop3A_737 {strides = array<i32>} : memref<8x1024xf32, #tpu.memory_space<vmem>>, vector<16xf32>,
        %parallel_loop3A_747 = arith.constant 4160 : i32
        %parallel_loop3A_748 = arith.addi %parallel_loop3A_747, %parallel_loop3A_684 : i32
        %parallel_loop3A_749 = vector.broadcast %parallel_loop3A_748 : i32 to vector<16xi32>
        %parallel_loop3A_750 = arith.addi %mul3A_82, %parallel_loop3A_749 : vector<16xi32>
        %parallel_loop3A_751 = tpu.vector_load_idx %arg9[%parallel_loop3A_750] : memref<8320xf32, #tpu.memory_space<vmem>>[vector<16xi32>], vector<16xf32>,
        %parallel_loop3A_752 = arith.constant 64 : i32
        %parallel_loop3A_753 = arith.addi %parallel_loop3A_690, %parallel_loop3A_752 : i32
        %parallel_loop3A_754 = arith.constant 0 : i32
        %parallel_loop3A_755 = arith.constant 0 : i32
        %parallel_loop3A_756 = tpu.memref_slice %arg10[%parallel_loop3A_404, %parallel_loop3A_754, %parallel_loop3A_755] : memref<4x8x1024xf32, #tpu.memory_space<vmem>> -> memref<1x8x1024xf32, #tpu.memory_space<vmem>>
        %parallel_loop3A_757 = tpu.memref_squeeze %parallel_loop3A_756 : memref<1x8x1024xf32, #tpu.memory_space<vmem>> -> memref<8x1024xf32, #tpu.memory_space<vmem>>
        %parallel_loop3A_758 = arith.index_cast %parallel_loop3A_686 : i32 to index
        %parallel_loop3A_759 = arith.index_cast %parallel_loop3A_753 : i32 to index
        %parallel_loop3A_760 = tpu.vector_load %parallel_loop3A_757[%parallel_loop3A_758, %parallel_loop3A_759] {strides = array<i32>} : memref<8x1024xf32, #tpu.memory_space<vmem>>, vector<16xf32>,
        tpu.vector_store %parallel_loop3A_757[%parallel_loop3A_758, %parallel_loop3A_759], %parallel_loop3A_751 {strides = array<i32>} : memref<8x1024xf32, #tpu.memory_space<vmem>>, vector<16xf32>,
        %parallel_loop3A_761 = arith.constant 5200 : i32
        %parallel_loop3A_762 = arith.addi %parallel_loop3A_761, %parallel_loop3A_684 : i32
        %parallel_loop3A_763 = vector.broadcast %parallel_loop3A_762 : i32 to vector<16xi32>
        %parallel_loop3A_764 = arith.addi %mul3A_82, %parallel_loop3A_763 : vector<16xi32>
        %parallel_loop3A_765 = tpu.vector_load_idx %arg9[%parallel_loop3A_764] : memref<8320xf32, #tpu.memory_space<vmem>>[vector<16xi32>], vector<16xf32>,
        %parallel_loop3A_766 = arith.constant 80 : i32
        %parallel_loop3A_767 = arith.addi %parallel_loop3A_690, %parallel_loop3A_766 : i32
        %parallel_loop3A_768 = arith.constant 0 : i32
        %parallel_loop3A_769 = arith.constant 0 : i32
        %parallel_loop3A_770 = tpu.memref_slice %arg10[%parallel_loop3A_404, %parallel_loop3A_768, %parallel_loop3A_769] : memref<4x8x1024xf32, #tpu.memory_space<vmem>> -> memref<1x8x1024xf32, #tpu.memory_space<vmem>>
        %parallel_loop3A_771 = tpu.memref_squeeze %parallel_loop3A_770 : memref<1x8x1024xf32, #tpu.memory_space<vmem>> -> memref<8x1024xf32, #tpu.memory_space<vmem>>
        %parallel_loop3A_772 = arith.index_cast %parallel_loop3A_686 : i32 to index
        %parallel_loop3A_773 = arith.index_cast %parallel_loop3A_767 : i32 to index
        %parallel_loop3A_774 = tpu.vector_load %parallel_loop3A_771[%parallel_loop3A_772, %parallel_loop3A_773] {strides = array<i32>} : memref<8x1024xf32, #tpu.memory_space<vmem>>, vector<16xf32>,
        tpu.vector_store %parallel_loop3A_771[%parallel_loop3A_772, %parallel_loop3A_773], %parallel_loop3A_765 {strides = array<i32>} : memref<8x1024xf32, #tpu.memory_space<vmem>>, vector<16xf32>,
        %parallel_loop3A_775 = arith.constant 6240 : i32
        %parallel_loop3A_776 = arith.addi %parallel_loop3A_775, %parallel_loop3A_684 : i32
        %parallel_loop3A_777 = vector.broadcast %parallel_loop3A_776 : i32 to vector<16xi32>
        %parallel_loop3A_778 = arith.addi %mul3A_82, %parallel_loop3A_777 : vector<16xi32>
        %parallel_loop3A_779 = tpu.vector_load_idx %arg9[%parallel_loop3A_778] : memref<8320xf32, #tpu.memory_space<vmem>>[vector<16xi32>], vector<16xf32>,
        %parallel_loop3A_780 = arith.constant 96 : i32
        %parallel_loop3A_781 = arith.addi %parallel_loop3A_690, %parallel_loop3A_780 : i32
        %parallel_loop3A_782 = arith.constant 0 : i32
        %parallel_loop3A_783 = arith.constant 0 : i32
        %parallel_loop3A_784 = tpu.memref_slice %arg10[%parallel_loop3A_404, %parallel_loop3A_782, %parallel_loop3A_783] : memref<4x8x1024xf32, #tpu.memory_space<vmem>> -> memref<1x8x1024xf32, #tpu.memory_space<vmem>>
        %parallel_loop3A_785 = tpu.memref_squeeze %parallel_loop3A_784 : memref<1x8x1024xf32, #tpu.memory_space<vmem>> -> memref<8x1024xf32, #tpu.memory_space<vmem>>
        %parallel_loop3A_786 = arith.index_cast %parallel_loop3A_686 : i32 to index
        %parallel_loop3A_787 = arith.index_cast %parallel_loop3A_781 : i32 to index
        %parallel_loop3A_788 = tpu.vector_load %parallel_loop3A_785[%parallel_loop3A_786, %parallel_loop3A_787] {strides = array<i32>} : memref<8x1024xf32, #tpu.memory_space<vmem>>, vector<16xf32>,
        tpu.vector_store %parallel_loop3A_785[%parallel_loop3A_786, %parallel_loop3A_787], %parallel_loop3A_779 {strides = array<i32>} : memref<8x1024xf32, #tpu.memory_space<vmem>>, vector<16xf32>,
        %parallel_loop3A_789 = arith.constant 7280 : i32
        %parallel_loop3A_790 = arith.addi %parallel_loop3A_789, %parallel_loop3A_684 : i32
        %parallel_loop3A_791 = vector.broadcast %parallel_loop3A_790 : i32 to vector<16xi32>
        %parallel_loop3A_792 = arith.addi %mul3A_82, %parallel_loop3A_791 : vector<16xi32>
        %parallel_loop3A_793 = tpu.vector_load_idx %arg9[%parallel_loop3A_792] : memref<8320xf32, #tpu.memory_space<vmem>>[vector<16xi32>], vector<16xf32>,
        %parallel_loop3A_794 = arith.constant 112 : i32
        %parallel_loop3A_795 = arith.addi %parallel_loop3A_690, %parallel_loop3A_794 : i32
        %parallel_loop3A_796 = arith.constant 0 : i32
        %parallel_loop3A_797 = arith.constant 0 : i32
        %parallel_loop3A_798 = tpu.memref_slice %arg10[%parallel_loop3A_404, %parallel_loop3A_796, %parallel_loop3A_797] : memref<4x8x1024xf32, #tpu.memory_space<vmem>> -> memref<1x8x1024xf32, #tpu.memory_space<vmem>>
        %parallel_loop3A_799 = tpu.memref_squeeze %parallel_loop3A_798 : memref<1x8x1024xf32, #tpu.memory_space<vmem>> -> memref<8x1024xf32, #tpu.memory_space<vmem>>
        %parallel_loop3A_800 = arith.index_cast %parallel_loop3A_686 : i32 to index
        %parallel_loop3A_801 = arith.index_cast %parallel_loop3A_795 : i32 to index
        %parallel_loop3A_802 = tpu.vector_load %parallel_loop3A_799[%parallel_loop3A_800, %parallel_loop3A_801] {strides = array<i32>} : memref<8x1024xf32, #tpu.memory_space<vmem>>, vector<16xf32>,
        tpu.vector_store %parallel_loop3A_799[%parallel_loop3A_800, %parallel_loop3A_801], %parallel_loop3A_793 {strides = array<i32>} : memref<8x1024xf32, #tpu.memory_space<vmem>>, vector<16xf32>,
      } {sc.loop_unroll_factor = 4 : i64, sc.parallel_access}
      %dma_start3A_405 = arith.constant 1 : i32
      %dma_start3A_406 = arith.constant 1 : i32
      %dma_start3A_407 = arith.constant 0 : i32
      %dma_start3A_408 = arith.constant 0 : i32
      %dma_start3A_409 = tpu.memref_slice %arg10[%dma_start3A_405, %dma_start3A_407, %dma_start3A_408] : memref<4x8x1024xf32, #tpu.memory_space<vmem>> -> memref<1x8x1024xf32, #tpu.memory_space<vmem>>
      %dma_start3A_410 = tpu.memref_squeeze %dma_start3A_409 : memref<1x8x1024xf32, #tpu.memory_space<vmem>> -> memref<8x1024xf32, #tpu.memory_space<vmem>>
      %dma_start3A_411 = arith.constant 0 : i32
      %dma_start3A_412 = arith.constant 0 : i32
      %dma_start3A_413 = arith.constant 0 : i32
      %dma_start3A_414 = tpu.memref_slice %arg5[%add3A_322, %dma_start3A_411, %dma_start3A_412, %dma_start3A_413] : memref<200x8x32x1024xf32, #tpu.memory_space<hbm>> -> memref<1x8x32x1024xf32, #tpu.memory_space<hbm>>
      %dma_start3A_415 = tpu.memref_squeeze %dma_start3A_414 : memref<1x8x32x1024xf32, #tpu.memory_space<hbm>> -> memref<8x32x1024xf32, #tpu.memory_space<hbm>>
      %dma_start3A_416 = arith.constant 0 : i32
      %dma_start3A_417 = arith.constant 0 : i32
      %dma_start3A_418 = tpu.memref_slice %dma_start3A_415[%dma_start3A_416, %add3A, %dma_start3A_417] : memref<8x32x1024xf32, #tpu.memory_space<hbm>> -> memref<8x1x1024xf32, #tpu.memory_space<hbm>>
      %dma_start3A_419 = tpu.memref_squeeze %dma_start3A_418 : memref<8x1x1024xf32, #tpu.memory_space<hbm>> -> memref<8x1024xf32, #tpu.memory_space<hbm>>
      %dma_start3A_420 = tpu.memref_slice %arg12[%dma_start3A_406] : memref<4x!tpu.dma_semaphore, #tpu.memory_space<semaphore_mem>> -> memref<1x!tpu.dma_semaphore, #tpu.memory_space<semaphore_mem>>
      %dma_start3A_421 = tpu.memref_squeeze %dma_start3A_420 : memref<1x!tpu.dma_semaphore, #tpu.memory_space<semaphore_mem>> -> memref<!tpu.dma_semaphore, #tpu.memory_space<semaphore_mem>>
      %dma_start3A_422 = arith.constant 0 : i32
      %dma_start3A_423 = arith.constant 0 : i32
      %dma_start3A_424 = arith.constant 0 : i32
      %dma_start3A_425 = tpu.memref_slice %arg5[%add3A_322, %dma_start3A_422, %dma_start3A_423, %dma_start3A_424] : memref<200x8x32x1024xf32, #tpu.memory_space<hbm>> -> memref<1x8x32x1024xf32, #tpu.memory_space<hbm>>
      %dma_start3A_426 = tpu.memref_squeeze %dma_start3A_425 : memref<1x8x32x1024xf32, #tpu.memory_space<hbm>> -> memref<8x32x1024xf32, #tpu.memory_space<hbm>>
      %dma_start3A_427 = arith.constant 0 : i32
      %dma_start3A_428 = arith.constant 0 : i32
      %dma_start3A_429 = tpu.memref_slice %dma_start3A_426[%dma_start3A_427, %add3A, %dma_start3A_428] : memref<8x32x1024xf32, #tpu.memory_space<hbm>> -> memref<8x1x1024xf32, #tpu.memory_space<hbm>>
      %dma_start3A_430 = tpu.memref_squeeze %dma_start3A_429 : memref<8x1x1024xf32, #tpu.memory_space<hbm>> -> memref<8x1024xf32, #tpu.memory_space<hbm>>
      %dma_start3A_431 = arith.constant 0 : i32
      %dma_start3A_432 = arith.constant 0 : i32
      %dma_start3A_433 = tpu.memref_slice %arg10[%dma_start3A_405, %dma_start3A_431, %dma_start3A_432] : memref<4x8x1024xf32, #tpu.memory_space<vmem>> -> memref<1x8x1024xf32, #tpu.memory_space<vmem>>
      %dma_start3A_434 = tpu.memref_squeeze %dma_start3A_433 : memref<1x8x1024xf32, #tpu.memory_space<vmem>> -> memref<8x1024xf32, #tpu.memory_space<vmem>>
      tpu.enqueue_dma source(%dma_start3A_434 : memref<8x1024xf32, #tpu.memory_space<vmem>>) target(%dma_start3A_430 : memref<8x1024xf32, #tpu.memory_space<hbm>>) target_semaphore(%dma_start3A_421 : memref<!tpu.dma_semaphore, #tpu.memory_space<semaphore_mem>>)
      %add3A_435 = arith.constant 4 : i32
      %add3A_436 = arith.addi %add3A_322, %add3A_435 : i32
      %lt3A_437 = arith.constant 200 : i32
      %lt3A_438 = arith.cmpi slt, %add3A_436, %lt3A_437 : i32
      %convert_element_type3A_439 = arith.extui %lt3A_438 : i1 to i32
      %cond3A_440 = arith.constant 0 : i32
      %cond3A_441 = arith.cmpi ne, %convert_element_type3A_439, %cond3A_440 : i32
      scf.if %cond3A_441 {
        %add3A_684 = arith.constant 4 : i32
        %add3A_685 = arith.addi %add3A_322, %add3A_684 : i32
        %jit3A_686 = arith.constant 8 : i32
        %div3A_687 = arith.divsi %add3A_685, %jit3A_686 : i32
        %sign3A_688 = arith.constant 0 : i32
        %sign3A_689 = arith.cmpi sgt, %add3A_685, %sign3A_688 : i32
        %sign3A_690 = arith.extui %sign3A_689 : i1 to i32
        %sign3A_691 = arith.constant 0 : i32
        %sign3A_692 = arith.cmpi slt, %add3A_685, %sign3A_691 : i32
        %sign3A_693 = arith.extui %sign3A_692 : i1 to i32
        %sign3A_694 = arith.subi %sign3A_690, %sign3A_693 : i32
        %sign3A_695 = arith.constant 0 : i32
        %sign3A_696 = arith.cmpi sgt, %jit3A_686, %sign3A_695 : i32
        %sign3A_697 = arith.extui %sign3A_696 : i1 to i32
        %sign3A_698 = arith.constant 0 : i32
        %sign3A_699 = arith.cmpi slt, %jit3A_686, %sign3A_698 : i32
        %sign3A_700 = arith.extui %sign3A_699 : i1 to i32
        %sign3A_701 = arith.subi %sign3A_697, %sign3A_700 : i32
        %ne3A_702 = arith.cmpi ne, %sign3A_694, %sign3A_701 : i32
        %rem3A_703 = arith.remsi %add3A_685, %jit3A_686 : i32
        %ne3A_704 = arith.constant 0 : i32
        %ne3A_705 = arith.cmpi ne, %rem3A_703, %ne3A_704 : i32
        %and3A_706 = arith.andi %ne3A_702, %ne3A_705 : i1
        %sub3A_707 = arith.constant 1 : i32
        %sub3A_708 = arith.subi %div3A_687, %sub3A_707 : i32
        %select_n3A_709 = arith.select %and3A_706, %sub3A_708, %div3A_687 : i32
        %jit3A_710 = arith.constant 8 : i32
        %eq3A_711 = arith.constant 0 : i32
        %eq3A_712 = arith.cmpi eq, %jit3A_710, %eq3A_711 : i32
        %jit3A_713 = arith.constant 1 : i32
        %select_n3A_714 = arith.select %eq3A_712, %jit3A_713, %jit3A_710 : i32
        %rem3A_715 = arith.remsi %add3A_685, %select_n3A_714 : i32
        %ne3A_716 = arith.constant 0 : i32
        %ne3A_717 = arith.cmpi ne, %rem3A_715, %ne3A_716 : i32
        %lt3A_718 = arith.constant 0 : i32
        %lt3A_719 = arith.cmpi slt, %rem3A_715, %lt3A_718 : i32
        %lt3A_720 = arith.constant 0 : i32
        %lt3A_721 = arith.cmpi slt, %select_n3A_714, %lt3A_720 : i32
        %ne3A_722 = arith.xori %lt3A_719, %lt3A_721 : i1
        %and3A_723 = arith.andi %ne3A_722, %ne3A_717 : i1
        %add3A_724 = arith.addi %rem3A_715, %select_n3A_714 : i32
        %select_n3A_725 = arith.select %and3A_723, %add3A_724, %rem3A_715 : i32
        %dma_start3A_726 = arith.constant 1 : i32
        %dma_start3A_727 = arith.constant 1 : i32
        %dma_start3A_728 = arith.constant 0 : i32
        %dma_start3A_729 = arith.constant 0 : i32
        %dma_start3A_730 = tpu.memref_slice %arg8[%dma_start3A_726, %dma_start3A_728, %dma_start3A_729] : memref<4x128x64xf32, #tpu.memory_space<vmem>> -> memref<1x128x64xf32, #tpu.memory_space<vmem>>
        %dma_start3A_731 = tpu.memref_squeeze %dma_start3A_730 : memref<1x128x64xf32, #tpu.memory_space<vmem>> -> memref<128x64xf32, #tpu.memory_space<vmem>>
        %dma_start3A_732 = arith.constant 0 : i32
        %dma_start3A_733 = arith.constant 0 : i32
        %dma_start3A_734 = tpu.memref_slice %arg6[%select_n3A_709, %dma_start3A_732, %dma_start3A_733] : memref<25x8x128xi32, #tpu.memory_space<vmem>> -> memref<1x8x128xi32, #tpu.memory_space<vmem>>
        %dma_start3A_735 = tpu.memref_squeeze %dma_start3A_734 : memref<1x8x128xi32, #tpu.memory_space<vmem>> -> memref<8x128xi32, #tpu.memory_space<vmem>>
        %dma_start3A_736 = arith.constant 0 : i32
        %dma_start3A_737 = tpu.memref_slice %dma_start3A_735[%select_n3A_725, %dma_start3A_736] : memref<8x128xi32, #tpu.memory_space<vmem>> -> memref<1x128xi32, #tpu.memory_space<vmem>>
        %dma_start3A_738 = tpu.memref_squeeze %dma_start3A_737 : memref<1x128xi32, #tpu.memory_space<vmem>> -> memref<128xi32, #tpu.memory_space<vmem>>
        %dma_start3A_739 = arith.constant 0 : i32
        %dma_start3A_740 = arith.constant 0 : i32
        %dma_start3A_741 = tpu.memref_slice %arg3[%dma_start3A_739, %dma_start3A_740] : memref<100000x64xf32, #tpu.memory_space<hbm>> -> memref<100000x64xf32, #tpu.memory_space<hbm>>
        %dma_start3A_742 = tpu.memref_slice %arg11[%dma_start3A_727] : memref<4x!tpu.dma_semaphore, #tpu.memory_space<semaphore_mem>> -> memref<1x!tpu.dma_semaphore, #tpu.memory_space<semaphore_mem>>
        %dma_start3A_743 = tpu.memref_squeeze %dma_start3A_742 : memref<1x!tpu.dma_semaphore, #tpu.memory_space<semaphore_mem>> -> memref<!tpu.dma_semaphore, #tpu.memory_space<semaphore_mem>>
        tpu.enqueue_indirect_dma source(%dma_start3A_741 : memref<100000x64xf32, #tpu.memory_space<hbm>>) target(%dma_start3A_731 : memref<128x64xf32, #tpu.memory_space<vmem>>) offsets(%dma_start3A_738 : memref<128xi32, #tpu.memory_space<vmem>>) semaphore(%dma_start3A_743 : memref<!tpu.dma_semaphore, #tpu.memory_space<semaphore_mem>>)
      } else {
      }
      %add3A_442 = arith.constant 2 : i32
      %add3A_443 = arith.addi %add3A_214, %add3A_442 : i32
      %jit3A_444 = arith.constant 8 : i32
      %div3A_445 = arith.divsi %add3A_443, %jit3A_444 : i32
      %sign3A_446 = arith.constant 0 : i32
      %sign3A_447 = arith.cmpi sgt, %add3A_443, %sign3A_446 : i32
      %sign3A_448 = arith.extui %sign3A_447 : i1 to i32
      %sign3A_449 = arith.constant 0 : i32
      %sign3A_450 = arith.cmpi slt, %add3A_443, %sign3A_449 : i32
      %sign3A_451 = arith.extui %sign3A_450 : i1 to i32
      %sign3A_452 = arith.subi %sign3A_448, %sign3A_451 : i32
      %sign3A_453 = arith.constant 0 : i32
      %sign3A_454 = arith.cmpi sgt, %jit3A_444, %sign3A_453 : i32
      %sign3A_455 = arith.extui %sign3A_454 : i1 to i32
      %sign3A_456 = arith.constant 0 : i32
      %sign3A_457 = arith.cmpi slt, %jit3A_444, %sign3A_456 : i32
      %sign3A_458 = arith.extui %sign3A_457 : i1 to i32
      %sign3A_459 = arith.subi %sign3A_455, %sign3A_458 : i32
      %ne3A_460 = arith.cmpi ne, %sign3A_452, %sign3A_459 : i32
      %rem3A_461 = arith.remsi %add3A_443, %jit3A_444 : i32
      %ne3A_462 = arith.constant 0 : i32
      %ne3A_463 = arith.cmpi ne, %rem3A_461, %ne3A_462 : i32
      %and3A_464 = arith.andi %ne3A_460, %ne3A_463 : i1
      %sub3A_465 = arith.constant 1 : i32
      %sub3A_466 = arith.subi %div3A_445, %sub3A_465 : i32
      %select_n3A_467 = arith.select %and3A_464, %sub3A_466, %div3A_445 : i32
      %jit3A_468 = arith.constant 8 : i32
      %eq3A_469 = arith.constant 0 : i32
      %eq3A_470 = arith.cmpi eq, %jit3A_468, %eq3A_469 : i32
      %jit3A_471 = arith.constant 1 : i32
      %select_n3A_472 = arith.select %eq3A_470, %jit3A_471, %jit3A_468 : i32
      %rem3A_473 = arith.remsi %add3A_443, %select_n3A_472 : i32
      %ne3A_474 = arith.constant 0 : i32
      %ne3A_475 = arith.cmpi ne, %rem3A_473, %ne3A_474 : i32
      %lt3A_476 = arith.constant 0 : i32
      %lt3A_477 = arith.cmpi slt, %rem3A_473, %lt3A_476 : i32
      %lt3A_478 = arith.constant 0 : i32
      %lt3A_479 = arith.cmpi slt, %select_n3A_472, %lt3A_478 : i32
      %ne3A_480 = arith.xori %lt3A_477, %lt3A_479 : i1
      %and3A_481 = arith.andi %ne3A_480, %ne3A_475 : i1
      %add3A_482 = arith.addi %rem3A_473, %select_n3A_472 : i32
      %select_n3A_483 = arith.select %and3A_481, %add3A_482, %rem3A_473 : i32
      %dma_wait3A_484 = arith.constant 2 : i32
      %dma_wait3A_485 = arith.constant 2 : i32
      %dma_wait3A_486 = arith.constant 0 : i32
      %dma_wait3A_487 = arith.constant 0 : i32
      %dma_wait3A_488 = tpu.memref_slice %arg8[%dma_wait3A_484, %dma_wait3A_486, %dma_wait3A_487] : memref<4x128x64xf32, #tpu.memory_space<vmem>> -> memref<1x128x64xf32, #tpu.memory_space<vmem>>
      %dma_wait3A_489 = tpu.memref_squeeze %dma_wait3A_488 : memref<1x128x64xf32, #tpu.memory_space<vmem>> -> memref<128x64xf32, #tpu.memory_space<vmem>>
      %dma_wait3A_490 = arith.constant 0 : i32
      %dma_wait3A_491 = arith.constant 0 : i32
      %dma_wait3A_492 = tpu.memref_slice %arg6[%select_n3A_467, %dma_wait3A_490, %dma_wait3A_491] : memref<25x8x128xi32, #tpu.memory_space<vmem>> -> memref<1x8x128xi32, #tpu.memory_space<vmem>>
      %dma_wait3A_493 = tpu.memref_squeeze %dma_wait3A_492 : memref<1x8x128xi32, #tpu.memory_space<vmem>> -> memref<8x128xi32, #tpu.memory_space<vmem>>
      %dma_wait3A_494 = arith.constant 0 : i32
      %dma_wait3A_495 = tpu.memref_slice %dma_wait3A_493[%select_n3A_483, %dma_wait3A_494] : memref<8x128xi32, #tpu.memory_space<vmem>> -> memref<1x128xi32, #tpu.memory_space<vmem>>
      %dma_wait3A_496 = tpu.memref_squeeze %dma_wait3A_495 : memref<1x128xi32, #tpu.memory_space<vmem>> -> memref<128xi32, #tpu.memory_space<vmem>>
      %dma_wait3A_497 = arith.constant 0 : i32
      %dma_wait3A_498 = arith.constant 0 : i32
      %dma_wait3A_499 = tpu.memref_slice %arg3[%dma_wait3A_497, %dma_wait3A_498] : memref<100000x64xf32, #tpu.memory_space<hbm>> -> memref<100000x64xf32, #tpu.memory_space<hbm>>
      %dma_wait3A_500 = tpu.memref_slice %arg11[%dma_wait3A_485] : memref<4x!tpu.dma_semaphore, #tpu.memory_space<semaphore_mem>> -> memref<1x!tpu.dma_semaphore, #tpu.memory_space<semaphore_mem>>
      %dma_wait3A_501 = tpu.memref_squeeze %dma_wait3A_500 : memref<1x!tpu.dma_semaphore, #tpu.memory_space<semaphore_mem>> -> memref<!tpu.dma_semaphore, #tpu.memory_space<semaphore_mem>>
      tpu.wait_indirect_dma semaphore(%dma_wait3A_501 : memref<!tpu.dma_semaphore, #tpu.memory_space<semaphore_mem>>) src(%dma_wait3A_499 : memref<100000x64xf32, #tpu.memory_space<hbm>>) dst(%dma_wait3A_489 : memref<128x64xf32, #tpu.memory_space<vmem>>)
      %ge3A_502 = arith.constant 4 : i32
      %ge3A_503 = arith.cmpi sge, %add3A_443, %ge3A_502 : i32
      %convert_element_type3A_504 = arith.extui %ge3A_503 : i1 to i32
      %cond3A_505 = arith.constant 0 : i32
      %cond3A_506 = arith.cmpi ne, %convert_element_type3A_504, %cond3A_505 : i32
      scf.if %cond3A_506 {
        %sub3A_684 = arith.constant 4 : i32
        %sub3A_685 = arith.subi %add3A_443, %sub3A_684 : i32
        %dma_wait3A_686 = arith.constant 2 : i32
        %dma_wait3A_687 = arith.constant 2 : i32
        %dma_wait3A_688 = arith.constant 0 : i32
        %dma_wait3A_689 = arith.constant 0 : i32
        %dma_wait3A_690 = tpu.memref_slice %arg10[%dma_wait3A_686, %dma_wait3A_688, %dma_wait3A_689] : memref<4x8x1024xf32, #tpu.memory_space<vmem>> -> memref<1x8x1024xf32, #tpu.memory_space<vmem>>
        %dma_wait3A_691 = tpu.memref_squeeze %dma_wait3A_690 : memref<1x8x1024xf32, #tpu.memory_space<vmem>> -> memref<8x1024xf32, #tpu.memory_space<vmem>>
        %dma_wait3A_692 = arith.constant 0 : i32
        %dma_wait3A_693 = arith.constant 0 : i32
        %dma_wait3A_694 = arith.constant 0 : i32
        %dma_wait3A_695 = tpu.memref_slice %arg5[%sub3A_685, %dma_wait3A_692, %dma_wait3A_693, %dma_wait3A_694] : memref<200x8x32x1024xf32, #tpu.memory_space<hbm>> -> memref<1x8x32x1024xf32, #tpu.memory_space<hbm>>
        %dma_wait3A_696 = tpu.memref_squeeze %dma_wait3A_695 : memref<1x8x32x1024xf32, #tpu.memory_space<hbm>> -> memref<8x32x1024xf32, #tpu.memory_space<hbm>>
        %dma_wait3A_697 = arith.constant 0 : i32
        %dma_wait3A_698 = arith.constant 0 : i32
        %dma_wait3A_699 = tpu.memref_slice %dma_wait3A_696[%dma_wait3A_697, %add3A, %dma_wait3A_698] : memref<8x32x1024xf32, #tpu.memory_space<hbm>> -> memref<8x1x1024xf32, #tpu.memory_space<hbm>>
        %dma_wait3A_700 = tpu.memref_squeeze %dma_wait3A_699 : memref<8x1x1024xf32, #tpu.memory_space<hbm>> -> memref<8x1024xf32, #tpu.memory_space<hbm>>
        %dma_wait3A_701 = tpu.memref_slice %arg12[%dma_wait3A_687] : memref<4x!tpu.dma_semaphore, #tpu.memory_space<semaphore_mem>> -> memref<1x!tpu.dma_semaphore, #tpu.memory_space<semaphore_mem>>
        %dma_wait3A_702 = tpu.memref_squeeze %dma_wait3A_701 : memref<1x!tpu.dma_semaphore, #tpu.memory_space<semaphore_mem>> -> memref<!tpu.dma_semaphore, #tpu.memory_space<semaphore_mem>>
        %dma_wait3A_703 = arith.constant 0 : i32
        %dma_wait3A_704 = arith.constant 0 : i32
        %dma_wait3A_705 = arith.constant 0 : i32
        %dma_wait3A_706 = tpu.memref_slice %arg5[%sub3A_685, %dma_wait3A_703, %dma_wait3A_704, %dma_wait3A_705] : memref<200x8x32x1024xf32, #tpu.memory_space<hbm>> -> memref<1x8x32x1024xf32, #tpu.memory_space<hbm>>
        %dma_wait3A_707 = tpu.memref_squeeze %dma_wait3A_706 : memref<1x8x32x1024xf32, #tpu.memory_space<hbm>> -> memref<8x32x1024xf32, #tpu.memory_space<hbm>>
        %dma_wait3A_708 = arith.constant 0 : i32
        %dma_wait3A_709 = arith.constant 0 : i32
        %dma_wait3A_710 = tpu.memref_slice %dma_wait3A_707[%dma_wait3A_708, %add3A, %dma_wait3A_709] : memref<8x32x1024xf32, #tpu.memory_space<hbm>> -> memref<8x1x1024xf32, #tpu.memory_space<hbm>>
        %dma_wait3A_711 = tpu.memref_squeeze %dma_wait3A_710 : memref<8x1x1024xf32, #tpu.memory_space<hbm>> -> memref<8x1024xf32, #tpu.memory_space<hbm>>
        %dma_wait3A_712 = arith.constant 0 : i32
        %dma_wait3A_713 = arith.constant 0 : i32
        %dma_wait3A_714 = tpu.memref_slice %arg10[%dma_wait3A_686, %dma_wait3A_712, %dma_wait3A_713] : memref<4x8x1024xf32, #tpu.memory_space<vmem>> -> memref<1x8x1024xf32, #tpu.memory_space<vmem>>
        %dma_wait3A_715 = tpu.memref_squeeze %dma_wait3A_714 : memref<1x8x1024xf32, #tpu.memory_space<vmem>> -> memref<8x1024xf32, #tpu.memory_space<vmem>>
        tpu.wait_dma2 semaphore(%dma_wait3A_702 : memref<!tpu.dma_semaphore, #tpu.memory_space<semaphore_mem>>) src(%dma_wait3A_715 : memref<8x1024xf32, #tpu.memory_space<vmem>>) dst(%dma_wait3A_711 : memref<8x1024xf32, #tpu.memory_space<hbm>>)
      } else {
      }
      %get3A_507 = arith.index_cast %add3A_443 : i32 to index
      %get3A_508 = arith.constant 0 : index
      %get3A_509 = tpu.vector_load %arg7[%get3A_507, %get3A_508] {strides = array<i32>} : memref<200x64xf32, #tpu.memory_space<vmem>>, vector<16xf32>,
      %get3A_510 = arith.index_cast %add3A_443 : i32 to index
      %get3A_511 = arith.constant 16 : index
      %get3A_512 = tpu.vector_load %arg7[%get3A_510, %get3A_511] {strides = array<i32>} : memref<200x64xf32, #tpu.memory_space<vmem>>, vector<16xf32>,
      %get3A_513 = arith.index_cast %add3A_443 : i32 to index
      %get3A_514 = arith.constant 32 : index
      %get3A_515 = tpu.vector_load %arg7[%get3A_513, %get3A_514] {strides = array<i32>} : memref<200x64xf32, #tpu.memory_space<vmem>>, vector<16xf32>,
      %get3A_516 = arith.index_cast %add3A_443 : i32 to index
      %get3A_517 = arith.constant 48 : index
      %get3A_518 = tpu.vector_load %arg7[%get3A_516, %get3A_517] {strides = array<i32>} : memref<200x64xf32, #tpu.memory_space<vmem>>, vector<16xf32>,
      %parallel_loop3A_519 = arith.constant 0 : i32
      %parallel_loop3A_520 = arith.constant 128 : i32
      %parallel_loop3A_521 = arith.constant 1 : i32
      scf.for %parallel_loop3A_684 = %parallel_loop3A_519 to %parallel_loop3A_520 step %parallel_loop3A_521  : i32 {
        %parallel_loop3A_685 = arith.constant 65 : i32
        %parallel_loop3A_686 = arith.muli %parallel_loop3A_684, %parallel_loop3A_685 : i32
        %parallel_loop3A_687 = arith.constant 2 : i32
        %parallel_loop3A_688 = arith.index_cast %parallel_loop3A_687 : i32 to index
        %parallel_loop3A_689 = arith.index_cast %parallel_loop3A_684 : i32 to index
        %parallel_loop3A_690 = arith.constant 0 : index
        %parallel_loop3A_691 = tpu.vector_load %arg8[%parallel_loop3A_688, %parallel_loop3A_689, %parallel_loop3A_690] {strides = array<i32>} : memref<4x128x64xf32, #tpu.memory_space<vmem>>, vector<16xf32>,
        %parallel_loop3A_692 = arith.addf %parallel_loop3A_691, %get3A_509 : vector<16xf32>
        %parallel_loop3A_693 = arith.constant 0 : i32
        %parallel_loop3A_694 = arith.addi %parallel_loop3A_686, %parallel_loop3A_693 : i32
        %parallel_loop3A_695 = arith.index_cast %parallel_loop3A_694 : i32 to index
        %parallel_loop3A_696 = tpu.vector_load %arg9[%parallel_loop3A_695] {strides = array<i32>} : memref<8320xf32, #tpu.memory_space<vmem>>, vector<16xf32>,
        tpu.vector_store %arg9[%parallel_loop3A_695], %parallel_loop3A_692 {strides = array<i32>} : memref<8320xf32, #tpu.memory_space<vmem>>, vector<16xf32>,
        %parallel_loop3A_697 = arith.constant 2 : i32
        %parallel_loop3A_698 = arith.index_cast %parallel_loop3A_697 : i32 to index
        %parallel_loop3A_699 = arith.index_cast %parallel_loop3A_684 : i32 to index
        %parallel_loop3A_700 = arith.constant 16 : index
        %parallel_loop3A_701 = tpu.vector_load %arg8[%parallel_loop3A_698, %parallel_loop3A_699, %parallel_loop3A_700] {strides = array<i32>} : memref<4x128x64xf32, #tpu.memory_space<vmem>>, vector<16xf32>,
        %parallel_loop3A_702 = arith.addf %parallel_loop3A_701, %get3A_512 : vector<16xf32>
        %parallel_loop3A_703 = arith.constant 16 : i32
        %parallel_loop3A_704 = arith.addi %parallel_loop3A_686, %parallel_loop3A_703 : i32
        %parallel_loop3A_705 = arith.index_cast %parallel_loop3A_704 : i32 to index
        %parallel_loop3A_706 = tpu.vector_load %arg9[%parallel_loop3A_705] {strides = array<i32>} : memref<8320xf32, #tpu.memory_space<vmem>>, vector<16xf32>,
        tpu.vector_store %arg9[%parallel_loop3A_705], %parallel_loop3A_702 {strides = array<i32>} : memref<8320xf32, #tpu.memory_space<vmem>>, vector<16xf32>,
        %parallel_loop3A_707 = arith.constant 2 : i32
        %parallel_loop3A_708 = arith.index_cast %parallel_loop3A_707 : i32 to index
        %parallel_loop3A_709 = arith.index_cast %parallel_loop3A_684 : i32 to index
        %parallel_loop3A_710 = arith.constant 32 : index
        %parallel_loop3A_711 = tpu.vector_load %arg8[%parallel_loop3A_708, %parallel_loop3A_709, %parallel_loop3A_710] {strides = array<i32>} : memref<4x128x64xf32, #tpu.memory_space<vmem>>, vector<16xf32>,
        %parallel_loop3A_712 = arith.addf %parallel_loop3A_711, %get3A_515 : vector<16xf32>
        %parallel_loop3A_713 = arith.constant 32 : i32
        %parallel_loop3A_714 = arith.addi %parallel_loop3A_686, %parallel_loop3A_713 : i32
        %parallel_loop3A_715 = arith.index_cast %parallel_loop3A_714 : i32 to index
        %parallel_loop3A_716 = tpu.vector_load %arg9[%parallel_loop3A_715] {strides = array<i32>} : memref<8320xf32, #tpu.memory_space<vmem>>, vector<16xf32>,
        tpu.vector_store %arg9[%parallel_loop3A_715], %parallel_loop3A_712 {strides = array<i32>} : memref<8320xf32, #tpu.memory_space<vmem>>, vector<16xf32>,
        %parallel_loop3A_717 = arith.constant 2 : i32
        %parallel_loop3A_718 = arith.index_cast %parallel_loop3A_717 : i32 to index
        %parallel_loop3A_719 = arith.index_cast %parallel_loop3A_684 : i32 to index
        %parallel_loop3A_720 = arith.constant 48 : index
        %parallel_loop3A_721 = tpu.vector_load %arg8[%parallel_loop3A_718, %parallel_loop3A_719, %parallel_loop3A_720] {strides = array<i32>} : memref<4x128x64xf32, #tpu.memory_space<vmem>>, vector<16xf32>,
        %parallel_loop3A_722 = arith.addf %parallel_loop3A_721, %get3A_518 : vector<16xf32>
        %parallel_loop3A_723 = arith.constant 48 : i32
        %parallel_loop3A_724 = arith.addi %parallel_loop3A_686, %parallel_loop3A_723 : i32
        %parallel_loop3A_725 = arith.index_cast %parallel_loop3A_724 : i32 to index
        %parallel_loop3A_726 = tpu.vector_load %arg9[%parallel_loop3A_725] {strides = array<i32>} : memref<8320xf32, #tpu.memory_space<vmem>>, vector<16xf32>,
        tpu.vector_store %arg9[%parallel_loop3A_725], %parallel_loop3A_722 {strides = array<i32>} : memref<8320xf32, #tpu.memory_space<vmem>>, vector<16xf32>,
      } {sc.loop_unroll_factor = 8 : i64, sc.parallel_access}
      %parallel_loop3A_522 = arith.constant 0 : i32
      %parallel_loop3A_523 = arith.constant 64 : i32
      %parallel_loop3A_524 = arith.constant 1 : i32
      %parallel_loop3A_525 = arith.constant 2 : i32
      scf.for %parallel_loop3A_684 = %parallel_loop3A_522 to %parallel_loop3A_523 step %parallel_loop3A_524  : i32 {
        %parallel_loop3A_685 = arith.constant 3 : i32
        %parallel_loop3A_686 = arith.shrsi %parallel_loop3A_684, %parallel_loop3A_685 : i32
        %parallel_loop3A_687 = arith.constant 7 : i32
        %parallel_loop3A_688 = arith.andi %parallel_loop3A_684, %parallel_loop3A_687 : i32
        %parallel_loop3A_689 = arith.constant 128 : i32
        %parallel_loop3A_690 = arith.muli %parallel_loop3A_688, %parallel_loop3A_689 : i32
        %parallel_loop3A_691 = arith.constant 0 : i32
        %parallel_loop3A_692 = arith.addi %parallel_loop3A_691, %parallel_loop3A_684 : i32
        %parallel_loop3A_693 = vector.broadcast %parallel_loop3A_692 : i32 to vector<16xi32>
        %parallel_loop3A_694 = arith.addi %mul3A_82, %parallel_loop3A_693 : vector<16xi32>
        %parallel_loop3A_695 = tpu.vector_load_idx %arg9[%parallel_loop3A_694] : memref<8320xf32, #tpu.memory_space<vmem>>[vector<16xi32>], vector<16xf32>,
        %parallel_loop3A_696 = arith.constant 0 : i32
        %parallel_loop3A_697 = arith.addi %parallel_loop3A_690, %parallel_loop3A_696 : i32
        %parallel_loop3A_698 = arith.constant 0 : i32
        %parallel_loop3A_699 = arith.constant 0 : i32
        %parallel_loop3A_700 = tpu.memref_slice %arg10[%parallel_loop3A_525, %parallel_loop3A_698, %parallel_loop3A_699] : memref<4x8x1024xf32, #tpu.memory_space<vmem>> -> memref<1x8x1024xf32, #tpu.memory_space<vmem>>
        %parallel_loop3A_701 = tpu.memref_squeeze %parallel_loop3A_700 : memref<1x8x1024xf32, #tpu.memory_space<vmem>> -> memref<8x1024xf32, #tpu.memory_space<vmem>>
        %parallel_loop3A_702 = arith.index_cast %parallel_loop3A_686 : i32 to index
        %parallel_loop3A_703 = arith.index_cast %parallel_loop3A_697 : i32 to index
        %parallel_loop3A_704 = tpu.vector_load %parallel_loop3A_701[%parallel_loop3A_702, %parallel_loop3A_703] {strides = array<i32>} : memref<8x1024xf32, #tpu.memory_space<vmem>>, vector<16xf32>,
        tpu.vector_store %parallel_loop3A_701[%parallel_loop3A_702, %parallel_loop3A_703], %parallel_loop3A_695 {strides = array<i32>} : memref<8x1024xf32, #tpu.memory_space<vmem>>, vector<16xf32>,
        %parallel_loop3A_705 = arith.constant 1040 : i32
        %parallel_loop3A_706 = arith.addi %parallel_loop3A_705, %parallel_loop3A_684 : i32
        %parallel_loop3A_707 = vector.broadcast %parallel_loop3A_706 : i32 to vector<16xi32>
        %parallel_loop3A_708 = arith.addi %mul3A_82, %parallel_loop3A_707 : vector<16xi32>
        %parallel_loop3A_709 = tpu.vector_load_idx %arg9[%parallel_loop3A_708] : memref<8320xf32, #tpu.memory_space<vmem>>[vector<16xi32>], vector<16xf32>,
        %parallel_loop3A_710 = arith.constant 16 : i32
        %parallel_loop3A_711 = arith.addi %parallel_loop3A_690, %parallel_loop3A_710 : i32
        %parallel_loop3A_712 = arith.constant 0 : i32
        %parallel_loop3A_713 = arith.constant 0 : i32
        %parallel_loop3A_714 = tpu.memref_slice %arg10[%parallel_loop3A_525, %parallel_loop3A_712, %parallel_loop3A_713] : memref<4x8x1024xf32, #tpu.memory_space<vmem>> -> memref<1x8x1024xf32, #tpu.memory_space<vmem>>
        %parallel_loop3A_715 = tpu.memref_squeeze %parallel_loop3A_714 : memref<1x8x1024xf32, #tpu.memory_space<vmem>> -> memref<8x1024xf32, #tpu.memory_space<vmem>>
        %parallel_loop3A_716 = arith.index_cast %parallel_loop3A_686 : i32 to index
        %parallel_loop3A_717 = arith.index_cast %parallel_loop3A_711 : i32 to index
        %parallel_loop3A_718 = tpu.vector_load %parallel_loop3A_715[%parallel_loop3A_716, %parallel_loop3A_717] {strides = array<i32>} : memref<8x1024xf32, #tpu.memory_space<vmem>>, vector<16xf32>,
        tpu.vector_store %parallel_loop3A_715[%parallel_loop3A_716, %parallel_loop3A_717], %parallel_loop3A_709 {strides = array<i32>} : memref<8x1024xf32, #tpu.memory_space<vmem>>, vector<16xf32>,
        %parallel_loop3A_719 = arith.constant 2080 : i32
        %parallel_loop3A_720 = arith.addi %parallel_loop3A_719, %parallel_loop3A_684 : i32
        %parallel_loop3A_721 = vector.broadcast %parallel_loop3A_720 : i32 to vector<16xi32>
        %parallel_loop3A_722 = arith.addi %mul3A_82, %parallel_loop3A_721 : vector<16xi32>
        %parallel_loop3A_723 = tpu.vector_load_idx %arg9[%parallel_loop3A_722] : memref<8320xf32, #tpu.memory_space<vmem>>[vector<16xi32>], vector<16xf32>,
        %parallel_loop3A_724 = arith.constant 32 : i32
        %parallel_loop3A_725 = arith.addi %parallel_loop3A_690, %parallel_loop3A_724 : i32
        %parallel_loop3A_726 = arith.constant 0 : i32
        %parallel_loop3A_727 = arith.constant 0 : i32
        %parallel_loop3A_728 = tpu.memref_slice %arg10[%parallel_loop3A_525, %parallel_loop3A_726, %parallel_loop3A_727] : memref<4x8x1024xf32, #tpu.memory_space<vmem>> -> memref<1x8x1024xf32, #tpu.memory_space<vmem>>
        %parallel_loop3A_729 = tpu.memref_squeeze %parallel_loop3A_728 : memref<1x8x1024xf32, #tpu.memory_space<vmem>> -> memref<8x1024xf32, #tpu.memory_space<vmem>>
        %parallel_loop3A_730 = arith.index_cast %parallel_loop3A_686 : i32 to index
        %parallel_loop3A_731 = arith.index_cast %parallel_loop3A_725 : i32 to index
        %parallel_loop3A_732 = tpu.vector_load %parallel_loop3A_729[%parallel_loop3A_730, %parallel_loop3A_731] {strides = array<i32>} : memref<8x1024xf32, #tpu.memory_space<vmem>>, vector<16xf32>,
        tpu.vector_store %parallel_loop3A_729[%parallel_loop3A_730, %parallel_loop3A_731], %parallel_loop3A_723 {strides = array<i32>} : memref<8x1024xf32, #tpu.memory_space<vmem>>, vector<16xf32>,
        %parallel_loop3A_733 = arith.constant 3120 : i32
        %parallel_loop3A_734 = arith.addi %parallel_loop3A_733, %parallel_loop3A_684 : i32
        %parallel_loop3A_735 = vector.broadcast %parallel_loop3A_734 : i32 to vector<16xi32>
        %parallel_loop3A_736 = arith.addi %mul3A_82, %parallel_loop3A_735 : vector<16xi32>
        %parallel_loop3A_737 = tpu.vector_load_idx %arg9[%parallel_loop3A_736] : memref<8320xf32, #tpu.memory_space<vmem>>[vector<16xi32>], vector<16xf32>,
        %parallel_loop3A_738 = arith.constant 48 : i32
        %parallel_loop3A_739 = arith.addi %parallel_loop3A_690, %parallel_loop3A_738 : i32
        %parallel_loop3A_740 = arith.constant 0 : i32
        %parallel_loop3A_741 = arith.constant 0 : i32
        %parallel_loop3A_742 = tpu.memref_slice %arg10[%parallel_loop3A_525, %parallel_loop3A_740, %parallel_loop3A_741] : memref<4x8x1024xf32, #tpu.memory_space<vmem>> -> memref<1x8x1024xf32, #tpu.memory_space<vmem>>
        %parallel_loop3A_743 = tpu.memref_squeeze %parallel_loop3A_742 : memref<1x8x1024xf32, #tpu.memory_space<vmem>> -> memref<8x1024xf32, #tpu.memory_space<vmem>>
        %parallel_loop3A_744 = arith.index_cast %parallel_loop3A_686 : i32 to index
        %parallel_loop3A_745 = arith.index_cast %parallel_loop3A_739 : i32 to index
        %parallel_loop3A_746 = tpu.vector_load %parallel_loop3A_743[%parallel_loop3A_744, %parallel_loop3A_745] {strides = array<i32>} : memref<8x1024xf32, #tpu.memory_space<vmem>>, vector<16xf32>,
        tpu.vector_store %parallel_loop3A_743[%parallel_loop3A_744, %parallel_loop3A_745], %parallel_loop3A_737 {strides = array<i32>} : memref<8x1024xf32, #tpu.memory_space<vmem>>, vector<16xf32>,
        %parallel_loop3A_747 = arith.constant 4160 : i32
        %parallel_loop3A_748 = arith.addi %parallel_loop3A_747, %parallel_loop3A_684 : i32
        %parallel_loop3A_749 = vector.broadcast %parallel_loop3A_748 : i32 to vector<16xi32>
        %parallel_loop3A_750 = arith.addi %mul3A_82, %parallel_loop3A_749 : vector<16xi32>
        %parallel_loop3A_751 = tpu.vector_load_idx %arg9[%parallel_loop3A_750] : memref<8320xf32, #tpu.memory_space<vmem>>[vector<16xi32>], vector<16xf32>,
        %parallel_loop3A_752 = arith.constant 64 : i32
        %parallel_loop3A_753 = arith.addi %parallel_loop3A_690, %parallel_loop3A_752 : i32
        %parallel_loop3A_754 = arith.constant 0 : i32
        %parallel_loop3A_755 = arith.constant 0 : i32
        %parallel_loop3A_756 = tpu.memref_slice %arg10[%parallel_loop3A_525, %parallel_loop3A_754, %parallel_loop3A_755] : memref<4x8x1024xf32, #tpu.memory_space<vmem>> -> memref<1x8x1024xf32, #tpu.memory_space<vmem>>
        %parallel_loop3A_757 = tpu.memref_squeeze %parallel_loop3A_756 : memref<1x8x1024xf32, #tpu.memory_space<vmem>> -> memref<8x1024xf32, #tpu.memory_space<vmem>>
        %parallel_loop3A_758 = arith.index_cast %parallel_loop3A_686 : i32 to index
        %parallel_loop3A_759 = arith.index_cast %parallel_loop3A_753 : i32 to index
        %parallel_loop3A_760 = tpu.vector_load %parallel_loop3A_757[%parallel_loop3A_758, %parallel_loop3A_759] {strides = array<i32>} : memref<8x1024xf32, #tpu.memory_space<vmem>>, vector<16xf32>,
        tpu.vector_store %parallel_loop3A_757[%parallel_loop3A_758, %parallel_loop3A_759], %parallel_loop3A_751 {strides = array<i32>} : memref<8x1024xf32, #tpu.memory_space<vmem>>, vector<16xf32>,
        %parallel_loop3A_761 = arith.constant 5200 : i32
        %parallel_loop3A_762 = arith.addi %parallel_loop3A_761, %parallel_loop3A_684 : i32
        %parallel_loop3A_763 = vector.broadcast %parallel_loop3A_762 : i32 to vector<16xi32>
        %parallel_loop3A_764 = arith.addi %mul3A_82, %parallel_loop3A_763 : vector<16xi32>
        %parallel_loop3A_765 = tpu.vector_load_idx %arg9[%parallel_loop3A_764] : memref<8320xf32, #tpu.memory_space<vmem>>[vector<16xi32>], vector<16xf32>,
        %parallel_loop3A_766 = arith.constant 80 : i32
        %parallel_loop3A_767 = arith.addi %parallel_loop3A_690, %parallel_loop3A_766 : i32
        %parallel_loop3A_768 = arith.constant 0 : i32
        %parallel_loop3A_769 = arith.constant 0 : i32
        %parallel_loop3A_770 = tpu.memref_slice %arg10[%parallel_loop3A_525, %parallel_loop3A_768, %parallel_loop3A_769] : memref<4x8x1024xf32, #tpu.memory_space<vmem>> -> memref<1x8x1024xf32, #tpu.memory_space<vmem>>
        %parallel_loop3A_771 = tpu.memref_squeeze %parallel_loop3A_770 : memref<1x8x1024xf32, #tpu.memory_space<vmem>> -> memref<8x1024xf32, #tpu.memory_space<vmem>>
        %parallel_loop3A_772 = arith.index_cast %parallel_loop3A_686 : i32 to index
        %parallel_loop3A_773 = arith.index_cast %parallel_loop3A_767 : i32 to index
        %parallel_loop3A_774 = tpu.vector_load %parallel_loop3A_771[%parallel_loop3A_772, %parallel_loop3A_773] {strides = array<i32>} : memref<8x1024xf32, #tpu.memory_space<vmem>>, vector<16xf32>,
        tpu.vector_store %parallel_loop3A_771[%parallel_loop3A_772, %parallel_loop3A_773], %parallel_loop3A_765 {strides = array<i32>} : memref<8x1024xf32, #tpu.memory_space<vmem>>, vector<16xf32>,
        %parallel_loop3A_775 = arith.constant 6240 : i32
        %parallel_loop3A_776 = arith.addi %parallel_loop3A_775, %parallel_loop3A_684 : i32
        %parallel_loop3A_777 = vector.broadcast %parallel_loop3A_776 : i32 to vector<16xi32>
        %parallel_loop3A_778 = arith.addi %mul3A_82, %parallel_loop3A_777 : vector<16xi32>
        %parallel_loop3A_779 = tpu.vector_load_idx %arg9[%parallel_loop3A_778] : memref<8320xf32, #tpu.memory_space<vmem>>[vector<16xi32>], vector<16xf32>,
        %parallel_loop3A_780 = arith.constant 96 : i32
        %parallel_loop3A_781 = arith.addi %parallel_loop3A_690, %parallel_loop3A_780 : i32
        %parallel_loop3A_782 = arith.constant 0 : i32
        %parallel_loop3A_783 = arith.constant 0 : i32
        %parallel_loop3A_784 = tpu.memref_slice %arg10[%parallel_loop3A_525, %parallel_loop3A_782, %parallel_loop3A_783] : memref<4x8x1024xf32, #tpu.memory_space<vmem>> -> memref<1x8x1024xf32, #tpu.memory_space<vmem>>
        %parallel_loop3A_785 = tpu.memref_squeeze %parallel_loop3A_784 : memref<1x8x1024xf32, #tpu.memory_space<vmem>> -> memref<8x1024xf32, #tpu.memory_space<vmem>>
        %parallel_loop3A_786 = arith.index_cast %parallel_loop3A_686 : i32 to index
        %parallel_loop3A_787 = arith.index_cast %parallel_loop3A_781 : i32 to index
        %parallel_loop3A_788 = tpu.vector_load %parallel_loop3A_785[%parallel_loop3A_786, %parallel_loop3A_787] {strides = array<i32>} : memref<8x1024xf32, #tpu.memory_space<vmem>>, vector<16xf32>,
        tpu.vector_store %parallel_loop3A_785[%parallel_loop3A_786, %parallel_loop3A_787], %parallel_loop3A_779 {strides = array<i32>} : memref<8x1024xf32, #tpu.memory_space<vmem>>, vector<16xf32>,
        %parallel_loop3A_789 = arith.constant 7280 : i32
        %parallel_loop3A_790 = arith.addi %parallel_loop3A_789, %parallel_loop3A_684 : i32
        %parallel_loop3A_791 = vector.broadcast %parallel_loop3A_790 : i32 to vector<16xi32>
        %parallel_loop3A_792 = arith.addi %mul3A_82, %parallel_loop3A_791 : vector<16xi32>
        %parallel_loop3A_793 = tpu.vector_load_idx %arg9[%parallel_loop3A_792] : memref<8320xf32, #tpu.memory_space<vmem>>[vector<16xi32>], vector<16xf32>,
        %parallel_loop3A_794 = arith.constant 112 : i32
        %parallel_loop3A_795 = arith.addi %parallel_loop3A_690, %parallel_loop3A_794 : i32
        %parallel_loop3A_796 = arith.constant 0 : i32
        %parallel_loop3A_797 = arith.constant 0 : i32
        %parallel_loop3A_798 = tpu.memref_slice %arg10[%parallel_loop3A_525, %parallel_loop3A_796, %parallel_loop3A_797] : memref<4x8x1024xf32, #tpu.memory_space<vmem>> -> memref<1x8x1024xf32, #tpu.memory_space<vmem>>
        %parallel_loop3A_799 = tpu.memref_squeeze %parallel_loop3A_798 : memref<1x8x1024xf32, #tpu.memory_space<vmem>> -> memref<8x1024xf32, #tpu.memory_space<vmem>>
        %parallel_loop3A_800 = arith.index_cast %parallel_loop3A_686 : i32 to index
        %parallel_loop3A_801 = arith.index_cast %parallel_loop3A_795 : i32 to index
        %parallel_loop3A_802 = tpu.vector_load %parallel_loop3A_799[%parallel_loop3A_800, %parallel_loop3A_801] {strides = array<i32>} : memref<8x1024xf32, #tpu.memory_space<vmem>>, vector<16xf32>,
        tpu.vector_store %parallel_loop3A_799[%parallel_loop3A_800, %parallel_loop3A_801], %parallel_loop3A_793 {strides = array<i32>} : memref<8x1024xf32, #tpu.memory_space<vmem>>, vector<16xf32>,
      } {sc.loop_unroll_factor = 4 : i64, sc.parallel_access}
      %dma_start3A_526 = arith.constant 2 : i32
      %dma_start3A_527 = arith.constant 2 : i32
      %dma_start3A_528 = arith.constant 0 : i32
      %dma_start3A_529 = arith.constant 0 : i32
      %dma_start3A_530 = tpu.memref_slice %arg10[%dma_start3A_526, %dma_start3A_528, %dma_start3A_529] : memref<4x8x1024xf32, #tpu.memory_space<vmem>> -> memref<1x8x1024xf32, #tpu.memory_space<vmem>>
      %dma_start3A_531 = tpu.memref_squeeze %dma_start3A_530 : memref<1x8x1024xf32, #tpu.memory_space<vmem>> -> memref<8x1024xf32, #tpu.memory_space<vmem>>
      %dma_start3A_532 = arith.constant 0 : i32
      %dma_start3A_533 = arith.constant 0 : i32
      %dma_start3A_534 = arith.constant 0 : i32
      %dma_start3A_535 = tpu.memref_slice %arg5[%add3A_443, %dma_start3A_532, %dma_start3A_533, %dma_start3A_534] : memref<200x8x32x1024xf32, #tpu.memory_space<hbm>> -> memref<1x8x32x1024xf32, #tpu.memory_space<hbm>>
      %dma_start3A_536 = tpu.memref_squeeze %dma_start3A_535 : memref<1x8x32x1024xf32, #tpu.memory_space<hbm>> -> memref<8x32x1024xf32, #tpu.memory_space<hbm>>
      %dma_start3A_537 = arith.constant 0 : i32
      %dma_start3A_538 = arith.constant 0 : i32
      %dma_start3A_539 = tpu.memref_slice %dma_start3A_536[%dma_start3A_537, %add3A, %dma_start3A_538] : memref<8x32x1024xf32, #tpu.memory_space<hbm>> -> memref<8x1x1024xf32, #tpu.memory_space<hbm>>
      %dma_start3A_540 = tpu.memref_squeeze %dma_start3A_539 : memref<8x1x1024xf32, #tpu.memory_space<hbm>> -> memref<8x1024xf32, #tpu.memory_space<hbm>>
      %dma_start3A_541 = tpu.memref_slice %arg12[%dma_start3A_527] : memref<4x!tpu.dma_semaphore, #tpu.memory_space<semaphore_mem>> -> memref<1x!tpu.dma_semaphore, #tpu.memory_space<semaphore_mem>>
      %dma_start3A_542 = tpu.memref_squeeze %dma_start3A_541 : memref<1x!tpu.dma_semaphore, #tpu.memory_space<semaphore_mem>> -> memref<!tpu.dma_semaphore, #tpu.memory_space<semaphore_mem>>
      %dma_start3A_543 = arith.constant 0 : i32
      %dma_start3A_544 = arith.constant 0 : i32
      %dma_start3A_545 = arith.constant 0 : i32
      %dma_start3A_546 = tpu.memref_slice %arg5[%add3A_443, %dma_start3A_543, %dma_start3A_544, %dma_start3A_545] : memref<200x8x32x1024xf32, #tpu.memory_space<hbm>> -> memref<1x8x32x1024xf32, #tpu.memory_space<hbm>>
      %dma_start3A_547 = tpu.memref_squeeze %dma_start3A_546 : memref<1x8x32x1024xf32, #tpu.memory_space<hbm>> -> memref<8x32x1024xf32, #tpu.memory_space<hbm>>
      %dma_start3A_548 = arith.constant 0 : i32
      %dma_start3A_549 = arith.constant 0 : i32
      %dma_start3A_550 = tpu.memref_slice %dma_start3A_547[%dma_start3A_548, %add3A, %dma_start3A_549] : memref<8x32x1024xf32, #tpu.memory_space<hbm>> -> memref<8x1x1024xf32, #tpu.memory_space<hbm>>
      %dma_start3A_551 = tpu.memref_squeeze %dma_start3A_550 : memref<8x1x1024xf32, #tpu.memory_space<hbm>> -> memref<8x1024xf32, #tpu.memory_space<hbm>>
      %dma_start3A_552 = arith.constant 0 : i32
      %dma_start3A_553 = arith.constant 0 : i32
      %dma_start3A_554 = tpu.memref_slice %arg10[%dma_start3A_526, %dma_start3A_552, %dma_start3A_553] : memref<4x8x1024xf32, #tpu.memory_space<vmem>> -> memref<1x8x1024xf32, #tpu.memory_space<vmem>>
      %dma_start3A_555 = tpu.memref_squeeze %dma_start3A_554 : memref<1x8x1024xf32, #tpu.memory_space<vmem>> -> memref<8x1024xf32, #tpu.memory_space<vmem>>
      tpu.enqueue_dma source(%dma_start3A_555 : memref<8x1024xf32, #tpu.memory_space<vmem>>) target(%dma_start3A_551 : memref<8x1024xf32, #tpu.memory_space<hbm>>) target_semaphore(%dma_start3A_542 : memref<!tpu.dma_semaphore, #tpu.memory_space<semaphore_mem>>)
      %add3A_556 = arith.constant 4 : i32
      %add3A_557 = arith.addi %add3A_443, %add3A_556 : i32
      %lt3A_558 = arith.constant 200 : i32
      %lt3A_559 = arith.cmpi slt, %add3A_557, %lt3A_558 : i32
      %convert_element_type3A_560 = arith.extui %lt3A_559 : i1 to i32
      %cond3A_561 = arith.constant 0 : i32
      %cond3A_562 = arith.cmpi ne, %convert_element_type3A_560, %cond3A_561 : i32
      scf.if %cond3A_562 {
        %add3A_684 = arith.constant 4 : i32
        %add3A_685 = arith.addi %add3A_443, %add3A_684 : i32
        %jit3A_686 = arith.constant 8 : i32
        %div3A_687 = arith.divsi %add3A_685, %jit3A_686 : i32
        %sign3A_688 = arith.constant 0 : i32
        %sign3A_689 = arith.cmpi sgt, %add3A_685, %sign3A_688 : i32
        %sign3A_690 = arith.extui %sign3A_689 : i1 to i32
        %sign3A_691 = arith.constant 0 : i32
        %sign3A_692 = arith.cmpi slt, %add3A_685, %sign3A_691 : i32
        %sign3A_693 = arith.extui %sign3A_692 : i1 to i32
        %sign3A_694 = arith.subi %sign3A_690, %sign3A_693 : i32
        %sign3A_695 = arith.constant 0 : i32
        %sign3A_696 = arith.cmpi sgt, %jit3A_686, %sign3A_695 : i32
        %sign3A_697 = arith.extui %sign3A_696 : i1 to i32
        %sign3A_698 = arith.constant 0 : i32
        %sign3A_699 = arith.cmpi slt, %jit3A_686, %sign3A_698 : i32
        %sign3A_700 = arith.extui %sign3A_699 : i1 to i32
        %sign3A_701 = arith.subi %sign3A_697, %sign3A_700 : i32
        %ne3A_702 = arith.cmpi ne, %sign3A_694, %sign3A_701 : i32
        %rem3A_703 = arith.remsi %add3A_685, %jit3A_686 : i32
        %ne3A_704 = arith.constant 0 : i32
        %ne3A_705 = arith.cmpi ne, %rem3A_703, %ne3A_704 : i32
        %and3A_706 = arith.andi %ne3A_702, %ne3A_705 : i1
        %sub3A_707 = arith.constant 1 : i32
        %sub3A_708 = arith.subi %div3A_687, %sub3A_707 : i32
        %select_n3A_709 = arith.select %and3A_706, %sub3A_708, %div3A_687 : i32
        %jit3A_710 = arith.constant 8 : i32
        %eq3A_711 = arith.constant 0 : i32
        %eq3A_712 = arith.cmpi eq, %jit3A_710, %eq3A_711 : i32
        %jit3A_713 = arith.constant 1 : i32
        %select_n3A_714 = arith.select %eq3A_712, %jit3A_713, %jit3A_710 : i32
        %rem3A_715 = arith.remsi %add3A_685, %select_n3A_714 : i32
        %ne3A_716 = arith.constant 0 : i32
        %ne3A_717 = arith.cmpi ne, %rem3A_715, %ne3A_716 : i32
        %lt3A_718 = arith.constant 0 : i32
        %lt3A_719 = arith.cmpi slt, %rem3A_715, %lt3A_718 : i32
        %lt3A_720 = arith.constant 0 : i32
        %lt3A_721 = arith.cmpi slt, %select_n3A_714, %lt3A_720 : i32
        %ne3A_722 = arith.xori %lt3A_719, %lt3A_721 : i1
        %and3A_723 = arith.andi %ne3A_722, %ne3A_717 : i1
        %add3A_724 = arith.addi %rem3A_715, %select_n3A_714 : i32
        %select_n3A_725 = arith.select %and3A_723, %add3A_724, %rem3A_715 : i32
        %dma_start3A_726 = arith.constant 2 : i32
        %dma_start3A_727 = arith.constant 2 : i32
        %dma_start3A_728 = arith.constant 0 : i32
        %dma_start3A_729 = arith.constant 0 : i32
        %dma_start3A_730 = tpu.memref_slice %arg8[%dma_start3A_726, %dma_start3A_728, %dma_start3A_729] : memref<4x128x64xf32, #tpu.memory_space<vmem>> -> memref<1x128x64xf32, #tpu.memory_space<vmem>>
        %dma_start3A_731 = tpu.memref_squeeze %dma_start3A_730 : memref<1x128x64xf32, #tpu.memory_space<vmem>> -> memref<128x64xf32, #tpu.memory_space<vmem>>
        %dma_start3A_732 = arith.constant 0 : i32
        %dma_start3A_733 = arith.constant 0 : i32
        %dma_start3A_734 = tpu.memref_slice %arg6[%select_n3A_709, %dma_start3A_732, %dma_start3A_733] : memref<25x8x128xi32, #tpu.memory_space<vmem>> -> memref<1x8x128xi32, #tpu.memory_space<vmem>>
        %dma_start3A_735 = tpu.memref_squeeze %dma_start3A_734 : memref<1x8x128xi32, #tpu.memory_space<vmem>> -> memref<8x128xi32, #tpu.memory_space<vmem>>
        %dma_start3A_736 = arith.constant 0 : i32
        %dma_start3A_737 = tpu.memref_slice %dma_start3A_735[%select_n3A_725, %dma_start3A_736] : memref<8x128xi32, #tpu.memory_space<vmem>> -> memref<1x128xi32, #tpu.memory_space<vmem>>
        %dma_start3A_738 = tpu.memref_squeeze %dma_start3A_737 : memref<1x128xi32, #tpu.memory_space<vmem>> -> memref<128xi32, #tpu.memory_space<vmem>>
        %dma_start3A_739 = arith.constant 0 : i32
        %dma_start3A_740 = arith.constant 0 : i32
        %dma_start3A_741 = tpu.memref_slice %arg3[%dma_start3A_739, %dma_start3A_740] : memref<100000x64xf32, #tpu.memory_space<hbm>> -> memref<100000x64xf32, #tpu.memory_space<hbm>>
        %dma_start3A_742 = tpu.memref_slice %arg11[%dma_start3A_727] : memref<4x!tpu.dma_semaphore, #tpu.memory_space<semaphore_mem>> -> memref<1x!tpu.dma_semaphore, #tpu.memory_space<semaphore_mem>>
        %dma_start3A_743 = tpu.memref_squeeze %dma_start3A_742 : memref<1x!tpu.dma_semaphore, #tpu.memory_space<semaphore_mem>> -> memref<!tpu.dma_semaphore, #tpu.memory_space<semaphore_mem>>
        tpu.enqueue_indirect_dma source(%dma_start3A_741 : memref<100000x64xf32, #tpu.memory_space<hbm>>) target(%dma_start3A_731 : memref<128x64xf32, #tpu.memory_space<vmem>>) offsets(%dma_start3A_738 : memref<128xi32, #tpu.memory_space<vmem>>) semaphore(%dma_start3A_743 : memref<!tpu.dma_semaphore, #tpu.memory_space<semaphore_mem>>)
      } else {
      }
      %add3A_563 = arith.constant 3 : i32
      %add3A_564 = arith.addi %add3A_214, %add3A_563 : i32
      %jit3A_565 = arith.constant 8 : i32
      %div3A_566 = arith.divsi %add3A_564, %jit3A_565 : i32
      %sign3A_567 = arith.constant 0 : i32
      %sign3A_568 = arith.cmpi sgt, %add3A_564, %sign3A_567 : i32
      %sign3A_569 = arith.extui %sign3A_568 : i1 to i32
      %sign3A_570 = arith.constant 0 : i32
      %sign3A_571 = arith.cmpi slt, %add3A_564, %sign3A_570 : i32
      %sign3A_572 = arith.extui %sign3A_571 : i1 to i32
      %sign3A_573 = arith.subi %sign3A_569, %sign3A_572 : i32
      %sign3A_574 = arith.constant 0 : i32
      %sign3A_575 = arith.cmpi sgt, %jit3A_565, %sign3A_574 : i32
      %sign3A_576 = arith.extui %sign3A_575 : i1 to i32
      %sign3A_577 = arith.constant 0 : i32
      %sign3A_578 = arith.cmpi slt, %jit3A_565, %sign3A_577 : i32
      %sign3A_579 = arith.extui %sign3A_578 : i1 to i32
      %sign3A_580 = arith.subi %sign3A_576, %sign3A_579 : i32
      %ne3A_581 = arith.cmpi ne, %sign3A_573, %sign3A_580 : i32
      %rem3A_582 = arith.remsi %add3A_564, %jit3A_565 : i32
      %ne3A_583 = arith.constant 0 : i32
      %ne3A_584 = arith.cmpi ne, %rem3A_582, %ne3A_583 : i32
      %and3A_585 = arith.andi %ne3A_581, %ne3A_584 : i1
      %sub3A_586 = arith.constant 1 : i32
      %sub3A_587 = arith.subi %div3A_566, %sub3A_586 : i32
      %select_n3A_588 = arith.select %and3A_585, %sub3A_587, %div3A_566 : i32
      %jit3A_589 = arith.constant 8 : i32
      %eq3A_590 = arith.constant 0 : i32
      %eq3A_591 = arith.cmpi eq, %jit3A_589, %eq3A_590 : i32
      %jit3A_592 = arith.constant 1 : i32
      %select_n3A_593 = arith.select %eq3A_591, %jit3A_592, %jit3A_589 : i32
      %rem3A_594 = arith.remsi %add3A_564, %select_n3A_593 : i32
      %ne3A_595 = arith.constant 0 : i32
      %ne3A_596 = arith.cmpi ne, %rem3A_594, %ne3A_595 : i32
      %lt3A_597 = arith.constant 0 : i32
      %lt3A_598 = arith.cmpi slt, %rem3A_594, %lt3A_597 : i32
      %lt3A_599 = arith.constant 0 : i32
      %lt3A_600 = arith.cmpi slt, %select_n3A_593, %lt3A_599 : i32
      %ne3A_601 = arith.xori %lt3A_598, %lt3A_600 : i1
      %and3A_602 = arith.andi %ne3A_601, %ne3A_596 : i1
      %add3A_603 = arith.addi %rem3A_594, %select_n3A_593 : i32
      %select_n3A_604 = arith.select %and3A_602, %add3A_603, %rem3A_594 : i32
      %dma_wait3A_605 = arith.constant 3 : i32
      %dma_wait3A_606 = arith.constant 3 : i32
      %dma_wait3A_607 = arith.constant 0 : i32
      %dma_wait3A_608 = arith.constant 0 : i32
      %dma_wait3A_609 = tpu.memref_slice %arg8[%dma_wait3A_605, %dma_wait3A_607, %dma_wait3A_608] : memref<4x128x64xf32, #tpu.memory_space<vmem>> -> memref<1x128x64xf32, #tpu.memory_space<vmem>>
      %dma_wait3A_610 = tpu.memref_squeeze %dma_wait3A_609 : memref<1x128x64xf32, #tpu.memory_space<vmem>> -> memref<128x64xf32, #tpu.memory_space<vmem>>
      %dma_wait3A_611 = arith.constant 0 : i32
      %dma_wait3A_612 = arith.constant 0 : i32
      %dma_wait3A_613 = tpu.memref_slice %arg6[%select_n3A_588, %dma_wait3A_611, %dma_wait3A_612] : memref<25x8x128xi32, #tpu.memory_space<vmem>> -> memref<1x8x128xi32, #tpu.memory_space<vmem>>
      %dma_wait3A_614 = tpu.memref_squeeze %dma_wait3A_613 : memref<1x8x128xi32, #tpu.memory_space<vmem>> -> memref<8x128xi32, #tpu.memory_space<vmem>>
      %dma_wait3A_615 = arith.constant 0 : i32
      %dma_wait3A_616 = tpu.memref_slice %dma_wait3A_614[%select_n3A_604, %dma_wait3A_615] : memref<8x128xi32, #tpu.memory_space<vmem>> -> memref<1x128xi32, #tpu.memory_space<vmem>>
      %dma_wait3A_617 = tpu.memref_squeeze %dma_wait3A_616 : memref<1x128xi32, #tpu.memory_space<vmem>> -> memref<128xi32, #tpu.memory_space<vmem>>
      %dma_wait3A_618 = arith.constant 0 : i32
      %dma_wait3A_619 = arith.constant 0 : i32
      %dma_wait3A_620 = tpu.memref_slice %arg3[%dma_wait3A_618, %dma_wait3A_619] : memref<100000x64xf32, #tpu.memory_space<hbm>> -> memref<100000x64xf32, #tpu.memory_space<hbm>>
      %dma_wait3A_621 = tpu.memref_slice %arg11[%dma_wait3A_606] : memref<4x!tpu.dma_semaphore, #tpu.memory_space<semaphore_mem>> -> memref<1x!tpu.dma_semaphore, #tpu.memory_space<semaphore_mem>>
      %dma_wait3A_622 = tpu.memref_squeeze %dma_wait3A_621 : memref<1x!tpu.dma_semaphore, #tpu.memory_space<semaphore_mem>> -> memref<!tpu.dma_semaphore, #tpu.memory_space<semaphore_mem>>
      tpu.wait_indirect_dma semaphore(%dma_wait3A_622 : memref<!tpu.dma_semaphore, #tpu.memory_space<semaphore_mem>>) src(%dma_wait3A_620 : memref<100000x64xf32, #tpu.memory_space<hbm>>) dst(%dma_wait3A_610 : memref<128x64xf32, #tpu.memory_space<vmem>>)
      %ge3A_623 = arith.constant 4 : i32
      %ge3A_624 = arith.cmpi sge, %add3A_564, %ge3A_623 : i32
      %convert_element_type3A_625 = arith.extui %ge3A_624 : i1 to i32
      %cond3A_626 = arith.constant 0 : i32
      %cond3A_627 = arith.cmpi ne, %convert_element_type3A_625, %cond3A_626 : i32
      scf.if %cond3A_627 {
        %sub3A_684 = arith.constant 4 : i32
        %sub3A_685 = arith.subi %add3A_564, %sub3A_684 : i32
        %dma_wait3A_686 = arith.constant 3 : i32
        %dma_wait3A_687 = arith.constant 3 : i32
        %dma_wait3A_688 = arith.constant 0 : i32
        %dma_wait3A_689 = arith.constant 0 : i32
        %dma_wait3A_690 = tpu.memref_slice %arg10[%dma_wait3A_686, %dma_wait3A_688, %dma_wait3A_689] : memref<4x8x1024xf32, #tpu.memory_space<vmem>> -> memref<1x8x1024xf32, #tpu.memory_space<vmem>>
        %dma_wait3A_691 = tpu.memref_squeeze %dma_wait3A_690 : memref<1x8x1024xf32, #tpu.memory_space<vmem>> -> memref<8x1024xf32, #tpu.memory_space<vmem>>
        %dma_wait3A_692 = arith.constant 0 : i32
        %dma_wait3A_693 = arith.constant 0 : i32
        %dma_wait3A_694 = arith.constant 0 : i32
        %dma_wait3A_695 = tpu.memref_slice %arg5[%sub3A_685, %dma_wait3A_692, %dma_wait3A_693, %dma_wait3A_694] : memref<200x8x32x1024xf32, #tpu.memory_space<hbm>> -> memref<1x8x32x1024xf32, #tpu.memory_space<hbm>>
        %dma_wait3A_696 = tpu.memref_squeeze %dma_wait3A_695 : memref<1x8x32x1024xf32, #tpu.memory_space<hbm>> -> memref<8x32x1024xf32, #tpu.memory_space<hbm>>
        %dma_wait3A_697 = arith.constant 0 : i32
        %dma_wait3A_698 = arith.constant 0 : i32
        %dma_wait3A_699 = tpu.memref_slice %dma_wait3A_696[%dma_wait3A_697, %add3A, %dma_wait3A_698] : memref<8x32x1024xf32, #tpu.memory_space<hbm>> -> memref<8x1x1024xf32, #tpu.memory_space<hbm>>
        %dma_wait3A_700 = tpu.memref_squeeze %dma_wait3A_699 : memref<8x1x1024xf32, #tpu.memory_space<hbm>> -> memref<8x1024xf32, #tpu.memory_space<hbm>>
        %dma_wait3A_701 = tpu.memref_slice %arg12[%dma_wait3A_687] : memref<4x!tpu.dma_semaphore, #tpu.memory_space<semaphore_mem>> -> memref<1x!tpu.dma_semaphore, #tpu.memory_space<semaphore_mem>>
        %dma_wait3A_702 = tpu.memref_squeeze %dma_wait3A_701 : memref<1x!tpu.dma_semaphore, #tpu.memory_space<semaphore_mem>> -> memref<!tpu.dma_semaphore, #tpu.memory_space<semaphore_mem>>
        %dma_wait3A_703 = arith.constant 0 : i32
        %dma_wait3A_704 = arith.constant 0 : i32
        %dma_wait3A_705 = arith.constant 0 : i32
        %dma_wait3A_706 = tpu.memref_slice %arg5[%sub3A_685, %dma_wait3A_703, %dma_wait3A_704, %dma_wait3A_705] : memref<200x8x32x1024xf32, #tpu.memory_space<hbm>> -> memref<1x8x32x1024xf32, #tpu.memory_space<hbm>>
        %dma_wait3A_707 = tpu.memref_squeeze %dma_wait3A_706 : memref<1x8x32x1024xf32, #tpu.memory_space<hbm>> -> memref<8x32x1024xf32, #tpu.memory_space<hbm>>
        %dma_wait3A_708 = arith.constant 0 : i32
        %dma_wait3A_709 = arith.constant 0 : i32
        %dma_wait3A_710 = tpu.memref_slice %dma_wait3A_707[%dma_wait3A_708, %add3A, %dma_wait3A_709] : memref<8x32x1024xf32, #tpu.memory_space<hbm>> -> memref<8x1x1024xf32, #tpu.memory_space<hbm>>
        %dma_wait3A_711 = tpu.memref_squeeze %dma_wait3A_710 : memref<8x1x1024xf32, #tpu.memory_space<hbm>> -> memref<8x1024xf32, #tpu.memory_space<hbm>>
        %dma_wait3A_712 = arith.constant 0 : i32
        %dma_wait3A_713 = arith.constant 0 : i32
        %dma_wait3A_714 = tpu.memref_slice %arg10[%dma_wait3A_686, %dma_wait3A_712, %dma_wait3A_713] : memref<4x8x1024xf32, #tpu.memory_space<vmem>> -> memref<1x8x1024xf32, #tpu.memory_space<vmem>>
        %dma_wait3A_715 = tpu.memref_squeeze %dma_wait3A_714 : memref<1x8x1024xf32, #tpu.memory_space<vmem>> -> memref<8x1024xf32, #tpu.memory_space<vmem>>
        tpu.wait_dma2 semaphore(%dma_wait3A_702 : memref<!tpu.dma_semaphore, #tpu.memory_space<semaphore_mem>>) src(%dma_wait3A_715 : memref<8x1024xf32, #tpu.memory_space<vmem>>) dst(%dma_wait3A_711 : memref<8x1024xf32, #tpu.memory_space<hbm>>)
      } else {
      }
      %get3A_628 = arith.index_cast %add3A_564 : i32 to index
      %get3A_629 = arith.constant 0 : index
      %get3A_630 = tpu.vector_load %arg7[%get3A_628, %get3A_629] {strides = array<i32>} : memref<200x64xf32, #tpu.memory_space<vmem>>, vector<16xf32>,
      %get3A_631 = arith.index_cast %add3A_564 : i32 to index
      %get3A_632 = arith.constant 16 : index
      %get3A_633 = tpu.vector_load %arg7[%get3A_631, %get3A_632] {strides = array<i32>} : memref<200x64xf32, #tpu.memory_space<vmem>>, vector<16xf32>,
      %get3A_634 = arith.index_cast %add3A_564 : i32 to index
      %get3A_635 = arith.constant 32 : index
      %get3A_636 = tpu.vector_load %arg7[%get3A_634, %get3A_635] {strides = array<i32>} : memref<200x64xf32, #tpu.memory_space<vmem>>, vector<16xf32>,
      %get3A_637 = arith.index_cast %add3A_564 : i32 to index
      %get3A_638 = arith.constant 48 : index
      %get3A_639 = tpu.vector_load %arg7[%get3A_637, %get3A_638] {strides = array<i32>} : memref<200x64xf32, #tpu.memory_space<vmem>>, vector<16xf32>,
      %parallel_loop3A_640 = arith.constant 0 : i32
      %parallel_loop3A_641 = arith.constant 128 : i32
      %parallel_loop3A_642 = arith.constant 1 : i32
      scf.for %parallel_loop3A_684 = %parallel_loop3A_640 to %parallel_loop3A_641 step %parallel_loop3A_642  : i32 {
        %parallel_loop3A_685 = arith.constant 65 : i32
        %parallel_loop3A_686 = arith.muli %parallel_loop3A_684, %parallel_loop3A_685 : i32
        %parallel_loop3A_687 = arith.constant 3 : i32
        %parallel_loop3A_688 = arith.index_cast %parallel_loop3A_687 : i32 to index
        %parallel_loop3A_689 = arith.index_cast %parallel_loop3A_684 : i32 to index
        %parallel_loop3A_690 = arith.constant 0 : index
        %parallel_loop3A_691 = tpu.vector_load %arg8[%parallel_loop3A_688, %parallel_loop3A_689, %parallel_loop3A_690] {strides = array<i32>} : memref<4x128x64xf32, #tpu.memory_space<vmem>>, vector<16xf32>,
        %parallel_loop3A_692 = arith.addf %parallel_loop3A_691, %get3A_630 : vector<16xf32>
        %parallel_loop3A_693 = arith.constant 0 : i32
        %parallel_loop3A_694 = arith.addi %parallel_loop3A_686, %parallel_loop3A_693 : i32
        %parallel_loop3A_695 = arith.index_cast %parallel_loop3A_694 : i32 to index
        %parallel_loop3A_696 = tpu.vector_load %arg9[%parallel_loop3A_695] {strides = array<i32>} : memref<8320xf32, #tpu.memory_space<vmem>>, vector<16xf32>,
        tpu.vector_store %arg9[%parallel_loop3A_695], %parallel_loop3A_692 {strides = array<i32>} : memref<8320xf32, #tpu.memory_space<vmem>>, vector<16xf32>,
        %parallel_loop3A_697 = arith.constant 3 : i32
        %parallel_loop3A_698 = arith.index_cast %parallel_loop3A_697 : i32 to index
        %parallel_loop3A_699 = arith.index_cast %parallel_loop3A_684 : i32 to index
        %parallel_loop3A_700 = arith.constant 16 : index
        %parallel_loop3A_701 = tpu.vector_load %arg8[%parallel_loop3A_698, %parallel_loop3A_699, %parallel_loop3A_700] {strides = array<i32>} : memref<4x128x64xf32, #tpu.memory_space<vmem>>, vector<16xf32>,
        %parallel_loop3A_702 = arith.addf %parallel_loop3A_701, %get3A_633 : vector<16xf32>
        %parallel_loop3A_703 = arith.constant 16 : i32
        %parallel_loop3A_704 = arith.addi %parallel_loop3A_686, %parallel_loop3A_703 : i32
        %parallel_loop3A_705 = arith.index_cast %parallel_loop3A_704 : i32 to index
        %parallel_loop3A_706 = tpu.vector_load %arg9[%parallel_loop3A_705] {strides = array<i32>} : memref<8320xf32, #tpu.memory_space<vmem>>, vector<16xf32>,
        tpu.vector_store %arg9[%parallel_loop3A_705], %parallel_loop3A_702 {strides = array<i32>} : memref<8320xf32, #tpu.memory_space<vmem>>, vector<16xf32>,
        %parallel_loop3A_707 = arith.constant 3 : i32
        %parallel_loop3A_708 = arith.index_cast %parallel_loop3A_707 : i32 to index
        %parallel_loop3A_709 = arith.index_cast %parallel_loop3A_684 : i32 to index
        %parallel_loop3A_710 = arith.constant 32 : index
        %parallel_loop3A_711 = tpu.vector_load %arg8[%parallel_loop3A_708, %parallel_loop3A_709, %parallel_loop3A_710] {strides = array<i32>} : memref<4x128x64xf32, #tpu.memory_space<vmem>>, vector<16xf32>,
        %parallel_loop3A_712 = arith.addf %parallel_loop3A_711, %get3A_636 : vector<16xf32>
        %parallel_loop3A_713 = arith.constant 32 : i32
        %parallel_loop3A_714 = arith.addi %parallel_loop3A_686, %parallel_loop3A_713 : i32
        %parallel_loop3A_715 = arith.index_cast %parallel_loop3A_714 : i32 to index
        %parallel_loop3A_716 = tpu.vector_load %arg9[%parallel_loop3A_715] {strides = array<i32>} : memref<8320xf32, #tpu.memory_space<vmem>>, vector<16xf32>,
        tpu.vector_store %arg9[%parallel_loop3A_715], %parallel_loop3A_712 {strides = array<i32>} : memref<8320xf32, #tpu.memory_space<vmem>>, vector<16xf32>,
        %parallel_loop3A_717 = arith.constant 3 : i32
        %parallel_loop3A_718 = arith.index_cast %parallel_loop3A_717 : i32 to index
        %parallel_loop3A_719 = arith.index_cast %parallel_loop3A_684 : i32 to index
        %parallel_loop3A_720 = arith.constant 48 : index
        %parallel_loop3A_721 = tpu.vector_load %arg8[%parallel_loop3A_718, %parallel_loop3A_719, %parallel_loop3A_720] {strides = array<i32>} : memref<4x128x64xf32, #tpu.memory_space<vmem>>, vector<16xf32>,
        %parallel_loop3A_722 = arith.addf %parallel_loop3A_721, %get3A_639 : vector<16xf32>
        %parallel_loop3A_723 = arith.constant 48 : i32
        %parallel_loop3A_724 = arith.addi %parallel_loop3A_686, %parallel_loop3A_723 : i32
        %parallel_loop3A_725 = arith.index_cast %parallel_loop3A_724 : i32 to index
        %parallel_loop3A_726 = tpu.vector_load %arg9[%parallel_loop3A_725] {strides = array<i32>} : memref<8320xf32, #tpu.memory_space<vmem>>, vector<16xf32>,
        tpu.vector_store %arg9[%parallel_loop3A_725], %parallel_loop3A_722 {strides = array<i32>} : memref<8320xf32, #tpu.memory_space<vmem>>, vector<16xf32>,
      } {sc.loop_unroll_factor = 8 : i64, sc.parallel_access}
      %parallel_loop3A_643 = arith.constant 0 : i32
      %parallel_loop3A_644 = arith.constant 64 : i32
      %parallel_loop3A_645 = arith.constant 1 : i32
      %parallel_loop3A_646 = arith.constant 3 : i32
      scf.for %parallel_loop3A_684 = %parallel_loop3A_643 to %parallel_loop3A_644 step %parallel_loop3A_645  : i32 {
        %parallel_loop3A_685 = arith.constant 3 : i32
        %parallel_loop3A_686 = arith.shrsi %parallel_loop3A_684, %parallel_loop3A_685 : i32
        %parallel_loop3A_687 = arith.constant 7 : i32
        %parallel_loop3A_688 = arith.andi %parallel_loop3A_684, %parallel_loop3A_687 : i32
        %parallel_loop3A_689 = arith.constant 128 : i32
        %parallel_loop3A_690 = arith.muli %parallel_loop3A_688, %parallel_loop3A_689 : i32
        %parallel_loop3A_691 = arith.constant 0 : i32
        %parallel_loop3A_692 = arith.addi %parallel_loop3A_691, %parallel_loop3A_684 : i32
        %parallel_loop3A_693 = vector.broadcast %parallel_loop3A_692 : i32 to vector<16xi32>
        %parallel_loop3A_694 = arith.addi %mul3A_82, %parallel_loop3A_693 : vector<16xi32>
        %parallel_loop3A_695 = tpu.vector_load_idx %arg9[%parallel_loop3A_694] : memref<8320xf32, #tpu.memory_space<vmem>>[vector<16xi32>], vector<16xf32>,
        %parallel_loop3A_696 = arith.constant 0 : i32
        %parallel_loop3A_697 = arith.addi %parallel_loop3A_690, %parallel_loop3A_696 : i32
        %parallel_loop3A_698 = arith.constant 0 : i32
        %parallel_loop3A_699 = arith.constant 0 : i32
        %parallel_loop3A_700 = tpu.memref_slice %arg10[%parallel_loop3A_646, %parallel_loop3A_698, %parallel_loop3A_699] : memref<4x8x1024xf32, #tpu.memory_space<vmem>> -> memref<1x8x1024xf32, #tpu.memory_space<vmem>>
        %parallel_loop3A_701 = tpu.memref_squeeze %parallel_loop3A_700 : memref<1x8x1024xf32, #tpu.memory_space<vmem>> -> memref<8x1024xf32, #tpu.memory_space<vmem>>
        %parallel_loop3A_702 = arith.index_cast %parallel_loop3A_686 : i32 to index
        %parallel_loop3A_703 = arith.index_cast %parallel_loop3A_697 : i32 to index
        %parallel_loop3A_704 = tpu.vector_load %parallel_loop3A_701[%parallel_loop3A_702, %parallel_loop3A_703] {strides = array<i32>} : memref<8x1024xf32, #tpu.memory_space<vmem>>, vector<16xf32>,
        tpu.vector_store %parallel_loop3A_701[%parallel_loop3A_702, %parallel_loop3A_703], %parallel_loop3A_695 {strides = array<i32>} : memref<8x1024xf32, #tpu.memory_space<vmem>>, vector<16xf32>,
        %parallel_loop3A_705 = arith.constant 1040 : i32
        %parallel_loop3A_706 = arith.addi %parallel_loop3A_705, %parallel_loop3A_684 : i32
        %parallel_loop3A_707 = vector.broadcast %parallel_loop3A_706 : i32 to vector<16xi32>
        %parallel_loop3A_708 = arith.addi %mul3A_82, %parallel_loop3A_707 : vector<16xi32>
        %parallel_loop3A_709 = tpu.vector_load_idx %arg9[%parallel_loop3A_708] : memref<8320xf32, #tpu.memory_space<vmem>>[vector<16xi32>], vector<16xf32>,
        %parallel_loop3A_710 = arith.constant 16 : i32
        %parallel_loop3A_711 = arith.addi %parallel_loop3A_690, %parallel_loop3A_710 : i32
        %parallel_loop3A_712 = arith.constant 0 : i32
        %parallel_loop3A_713 = arith.constant 0 : i32
        %parallel_loop3A_714 = tpu.memref_slice %arg10[%parallel_loop3A_646, %parallel_loop3A_712, %parallel_loop3A_713] : memref<4x8x1024xf32, #tpu.memory_space<vmem>> -> memref<1x8x1024xf32, #tpu.memory_space<vmem>>
        %parallel_loop3A_715 = tpu.memref_squeeze %parallel_loop3A_714 : memref<1x8x1024xf32, #tpu.memory_space<vmem>> -> memref<8x1024xf32, #tpu.memory_space<vmem>>
        %parallel_loop3A_716 = arith.index_cast %parallel_loop3A_686 : i32 to index
        %parallel_loop3A_717 = arith.index_cast %parallel_loop3A_711 : i32 to index
        %parallel_loop3A_718 = tpu.vector_load %parallel_loop3A_715[%parallel_loop3A_716, %parallel_loop3A_717] {strides = array<i32>} : memref<8x1024xf32, #tpu.memory_space<vmem>>, vector<16xf32>,
        tpu.vector_store %parallel_loop3A_715[%parallel_loop3A_716, %parallel_loop3A_717], %parallel_loop3A_709 {strides = array<i32>} : memref<8x1024xf32, #tpu.memory_space<vmem>>, vector<16xf32>,
        %parallel_loop3A_719 = arith.constant 2080 : i32
        %parallel_loop3A_720 = arith.addi %parallel_loop3A_719, %parallel_loop3A_684 : i32
        %parallel_loop3A_721 = vector.broadcast %parallel_loop3A_720 : i32 to vector<16xi32>
        %parallel_loop3A_722 = arith.addi %mul3A_82, %parallel_loop3A_721 : vector<16xi32>
        %parallel_loop3A_723 = tpu.vector_load_idx %arg9[%parallel_loop3A_722] : memref<8320xf32, #tpu.memory_space<vmem>>[vector<16xi32>], vector<16xf32>,
        %parallel_loop3A_724 = arith.constant 32 : i32
        %parallel_loop3A_725 = arith.addi %parallel_loop3A_690, %parallel_loop3A_724 : i32
        %parallel_loop3A_726 = arith.constant 0 : i32
        %parallel_loop3A_727 = arith.constant 0 : i32
        %parallel_loop3A_728 = tpu.memref_slice %arg10[%parallel_loop3A_646, %parallel_loop3A_726, %parallel_loop3A_727] : memref<4x8x1024xf32, #tpu.memory_space<vmem>> -> memref<1x8x1024xf32, #tpu.memory_space<vmem>>
        %parallel_loop3A_729 = tpu.memref_squeeze %parallel_loop3A_728 : memref<1x8x1024xf32, #tpu.memory_space<vmem>> -> memref<8x1024xf32, #tpu.memory_space<vmem>>
        %parallel_loop3A_730 = arith.index_cast %parallel_loop3A_686 : i32 to index
        %parallel_loop3A_731 = arith.index_cast %parallel_loop3A_725 : i32 to index
        %parallel_loop3A_732 = tpu.vector_load %parallel_loop3A_729[%parallel_loop3A_730, %parallel_loop3A_731] {strides = array<i32>} : memref<8x1024xf32, #tpu.memory_space<vmem>>, vector<16xf32>,
        tpu.vector_store %parallel_loop3A_729[%parallel_loop3A_730, %parallel_loop3A_731], %parallel_loop3A_723 {strides = array<i32>} : memref<8x1024xf32, #tpu.memory_space<vmem>>, vector<16xf32>,
        %parallel_loop3A_733 = arith.constant 3120 : i32
        %parallel_loop3A_734 = arith.addi %parallel_loop3A_733, %parallel_loop3A_684 : i32
        %parallel_loop3A_735 = vector.broadcast %parallel_loop3A_734 : i32 to vector<16xi32>
        %parallel_loop3A_736 = arith.addi %mul3A_82, %parallel_loop3A_735 : vector<16xi32>
        %parallel_loop3A_737 = tpu.vector_load_idx %arg9[%parallel_loop3A_736] : memref<8320xf32, #tpu.memory_space<vmem>>[vector<16xi32>], vector<16xf32>,
        %parallel_loop3A_738 = arith.constant 48 : i32
        %parallel_loop3A_739 = arith.addi %parallel_loop3A_690, %parallel_loop3A_738 : i32
        %parallel_loop3A_740 = arith.constant 0 : i32
        %parallel_loop3A_741 = arith.constant 0 : i32
        %parallel_loop3A_742 = tpu.memref_slice %arg10[%parallel_loop3A_646, %parallel_loop3A_740, %parallel_loop3A_741] : memref<4x8x1024xf32, #tpu.memory_space<vmem>> -> memref<1x8x1024xf32, #tpu.memory_space<vmem>>
        %parallel_loop3A_743 = tpu.memref_squeeze %parallel_loop3A_742 : memref<1x8x1024xf32, #tpu.memory_space<vmem>> -> memref<8x1024xf32, #tpu.memory_space<vmem>>
        %parallel_loop3A_744 = arith.index_cast %parallel_loop3A_686 : i32 to index
        %parallel_loop3A_745 = arith.index_cast %parallel_loop3A_739 : i32 to index
        %parallel_loop3A_746 = tpu.vector_load %parallel_loop3A_743[%parallel_loop3A_744, %parallel_loop3A_745] {strides = array<i32>} : memref<8x1024xf32, #tpu.memory_space<vmem>>, vector<16xf32>,
        tpu.vector_store %parallel_loop3A_743[%parallel_loop3A_744, %parallel_loop3A_745], %parallel_loop3A_737 {strides = array<i32>} : memref<8x1024xf32, #tpu.memory_space<vmem>>, vector<16xf32>,
        %parallel_loop3A_747 = arith.constant 4160 : i32
        %parallel_loop3A_748 = arith.addi %parallel_loop3A_747, %parallel_loop3A_684 : i32
        %parallel_loop3A_749 = vector.broadcast %parallel_loop3A_748 : i32 to vector<16xi32>
        %parallel_loop3A_750 = arith.addi %mul3A_82, %parallel_loop3A_749 : vector<16xi32>
        %parallel_loop3A_751 = tpu.vector_load_idx %arg9[%parallel_loop3A_750] : memref<8320xf32, #tpu.memory_space<vmem>>[vector<16xi32>], vector<16xf32>,
        %parallel_loop3A_752 = arith.constant 64 : i32
        %parallel_loop3A_753 = arith.addi %parallel_loop3A_690, %parallel_loop3A_752 : i32
        %parallel_loop3A_754 = arith.constant 0 : i32
        %parallel_loop3A_755 = arith.constant 0 : i32
        %parallel_loop3A_756 = tpu.memref_slice %arg10[%parallel_loop3A_646, %parallel_loop3A_754, %parallel_loop3A_755] : memref<4x8x1024xf32, #tpu.memory_space<vmem>> -> memref<1x8x1024xf32, #tpu.memory_space<vmem>>
        %parallel_loop3A_757 = tpu.memref_squeeze %parallel_loop3A_756 : memref<1x8x1024xf32, #tpu.memory_space<vmem>> -> memref<8x1024xf32, #tpu.memory_space<vmem>>
        %parallel_loop3A_758 = arith.index_cast %parallel_loop3A_686 : i32 to index
        %parallel_loop3A_759 = arith.index_cast %parallel_loop3A_753 : i32 to index
        %parallel_loop3A_760 = tpu.vector_load %parallel_loop3A_757[%parallel_loop3A_758, %parallel_loop3A_759] {strides = array<i32>} : memref<8x1024xf32, #tpu.memory_space<vmem>>, vector<16xf32>,
        tpu.vector_store %parallel_loop3A_757[%parallel_loop3A_758, %parallel_loop3A_759], %parallel_loop3A_751 {strides = array<i32>} : memref<8x1024xf32, #tpu.memory_space<vmem>>, vector<16xf32>,
        %parallel_loop3A_761 = arith.constant 5200 : i32
        %parallel_loop3A_762 = arith.addi %parallel_loop3A_761, %parallel_loop3A_684 : i32
        %parallel_loop3A_763 = vector.broadcast %parallel_loop3A_762 : i32 to vector<16xi32>
        %parallel_loop3A_764 = arith.addi %mul3A_82, %parallel_loop3A_763 : vector<16xi32>
        %parallel_loop3A_765 = tpu.vector_load_idx %arg9[%parallel_loop3A_764] : memref<8320xf32, #tpu.memory_space<vmem>>[vector<16xi32>], vector<16xf32>,
        %parallel_loop3A_766 = arith.constant 80 : i32
        %parallel_loop3A_767 = arith.addi %parallel_loop3A_690, %parallel_loop3A_766 : i32
        %parallel_loop3A_768 = arith.constant 0 : i32
        %parallel_loop3A_769 = arith.constant 0 : i32
        %parallel_loop3A_770 = tpu.memref_slice %arg10[%parallel_loop3A_646, %parallel_loop3A_768, %parallel_loop3A_769] : memref<4x8x1024xf32, #tpu.memory_space<vmem>> -> memref<1x8x1024xf32, #tpu.memory_space<vmem>>
        %parallel_loop3A_771 = tpu.memref_squeeze %parallel_loop3A_770 : memref<1x8x1024xf32, #tpu.memory_space<vmem>> -> memref<8x1024xf32, #tpu.memory_space<vmem>>
        %parallel_loop3A_772 = arith.index_cast %parallel_loop3A_686 : i32 to index
        %parallel_loop3A_773 = arith.index_cast %parallel_loop3A_767 : i32 to index
        %parallel_loop3A_774 = tpu.vector_load %parallel_loop3A_771[%parallel_loop3A_772, %parallel_loop3A_773] {strides = array<i32>} : memref<8x1024xf32, #tpu.memory_space<vmem>>, vector<16xf32>,
        tpu.vector_store %parallel_loop3A_771[%parallel_loop3A_772, %parallel_loop3A_773], %parallel_loop3A_765 {strides = array<i32>} : memref<8x1024xf32, #tpu.memory_space<vmem>>, vector<16xf32>,
        %parallel_loop3A_775 = arith.constant 6240 : i32
        %parallel_loop3A_776 = arith.addi %parallel_loop3A_775, %parallel_loop3A_684 : i32
        %parallel_loop3A_777 = vector.broadcast %parallel_loop3A_776 : i32 to vector<16xi32>
        %parallel_loop3A_778 = arith.addi %mul3A_82, %parallel_loop3A_777 : vector<16xi32>
        %parallel_loop3A_779 = tpu.vector_load_idx %arg9[%parallel_loop3A_778] : memref<8320xf32, #tpu.memory_space<vmem>>[vector<16xi32>], vector<16xf32>,
        %parallel_loop3A_780 = arith.constant 96 : i32
        %parallel_loop3A_781 = arith.addi %parallel_loop3A_690, %parallel_loop3A_780 : i32
        %parallel_loop3A_782 = arith.constant 0 : i32
        %parallel_loop3A_783 = arith.constant 0 : i32
        %parallel_loop3A_784 = tpu.memref_slice %arg10[%parallel_loop3A_646, %parallel_loop3A_782, %parallel_loop3A_783] : memref<4x8x1024xf32, #tpu.memory_space<vmem>> -> memref<1x8x1024xf32, #tpu.memory_space<vmem>>
        %parallel_loop3A_785 = tpu.memref_squeeze %parallel_loop3A_784 : memref<1x8x1024xf32, #tpu.memory_space<vmem>> -> memref<8x1024xf32, #tpu.memory_space<vmem>>
        %parallel_loop3A_786 = arith.index_cast %parallel_loop3A_686 : i32 to index
        %parallel_loop3A_787 = arith.index_cast %parallel_loop3A_781 : i32 to index
        %parallel_loop3A_788 = tpu.vector_load %parallel_loop3A_785[%parallel_loop3A_786, %parallel_loop3A_787] {strides = array<i32>} : memref<8x1024xf32, #tpu.memory_space<vmem>>, vector<16xf32>,
        tpu.vector_store %parallel_loop3A_785[%parallel_loop3A_786, %parallel_loop3A_787], %parallel_loop3A_779 {strides = array<i32>} : memref<8x1024xf32, #tpu.memory_space<vmem>>, vector<16xf32>,
        %parallel_loop3A_789 = arith.constant 7280 : i32
        %parallel_loop3A_790 = arith.addi %parallel_loop3A_789, %parallel_loop3A_684 : i32
        %parallel_loop3A_791 = vector.broadcast %parallel_loop3A_790 : i32 to vector<16xi32>
        %parallel_loop3A_792 = arith.addi %mul3A_82, %parallel_loop3A_791 : vector<16xi32>
        %parallel_loop3A_793 = tpu.vector_load_idx %arg9[%parallel_loop3A_792] : memref<8320xf32, #tpu.memory_space<vmem>>[vector<16xi32>], vector<16xf32>,
        %parallel_loop3A_794 = arith.constant 112 : i32
        %parallel_loop3A_795 = arith.addi %parallel_loop3A_690, %parallel_loop3A_794 : i32
        %parallel_loop3A_796 = arith.constant 0 : i32
        %parallel_loop3A_797 = arith.constant 0 : i32
        %parallel_loop3A_798 = tpu.memref_slice %arg10[%parallel_loop3A_646, %parallel_loop3A_796, %parallel_loop3A_797] : memref<4x8x1024xf32, #tpu.memory_space<vmem>> -> memref<1x8x1024xf32, #tpu.memory_space<vmem>>
        %parallel_loop3A_799 = tpu.memref_squeeze %parallel_loop3A_798 : memref<1x8x1024xf32, #tpu.memory_space<vmem>> -> memref<8x1024xf32, #tpu.memory_space<vmem>>
        %parallel_loop3A_800 = arith.index_cast %parallel_loop3A_686 : i32 to index
        %parallel_loop3A_801 = arith.index_cast %parallel_loop3A_795 : i32 to index
        %parallel_loop3A_802 = tpu.vector_load %parallel_loop3A_799[%parallel_loop3A_800, %parallel_loop3A_801] {strides = array<i32>} : memref<8x1024xf32, #tpu.memory_space<vmem>>, vector<16xf32>,
        tpu.vector_store %parallel_loop3A_799[%parallel_loop3A_800, %parallel_loop3A_801], %parallel_loop3A_793 {strides = array<i32>} : memref<8x1024xf32, #tpu.memory_space<vmem>>, vector<16xf32>,
      } {sc.loop_unroll_factor = 4 : i64, sc.parallel_access}
      %dma_start3A_647 = arith.constant 3 : i32
      %dma_start3A_648 = arith.constant 3 : i32
      %dma_start3A_649 = arith.constant 0 : i32
      %dma_start3A_650 = arith.constant 0 : i32
      %dma_start3A_651 = tpu.memref_slice %arg10[%dma_start3A_647, %dma_start3A_649, %dma_start3A_650] : memref<4x8x1024xf32, #tpu.memory_space<vmem>> -> memref<1x8x1024xf32, #tpu.memory_space<vmem>>
      %dma_start3A_652 = tpu.memref_squeeze %dma_start3A_651 : memref<1x8x1024xf32, #tpu.memory_space<vmem>> -> memref<8x1024xf32, #tpu.memory_space<vmem>>
      %dma_start3A_653 = arith.constant 0 : i32
      %dma_start3A_654 = arith.constant 0 : i32
      %dma_start3A_655 = arith.constant 0 : i32
      %dma_start3A_656 = tpu.memref_slice %arg5[%add3A_564, %dma_start3A_653, %dma_start3A_654, %dma_start3A_655] : memref<200x8x32x1024xf32, #tpu.memory_space<hbm>> -> memref<1x8x32x1024xf32, #tpu.memory_space<hbm>>
      %dma_start3A_657 = tpu.memref_squeeze %dma_start3A_656 : memref<1x8x32x1024xf32, #tpu.memory_space<hbm>> -> memref<8x32x1024xf32, #tpu.memory_space<hbm>>
      %dma_start3A_658 = arith.constant 0 : i32
      %dma_start3A_659 = arith.constant 0 : i32
      %dma_start3A_660 = tpu.memref_slice %dma_start3A_657[%dma_start3A_658, %add3A, %dma_start3A_659] : memref<8x32x1024xf32, #tpu.memory_space<hbm>> -> memref<8x1x1024xf32, #tpu.memory_space<hbm>>
      %dma_start3A_661 = tpu.memref_squeeze %dma_start3A_660 : memref<8x1x1024xf32, #tpu.memory_space<hbm>> -> memref<8x1024xf32, #tpu.memory_space<hbm>>
      %dma_start3A_662 = tpu.memref_slice %arg12[%dma_start3A_648] : memref<4x!tpu.dma_semaphore, #tpu.memory_space<semaphore_mem>> -> memref<1x!tpu.dma_semaphore, #tpu.memory_space<semaphore_mem>>
      %dma_start3A_663 = tpu.memref_squeeze %dma_start3A_662 : memref<1x!tpu.dma_semaphore, #tpu.memory_space<semaphore_mem>> -> memref<!tpu.dma_semaphore, #tpu.memory_space<semaphore_mem>>
      %dma_start3A_664 = arith.constant 0 : i32
      %dma_start3A_665 = arith.constant 0 : i32
      %dma_start3A_666 = arith.constant 0 : i32
      %dma_start3A_667 = tpu.memref_slice %arg5[%add3A_564, %dma_start3A_664, %dma_start3A_665, %dma_start3A_666] : memref<200x8x32x1024xf32, #tpu.memory_space<hbm>> -> memref<1x8x32x1024xf32, #tpu.memory_space<hbm>>
      %dma_start3A_668 = tpu.memref_squeeze %dma_start3A_667 : memref<1x8x32x1024xf32, #tpu.memory_space<hbm>> -> memref<8x32x1024xf32, #tpu.memory_space<hbm>>
      %dma_start3A_669 = arith.constant 0 : i32
      %dma_start3A_670 = arith.constant 0 : i32
      %dma_start3A_671 = tpu.memref_slice %dma_start3A_668[%dma_start3A_669, %add3A, %dma_start3A_670] : memref<8x32x1024xf32, #tpu.memory_space<hbm>> -> memref<8x1x1024xf32, #tpu.memory_space<hbm>>
      %dma_start3A_672 = tpu.memref_squeeze %dma_start3A_671 : memref<8x1x1024xf32, #tpu.memory_space<hbm>> -> memref<8x1024xf32, #tpu.memory_space<hbm>>
      %dma_start3A_673 = arith.constant 0 : i32
      %dma_start3A_674 = arith.constant 0 : i32
      %dma_start3A_675 = tpu.memref_slice %arg10[%dma_start3A_647, %dma_start3A_673, %dma_start3A_674] : memref<4x8x1024xf32, #tpu.memory_space<vmem>> -> memref<1x8x1024xf32, #tpu.memory_space<vmem>>
      %dma_start3A_676 = tpu.memref_squeeze %dma_start3A_675 : memref<1x8x1024xf32, #tpu.memory_space<vmem>> -> memref<8x1024xf32, #tpu.memory_space<vmem>>
      tpu.enqueue_dma source(%dma_start3A_676 : memref<8x1024xf32, #tpu.memory_space<vmem>>) target(%dma_start3A_672 : memref<8x1024xf32, #tpu.memory_space<hbm>>) target_semaphore(%dma_start3A_663 : memref<!tpu.dma_semaphore, #tpu.memory_space<semaphore_mem>>)
      %add3A_677 = arith.constant 4 : i32
      %add3A_678 = arith.addi %add3A_564, %add3A_677 : i32
      %lt3A_679 = arith.constant 200 : i32
      %lt3A_680 = arith.cmpi slt, %add3A_678, %lt3A_679 : i32
      %convert_element_type3A_681 = arith.extui %lt3A_680 : i1 to i32
      %cond3A_682 = arith.constant 0 : i32
      %cond3A_683 = arith.cmpi ne, %convert_element_type3A_681, %cond3A_682 : i32
      scf.if %cond3A_683 {
        %add3A_684 = arith.constant 4 : i32
        %add3A_685 = arith.addi %add3A_564, %add3A_684 : i32
        %jit3A_686 = arith.constant 8 : i32
        %div3A_687 = arith.divsi %add3A_685, %jit3A_686 : i32
        %sign3A_688 = arith.constant 0 : i32
        %sign3A_689 = arith.cmpi sgt, %add3A_685, %sign3A_688 : i32
        %sign3A_690 = arith.extui %sign3A_689 : i1 to i32
        %sign3A_691 = arith.constant 0 : i32
        %sign3A_692 = arith.cmpi slt, %add3A_685, %sign3A_691 : i32
        %sign3A_693 = arith.extui %sign3A_692 : i1 to i32
        %sign3A_694 = arith.subi %sign3A_690, %sign3A_693 : i32
        %sign3A_695 = arith.constant 0 : i32
        %sign3A_696 = arith.cmpi sgt, %jit3A_686, %sign3A_695 : i32
        %sign3A_697 = arith.extui %sign3A_696 : i1 to i32
        %sign3A_698 = arith.constant 0 : i32
        %sign3A_699 = arith.cmpi slt, %jit3A_686, %sign3A_698 : i32
        %sign3A_700 = arith.extui %sign3A_699 : i1 to i32
        %sign3A_701 = arith.subi %sign3A_697, %sign3A_700 : i32
        %ne3A_702 = arith.cmpi ne, %sign3A_694, %sign3A_701 : i32
        %rem3A_703 = arith.remsi %add3A_685, %jit3A_686 : i32
        %ne3A_704 = arith.constant 0 : i32
        %ne3A_705 = arith.cmpi ne, %rem3A_703, %ne3A_704 : i32
        %and3A_706 = arith.andi %ne3A_702, %ne3A_705 : i1
        %sub3A_707 = arith.constant 1 : i32
        %sub3A_708 = arith.subi %div3A_687, %sub3A_707 : i32
        %select_n3A_709 = arith.select %and3A_706, %sub3A_708, %div3A_687 : i32
        %jit3A_710 = arith.constant 8 : i32
        %eq3A_711 = arith.constant 0 : i32
        %eq3A_712 = arith.cmpi eq, %jit3A_710, %eq3A_711 : i32
        %jit3A_713 = arith.constant 1 : i32
        %select_n3A_714 = arith.select %eq3A_712, %jit3A_713, %jit3A_710 : i32
        %rem3A_715 = arith.remsi %add3A_685, %select_n3A_714 : i32
        %ne3A_716 = arith.constant 0 : i32
        %ne3A_717 = arith.cmpi ne, %rem3A_715, %ne3A_716 : i32
        %lt3A_718 = arith.constant 0 : i32
        %lt3A_719 = arith.cmpi slt, %rem3A_715, %lt3A_718 : i32
        %lt3A_720 = arith.constant 0 : i32
        %lt3A_721 = arith.cmpi slt, %select_n3A_714, %lt3A_720 : i32
        %ne3A_722 = arith.xori %lt3A_719, %lt3A_721 : i1
        %and3A_723 = arith.andi %ne3A_722, %ne3A_717 : i1
        %add3A_724 = arith.addi %rem3A_715, %select_n3A_714 : i32
        %select_n3A_725 = arith.select %and3A_723, %add3A_724, %rem3A_715 : i32
        %dma_start3A_726 = arith.constant 3 : i32
        %dma_start3A_727 = arith.constant 3 : i32
        %dma_start3A_728 = arith.constant 0 : i32
        %dma_start3A_729 = arith.constant 0 : i32
        %dma_start3A_730 = tpu.memref_slice %arg8[%dma_start3A_726, %dma_start3A_728, %dma_start3A_729] : memref<4x128x64xf32, #tpu.memory_space<vmem>> -> memref<1x128x64xf32, #tpu.memory_space<vmem>>
        %dma_start3A_731 = tpu.memref_squeeze %dma_start3A_730 : memref<1x128x64xf32, #tpu.memory_space<vmem>> -> memref<128x64xf32, #tpu.memory_space<vmem>>
        %dma_start3A_732 = arith.constant 0 : i32
        %dma_start3A_733 = arith.constant 0 : i32
        %dma_start3A_734 = tpu.memref_slice %arg6[%select_n3A_709, %dma_start3A_732, %dma_start3A_733] : memref<25x8x128xi32, #tpu.memory_space<vmem>> -> memref<1x8x128xi32, #tpu.memory_space<vmem>>
        %dma_start3A_735 = tpu.memref_squeeze %dma_start3A_734 : memref<1x8x128xi32, #tpu.memory_space<vmem>> -> memref<8x128xi32, #tpu.memory_space<vmem>>
        %dma_start3A_736 = arith.constant 0 : i32
        %dma_start3A_737 = tpu.memref_slice %dma_start3A_735[%select_n3A_725, %dma_start3A_736] : memref<8x128xi32, #tpu.memory_space<vmem>> -> memref<1x128xi32, #tpu.memory_space<vmem>>
        %dma_start3A_738 = tpu.memref_squeeze %dma_start3A_737 : memref<1x128xi32, #tpu.memory_space<vmem>> -> memref<128xi32, #tpu.memory_space<vmem>>
        %dma_start3A_739 = arith.constant 0 : i32
        %dma_start3A_740 = arith.constant 0 : i32
        %dma_start3A_741 = tpu.memref_slice %arg3[%dma_start3A_739, %dma_start3A_740] : memref<100000x64xf32, #tpu.memory_space<hbm>> -> memref<100000x64xf32, #tpu.memory_space<hbm>>
        %dma_start3A_742 = tpu.memref_slice %arg11[%dma_start3A_727] : memref<4x!tpu.dma_semaphore, #tpu.memory_space<semaphore_mem>> -> memref<1x!tpu.dma_semaphore, #tpu.memory_space<semaphore_mem>>
        %dma_start3A_743 = tpu.memref_squeeze %dma_start3A_742 : memref<1x!tpu.dma_semaphore, #tpu.memory_space<semaphore_mem>> -> memref<!tpu.dma_semaphore, #tpu.memory_space<semaphore_mem>>
        tpu.enqueue_indirect_dma source(%dma_start3A_741 : memref<100000x64xf32, #tpu.memory_space<hbm>>) target(%dma_start3A_731 : memref<128x64xf32, #tpu.memory_space<vmem>>) offsets(%dma_start3A_738 : memref<128xi32, #tpu.memory_space<vmem>>) semaphore(%dma_start3A_743 : memref<!tpu.dma_semaphore, #tpu.memory_space<semaphore_mem>>)
      } else {
      }
    }
    %scan3A_86 = arith.constant 50 : i32
    %dma_wait3A = arith.constant 0 : i32
    %dma_wait3A_87 = arith.constant 196 : i32
    %dma_wait3A_88 = arith.constant 0 : i32
    %dma_wait3A_89 = arith.constant 0 : i32
    %dma_wait3A_90 = arith.constant 0 : i32
    %dma_wait3A_91 = tpu.memref_slice %arg10[%dma_wait3A, %dma_wait3A_89, %dma_wait3A_90] : memref<4x8x1024xf32, #tpu.memory_space<vmem>> -> memref<1x8x1024xf32, #tpu.memory_space<vmem>>
    %dma_wait3A_92 = tpu.memref_squeeze %dma_wait3A_91 : memref<1x8x1024xf32, #tpu.memory_space<vmem>> -> memref<8x1024xf32, #tpu.memory_space<vmem>>
    %dma_wait3A_93 = arith.constant 0 : i32
    %dma_wait3A_94 = arith.constant 0 : i32
    %dma_wait3A_95 = arith.constant 0 : i32
    %dma_wait3A_96 = tpu.memref_slice %arg5[%dma_wait3A_87, %dma_wait3A_93, %dma_wait3A_94, %dma_wait3A_95] : memref<200x8x32x1024xf32, #tpu.memory_space<hbm>> -> memref<1x8x32x1024xf32, #tpu.memory_space<hbm>>
    %dma_wait3A_97 = tpu.memref_squeeze %dma_wait3A_96 : memref<1x8x32x1024xf32, #tpu.memory_space<hbm>> -> memref<8x32x1024xf32, #tpu.memory_space<hbm>>
    %dma_wait3A_98 = arith.constant 0 : i32
    %dma_wait3A_99 = arith.constant 0 : i32
    %dma_wait3A_100 = tpu.memref_slice %dma_wait3A_97[%dma_wait3A_98, %add3A, %dma_wait3A_99] : memref<8x32x1024xf32, #tpu.memory_space<hbm>> -> memref<8x1x1024xf32, #tpu.memory_space<hbm>>
    %dma_wait3A_101 = tpu.memref_squeeze %dma_wait3A_100 : memref<8x1x1024xf32, #tpu.memory_space<hbm>> -> memref<8x1024xf32, #tpu.memory_space<hbm>>
    %dma_wait3A_102 = tpu.memref_slice %arg12[%dma_wait3A_88] : memref<4x!tpu.dma_semaphore, #tpu.memory_space<semaphore_mem>> -> memref<1x!tpu.dma_semaphore, #tpu.memory_space<semaphore_mem>>
    %dma_wait3A_103 = tpu.memref_squeeze %dma_wait3A_102 : memref<1x!tpu.dma_semaphore, #tpu.memory_space<semaphore_mem>> -> memref<!tpu.dma_semaphore, #tpu.memory_space<semaphore_mem>>
    %dma_wait3A_104 = arith.constant 0 : i32
    %dma_wait3A_105 = arith.constant 0 : i32
    %dma_wait3A_106 = arith.constant 0 : i32
    %dma_wait3A_107 = tpu.memref_slice %arg5[%dma_wait3A_87, %dma_wait3A_104, %dma_wait3A_105, %dma_wait3A_106] : memref<200x8x32x1024xf32, #tpu.memory_space<hbm>> -> memref<1x8x32x1024xf32, #tpu.memory_space<hbm>>
    %dma_wait3A_108 = tpu.memref_squeeze %dma_wait3A_107 : memref<1x8x32x1024xf32, #tpu.memory_space<hbm>> -> memref<8x32x1024xf32, #tpu.memory_space<hbm>>
    %dma_wait3A_109 = arith.constant 0 : i32
    %dma_wait3A_110 = arith.constant 0 : i32
    %dma_wait3A_111 = tpu.memref_slice %dma_wait3A_108[%dma_wait3A_109, %add3A, %dma_wait3A_110] : memref<8x32x1024xf32, #tpu.memory_space<hbm>> -> memref<8x1x1024xf32, #tpu.memory_space<hbm>>
    %dma_wait3A_112 = tpu.memref_squeeze %dma_wait3A_111 : memref<8x1x1024xf32, #tpu.memory_space<hbm>> -> memref<8x1024xf32, #tpu.memory_space<hbm>>
    %dma_wait3A_113 = arith.constant 0 : i32
    %dma_wait3A_114 = arith.constant 0 : i32
    %dma_wait3A_115 = tpu.memref_slice %arg10[%dma_wait3A, %dma_wait3A_113, %dma_wait3A_114] : memref<4x8x1024xf32, #tpu.memory_space<vmem>> -> memref<1x8x1024xf32, #tpu.memory_space<vmem>>
    %dma_wait3A_116 = tpu.memref_squeeze %dma_wait3A_115 : memref<1x8x1024xf32, #tpu.memory_space<vmem>> -> memref<8x1024xf32, #tpu.memory_space<vmem>>
    tpu.wait_dma2 semaphore(%dma_wait3A_103 : memref<!tpu.dma_semaphore, #tpu.memory_space<semaphore_mem>>) src(%dma_wait3A_116 : memref<8x1024xf32, #tpu.memory_space<vmem>>) dst(%dma_wait3A_112 : memref<8x1024xf32, #tpu.memory_space<hbm>>)
    %dma_wait3A_117 = arith.constant 1 : i32
    %dma_wait3A_118 = arith.constant 197 : i32
    %dma_wait3A_119 = arith.constant 1 : i32
    %dma_wait3A_120 = arith.constant 0 : i32
    %dma_wait3A_121 = arith.constant 0 : i32
    %dma_wait3A_122 = tpu.memref_slice %arg10[%dma_wait3A_117, %dma_wait3A_120, %dma_wait3A_121] : memref<4x8x1024xf32, #tpu.memory_space<vmem>> -> memref<1x8x1024xf32, #tpu.memory_space<vmem>>
    %dma_wait3A_123 = tpu.memref_squeeze %dma_wait3A_122 : memref<1x8x1024xf32, #tpu.memory_space<vmem>> -> memref<8x1024xf32, #tpu.memory_space<vmem>>
    %dma_wait3A_124 = arith.constant 0 : i32
    %dma_wait3A_125 = arith.constant 0 : i32
    %dma_wait3A_126 = arith.constant 0 : i32
    %dma_wait3A_127 = tpu.memref_slice %arg5[%dma_wait3A_118, %dma_wait3A_124, %dma_wait3A_125, %dma_wait3A_126] : memref<200x8x32x1024xf32, #tpu.memory_space<hbm>> -> memref<1x8x32x1024xf32, #tpu.memory_space<hbm>>
    %dma_wait3A_128 = tpu.memref_squeeze %dma_wait3A_127 : memref<1x8x32x1024xf32, #tpu.memory_space<hbm>> -> memref<8x32x1024xf32, #tpu.memory_space<hbm>>
    %dma_wait3A_129 = arith.constant 0 : i32
    %dma_wait3A_130 = arith.constant 0 : i32
    %dma_wait3A_131 = tpu.memref_slice %dma_wait3A_128[%dma_wait3A_129, %add3A, %dma_wait3A_130] : memref<8x32x1024xf32, #tpu.memory_space<hbm>> -> memref<8x1x1024xf32, #tpu.memory_space<hbm>>
    %dma_wait3A_132 = tpu.memref_squeeze %dma_wait3A_131 : memref<8x1x1024xf32, #tpu.memory_space<hbm>> -> memref<8x1024xf32, #tpu.memory_space<hbm>>
    %dma_wait3A_133 = tpu.memref_slice %arg12[%dma_wait3A_119] : memref<4x!tpu.dma_semaphore, #tpu.memory_space<semaphore_mem>> -> memref<1x!tpu.dma_semaphore, #tpu.memory_space<semaphore_mem>>
    %dma_wait3A_134 = tpu.memref_squeeze %dma_wait3A_133 : memref<1x!tpu.dma_semaphore, #tpu.memory_space<semaphore_mem>> -> memref<!tpu.dma_semaphore, #tpu.memory_space<semaphore_mem>>
    %dma_wait3A_135 = arith.constant 0 : i32
    %dma_wait3A_136 = arith.constant 0 : i32
    %dma_wait3A_137 = arith.constant 0 : i32
    %dma_wait3A_138 = tpu.memref_slice %arg5[%dma_wait3A_118, %dma_wait3A_135, %dma_wait3A_136, %dma_wait3A_137] : memref<200x8x32x1024xf32, #tpu.memory_space<hbm>> -> memref<1x8x32x1024xf32, #tpu.memory_space<hbm>>
    %dma_wait3A_139 = tpu.memref_squeeze %dma_wait3A_138 : memref<1x8x32x1024xf32, #tpu.memory_space<hbm>> -> memref<8x32x1024xf32, #tpu.memory_space<hbm>>
    %dma_wait3A_140 = arith.constant 0 : i32
    %dma_wait3A_141 = arith.constant 0 : i32
    %dma_wait3A_142 = tpu.memref_slice %dma_wait3A_139[%dma_wait3A_140, %add3A, %dma_wait3A_141] : memref<8x32x1024xf32, #tpu.memory_space<hbm>> -> memref<8x1x1024xf32, #tpu.memory_space<hbm>>
    %dma_wait3A_143 = tpu.memref_squeeze %dma_wait3A_142 : memref<8x1x1024xf32, #tpu.memory_space<hbm>> -> memref<8x1024xf32, #tpu.memory_space<hbm>>
    %dma_wait3A_144 = arith.constant 0 : i32
    %dma_wait3A_145 = arith.constant 0 : i32
    %dma_wait3A_146 = tpu.memref_slice %arg10[%dma_wait3A_117, %dma_wait3A_144, %dma_wait3A_145] : memref<4x8x1024xf32, #tpu.memory_space<vmem>> -> memref<1x8x1024xf32, #tpu.memory_space<vmem>>
    %dma_wait3A_147 = tpu.memref_squeeze %dma_wait3A_146 : memref<1x8x1024xf32, #tpu.memory_space<vmem>> -> memref<8x1024xf32, #tpu.memory_space<vmem>>
    tpu.wait_dma2 semaphore(%dma_wait3A_134 : memref<!tpu.dma_semaphore, #tpu.memory_space<semaphore_mem>>) src(%dma_wait3A_147 : memref<8x1024xf32, #tpu.memory_space<vmem>>) dst(%dma_wait3A_143 : memref<8x1024xf32, #tpu.memory_space<hbm>>)
    %dma_wait3A_148 = arith.constant 2 : i32
    %dma_wait3A_149 = arith.constant 198 : i32
    %dma_wait3A_150 = arith.constant 2 : i32
    %dma_wait3A_151 = arith.constant 0 : i32
    %dma_wait3A_152 = arith.constant 0 : i32
    %dma_wait3A_153 = tpu.memref_slice %arg10[%dma_wait3A_148, %dma_wait3A_151, %dma_wait3A_152] : memref<4x8x1024xf32, #tpu.memory_space<vmem>> -> memref<1x8x1024xf32, #tpu.memory_space<vmem>>
    %dma_wait3A_154 = tpu.memref_squeeze %dma_wait3A_153 : memref<1x8x1024xf32, #tpu.memory_space<vmem>> -> memref<8x1024xf32, #tpu.memory_space<vmem>>
    %dma_wait3A_155 = arith.constant 0 : i32
    %dma_wait3A_156 = arith.constant 0 : i32
    %dma_wait3A_157 = arith.constant 0 : i32
    %dma_wait3A_158 = tpu.memref_slice %arg5[%dma_wait3A_149, %dma_wait3A_155, %dma_wait3A_156, %dma_wait3A_157] : memref<200x8x32x1024xf32, #tpu.memory_space<hbm>> -> memref<1x8x32x1024xf32, #tpu.memory_space<hbm>>
    %dma_wait3A_159 = tpu.memref_squeeze %dma_wait3A_158 : memref<1x8x32x1024xf32, #tpu.memory_space<hbm>> -> memref<8x32x1024xf32, #tpu.memory_space<hbm>>
    %dma_wait3A_160 = arith.constant 0 : i32
    %dma_wait3A_161 = arith.constant 0 : i32
    %dma_wait3A_162 = tpu.memref_slice %dma_wait3A_159[%dma_wait3A_160, %add3A, %dma_wait3A_161] : memref<8x32x1024xf32, #tpu.memory_space<hbm>> -> memref<8x1x1024xf32, #tpu.memory_space<hbm>>
    %dma_wait3A_163 = tpu.memref_squeeze %dma_wait3A_162 : memref<8x1x1024xf32, #tpu.memory_space<hbm>> -> memref<8x1024xf32, #tpu.memory_space<hbm>>
    %dma_wait3A_164 = tpu.memref_slice %arg12[%dma_wait3A_150] : memref<4x!tpu.dma_semaphore, #tpu.memory_space<semaphore_mem>> -> memref<1x!tpu.dma_semaphore, #tpu.memory_space<semaphore_mem>>
    %dma_wait3A_165 = tpu.memref_squeeze %dma_wait3A_164 : memref<1x!tpu.dma_semaphore, #tpu.memory_space<semaphore_mem>> -> memref<!tpu.dma_semaphore, #tpu.memory_space<semaphore_mem>>
    %dma_wait3A_166 = arith.constant 0 : i32
    %dma_wait3A_167 = arith.constant 0 : i32
    %dma_wait3A_168 = arith.constant 0 : i32
    %dma_wait3A_169 = tpu.memref_slice %arg5[%dma_wait3A_149, %dma_wait3A_166, %dma_wait3A_167, %dma_wait3A_168] : memref<200x8x32x1024xf32, #tpu.memory_space<hbm>> -> memref<1x8x32x1024xf32, #tpu.memory_space<hbm>>
    %dma_wait3A_170 = tpu.memref_squeeze %dma_wait3A_169 : memref<1x8x32x1024xf32, #tpu.memory_space<hbm>> -> memref<8x32x1024xf32, #tpu.memory_space<hbm>>
    %dma_wait3A_171 = arith.constant 0 : i32
    %dma_wait3A_172 = arith.constant 0 : i32
    %dma_wait3A_173 = tpu.memref_slice %dma_wait3A_170[%dma_wait3A_171, %add3A, %dma_wait3A_172] : memref<8x32x1024xf32, #tpu.memory_space<hbm>> -> memref<8x1x1024xf32, #tpu.memory_space<hbm>>
    %dma_wait3A_174 = tpu.memref_squeeze %dma_wait3A_173 : memref<8x1x1024xf32, #tpu.memory_space<hbm>> -> memref<8x1024xf32, #tpu.memory_space<hbm>>
    %dma_wait3A_175 = arith.constant 0 : i32
    %dma_wait3A_176 = arith.constant 0 : i32
    %dma_wait3A_177 = tpu.memref_slice %arg10[%dma_wait3A_148, %dma_wait3A_175, %dma_wait3A_176] : memref<4x8x1024xf32, #tpu.memory_space<vmem>> -> memref<1x8x1024xf32, #tpu.memory_space<vmem>>
    %dma_wait3A_178 = tpu.memref_squeeze %dma_wait3A_177 : memref<1x8x1024xf32, #tpu.memory_space<vmem>> -> memref<8x1024xf32, #tpu.memory_space<vmem>>
    tpu.wait_dma2 semaphore(%dma_wait3A_165 : memref<!tpu.dma_semaphore, #tpu.memory_space<semaphore_mem>>) src(%dma_wait3A_178 : memref<8x1024xf32, #tpu.memory_space<vmem>>) dst(%dma_wait3A_174 : memref<8x1024xf32, #tpu.memory_space<hbm>>)
    %dma_wait3A_179 = arith.constant 3 : i32
    %dma_wait3A_180 = arith.constant 199 : i32
    %dma_wait3A_181 = arith.constant 3 : i32
    %dma_wait3A_182 = arith.constant 0 : i32
    %dma_wait3A_183 = arith.constant 0 : i32
    %dma_wait3A_184 = tpu.memref_slice %arg10[%dma_wait3A_179, %dma_wait3A_182, %dma_wait3A_183] : memref<4x8x1024xf32, #tpu.memory_space<vmem>> -> memref<1x8x1024xf32, #tpu.memory_space<vmem>>
    %dma_wait3A_185 = tpu.memref_squeeze %dma_wait3A_184 : memref<1x8x1024xf32, #tpu.memory_space<vmem>> -> memref<8x1024xf32, #tpu.memory_space<vmem>>
    %dma_wait3A_186 = arith.constant 0 : i32
    %dma_wait3A_187 = arith.constant 0 : i32
    %dma_wait3A_188 = arith.constant 0 : i32
    %dma_wait3A_189 = tpu.memref_slice %arg5[%dma_wait3A_180, %dma_wait3A_186, %dma_wait3A_187, %dma_wait3A_188] : memref<200x8x32x1024xf32, #tpu.memory_space<hbm>> -> memref<1x8x32x1024xf32, #tpu.memory_space<hbm>>
    %dma_wait3A_190 = tpu.memref_squeeze %dma_wait3A_189 : memref<1x8x32x1024xf32, #tpu.memory_space<hbm>> -> memref<8x32x1024xf32, #tpu.memory_space<hbm>>
    %dma_wait3A_191 = arith.constant 0 : i32
    %dma_wait3A_192 = arith.constant 0 : i32
    %dma_wait3A_193 = tpu.memref_slice %dma_wait3A_190[%dma_wait3A_191, %add3A, %dma_wait3A_192] : memref<8x32x1024xf32, #tpu.memory_space<hbm>> -> memref<8x1x1024xf32, #tpu.memory_space<hbm>>
    %dma_wait3A_194 = tpu.memref_squeeze %dma_wait3A_193 : memref<8x1x1024xf32, #tpu.memory_space<hbm>> -> memref<8x1024xf32, #tpu.memory_space<hbm>>
    %dma_wait3A_195 = tpu.memref_slice %arg12[%dma_wait3A_181] : memref<4x!tpu.dma_semaphore, #tpu.memory_space<semaphore_mem>> -> memref<1x!tpu.dma_semaphore, #tpu.memory_space<semaphore_mem>>
    %dma_wait3A_196 = tpu.memref_squeeze %dma_wait3A_195 : memref<1x!tpu.dma_semaphore, #tpu.memory_space<semaphore_mem>> -> memref<!tpu.dma_semaphore, #tpu.memory_space<semaphore_mem>>
    %dma_wait3A_197 = arith.constant 0 : i32
    %dma_wait3A_198 = arith.constant 0 : i32
    %dma_wait3A_199 = arith.constant 0 : i32
    %dma_wait3A_200 = tpu.memref_slice %arg5[%dma_wait3A_180, %dma_wait3A_197, %dma_wait3A_198, %dma_wait3A_199] : memref<200x8x32x1024xf32, #tpu.memory_space<hbm>> -> memref<1x8x32x1024xf32, #tpu.memory_space<hbm>>
    %dma_wait3A_201 = tpu.memref_squeeze %dma_wait3A_200 : memref<1x8x32x1024xf32, #tpu.memory_space<hbm>> -> memref<8x32x1024xf32, #tpu.memory_space<hbm>>
    %dma_wait3A_202 = arith.constant 0 : i32
    %dma_wait3A_203 = arith.constant 0 : i32
    %dma_wait3A_204 = tpu.memref_slice %dma_wait3A_201[%dma_wait3A_202, %add3A, %dma_wait3A_203] : memref<8x32x1024xf32, #tpu.memory_space<hbm>> -> memref<8x1x1024xf32, #tpu.memory_space<hbm>>
    %dma_wait3A_205 = tpu.memref_squeeze %dma_wait3A_204 : memref<8x1x1024xf32, #tpu.memory_space<hbm>> -> memref<8x1024xf32, #tpu.memory_space<hbm>>
    %dma_wait3A_206 = arith.constant 0 : i32
    %dma_wait3A_207 = arith.constant 0 : i32
    %dma_wait3A_208 = tpu.memref_slice %arg10[%dma_wait3A_179, %dma_wait3A_206, %dma_wait3A_207] : memref<4x8x1024xf32, #tpu.memory_space<vmem>> -> memref<1x8x1024xf32, #tpu.memory_space<vmem>>
    %dma_wait3A_209 = tpu.memref_squeeze %dma_wait3A_208 : memref<1x8x1024xf32, #tpu.memory_space<vmem>> -> memref<8x1024xf32, #tpu.memory_space<vmem>>
    tpu.wait_dma2 semaphore(%dma_wait3A_196 : memref<!tpu.dma_semaphore, #tpu.memory_space<semaphore_mem>>) src(%dma_wait3A_209 : memref<8x1024xf32, #tpu.memory_space<vmem>>) dst(%dma_wait3A_205 : memref<8x1024xf32, #tpu.memory_space<hbm>>)
    return
  }
}

</mosaic_0001>

<sc_bundles>
// kernel: kernel.3.cloned.1.call-start
scs
__scs_entry_jumppad:
0x0: {  	(pc) =	sbr.rel $0x88, $3  }
0x1: {  	(tag) =	ssettag $0x0;
	lr =	simm.s32 $0x1  }
0x2: {  	[smem:$0x3F9E] =	sst lr;
	_ =	strace $0xD0000000  }
0x3: {  	_ = 	snop  }
0x4: {  	_ = 	snop  }
0x5: {  	_ = 	snop  }
0x6: {  	_ = 	snop  }
0x7: {  	_ = 	snop  }
__scs_overlays_trampoline_lowered:
0x8: {  	[smem:$0x3FAD] =	sst s0  }
0x9: {  	[smem:$0x3FAE] =	sst s1  }
0xa: {  	[smem:$0x3FAF] =	sst s2  }
0xb: {  	[smem:$0x3FB0] =	sst s3  }
0xc: {  	[smem:$0x3FB1] =	sst s4  }
0xd: {  	[smem:$0x3FB2] =	sst s5  }
0xe: {  	[smem:$0x3FB3] =	sst s6  }
0xf: {  	[smem:$0x3FB4] =	sst s7  }
0x10: {  	[smem:$0x3FB5] =	sst s8  }
0x11: {  	[smem:$0x3FB6] =	sst s9;
	s0 =	simm.s32 @!p0 $0x0  }
0x12: {  	s1 =	sld [smem:$0x3F9C];
	s0 =	simm.s32 @p0 $0x1  }
0x13: {  	[smem:$0x3FB7] =	sst s0;
	s0 =	simm.s32 @!p1 $0x0  }
0x14: {  	s2 =	sld [smem:$0x3F9B];
	s0 =	simm.s32 @p1 $0x1  }
0x15: {  	[smem:$0x3FB8] =	sst s0;
	s0 =	simm.s32 @!p2 $0x0  }
0x16: {  	s3 =	sld [smem:$0x3FDB];
	s0 =	simm.s32 @p2 $0x1  }
0x17: {  	s4 =	simm.s32 $0x1BF5;
	[smem:$0x3FBA] =	sst s0  }
0x18: {  	s0 =	sld [smem:$0x3F9D];
	_ =	swait.ge [sflag:s4], $0x0  }
0x19: {  	s7 =	sld [smem:$0x3F9E]  }
0x1a: {  	s8 =	sadd.s32 $0xFFFFE003, lr  }
0x1b: {  	s9 =	sadd.s32 $0xFFFFFEF7, lr;
	s5 =	simm.s32 $0xFFFFFFFF;
	p2 =	slt.u32 s8, $0xFFFFF086  }
0x1c: {  	p1 =	slt.u32 s9, $0xF7A;
	s5 =	simm.s32 @!p2 $0x0  }
0x1d: {  	s5 =	simm.s32 @p1 $0x1;
	p0 =	seq.s32 s7, s2  }
0x1e: {  	s7 =	smul.u32 @!p0 $0xF7A, s2;
	p2 =	seq.s32 @!p0 s5, $0x0  }
0x1f: {  	s9 =	smul.u32 $0xF7A, s1;
	s8 =	simm.s32 @!p0 $0x1BF5;
	p2 =	por !p2, p0  }
0x20: {  	[sflag:s8] =	ssyncset.s32 @!p0 $0xFFFFF086;
	s6 =	sadd.s32 @!p0 s3, s7;
	s7 =	simm.s32 @!p0 $0x108  }
0x21: {  	s3 =	sadd.s32 s3, s9;
	s6 =	sadd.s32 @!p0 $0x88, s6;
	s7 =	simm.s32 @p2 $0x1082  }
0x22: {  	[simem:s7], [sflag:s8] =	dma.local @!p0 [hbm:s6], $0xF7A  }
0x23: {  	s9 =	sor.u32 $0xD0000000, s2;
	s6 =	simm.s32 $0x108;
	_ =	swait.ge @!p0 [sflag:s8], $0x0  }
0x24: {  	s3 =	sadd.s32 $0x88, s3;
	s6 =	simm.s32 @!p1 $0x1082;
	[sflag:s4] =	ssyncset.s32 $0xFFFFF086  }
0x25: {  	[simem:s6], [sflag:s4] =	dma.local [hbm:s3], $0xF7A  }
0x26: {  	[smem:$0x3F9E] =	sst s1;
	(tag) =	ssettag s2;
	_ =	strace s9  }
0x27: {  	s1 =	sld [smem:$0x3FAE]  }
0x28: {  	s2 =	sld [smem:$0x3FAF]  }
0x29: {  	s4 =	sld [smem:$0x3FB1]  }
0x2a: {  	p0 =	seq.s32 s5, $0x0;
	s5 =	sld [smem:$0x3FB2]  }
0x2b: {  	s6 =	sld [smem:$0x3FB3]  }
0x2c: {  	s7 =	sld [smem:$0x3FB4]  }
0x2d: {  	s3 =	simm.s32 $0x108;
	s8 =	sld [smem:$0x3FB5]  }
0x2e: {  	s3 =	simm.s32 @!p0 $0x1082;
	s9 =	sld [smem:$0x3FB6]  }
0x2f: {  	lr =	sadd.s32 s0, s3;
	s0 =	sld [smem:$0x3FAD]  }
0x30: {  	s3 =	sld [smem:$0x3FB0]  }
0x31: {  	[smem:$0x3FB9] =	sst s10  }
0x32: {  	s10 =	sld [smem:$0x3FB7];
	_ =	sdelay $0x3  }
0x33: {  	p0 =	seq.s32 s10, $0x1;
	s10 =	sld [smem:$0x3FB9];
	_ =	sdelay $0x3  }
0x34: {  	[smem:$0x3FB9] =	sst s10  }
0x35: {  	s10 =	sld [smem:$0x3FB8];
	_ =	sdelay $0x3  }
0x36: {  	p1 =	seq.s32 s10, $0x1;
	s10 =	sld [smem:$0x3FB9];
	_ =	sdelay $0x3  }
0x37: {  	[smem:$0x3FB9] =	sst s10  }
0x38: {  	s10 =	sld [smem:$0x3FBA]  }
0x39: {  	_ = 	snop;
	(pc) =	sbr.ind lr, $3  }
0x3a: {  	_ = 	snop  }
0x3b: {  	_ = 	snop  }
0x3c: {  	p2 =	seq.s32 s10, $0x1;
	s10 =	sld [smem:$0x3FB9]  }
0x3d: {  	_ =	shalt  }
0x3e: {  	_ =	shalt  }
0x3f: {  	_ =	shalt  }
0x40: {  	_ =	shalt  }
0x41: {  	_ =	shalt  }
0x42: {  	_ =	shalt  }
0x43: {  	_ =	shalt  }
0x44: {  	_ =	shalt  }
0x45: {  	_ =	shalt  }
0x46: {  	_ =	shalt  }
0x47: {  	_ =	shalt  }
0x48: {  	_ =	shalt  }
0x49: {  	_ =	shalt  }
0x4a: {  	_ =	shalt  }
0x4b: {  	_ =	shalt  }
0x4c: {  	_ =	shalt  }
0x4d: {  	_ =	shalt  }
0x4e: {  	_ =	shalt  }
0x4f: {  	_ =	shalt  }
0x50: {  	_ =	shalt  }
0x51: {  	_ =	shalt  }
0x52: {  	_ =	shalt  }
0x53: {  	_ =	shalt  }
0x54: {  	_ =	shalt  }
0x55: {  	_ =	shalt  }
0x56: {  	_ =	shalt  }
0x57: {  	_ =	shalt  }
0x58: {  	_ =	shalt  }
0x59: {  	_ =	shalt  }
0x5a: {  	_ =	shalt  }
0x5b: {  	_ =	shalt  }
0x5c: {  	_ =	shalt  }
0x5d: {  	_ =	shalt  }
0x5e: {  	_ =	shalt  }
0x5f: {  	_ =	shalt  }
0x60: {  	_ =	shalt  }
0x61: {  	_ =	shalt  }
0x62: {  	_ =	shalt  }
0x63: {  	_ =	shalt  }
0x64: {  	_ =	shalt  }
0x65: {  	_ =	shalt  }
0x66: {  	_ =	shalt  }
0x67: {  	_ =	shalt  }
0x68: {  	_ =	shalt  }
0x69: {  	_ =	shalt  }
0x6a: {  	_ =	shalt  }
0x6b: {  	_ =	shalt  }
0x6c: {  	_ =	shalt  }
0x6d: {  	_ =	shalt  }
0x6e: {  	_ =	shalt  }
0x6f: {  	_ =	shalt  }
0x70: {  	_ =	shalt  }
0x71: {  	_ =	shalt  }
0x72: {  	_ =	shalt  }
0x73: {  	_ =	shalt  }
0x74: {  	_ =	shalt  }
0x75: {  	_ =	shalt  }
0x76: {  	_ =	shalt  }
0x77: {  	_ =	shalt  }
0x78: {  	_ =	shalt  }
0x79: {  	_ =	shalt  }
0x7a: {  	_ =	shalt  }
0x7b: {  	_ =	shalt  }
0x7c: {  	_ =	shalt  }
0x7d: {  	_ =	shalt  }
0x7e: {  	_ =	shalt  }
0x7f: {  	_ =	shalt  }
0x80: {  	_ =	shalt  }
0x81: {  	_ =	shalt  }
0x82: {  	_ =	shalt  }
0x83: {  	_ =	shalt  }
0x84: {  	_ =	shalt  }
0x85: {  	_ =	shalt  }
0x86: {  	_ =	shalt  }
0x87: {  	_ =	shalt  }
.Lfunc_end0:
.L_simem_size_0:
called_computation_lowered:
.L_overlay_start_0:
0x88: {  	s2 =	sld [smem:$0x3FD9]  }
0x89: {  	s3 =	sld [smem:$0x3FFE];
	_ =	sdelay $0x1  }
0x8a: {  	s1 =	srdreg.scid  }
0x8b: {  	s0 =	sand.u32 $0x1, s1  }
0x8c: {  	s17 =	sshll.u32 s0, $0xA;
	s2 =	sadd.s32 s3, s2  }
0x8d: {  	s2 =	sadd.s32 s2, s17  }
0x8e: {  	[smem:$0x3FC5] =	sst s2  }
0x8f: {  	_ = 	snop  }
0x90: {  	s2 =	sld [smem:$0x3FC9]  }
0x91: {  	s18 =	sld [smem:$0x3FD0];
	(tm) =	ssettm $0x1  }
0x92: {  	s4 =	sld [smem:$0x3FFB];
	_ =	sdelay $0x3  }
0x93: {  	_ =	strace s4  }
0x94: {  	s4 =	sld [smem:$0x3FFC];
	_ =	sdelay $0x3  }
0x95: {  	_ =	strace s4  }
0x96: {  	s4 =	sld [smem:$0x3FFD];
	_ =	sdelay $0x3  }
0x97: {  	_ =	strace s4  }
0x98: {  	_ =	strace $0x8FFFFFFF  }
0x99: {  	s19 =	sld [smem:$0x3FDB];
	_ =	sdelay $0x1  }
0x9a: {  	s5 =	simm.s32 $_scs_section_size  }
0x9b: {  	s6 =	simm.s32 $_size__tile_overlayer_lowered;
	s7 =	simm.s32 $_tile_overlayer_lowered  }
0x9c: {  	s22 =	simm.s32 $0x1BFF;
	s21 =	sshll.u32 s7, $0x1;
	s4 =	sadd.s32 s5, s19  }
0x9d: {  	s8 =	simm.s32 $0x0;
	s20 =	sshll.u32 s6, $0x1;
	s6 =	sadd.s32 s21, s4  }
0x9e: {  	[timem:s8], [sflag:s22] =	dma.local [hbm:s6], s20  }
0x9f: {  	_ =	swait.ge [sflag:s22], s20  }
0xa0: {  	s5 =	ssub.s32 $0x0, s20;
	[sflag:s22] =	ssyncset.done $0x0  }
0xa1: {  	[sflag:s22] =	ssyncadd.s32 s5;
	_ =	sdelay $0x1  }
0xa2: {  	s23 =	simm.s32 $0x1B8B  }
0xa3: {  	_ =	swait.ge [sflag:s23], $0x1  }
0xa4: {  	[sflag:s23] =	ssyncset.done $0x0  }
0xa5: {  	s25 =	simm.s32 $0x1B8E;
	s24 =	sld [smem:$0x3FFE];
	[sflag:s23] =	ssyncadd.s32 $0xFFFFFFFF  }
0xa6: {  	s26 =	simm.s32 $execute0_lowered;
	[smem:$0x3FD2] =	sst s25  }
0xa7: {  	s6 =	sshll.u32 s26, $0x1;
	_ =	strace $0x80000046;
	[dreg:$0x1] =	wrdreg $0xFFFFFFFF  }
0xa8: {  	s28 =	simm.s32 $_size_execute0_lowered;
	s4 =	sadd.s32 s4, s6;
	[dreg:$0x0] =	wrdreg $0x0  }
0xa9: {  	s6 =	sshll.u32 s28, $0x1;
	[dreg:$0x2] =	wrdreg s4  }
0xaa: {  	[dreg:$0x3] =	wrdreg s6  }
0xab: {  	[dreg:$0x4] =	wrdreg $0xC0  }
0xac: {  	_ =	task [dreg:s8], $0x5FFFF  }
0xad: {  	[dreg:$0x1] =	wrdreg $0xFFFFFFFF  }
0xae: {  	[dreg:$0x0] =	wrdreg $0x60  }
0xaf: {  	[dreg:$0x2] =	wrdreg s2  }
0xb0: {  	[dreg:$0x3] =	wrdreg s24  }
0xb1: {  	[dreg:$0x4] =	wrdreg s18  }
0xb2: {  	[dreg:$0x5] =	wrdreg $0x9  }
0xb3: {  	_ =	task.clear_ibuf [dreg:s8], $0x6FFFF;
	_ =	strace $0x90000046  }
0xb4: {  	s29 =	simm.s32 $0x9;
	_ =	strace $0x80000048  }
0xb5: {  	_ =	swait.ge [sflag:s29], $0x1  }
0xb6: {  	[sflag:s29] =	ssyncadd.s32 $0xFFFFFFFF  }
0xb7: {  	_ =	strace $0x90000048  }
0xb8: {  	_ =	sfence  }
0xb9: {  	s30 =	sld [smem:$0x0];
	_ =	sdelay $0x2  }
0xba: {  	s31 =	sshll.u32 s1, $0xD;
	s1 =	sshrl.u32 s1, $0x2  }
0xbb: {  	s3 =	sand.u32 $0x4000, s31;
	s1 =	sadd.s32 s1, s30  }
0xbc: {  	s0 =	sor.u32 s3, s0;
	s1 =	sshll.u32 s1, $0x11  }
0xbd: {  	s0 =	sor.u32 s1, s0  }
0xbe: {  	s0 =	sadd.s32 $0x8F2B, s0  }
0xbf: {  	[sflag:s0] =	ssyncadd.remote.s32 $0x1  }
0xc0: {  	_ =	sfence.sel $0xFFFF  }
0xc1: {  	[dreg:$0x0] =	wrdreg $0xFFFFFFFF;
	(pc) =	sbr.abs _section_cstart, $3  }
0xc2: {  	[dreg:$0x1] =	wrdreg $0xFFFFFFFF  }
0xc3: {  	_ =	task.clear_ibuf [dreg:s8], $0x2FFFF;
	_ =	strace $0x9FFFFFFF  }
0xc4: {  	(tm) =	ssettm $0x7FFFFFFF  }
0xc5: {  	_ =	shalt  }
tec
execute0_lowered:
.L_overlay_start_1:
0x0: {  	(tag) =	ssettag $0x1  }
0x1: {  	s0 =	rddreg [dreg:$0x0]  }
0x2: {  	s2 =	rddreg [dreg:$0x1]  }
0x3: {  	s1 =	rddreg [dreg:$0x2];
	s3 =	simm.s32 $0x0  }
0x4: {  	s29 =	srdreg.scid;
	s7 =	stileid.u32;
	s9 =	simm.s32 $0x400  }
0x5: {  	s10 =	simm.s32 $0x8000;
	s20 =	simm.s32 $0x1;
	s21 =	simm.s32 $0x11600  }
0x6: {  	s23 =	simm.s32 $0x2;
	[smem:$0x7FF] =	sst s3;
	s3 =	sand.u32 $0x1, s29  }
0x7: {  	s4 =	sadd.s32 $0xC00, s2;
	s7 =	sshll.u32 s7, $0x8;
	s5 =	ssub.s32 $0x2, s3  }
.Ltmp0:
0x8: {  	s3 =	sshll.u32 s3, $0x7;
	s6 =	sshrl.u32 s5, $0x1;
	(pc) =	sbr.rel .LBB2_1-.Ltmp0, $4  }
0x9: {  	s2 =	sadd.s32 $0x400, s2;
	s30 =	ssub.s32 s5, s6;
	s6 =	sor.u32 s3, s7  }
0xa: {  	v0 =	vlaneseq.u32;
	_ =	strace $0x80000047;
	[dreg:$0x4] =	wrdreg s2;
	s0 =	sadd.s32 s0, s6  }
0xb: {  	s25 =	simm.s32 $0x3;
	v0 =	vmul.u32 $0x41, v0;
	s31 =	smax.u32 s30, $0x1;
	[dreg:$0x5] =	wrdreg s0  }
0xc: {  	s28 =	simm.s32 $0x4;
	s3 =	simm.s32 $0x0;
	[dreg:$0x6] =	wrdreg s31  }
.LBB2_20:
0xd: {  	s0 =	simm.s32 $0x5  }
0xe: {  	_ =	swait.ge [sflag:s0], $0x2000  }
0xf: {  	[sflag:s0] =	ssyncset.done $0x0  }
0x10: {  	s29 =	simm.s32 $0x6;
	[sflag:s0] =	ssyncadd.s32 $0xFFFFE000  }
0x11: {  	_ =	swait.ge [sflag:s29], $0x2000  }
0x12: {  	[sflag:s29] =	ssyncset.done $0x0  }
0x13: {  	s30 =	simm.s32 $0x7;
	[sflag:s29] =	ssyncadd.s32 $0xFFFFE000  }
0x14: {  	_ =	swait.ge [sflag:s30], $0x2000  }
0x15: {  	[sflag:s30] =	ssyncset.done $0x0  }
0x16: {  	s2 =	simm.s32 $0x8;
	[sflag:s30] =	ssyncadd.s32 $0xFFFFE000  }
0x17: {  	_ =	swait.ge [sflag:s2], $0x2000  }
0x18: {  	s3 =	rddreg [dreg:$0x7]  }
0x19: {  	s31 =	rddreg [dreg:$0x6];
	s3 =	sadd.s32 $0x1, s3  }
0x1a: {  	p0 =	sne.s32 s3, s31  }
.Ltmp1:
0x1b: {  	_ = 	snop;
	(pc) =	sbr.rel @!p0 .LBB2_21-.Ltmp1, $3  }
0x1c: {  	_ =	sdelay $0x1  }
0x1d: {  	[sflag:s2] =	ssyncset.done $0x0  }
0x1e: {  	[sflag:s2] =	ssyncadd.s32 $0xFFFFE000  }
.LBB2_1:
0x1f: {  	[dreg:$0x7] =	wrdreg s3  }
0x20: {  	s0 =	simm.s32 $0x0;
	s2 =	rddreg [dreg:$0x5];
	s17 =	simm.s32 $0x9  }
0x21: {  	[tilespmem:s0], [sflag:$0x9] =	stream.strided.gather [hbm4b:s2+s9], $0x6400, s10, s9, $0x38;
	[tilespmem:$0x1B680] =	vst v63  }
0x22: {  	_ =	swait.ge [sflag:s17], $0x6400  }
0x23: {  	[sflag:s17] =	ssyncset.done $0x0  }
0x24: {  	s5 =	simm.s32 $0x6400;
	s18 =	rddreg [dreg:$0x4];
	[sflag:s17] =	ssyncadd.s32 $0xFFFF9C00  }
0x25: {  	[tilespmem:s5], [sflag:$0x9] =	stream.linear.gather [hbm4b:s18+s0], $0x3200, $0x38;
	[tilespmem:$0x1B680] =	vst v63  }
0x26: {  	_ =	swait.ge [sflag:s17], $0x3200  }
0x27: {  	[sflag:s17] =	ssyncset.done $0x0  }
0x28: {  	s19 =	simm.s32 $0x80;
	s22 =	simm.s32 $0x9600;
	[sflag:s17] =	ssyncadd.s32 $0xFFFFCE00  }
0x29: {  	[tilespmem:s22], [sflag:$0x1] =	stream.indirect.gather [hbm4b:s4+s19], $0x40, s0, s19, $0xb8;
	[tilespmem:$0x1B680] =	vst v63  }
0x2a: {  	s24 =	simm.s32 $0xB600  }
0x2b: {  	[tilespmem:s24], [sflag:$0x2] =	stream.indirect.gather [hbm4b:s4+s19], $0x40, s19, s19, $0xb8;
	[tilespmem:$0x1B680] =	vst v63  }
0x2c: {  	s26 =	simm.s32 $0x100;
	s29 =	simm.s32 $0xD600  }
0x2d: {  	[tilespmem:s29], [sflag:$0x3] =	stream.indirect.gather [hbm4b:s4+s19], $0x40, s26, s19, $0xb8;
	[tilespmem:$0x1B680] =	vst v63  }
0x2e: {  	s30 =	simm.s32 $0x180;
	s31 =	simm.s32 $0xF600;
	s14 =	simm.s32 $0x0  }
0x2f: {  	[tilespmem:s31], [sflag:$0x4] =	stream.indirect.gather [hbm4b:s4+s19], $0x40, s30, s19, $0xb8;
	[tilespmem:$0x1B680] =	vst v63  }
.LBB2_2:
0x30: {  	_ =	swait.ge [sflag:s20], $0x2000  }
0x31: {  	p0 =	seq.s32 s14, $0x0;
	[sflag:s20] =	ssyncset.done $0x0  }
0x32: {  	s0 =	simm.s32 @!p0 $0x5;
	[sflag:s20] =	ssyncadd.s32 $0xFFFFE000  }
0x33: {  	_ =	swait.ge @!p0 [sflag:s0], $0x2000  }
0x34: {  	s2 =	sshll.u32 s14, $0x8;
	[sflag:s0] =	ssyncset.done @!p0 $0x0  }
0x35: {  	s31 =	sand.u32 $0x3FFFFF00, s2;
	[sflag:s0] =	ssyncadd.s32 @!p0 $0xFFFFE000  }
0x36: {  	v2 =	vld [tilespmem:s31+$0x6400]  }
0x37: {  	v3 =	vld [tilespmem:s31+$0x6410]  }
0x38: {  	v4 =	vld [tilespmem:s31+$0x6420]  }
0x39: {  	s3 =	simm.s32 $0x9700;
	v1 =	vld [tilespmem:s31+$0x6430]  }
0x3a: {  	v5 =	vld [tilespmem:s3+$0xC0]  }
0x3b: {  	v6 =	vld [tilespmem:s3+$0xFFFFFF40]  }
0x3c: {  	v7 =	vld [tilespmem:s3+$0xFFFFFF80]  }
0x3d: {  	v8 =	vld [tilespmem:s3+$0xFFFFFFC0]  }
0x3e: {  	v9 =	vld [tilespmem:s3+$0x0]  }
0x3f: {  	v10 =	vld [tilespmem:s3+$0x40];
	v5 =	vadd.f32 v5, v2  }
0x40: {  	s0 =	simm.s32 $0x11704;
	v11 =	vld [tilespmem:s3+$0x80];
	v6 =	vadd.f32 v6, v2  }
0x41: {  	v12 =	vld [tilespmem:s3+$0xFFFFFF00];
	v7 =	vadd.f32 v7, v2;
	[tilespmem:s0+$0xC3] =	vst v5  }
0x42: {  	[tilespmem:s0+$0xFFFFFF3D] =	vst v6;
	v5 =	vadd.f32 v8, v2;
	v6 =	vld [tilespmem:s3+$0xD0]  }
0x43: {  	[tilespmem:s0+$0xFFFFFF7E] =	vst v7;
	v7 =	vadd.f32 v9, v2;
	v8 =	vld [tilespmem:s3+$0xFFFFFF50]  }
0x44: {  	v9 =	vld [tilespmem:s3+$0xFFFFFF90];
	[tilespmem:s0+$0xFFFFFFBF] =	vst v5;
	v5 =	vadd.f32 v10, v2  }
0x45: {  	[tilespmem:s0+$0x0] =	vst v7;
	v7 =	vadd.f32 v11, v2;
	v10 =	vld [tilespmem:s3+$0xFFFFFFD0]  }
0x46: {  	v11 =	vadd.f32 v12, v2;
	v62 =	vld [tilespmem:s3+$0x10];
	[tilespmem:s0+$0x41] =	vst v5  }
0x47: {  	[tilespmem:s0+$0x82] =	vst v7;
	v5 =	vld [tilespmem:s3+$0x50];
	v6 =	vadd.f32 v6, v3  }
0x48: {  	[tilespmem:s0+$0xFFFFFEFC] =	vst v11;
	v7 =	vadd.f32 v8, v3;
	v8 =	vld [tilespmem:s3+$0x90]  }
0x49: {  	v11 =	vld [tilespmem:s3+$0xFFFFFF10];
	v9 =	vadd.f32 v9, v3;
	[tilespmem:s0+$0xD3] =	vst v6  }
0x4a: {  	[tilespmem:s0+$0xFFFFFF4D] =	vst v7;
	v6 =	vadd.f32 v10, v3;
	v7 =	vld [tilespmem:s3+$0xE0]  }
0x4b: {  	[tilespmem:s0+$0xFFFFFF8E] =	vst v9;
	v9 =	vadd.f32 v62, v3;
	v10 =	vld [tilespmem:s3+$0xFFFFFF60]  }
0x4c: {  	v63 =	vld [tilespmem:s3+$0xFFFFFFA0];
	[tilespmem:s0+$0xFFFFFFCF] =	vst v6;
	v5 =	vadd.f32 v5, v3  }
0x4d: {  	[tilespmem:s0+$0x10] =	vst v9;
	v6 =	vld [tilespmem:s3+$0xFFFFFFE0];
	v8 =	vadd.f32 v8, v3  }
0x4e: {  	v9 =	vadd.f32 v11, v3;
	v11 =	vld [tilespmem:s3+$0x20];
	[tilespmem:s0+$0x51] =	vst v5  }
0x4f: {  	v5 =	vld [tilespmem:s3+$0x60];
	[tilespmem:s0+$0x92] =	vst v8;
	v7 =	vadd.f32 v7, v4  }
0x50: {  	[tilespmem:s0+$0xFFFFFF0C] =	vst v9;
	v8 =	vadd.f32 v10, v4;
	v9 =	vld [tilespmem:s3+$0xA0]  }
0x51: {  	v10 =	vld [tilespmem:s3+$0xFFFFFF20];
	v12 =	vadd.f32 v63, v4;
	[tilespmem:s0+$0xE3] =	vst v7  }
0x52: {  	[tilespmem:s0+$0xFFFFFF5D] =	vst v8;
	v6 =	vadd.f32 v6, v4;
	v8 =	vld [tilespmem:s3+$0xF0]  }
0x53: {  	[tilespmem:s0+$0xFFFFFF9E] =	vst v12;
	v7 =	vadd.f32 v11, v4;
	v13 =	vld [tilespmem:s3+$0xFFFFFF70]  }
0x54: {  	v12 =	vld [tilespmem:s3+$0xFFFFFFB0];
	[tilespmem:s0+$0xFFFFFFDF] =	vst v6;
	v6 =	vadd.f32 v5, v4  }
0x55: {  	[tilespmem:s0+$0x20] =	vst v7;
	v5 =	vld [tilespmem:s3+$0xFFFFFFF0];
	v9 =	vadd.f32 v9, v4  }
0x56: {  	v10 =	vadd.f32 v10, v4;
	v7 =	vld [tilespmem:s3+$0x30];
	[tilespmem:s0+$0x61] =	vst v6  }
0x57: {  	v6 =	vld [tilespmem:s3+$0x70];
	[tilespmem:s0+$0xA2] =	vst v9;
	v14 =	vadd.f32 v8, v1  }
0x58: {  	[tilespmem:s0+$0xFFFFFF1C] =	vst v10;
	v8 =	vld [tilespmem:s3+$0xB0];
	v11 =	vadd.f32 v13, v1  }
0x59: {  	s15 =	sshll.u32 s14, $0x2;
	s2 =	simm.s32 $0x0;
	v9 =	vld [tilespmem:s3+$0xFFFFFF30];
	v10 =	vadd.f32 v12, v1;
	s3 =	simm.s32 $0x9900;
	[tilespmem:s0+$0xF3] =	vst v14  }
.LBB2_3:
0x5a: {  	v12 =	vld [tilespmem:s3+$0xC0];
	s2 =	sadd.s32 $0x8, s2;
	[tilespmem:s0+$0xFFFFFF6D] =	vst v11;
	v5 =	vadd.f32 v5, v1  }
0x5b: {  	v11 =	vld [tilespmem:s3+$0xFFFFFF40];
	p1 =	slt.u32 s2, $0x78;
	[tilespmem:s0+$0xFFFFFFAE] =	vst v10;
	v7 =	vadd.f32 v7, v1  }
0x5c: {  	v10 =	vld [tilespmem:s3+$0xFFFFFF80];
	[tilespmem:s0+$0xFFFFFFEF] =	vst v5;
	v5 =	vadd.f32 v6, v1  }
0x5d: {  	v6 =	vld [tilespmem:s3+$0xFFFFFFC0];
	[tilespmem:s0+$0x30] =	vst v7;
	v7 =	vadd.f32 v8, v1  }
0x5e: {  	v8 =	vld [tilespmem:s3+$0x0];
	v9 =	vadd.f32 v9, v1;
	[tilespmem:s0+$0x71] =	vst v5  }
0x5f: {  	v5 =	vld [tilespmem:s3+$0x40];
	v12 =	vadd.f32 v12, v2;
	[tilespmem:s0+$0xB2] =	vst v7  }
0x60: {  	v7 =	vadd.f32 v11, v2;
	v11 =	vld [tilespmem:s3+$0x80];
	[tilespmem:s0+$0xFFFFFF2C] =	vst v9;
	s0 =	sadd.s32 $0x208, s0  }
0x61: {  	v9 =	vld [tilespmem:s3+$0xFFFFFF00];
	v10 =	vadd.f32 v10, v2;
	[tilespmem:s0+$0xC3] =	vst v12  }
0x62: {  	[tilespmem:s0+$0xFFFFFF3D] =	vst v7;
	v6 =	vadd.f32 v6, v2;
	v7 =	vld [tilespmem:s3+$0xD0]  }
0x63: {  	v12 =	vld [tilespmem:s3+$0xFFFFFF50];
	[tilespmem:s0+$0xFFFFFF7E] =	vst v10;
	v8 =	vadd.f32 v8, v2  }
0x64: {  	v10 =	vld [tilespmem:s3+$0xFFFFFF90];
	[tilespmem:s0+$0xFFFFFFBF] =	vst v6;
	v5 =	vadd.f32 v5, v2  }
0x65: {  	v6 =	vld [tilespmem:s3+$0xFFFFFFD0];
	[tilespmem:s0+$0x0] =	vst v8;
	v8 =	vadd.f32 v11, v2  }
0x66: {  	v9 =	vadd.f32 v9, v2;
	v11 =	vld [tilespmem:s3+$0x10];
	[tilespmem:s0+$0x41] =	vst v5  }
0x67: {  	v5 =	vld [tilespmem:s3+$0x50];
	[tilespmem:s0+$0x82] =	vst v8;
	v7 =	vadd.f32 v7, v3  }
0x68: {  	[tilespmem:s0+$0xFFFFFEFC] =	vst v9;
	v8 =	vadd.f32 v12, v3;
	v9 =	vld [tilespmem:s3+$0x90]  }
0x69: {  	v12 =	vld [tilespmem:s3+$0xFFFFFF10];
	v10 =	vadd.f32 v10, v3;
	[tilespmem:s0+$0xD3] =	vst v7  }
0x6a: {  	[tilespmem:s0+$0xFFFFFF4D] =	vst v8;
	v6 =	vadd.f32 v6, v3;
	v7 =	vld [tilespmem:s3+$0xE0]  }
0x6b: {  	v8 =	vld [tilespmem:s3+$0xFFFFFF60];
	[tilespmem:s0+$0xFFFFFF8E] =	vst v10;
	v10 =	vadd.f32 v11, v3  }
0x6c: {  	v11 =	vld [tilespmem:s3+$0xFFFFFFA0];
	[tilespmem:s0+$0xFFFFFFCF] =	vst v6;
	v5 =	vadd.f32 v5, v3  }
0x6d: {  	v6 =	vld [tilespmem:s3+$0xFFFFFFE0];
	[tilespmem:s0+$0x10] =	vst v10;
	v9 =	vadd.f32 v9, v3  }
0x6e: {  	v10 =	vadd.f32 v12, v3;
	v12 =	vld [tilespmem:s3+$0x20];
	[tilespmem:s0+$0x51] =	vst v5  }
0x6f: {  	v5 =	vld [tilespmem:s3+$0x60];
	[tilespmem:s0+$0x92] =	vst v9;
	v7 =	vadd.f32 v7, v4  }
0x70: {  	[tilespmem:s0+$0xFFFFFF0C] =	vst v10;
	v8 =	vadd.f32 v8, v4;
	v9 =	vld [tilespmem:s3+$0xA0]  }
0x71: {  	v10 =	vld [tilespmem:s3+$0xFFFFFF20];
	v11 =	vadd.f32 v11, v4;
	[tilespmem:s0+$0xE3] =	vst v7  }
0x72: {  	[tilespmem:s0+$0xFFFFFF5D] =	vst v8;
	v6 =	vadd.f32 v6, v4;
	v8 =	vld [tilespmem:s3+$0xF0]  }
0x73: {  	v13 =	vld [tilespmem:s3+$0xFFFFFF70];
	[tilespmem:s0+$0xFFFFFF9E] =	vst v11;
	v7 =	vadd.f32 v12, v4  }
0x74: {  	v12 =	vld [tilespmem:s3+$0xFFFFFFB0];
	[tilespmem:s0+$0xFFFFFFDF] =	vst v6;
	v6 =	vadd.f32 v5, v4  }
.Ltmp2:
0x75: {  	v5 =	vld [tilespmem:s3+$0xFFFFFFF0];
	[tilespmem:s0+$0x20] =	vst v7;
	v9 =	vadd.f32 v9, v4;
	(pc) =	sbr.rel @p1 .LBB2_3-.Ltmp2, $4  }
0x76: {  	v10 =	vadd.f32 v10, v4;
	v7 =	vld [tilespmem:s3+$0x30];
	[tilespmem:s0+$0x61] =	vst v6  }
0x77: {  	v6 =	vld [tilespmem:s3+$0x70];
	[tilespmem:s0+$0xA2] =	vst v9;
	v14 =	vadd.f32 v8, v1  }
0x78: {  	[tilespmem:s0+$0xFFFFFF1C] =	vst v10;
	v11 =	vadd.f32 v13, v1;
	v8 =	vld [tilespmem:s3+$0xB0]  }
0x79: {  	s7 =	simm.s32 $0x0;
	s5 =	simm.s32 $0x180;
	v9 =	vld [tilespmem:s3+$0xFFFFFF30];
	v10 =	vadd.f32 v12, v1;
	[tilespmem:s0+$0xF3] =	vst v14;
	s3 =	sadd.s32 $0x200, s3  }
0x7a: {  	[tilespmem:s0+$0xFFFFFF6D] =	vst v11;
	v2 =	vadd.f32 v5, v1  }
0x7b: {  	s2 =	simm.s32 $0x3;
	[tilespmem:s0+$0xFFFFFFAE] =	vst v10;
	v3 =	vadd.f32 v7, v1  }
0x7c: {  	s3 =	simm.s32 $0x1;
	v4 =	vadd.s32 s2, v0;
	[tilespmem:s0+$0xFFFFFFEF] =	vst v2;
	v2 =	vadd.f32 v6, v1  }
0x7d: {  	s12 =	simm.s32 $0x2;
	v5 =	vadd.s32 s3, v0;
	[tilespmem:s0+$0x30] =	vst v3;
	v3 =	vadd.f32 v8, v1  }
0x7e: {  	v1 =	vadd.f32 v9, v1;
	[tilespmem:s0+$0x71] =	vst v2;
	v2 =	vadd.s32 s12, v0  }
0x7f: {  	[tilespmem:s0+$0xB2] =	vst v3  }
0x80: {  	[tilespmem:s0+$0xFFFFFF2C] =	vst v1;
	v1 =	vadd.s32 s7, v0  }
0x81: {  	s13 =	simm.s32 $0x413;
	v3 =	vld.idx.msk [tilespmem:v4+s21+$0x0], $0xffff  }
0x82: {  	s16 =	simm.s32 $0x411;
	s17 =	simm.s32 $0x0;
	v4 =	vld.idx.msk [tilespmem:v5+s21+$0x0], $0xffff;
	v5 =	vadd.s32 s13, v0  }
0x83: {  	s18 =	simm.s32 $0x410;
	s19 =	simm.s32 $0x412;
	s8 =	sand.u32 $0x1C00, s17;
	v6 =	vadd.s32 s16, v0;
	v2 =	vld.idx.msk [tilespmem:v2+s21+$0x0], $0xffff  }
0x84: {  	s22 =	simm.s32 $0x80;
	s5 =	sand.u32 $0x380, s5;
	v7 =	vadd.s32 s19, v0;
	s8 =	sadd.s32 $0x13680, s8  }
0x85: {  	s24 =	simm.s32 $0x100;
	s2 =	sand.u32 $0x280, s22;
	s11 =	sadd.s32 s5, s8;
	v1 =	vld.idx.msk [tilespmem:v1+s21+$0x0], $0xffff  }
0x86: {  	s26 =	sand.u32 $0x300, s24;
	v8 =	vadd.s32 s18, v0;
	s30 =	sadd.s32 s2, s8;
	[tilespmem:s11+$0x0] =	vst v3  }
0x87: {  	s29 =	simm.s32 $0x823;
	s0 =	sadd.s32 s26, s8;
	[tilespmem:s30+$0x0] =	vst v4;
	v3 =	vld.idx.msk [tilespmem:v5+s21+$0x0], $0xffff  }
0x88: {  	s31 =	simm.s32 $0x821;
	s3 =	sand.u32 $0x200, s17;
	v4 =	vld.idx.msk [tilespmem:v6+s21+$0x0], $0xffff;
	[tilespmem:s0+$0x0] =	vst v2;
	v2 =	vadd.s32 s29, v0  }
0x89: {  	s18 =	sadd.s32 s3, s8;
	s3 =	simm.s32 $0x822;
	v6 =	vadd.s32 s31, v0;
	v5 =	vld.idx.msk [tilespmem:v7+s21+$0x0], $0xffff  }
0x8a: {  	[tilespmem:s18+$0x0] =	vst v1;
	v1 =	vadd.s32 s3, v0  }
0x8b: {  	s5 =	simm.s32 $0x820;
	v7 =	vld.idx.msk [tilespmem:v8+s21+$0x0], $0xffff  }
0x8c: {  	v8 =	vadd.s32 s5, v0;
	[tilespmem:s11+$0x10] =	vst v3  }
0x8d: {  	s7 =	simm.s32 $0xC33;
	[tilespmem:s30+$0x10] =	vst v4;
	v2 =	vld.idx.msk [tilespmem:v2+s21+$0x0], $0xffff  }
0x8e: {  	s8 =	simm.s32 $0xC31;
	v4 =	vadd.s32 s7, v0;
	v3 =	vld.idx.msk [tilespmem:v6+s21+$0x0], $0xffff;
	[tilespmem:s0+$0x10] =	vst v5  }
0x8f: {  	s12 =	simm.s32 $0xC32;
	v5 =	vadd.s32 s8, v0;
	v1 =	vld.idx.msk [tilespmem:v1+s21+$0x0], $0xffff  }
0x90: {  	s16 =	simm.s32 $0x4;
	v6 =	vadd.s32 s12, v0;
	[tilespmem:s18+$0x10] =	vst v7  }
0x91: {  	s13 =	simm.s32 $0xC30;
	v7 =	vadd.s32 s16, v0;
	v8 =	vld.idx.msk [tilespmem:v8+s21+$0x0], $0xffff  }
0x92: {  	s17 =	simm.s32 $0x5;
	v9 =	vadd.s32 s13, v0;
	[tilespmem:s11+$0x20] =	vst v2  }
0x93: {  	s19 =	simm.s32 $0x1043;
	v2 =	vadd.s32 s17, v0;
	[tilespmem:s30+$0x20] =	vst v3;
	v3 =	vld.idx.msk [tilespmem:v4+s21+$0x0], $0xffff  }
0x94: {  	s22 =	simm.s32 $0x1041;
	v4 =	vld.idx.msk [tilespmem:v5+s21+$0x0], $0xffff;
	[tilespmem:s0+$0x20] =	vst v1;
	v1 =	vadd.s32 s19, v0  }
0x95: {  	s24 =	simm.s32 $0x1042;
	v5 =	vld.idx.msk [tilespmem:v6+s21+$0x0], $0xffff;
	v6 =	vadd.s32 s22, v0  }
0x96: {  	s26 =	simm.s32 $0x7;
	v7 =	vld.idx.msk [tilespmem:v7+s21+$0x0], $0xffff;
	[tilespmem:s18+$0x20] =	vst v8;
	v8 =	vadd.s32 s24, v0  }
0x97: {  	v10 =	vadd.s32 s26, v0;
	s29 =	simm.s32 $0x1040;
	v9 =	vld.idx.msk [tilespmem:v9+s21+$0x0], $0xffff  }
0x98: {  	s31 =	simm.s32 $0x6;
	v2 =	vld.idx.msk [tilespmem:v2+s21+$0x0], $0xffff;
	[tilespmem:s11+$0x30] =	vst v3;
	v3 =	vadd.s32 s29, v0  }
0x99: {  	s17 =	simm.s32 $0x8;
	[tilespmem:s30+$0x30] =	vst v4;
	v4 =	vadd.s32 s31, v0;
	v1 =	vld.idx.msk [tilespmem:v1+s21+$0x0], $0xffff  }
0x9a: {  	s3 =	simm.s32 $0x1453;
	v12 =	vadd.s32 s17, v0;
	v6 =	vld.idx.msk [tilespmem:v6+s21+$0x0], $0xffff;
	[tilespmem:s0+$0x30] =	vst v5  }
0x9b: {  	s7 =	simm.s32 $0x1452;
	v5 =	vadd.s32 s3, v0;
	v8 =	vld.idx.msk [tilespmem:v8+s21+$0x0], $0xffff  }
0x9c: {  	s13 =	simm.s32 $0x415;
	s5 =	simm.s32 $0x1451;
	s12 =	simm.s32 $0x200;
	[tilespmem:s18+$0x30] =	vst v9;
	v9 =	vld.idx.msk [tilespmem:v10+s21+$0x0], $0xffff;
	v10 =	vadd.s32 s7, v0  }
0x9d: {  	v11 =	vadd.s32 s5, v0;
	s5 =	simm.s32 $0x414;
	s8 =	simm.s32 $0x417;
	s19 =	sand.u32 $0x1C00, s12;
	v3 =	vld.idx.msk [tilespmem:v3+s21+$0x0], $0xffff  }
0x9e: {  	v13 =	vadd.s32 s8, v0;
	s22 =	simm.s32 $0x416;
	s24 =	simm.s32 $0x280;
	s3 =	simm.s32 $0x380;
	v4 =	vld.idx.msk [tilespmem:v4+s21+$0x0], $0xffff;
	[tilespmem:s11+$0x40] =	vst v1  }
0x9f: {  	v14 =	vadd.s32 s13, v0;
	s29 =	simm.s32 $0x1863;
	s26 =	sand.u32 $0x380, s3;
	s7 =	sadd.s32 $0x13680, s19;
	v1 =	vld.idx.msk [tilespmem:v12+s21+$0x0], $0xffff;
	[tilespmem:s30+$0x40] =	vst v6  }
0xa0: {  	s31 =	simm.s32 $0x300;
	s2 =	sadd.s32 s26, s7;
	v5 =	vld.idx.msk [tilespmem:v5+s21+$0x0], $0xffff;
	v6 =	vadd.s32 s22, v0;
	s22 =	sand.u32 $0x280, s24;
	[tilespmem:s0+$0x40] =	vst v8  }
0xa1: {  	s12 =	sand.u32 $0x200, s12;
	s31 =	sand.u32 $0x300, s31;
	s8 =	sadd.s32 s22, s7;
	v8 =	vld.idx.msk [tilespmem:v10+s21+$0x0], $0xffff;
	v10 =	vadd.s32 s29, v0;
	[tilespmem:s2+$0x0] =	vst v9  }
0xa2: {  	s13 =	simm.s32 $0x1450;
	v12 =	vadd.s32 s5, v0;
	s5 =	sadd.s32 s31, s7;
	v11 =	vld.idx.msk [tilespmem:v11+s21+$0x0], $0xffff;
	s7 =	sadd.s32 s12, s7;
	[tilespmem:s8+$0x0] =	vst v2  }
0xa3: {  	s22 =	simm.s32 $0x1861;
	v9 =	vadd.s32 s13, v0;
	[tilespmem:s7+$0x0] =	vst v7;
	v2 =	vld.idx.msk [tilespmem:v13+s21+$0x0], $0xffff  }
0xa4: {  	s24 =	simm.s32 $0x827;
	v13 =	vld.idx.msk [tilespmem:v14+s21+$0x0], $0xffff;
	[tilespmem:s5+$0x0] =	vst v4;
	v4 =	vadd.s32 s22, v0  }
0xa5: {  	s26 =	simm.s32 $0x825;
	v14 =	vadd.s32 s24, v0;
	v6 =	vld.idx.msk [tilespmem:v6+s21+$0x0], $0xffff;
	[tilespmem:s11+$0x50] =	vst v5  }
0xa6: {  	s29 =	simm.s32 $0x826;
	[tilespmem:s18+$0x40] =	vst v3;
	v5 =	vadd.s32 s26, v0;
	v7 =	vld.idx.msk [tilespmem:v10+s21+$0x0], $0xffff  }
0xa7: {  	s31 =	simm.s32 $0x1C73;
	[tilespmem:s30+$0x50] =	vst v11;
	v10 =	vld.idx.msk [tilespmem:v12+s21+$0x0], $0xffff;
	v12 =	vadd.s32 s29, v0  }
0xa8: {  	s13 =	simm.s32 $0x824;
	v3 =	vld.idx.msk [tilespmem:v9+s21+$0x0], $0xffff;
	v9 =	vadd.s32 s31, v0;
	[tilespmem:s0+$0x50] =	vst v8  }
0xa9: {  	s19 =	simm.s32 $0x1862;
	v11 =	vadd.s32 s13, v0;
	[tilespmem:s2+$0x10] =	vst v2;
	v4 =	vld.idx.msk [tilespmem:v4+s21+$0x0], $0xffff  }
0xaa: {  	s31 =	simm.s32 $0x9;
	[tilespmem:s8+$0x10] =	vst v13;
	v13 =	vadd.s32 s19, v0;
	v2 =	vld.idx.msk [tilespmem:v14+s21+$0x0], $0xffff  }
0xab: {  	s24 =	simm.s32 $0xC37;
	v8 =	vadd.s32 s31, v0;
	v5 =	vld.idx.msk [tilespmem:v5+s21+$0x0], $0xffff;
	[tilespmem:s5+$0x10] =	vst v6  }
0xac: {  	s26 =	simm.s32 $0xC35;
	v14 =	vadd.s32 s24, v0;
	v12 =	vld.idx.msk [tilespmem:v12+s21+$0x0], $0xffff;
	[tilespmem:s11+$0x60] =	vst v7  }
0xad: {  	s22 =	simm.s32 $0x1860;
	[tilespmem:s7+$0x10] =	vst v10;
	v10 =	vadd.s32 s26, v0;
	v9 =	vld.idx.msk [tilespmem:v9+s21+$0x0], $0xffff  }
0xae: {  	s29 =	simm.s32 $0xC36;
	v6 =	vadd.s32 s22, v0;
	v11 =	vld.idx.msk [tilespmem:v11+s21+$0x0], $0xffff  }
0xaf: {  	s13 =	simm.s32 $0xC34;
	v15 =	vadd.s32 s29, v0;
	[tilespmem:s18+$0x50] =	vst v3;
	v16 =	vld.idx.msk [tilespmem:v13+s21+$0x0], $0xffff  }
0xb0: {  	s19 =	simm.s32 $0x1C71;
	v13 =	vadd.s32 s13, v0;
	[tilespmem:s2+$0x20] =	vst v2;
	v2 =	vld.idx.msk [tilespmem:v8+s21+$0x0], $0xffff  }
0xb1: {  	s22 =	simm.s32 $0x1C72;
	[tilespmem:s8+$0x20] =	vst v5;
	v7 =	vld.idx.msk [tilespmem:v14+s21+$0x0], $0xffff;
	v14 =	vadd.s32 s19, v0  }
0xb2: {  	s24 =	simm.s32 $0x1047;
	v5 =	vld.idx.msk [tilespmem:v10+s21+$0x0], $0xffff;
	[tilespmem:s5+$0x20] =	vst v12;
	v10 =	vadd.s32 s22, v0  }
0xb3: {  	s26 =	simm.s32 $0x1045;
	v3 =	vld.idx.msk [tilespmem:v6+s21+$0x0], $0xffff;
	[tilespmem:s7+$0x20] =	vst v11;
	v11 =	vadd.s32 s24, v0  }
0xb4: {  	s29 =	simm.s32 $0x1046;
	[tilespmem:s30+$0x60] =	vst v4;
	v12 =	vadd.s32 s26, v0;
	v6 =	vld.idx.msk [tilespmem:v15+s21+$0x0], $0xffff  }
0xb5: {  	s31 =	simm.s32 $0x1C70;
	[tilespmem:s11+$0x70] =	vst v9;
	v8 =	vld.idx.msk [tilespmem:v13+s21+$0x0], $0xffff;
	v13 =	vadd.s32 s29, v0  }
0xb6: {  	s12 =	simm.s32 $0xB;
	v4 =	vadd.s32 s31, v0;
	s11 =	simm.s32 $0xC;
	[tilespmem:s0+$0x60] =	vst v16;
	v9 =	vld.idx.msk [tilespmem:v14+s21+$0x0], $0xffff  }
.LBB2_5:
0xb7: {  	p1 =	slt.u32 s11, $0x3C;
	v14 =	vadd.s32 s12, v0;
	s12 =	sadd.s32 $0x1040, s16;
	[tilespmem:s2+$0x30] =	vst v7;
	v7 =	vld.idx.msk [tilespmem:v10+s21+$0x0], $0xffff  }
0xb8: {  	s19 =	sadd.s32 $0x2, s17;
	v10 =	vadd.s32 s12, v0;
	[tilespmem:s8+$0x30] =	vst v5;
	v5 =	vld.idx.msk [tilespmem:v11+s21+$0x0], $0xffff  }
0xb9: {  	v11 =	vadd.s32 s19, v0;
	s12 =	sadd.s32 $0x1453, s16;
	v12 =	vld.idx.msk [tilespmem:v12+s21+$0x0], $0xffff;
	[tilespmem:s5+$0x30] =	vst v6  }
0xba: {  	s19 =	sadd.s32 $0x1451, s16;
	v6 =	vld.idx.msk [tilespmem:v13+s21+$0x0], $0xffff;
	v13 =	vadd.s32 s12, v0;
	[tilespmem:s18+$0x60] =	vst v3  }
0xbb: {  	v3 =	vadd.s32 s19, v0;
	s12 =	sadd.s32 $0x1452, s16;
	[tilespmem:s7+$0x30] =	vst v8;
	v4 =	vld.idx.msk [tilespmem:v4+s21+$0x0], $0xffff  }
0xbc: {  	s22 =	sadd.s32 $0x411, s17;
	s19 =	sadd.s32 $0x410, s17;
	v8 =	vld.idx.msk [tilespmem:v14+s21+$0x0], $0xffff;
	v14 =	vadd.s32 s12, v0;
	[tilespmem:s30+$0x70] =	vst v9;
	s30 =	smov.u32 s8  }
0xbd: {  	s3 =	sadd.s32 $0x200, s3;
	v9 =	vadd.s32 s11, v0;
	s8 =	sadd.s32 $0x412, s17;
	s12 =	sadd.s32 $0x413, s17;
	v10 =	vld.idx.msk [tilespmem:v10+s21+$0x0], $0xffff;
	[tilespmem:s0+$0x70] =	vst v7  }
0xbe: {  	s31 =	sadd.s32 $0xFFFFFF00, s3;
	s24 =	sadd.s32 $0xFFFFFF80, s3;
	s0 =	sadd.s32 $0xFFFFFE80, s3;
	v7 =	vld.idx.msk [tilespmem:v11+s21+$0x0], $0xffff;
	v11 =	vadd.s32 s12, v0;
	[tilespmem:s2+$0x40] =	vst v5  }
0xbf: {  	s31 =	sand.u32 $0x280, s31;
	s12 =	sand.u32 $0x200, s0;
	s0 =	sand.u32 $0x1C00, s0;
	v5 =	vadd.s32 s22, v0;
	[tilespmem:s30+$0x40] =	vst v12;
	v12 =	vld.idx.msk [tilespmem:v13+s21+$0x0], $0xffff  }
0xc0: {  	s22 =	sadd.s32 $0x1863, s16;
	s0 =	sadd.s32 $0x13680, s0;
	v13 =	vadd.s32 s8, v0;
	s8 =	sand.u32 $0x380, s3;
	v3 =	vld.idx.msk [tilespmem:v3+s21+$0x0], $0xffff;
	[tilespmem:s5+$0x40] =	vst v6  }
0xc1: {  	s24 =	sand.u32 $0x300, s24;
	s26 =	sadd.s32 s12, s0;
	s12 =	sadd.s32 s8, s0;
	v6 =	vld.idx.msk [tilespmem:v14+s21+$0x0], $0xffff;
	v14 =	vadd.s32 s22, v0;
	[tilespmem:s18+$0x70] =	vst v4  }
0xc2: {  	s8 =	sadd.s32 s31, s0;
	v4 =	vld.idx.msk [tilespmem:v9+s21+$0x0], $0xffff;
	v9 =	vadd.s32 s19, v0;
	s19 =	sadd.s32 s24, s0;
	[tilespmem:s12+$0x0] =	vst v8;
	s0 =	sadd.s32 $0x1450, s16  }
0xc3: {  	s18 =	smov.u32 s7;
	s7 =	smov.u32 s26;
	[tilespmem:s8+$0x0] =	vst v2;
	v2 =	vld.idx.msk [tilespmem:v11+s21+$0x0], $0xffff;
	v8 =	vadd.s32 s0, v0;
	s0 =	sadd.s32 $0x1861, s16  }
0xc4: {  	s22 =	sadd.s32 $0x823, s17;
	v5 =	vld.idx.msk [tilespmem:v5+s21+$0x0], $0xffff;
	[tilespmem:s19+$0x0] =	vst v7;
	v7 =	vadd.s32 s0, v0;
	s0 =	smov.u32 s5;
	s5 =	smov.u32 s19  }
0xc5: {  	s19 =	sadd.s32 $0x821, s17;
	v11 =	vld.idx.msk [tilespmem:v13+s21+$0x0], $0xffff;
	v13 =	vadd.s32 s22, v0;
	[tilespmem:s2+$0x50] =	vst v12  }
0xc6: {  	v12 =	vadd.s32 s19, v0;
	s19 =	sadd.s32 $0x822, s17;
	[tilespmem:s7+$0x0] =	vst v1;
	v14 =	vld.idx.msk [tilespmem:v14+s21+$0x0], $0xffff  }
0xc7: {  	v15 =	vadd.s32 s19, v0;
	s19 =	sadd.s32 $0x1C73, s16;
	v9 =	vld.idx.msk [tilespmem:v9+s21+$0x0], $0xffff;
	[tilespmem:s18+$0x40] =	vst v10  }
0xc8: {  	s22 =	sadd.s32 $0x820, s17;
	v1 =	vmov v4;
	v8 =	vld.idx.msk [tilespmem:v8+s21+$0x0], $0xffff;
	[tilespmem:s30+$0x50] =	vst v3;
	v3 =	vadd.s32 s19, v0  }
0xc9: {  	v4 =	vadd.s32 s22, v0;
	s19 =	sadd.s32 $0x1862, s16;
	[tilespmem:s12+$0x10] =	vst v2;
	v16 =	vld.idx.msk [tilespmem:v7+s21+$0x0], $0xffff  }
0xca: {  	s22 =	sadd.s32 $0x1860, s16;
	[tilespmem:s8+$0x10] =	vst v5;
	v2 =	vld.idx.msk [tilespmem:v13+s21+$0x0], $0xffff;
	v5 =	vadd.s32 s19, v0  }
0xcb: {  	v10 =	vadd.s32 s22, v0;
	s19 =	sadd.s32 $0xC33, s17;
	v7 =	vld.idx.msk [tilespmem:v12+s21+$0x0], $0xffff;
	[tilespmem:s5+$0x10] =	vst v11  }
0xcc: {  	s22 =	sadd.s32 $0xC31, s17;
	v12 =	vadd.s32 s19, v0;
	v11 =	vld.idx.msk [tilespmem:v15+s21+$0x0], $0xffff;
	[tilespmem:s2+$0x60] =	vst v14  }
0xcd: {  	s19 =	sadd.s32 $0xC32, s17;
	[tilespmem:s7+$0x10] =	vst v9;
	v9 =	vadd.s32 s22, v0;
	v13 =	vld.idx.msk [tilespmem:v3+s21+$0x0], $0xffff  }
0xce: {  	v14 =	vadd.s32 s19, v0;
	s22 =	sadd.s32 $0x1, s11;
	v4 =	vld.idx.msk [tilespmem:v4+s21+$0x0], $0xffff;
	[tilespmem:s0+$0x50] =	vst v6  }
0xcf: {  	s19 =	sadd.s32 $0xC30, s17;
	v15 =	vadd.s32 s22, v0;
	[tilespmem:s18+$0x50] =	vst v8;
	v17 =	vld.idx.msk [tilespmem:v5+s21+$0x0], $0xffff  }
0xd0: {  	v8 =	vadd.s32 s19, v0;
	s19 =	sadd.s32 $0x1C71, s16;
	[tilespmem:s12+$0x20] =	vst v2;
	v3 =	vld.idx.msk [tilespmem:v10+s21+$0x0], $0xffff  }
0xd1: {  	v18 =	vadd.s32 s19, v0;
	s19 =	sadd.s32 $0x1C72, s16;
	[tilespmem:s8+$0x20] =	vst v7;
	v7 =	vld.idx.msk [tilespmem:v12+s21+$0x0], $0xffff  }
.Ltmp3:
0xd2: {  	s22 =	sadd.s32 $0x1043, s17;
	v10 =	vadd.s32 s19, v0;
	v5 =	vld.idx.msk [tilespmem:v9+s21+$0x0], $0xffff;
	[tilespmem:s5+$0x20] =	vst v11;
	(pc) =	sbr.rel @p1 .LBB2_5-.Ltmp3, $4  }
0xd3: {  	s19 =	sadd.s32 $0x1041, s17;
	v11 =	vadd.s32 s22, v0;
	v6 =	vld.idx.msk [tilespmem:v14+s21+$0x0], $0xffff;
	[tilespmem:s2+$0x70] =	vst v13;
	s2 =	smov.u32 s12  }
0xd4: {  	v12 =	vadd.s32 s19, v0;
	s12 =	sadd.s32 $0x1042, s17;
	v2 =	vld.idx.msk [tilespmem:v15+s21+$0x0], $0xffff;
	[tilespmem:s7+$0x20] =	vst v4  }
0xd5: {  	s19 =	sadd.s32 $0x1C70, s16;
	s16 =	smov.u32 s17;
	s17 =	smov.u32 s11;
	v13 =	vadd.s32 s12, v0;
	v8 =	vld.idx.msk [tilespmem:v8+s21+$0x0], $0xffff;
	[tilespmem:s30+$0x60] =	vst v16  }
0xd6: {  	s11 =	sadd.s32 $0x4, s11;
	s12 =	sadd.s32 $0x3, s17;
	v4 =	vadd.s32 s19, v0;
	v9 =	vld.idx.msk [tilespmem:v18+s21+$0x0], $0xffff;
	[tilespmem:s0+$0x60] =	vst v17  }
0xd7: {  	_ =	sdelay $0x2  }
0xd8: {  	v14 =	vadd.s32 s12, v0;
	[tilespmem:s2+$0x30] =	vst v7  }
0xd9: {  	v7 =	vld.idx.msk [tilespmem:v10+s21+$0x0], $0xffff;
	s11 =	sadd.s32 $0x2, s17;
	[tilespmem:s8+$0x30] =	vst v5  }
0xda: {  	[tilespmem:s18+$0x60] =	vst v3;
	v5 =	vld.idx.msk [tilespmem:v11+s21+$0x0], $0xffff;
	v10 =	vadd.s32 s11, v0  }
0xdb: {  	[tilespmem:s5+$0x30] =	vst v6;
	v6 =	vld.idx.msk [tilespmem:v12+s21+$0x0], $0xffff  }
0xdc: {  	s22 =	sadd.s32 $0x1453, s16;
	v3 =	vld.idx.msk [tilespmem:v13+s21+$0x0], $0xffff;
	[tilespmem:s7+$0x30] =	vst v8  }
0xdd: {  	s24 =	sadd.s32 $0x413, s17;
	s3 =	sadd.s32 $0x200, s3;
	v8 =	vadd.s32 s22, v0;
	[tilespmem:s30+$0x70] =	vst v9;
	v11 =	vld.idx.msk [tilespmem:v14+s21+$0x0], $0xffff  }
0xde: {  	s26 =	sadd.s32 $0x1040, s16;
	s19 =	sadd.s32 $0x411, s17;
	s22 =	sadd.s32 $0xFFFFFE80, s3;
	[tilespmem:s0+$0x70] =	vst v7;
	v7 =	vadd.s32 s24, v0  }
0xdf: {  	s29 =	sadd.s32 $0x410, s17;
	s30 =	sadd.s32 $0x412, s17;
	s24 =	sand.u32 $0x1C00, s22;
	v9 =	vld.idx.msk [tilespmem:v10+s21+$0x0], $0xffff;
	[tilespmem:s2+$0x40] =	vst v5;
	v5 =	vadd.s32 s19, v0  }
0xe0: {  	s31 =	sadd.s32 $0xFFFFFF00, s3;
	s13 =	sand.u32 $0x380, s3;
	[tilespmem:s8+$0x40] =	vst v6;
	s24 =	sadd.s32 $0x13680, s24;
	v6 =	vadd.s32 s30, v0  }
0xe1: {  	v4 =	vld.idx.msk [tilespmem:v4+s21+$0x0], $0xffff;
	s3 =	sadd.s32 $0xFFFFFF80, s3;
	s19 =	sand.u32 $0x280, s31;
	[tilespmem:s5+$0x40] =	vst v3;
	s0 =	sadd.s32 s13, s24;
	v3 =	vadd.s32 s29, v0  }
0xe2: {  	v10 =	vadd.s32 s26, v0;
	s26 =	sadd.s32 $0x1451, s16;
	s29 =	sand.u32 $0x300, s3;
	s3 =	sadd.s32 s19, s24;
	v8 =	vld.idx.msk [tilespmem:v8+s21+$0x0], $0xffff;
	[tilespmem:s0+$0x0] =	vst v11  }
0xe3: {  	s30 =	sand.u32 $0x200, s22;
	s31 =	sadd.s32 $0x823, s17;
	s11 =	sadd.s32 s29, s24;
	[tilespmem:s3+$0x0] =	vst v2;
	v11 =	vadd.s32 s26, v0;
	v2 =	vld.idx.msk [tilespmem:v7+s21+$0x0], $0xffff  }
0xe4: {  	s12 =	sadd.s32 s30, s24;
	s13 =	sadd.s32 $0x821, s17;
	v5 =	vld.idx.msk [tilespmem:v5+s21+$0x0], $0xffff;
	[tilespmem:s11+$0x0] =	vst v9;
	v7 =	vadd.s32 s31, v0  }
0xe5: {  	[tilespmem:s12+$0x0] =	vst v1;
	v1 =	vadd.s32 s13, v0;
	s24 =	sadd.s32 $0x822, s17;
	v6 =	vld.idx.msk [tilespmem:v6+s21+$0x0], $0xffff  }
0xe6: {  	[tilespmem:s18+$0x70] =	vst v4;
	v4 =	vadd.s32 s24, v0;
	s26 =	sadd.s32 $0x820, s17;
	v3 =	vld.idx.msk [tilespmem:v3+s21+$0x0], $0xffff  }
0xe7: {  	s29 =	sadd.s32 $0x1863, s16;
	v9 =	vld.idx.msk [tilespmem:v10+s21+$0x0], $0xffff;
	[tilespmem:s2+$0x50] =	vst v8;
	v8 =	vadd.s32 s26, v0  }
0xe8: {  	s30 =	sadd.s32 $0x1452, s16;
	v10 =	vld.idx.msk [tilespmem:v11+s21+$0x0], $0xffff;
	v11 =	vadd.s32 s29, v0;
	[tilespmem:s0+$0x10] =	vst v2  }
0xe9: {  	s31 =	sadd.s32 $0xC33, s17;
	v2 =	vadd.s32 s30, v0;
	[tilespmem:s3+$0x10] =	vst v5;
	v5 =	vld.idx.msk [tilespmem:v7+s21+$0x0], $0xffff  }
0xea: {  	s13 =	sadd.s32 $0xC31, s17;
	v1 =	vld.idx.msk [tilespmem:v1+s21+$0x0], $0xffff;
	[tilespmem:s11+$0x10] =	vst v6;
	v6 =	vadd.s32 s31, v0  }
0xeb: {  	s22 =	sadd.s32 $0xC32, s17;
	[tilespmem:s12+$0x10] =	vst v3;
	v3 =	vadd.s32 s13, v0;
	v4 =	vld.idx.msk [tilespmem:v4+s21+$0x0], $0xffff  }
0xec: {  	s24 =	sadd.s32 $0xC30, s17;
	[tilespmem:s7+$0x40] =	vst v9;
	v7 =	vld.idx.msk [tilespmem:v8+s21+$0x0], $0xffff;
	v8 =	vadd.s32 s22, v0  }
0xed: {  	s26 =	sadd.s32 $0x1450, s16;
	v9 =	vld.idx.msk [tilespmem:v11+s21+$0x0], $0xffff;
	[tilespmem:s8+$0x50] =	vst v10;
	v10 =	vadd.s32 s24, v0  }
0xee: {  	s29 =	sadd.s32 $0x1C73, s16;
	v11 =	vadd.s32 s26, v0;
	v2 =	vld.idx.msk [tilespmem:v2+s21+$0x0], $0xffff;
	[tilespmem:s0+$0x20] =	vst v5  }
0xef: {  	s30 =	sadd.s32 $0x1043, s17;
	v5 =	vadd.s32 s29, v0;
	[tilespmem:s3+$0x20] =	vst v1;
	v1 =	vld.idx.msk [tilespmem:v6+s21+$0x0], $0xffff  }
0xf0: {  	s31 =	sadd.s32 $0x1041, s17;
	v3 =	vld.idx.msk [tilespmem:v3+s21+$0x0], $0xffff;
	[tilespmem:s11+$0x20] =	vst v4;
	v4 =	vadd.s32 s30, v0  }
0xf1: {  	s13 =	sadd.s32 $0x1042, s17;
	[tilespmem:s12+$0x20] =	vst v7;
	v7 =	vadd.s32 s31, v0;
	v6 =	vld.idx.msk [tilespmem:v8+s21+$0x0], $0xffff  }
0xf2: {  	s19 =	sadd.s32 $0x1040, s17;
	[tilespmem:s2+$0x60] =	vst v9;
	v8 =	vld.idx.msk [tilespmem:v10+s21+$0x0], $0xffff;
	v9 =	vadd.s32 s13, v0  }
0xf3: {  	s22 =	sadd.s32 $0x1861, s16;
	v10 =	vld.idx.msk [tilespmem:v11+s21+$0x0], $0xffff;
	[tilespmem:s5+$0x50] =	vst v2;
	v2 =	vadd.s32 s19, v0  }
0xf4: {  	s24 =	sadd.s32 $0x1862, s16;
	v11 =	vadd.s32 s22, v0;
	v5 =	vld.idx.msk [tilespmem:v5+s21+$0x0], $0xffff;
	[tilespmem:s0+$0x30] =	vst v1  }
0xf5: {  	s26 =	sadd.s32 $0x1453, s17;
	v1 =	vadd.s32 s24, v0;
	[tilespmem:s3+$0x30] =	vst v3;
	v3 =	vld.idx.msk [tilespmem:v4+s21+$0x0], $0xffff  }
0xf6: {  	s29 =	sadd.s32 $0x1451, s17;
	v4 =	vld.idx.msk [tilespmem:v7+s21+$0x0], $0xffff;
	[tilespmem:s11+$0x30] =	vst v6;
	v6 =	vadd.s32 s26, v0  }
0xf7: {  	s30 =	sadd.s32 $0x1452, s17;
	v7 =	vld.idx.msk [tilespmem:v9+s21+$0x0], $0xffff;
	[tilespmem:s12+$0x30] =	vst v8;
	v8 =	vadd.s32 s29, v0  }
0xf8: {  	s31 =	sadd.s32 $0x1450, s17;
	[tilespmem:s7+$0x50] =	vst v10;
	v9 =	vadd.s32 s30, v0;
	v2 =	vld.idx.msk [tilespmem:v2+s21+$0x0], $0xffff  }
0xf9: {  	s13 =	sadd.s32 $0x1860, s16;
	v10 =	vld.idx.msk [tilespmem:v11+s21+$0x0], $0xffff;
	[tilespmem:s2+$0x70] =	vst v5;
	v5 =	vadd.s32 s31, v0  }
0xfa: {  	s22 =	sadd.s32 $0x1C71, s16;
	v11 =	vadd.s32 s13, v0;
	v1 =	vld.idx.msk [tilespmem:v1+s21+$0x0], $0xffff;
	[tilespmem:s0+$0x40] =	vst v3  }
0xfb: {  	s24 =	sadd.s32 $0x1863, s17;
	v3 =	vadd.s32 s22, v0;
	[tilespmem:s3+$0x40] =	vst v4;
	v4 =	vld.idx.msk [tilespmem:v6+s21+$0x0], $0xffff  }
0xfc: {  	s26 =	sadd.s32 $0x1861, s17;
	v6 =	vld.idx.msk [tilespmem:v8+s21+$0x0], $0xffff;
	[tilespmem:s11+$0x40] =	vst v7;
	v7 =	vadd.s32 s24, v0  }
0xfd: {  	s29 =	sadd.s32 $0x1862, s17;
	v8 =	vld.idx.msk [tilespmem:v9+s21+$0x0], $0xffff;
	v9 =	vadd.s32 s26, v0;
	[tilespmem:s12+$0x40] =	vst v2  }
0xfe: {  	s30 =	sadd.s32 $0x1860, s17;
	[tilespmem:s8+$0x60] =	vst v10;
	v2 =	vld.idx.msk [tilespmem:v5+s21+$0x0], $0xffff;
	v5 =	vadd.s32 s29, v0  }
0xff: {  	s31 =	sadd.s32 $0x1C72, s16;
	v10 =	vld.idx.msk [tilespmem:v11+s21+$0x0], $0xffff;
	[tilespmem:s5+$0x60] =	vst v1;
	v1 =	vadd.s32 s30, v0  }
0x100: {  	s13 =	sadd.s32 $0x1C70, s16;
	v11 =	vadd.s32 s31, v0;
	v3 =	vld.idx.msk [tilespmem:v3+s21+$0x0], $0xffff;
	[tilespmem:s0+$0x50] =	vst v4  }
0x101: {  	s16 =	sadd.s32 $0x1C73, s17;
	v4 =	vadd.s32 s13, v0;
	[tilespmem:s3+$0x50] =	vst v6;
	v7 =	vld.idx.msk [tilespmem:v7+s21+$0x0], $0xffff  }
0x102: {  	s18 =	sadd.s32 $0x1C71, s17;
	v6 =	vadd.s32 s16, v0;
	v9 =	vld.idx.msk [tilespmem:v9+s21+$0x0], $0xffff;
	[tilespmem:s11+$0x50] =	vst v8  }
0x103: {  	s19 =	sadd.s32 $0x1C72, s17;
	[tilespmem:s12+$0x50] =	vst v2;
	v2 =	vld.idx.msk [tilespmem:v5+s21+$0x0], $0xffff;
	v5 =	vadd.s32 s18, v0  }
0x104: {  	s22 =	sadd.s32 $0x1C70, s17;
	[tilespmem:s7+$0x60] =	vst v10;
	v8 =	vadd.s32 s19, v0;
	v1 =	vld.idx.msk [tilespmem:v1+s21+$0x0], $0xffff  }
0x105: {  	v10 =	vld.idx.msk [tilespmem:v11+s21+$0x0], $0xffff;
	[tilespmem:s8+$0x70] =	vst v3;
	v3 =	vadd.s32 s22, v0  }
0x106: {  	v4 =	vld.idx.msk [tilespmem:v4+s21+$0x0], $0xffff;
	[tilespmem:s0+$0x60] =	vst v7  }
0x107: {  	[tilespmem:s3+$0x60] =	vst v9;
	v6 =	vld.idx.msk [tilespmem:v6+s21+$0x0], $0xffff  }
0x108: {  	v5 =	vld.idx.msk [tilespmem:v5+s21+$0x0], $0xffff;
	[tilespmem:s11+$0x60] =	vst v2  }
0x109: {  	v2 =	vld.idx.msk [tilespmem:v8+s21+$0x0], $0xffff;
	[tilespmem:s12+$0x60] =	vst v1  }
0x10a: {  	[tilespmem:s5+$0x70] =	vst v10;
	v1 =	vld.idx.msk [tilespmem:v3+s21+$0x0], $0xffff  }
0x10b: {  	[tilespmem:s7+$0x70] =	vst v4  }
0x10c: {  	[tilespmem:s0+$0x70] =	vst v6  }
0x10d: {  	s24 =	sshll.u32 s14, $0x11;
	[tilespmem:s3+$0x70] =	vst v5  }
0x10e: {  	p1 =	seq.s32 s14, $0x31;
	s0 =	sadd.s32 s1, s24;
	[tilespmem:s11+$0x70] =	vst v2  }
0x10f: {  	s26 =	simm.s32 $0x13680;
	s16 =	sshll.u32 @!p1 s15, $0x7;
	s0 =	sadd.s32 s6, s0;
	[tilespmem:s12+$0x70] =	vst v1  }
0x110: {  	[hbm4b:s0+s9] =	stream.strided.scatter [tilespmem:s26], [sflag:$0x5], $0x2000, s10, s9, $0x38;
	[tilespmem:$0x1B680] =	vst v63  }
0x111: {  	s0 =	sadd.s32 @!p1 $0x200, s16  }
0x112: {  	s2 =	simm.s32 @!p1 $0x80;
	s3 =	simm.s32 @!p1 $0x9600;
	s0 =	sand.u32 @!p1 $0xFE00, s0  }
0x113: {  	[tilespmem:s3], [sflag:$0x1] =	stream.indirect.gather @!p1 [hbm4b:s4+s2], $0x40, s0, s2, $0xb8;
	[tilespmem:$0x1B680] =	vst v63  }
0x114: {  	_ =	swait.ge [sflag:s23], $0x2000  }
0x115: {  	[sflag:s23] =	ssyncset.done $0x0  }
0x116: {  	s0 =	simm.s32 @!p0 $0x6;
	[sflag:s23] =	ssyncadd.s32 $0xFFFFE000  }
0x117: {  	s17 =	sor.u32 $0x1, s15;
	_ =	swait.ge @!p0 [sflag:s0], $0x2000  }
0x118: {  	s29 =	sshll.u32 s17, $0x6;
	[sflag:s0] =	ssyncset.done @!p0 $0x0  }
0x119: {  	s30 =	sand.u32 $0x3FFFFFC0, s29;
	[sflag:s0] =	ssyncadd.s32 @!p0 $0xFFFFE000  }
0x11a: {  	v2 =	vld [tilespmem:s30+$0x6400]  }
0x11b: {  	v3 =	vld [tilespmem:s30+$0x6410]  }
0x11c: {  	v4 =	vld [tilespmem:s30+$0x6420]  }
0x11d: {  	s31 =	simm.s32 $0xB7F0;
	v1 =	vld [tilespmem:s30+$0x6430]  }
0x11e: {  	v5 =	vld [tilespmem:s31+$0xFFFFFFD0]  }
0x11f: {  	v6 =	vld [tilespmem:s31+$0xFFFFFE50]  }
0x120: {  	v7 =	vld [tilespmem:s31+$0xFFFFFE90]  }
0x121: {  	v8 =	vld [tilespmem:s31+$0xFFFFFED0]  }
0x122: {  	v9 =	vld [tilespmem:s31+$0xFFFFFF10]  }
0x123: {  	v10 =	vld [tilespmem:s31+$0xFFFFFF50];
	v5 =	vadd.f32 v5, v2  }
0x124: {  	s0 =	simm.s32 $0x11704;
	v11 =	vld [tilespmem:s31+$0xFFFFFF90];
	v6 =	vadd.f32 v6, v2  }
0x125: {  	v59 =	vld [tilespmem:s31+$0xFFFFFE10];
	v7 =	vadd.f32 v7, v2;
	[tilespmem:s0+$0xC3] =	vst v5  }
0x126: {  	[tilespmem:s0+$0xFFFFFF3D] =	vst v6;
	v5 =	vadd.f32 v8, v2;
	v6 =	vld [tilespmem:s31+$0xFFFFFFE0]  }
0x127: {  	[tilespmem:s0+$0xFFFFFF7E] =	vst v7;
	v7 =	vadd.f32 v9, v2;
	v8 =	vld [tilespmem:s31+$0xFFFFFE60]  }
0x128: {  	v9 =	vld [tilespmem:s31+$0xFFFFFEA0];
	[tilespmem:s0+$0xFFFFFFBF] =	vst v5;
	v5 =	vadd.f32 v10, v2  }
0x129: {  	[tilespmem:s0+$0x0] =	vst v7;
	v7 =	vadd.f32 v11, v2;
	v10 =	vld [tilespmem:s31+$0xFFFFFEE0]  }
0x12a: {  	v11 =	vadd.f32 v59, v2;
	v60 =	vld [tilespmem:s31+$0xFFFFFF20];
	[tilespmem:s0+$0x41] =	vst v5  }
0x12b: {  	[tilespmem:s0+$0x82] =	vst v7;
	v5 =	vld [tilespmem:s31+$0xFFFFFF60];
	v6 =	vadd.f32 v6, v3  }
0x12c: {  	[tilespmem:s0+$0xFFFFFEFC] =	vst v11;
	v7 =	vadd.f32 v8, v3;
	v8 =	vld [tilespmem:s31+$0xFFFFFFA0]  }
0x12d: {  	v11 =	vld [tilespmem:s31+$0xFFFFFE20];
	v9 =	vadd.f32 v9, v3;
	[tilespmem:s0+$0xD3] =	vst v6  }
0x12e: {  	[tilespmem:s0+$0xFFFFFF4D] =	vst v7;
	v6 =	vadd.f32 v10, v3;
	v7 =	vld [tilespmem:s31+$0xFFFFFFF0]  }
0x12f: {  	[tilespmem:s0+$0xFFFFFF8E] =	vst v9;
	v9 =	vadd.f32 v60, v3;
	v10 =	vld [tilespmem:s31+$0xFFFFFE70]  }
0x130: {  	v61 =	vld [tilespmem:s31+$0xFFFFFEB0];
	[tilespmem:s0+$0xFFFFFFCF] =	vst v6;
	v5 =	vadd.f32 v5, v3  }
0x131: {  	[tilespmem:s0+$0x10] =	vst v9;
	v6 =	vld [tilespmem:s31+$0xFFFFFEF0];
	v8 =	vadd.f32 v8, v3  }
0x132: {  	v9 =	vadd.f32 v11, v3;
	v11 =	vld [tilespmem:s31+$0xFFFFFF30];
	[tilespmem:s0+$0x51] =	vst v5  }
0x133: {  	v5 =	vld [tilespmem:s31+$0xFFFFFF70];
	[tilespmem:s0+$0x92] =	vst v8;
	v7 =	vadd.f32 v7, v4  }
0x134: {  	[tilespmem:s0+$0xFFFFFF0C] =	vst v9;
	v8 =	vadd.f32 v10, v4;
	v9 =	vld [tilespmem:s31+$0xFFFFFFB0]  }
0x135: {  	v10 =	vld [tilespmem:s31+$0xFFFFFE30];
	v12 =	vadd.f32 v61, v4;
	[tilespmem:s0+$0xE3] =	vst v7  }
0x136: {  	[tilespmem:s0+$0xFFFFFF5D] =	vst v8;
	v6 =	vadd.f32 v6, v4;
	v7 =	vld [tilespmem:s31+$0x0]  }
0x137: {  	[tilespmem:s0+$0xFFFFFF9E] =	vst v12;
	v8 =	vadd.f32 v11, v4;
	v62 =	vld [tilespmem:s31+$0xFFFFFE80]  }
0x138: {  	v12 =	vld [tilespmem:s31+$0xFFFFFEC0];
	[tilespmem:s0+$0xFFFFFFDF] =	vst v6;
	v6 =	vadd.f32 v5, v4  }
0x139: {  	[tilespmem:s0+$0x20] =	vst v8;
	v5 =	vld [tilespmem:s31+$0xFFFFFF00];
	v9 =	vadd.f32 v9, v4  }
0x13a: {  	v10 =	vadd.f32 v10, v4;
	v8 =	vld [tilespmem:s31+$0xFFFFFF40];
	[tilespmem:s0+$0x61] =	vst v6  }
0x13b: {  	v6 =	vld [tilespmem:s31+$0xFFFFFF80];
	[tilespmem:s0+$0xA2] =	vst v9;
	v63 =	vadd.f32 v7, v1  }
0x13c: {  	[tilespmem:s0+$0xFFFFFF1C] =	vst v10;
	v9 =	vld [tilespmem:s31+$0xFFFFFFC0];
	v11 =	vadd.f32 v62, v1  }
0x13d: {  	s2 =	simm.s32 $0x0;
	s3 =	simm.s32 $0xB9F0;
	v7 =	vld [tilespmem:s31+$0xFFFFFE40];
	v10 =	vadd.f32 v12, v1;
	[tilespmem:s0+$0xF3] =	vst v63  }
.LBB2_7:
0x13e: {  	v12 =	vld [tilespmem:s3+$0xFFFFFFD0];
	s2 =	sadd.s32 $0x8, s2;
	[tilespmem:s0+$0xFFFFFF6D] =	vst v11;
	v5 =	vadd.f32 v5, v1  }
0x13f: {  	v11 =	vld [tilespmem:s3+$0xFFFFFE50];
	p2 =	slt.u32 s2, $0x78;
	[tilespmem:s0+$0xFFFFFFAE] =	vst v10;
	v8 =	vadd.f32 v8, v1  }
0x140: {  	v10 =	vld [tilespmem:s3+$0xFFFFFE90];
	[tilespmem:s0+$0xFFFFFFEF] =	vst v5;
	v5 =	vadd.f32 v6, v1  }
0x141: {  	v6 =	vld [tilespmem:s3+$0xFFFFFED0];
	[tilespmem:s0+$0x30] =	vst v8;
	v8 =	vadd.f32 v9, v1  }
0x142: {  	v9 =	vld [tilespmem:s3+$0xFFFFFF10];
	v7 =	vadd.f32 v7, v1;
	[tilespmem:s0+$0x71] =	vst v5  }
0x143: {  	v5 =	vld [tilespmem:s3+$0xFFFFFF50];
	v12 =	vadd.f32 v12, v2;
	[tilespmem:s0+$0xB2] =	vst v8  }
0x144: {  	v8 =	vadd.f32 v11, v2;
	v11 =	vld [tilespmem:s3+$0xFFFFFF90];
	[tilespmem:s0+$0xFFFFFF2C] =	vst v7;
	s0 =	sadd.s32 $0x208, s0  }
0x145: {  	v7 =	vld [tilespmem:s3+$0xFFFFFE10];
	v10 =	vadd.f32 v10, v2;
	[tilespmem:s0+$0xC3] =	vst v12  }
0x146: {  	[tilespmem:s0+$0xFFFFFF3D] =	vst v8;
	v6 =	vadd.f32 v6, v2;
	v8 =	vld [tilespmem:s3+$0xFFFFFFE0]  }
0x147: {  	v12 =	vld [tilespmem:s3+$0xFFFFFE60];
	[tilespmem:s0+$0xFFFFFF7E] =	vst v10;
	v9 =	vadd.f32 v9, v2  }
0x148: {  	v10 =	vld [tilespmem:s3+$0xFFFFFEA0];
	[tilespmem:s0+$0xFFFFFFBF] =	vst v6;
	v5 =	vadd.f32 v5, v2  }
0x149: {  	v6 =	vld [tilespmem:s3+$0xFFFFFEE0];
	[tilespmem:s0+$0x0] =	vst v9;
	v9 =	vadd.f32 v11, v2  }
0x14a: {  	v7 =	vadd.f32 v7, v2;
	v11 =	vld [tilespmem:s3+$0xFFFFFF20];
	[tilespmem:s0+$0x41] =	vst v5  }
0x14b: {  	v5 =	vld [tilespmem:s3+$0xFFFFFF60];
	[tilespmem:s0+$0x82] =	vst v9;
	v8 =	vadd.f32 v8, v3  }
0x14c: {  	[tilespmem:s0+$0xFFFFFEFC] =	vst v7;
	v7 =	vadd.f32 v12, v3;
	v9 =	vld [tilespmem:s3+$0xFFFFFFA0]  }
0x14d: {  	v12 =	vld [tilespmem:s3+$0xFFFFFE20];
	v10 =	vadd.f32 v10, v3;
	[tilespmem:s0+$0xD3] =	vst v8  }
0x14e: {  	[tilespmem:s0+$0xFFFFFF4D] =	vst v7;
	v6 =	vadd.f32 v6, v3;
	v7 =	vld [tilespmem:s3+$0xFFFFFFF0]  }
0x14f: {  	v8 =	vld [tilespmem:s3+$0xFFFFFE70];
	[tilespmem:s0+$0xFFFFFF8E] =	vst v10;
	v10 =	vadd.f32 v11, v3  }
0x150: {  	v11 =	vld [tilespmem:s3+$0xFFFFFEB0];
	[tilespmem:s0+$0xFFFFFFCF] =	vst v6;
	v5 =	vadd.f32 v5, v3  }
0x151: {  	v6 =	vld [tilespmem:s3+$0xFFFFFEF0];
	[tilespmem:s0+$0x10] =	vst v10;
	v9 =	vadd.f32 v9, v3  }
0x152: {  	v10 =	vadd.f32 v12, v3;
	v12 =	vld [tilespmem:s3+$0xFFFFFF30];
	[tilespmem:s0+$0x51] =	vst v5  }
0x153: {  	v5 =	vld [tilespmem:s3+$0xFFFFFF70];
	[tilespmem:s0+$0x92] =	vst v9;
	v7 =	vadd.f32 v7, v4  }
0x154: {  	[tilespmem:s0+$0xFFFFFF0C] =	vst v10;
	v8 =	vadd.f32 v8, v4;
	v9 =	vld [tilespmem:s3+$0xFFFFFFB0]  }
0x155: {  	v10 =	vld [tilespmem:s3+$0xFFFFFE30];
	v11 =	vadd.f32 v11, v4;
	[tilespmem:s0+$0xE3] =	vst v7  }
0x156: {  	[tilespmem:s0+$0xFFFFFF5D] =	vst v8;
	v6 =	vadd.f32 v6, v4;
	v7 =	vld [tilespmem:s3+$0x0]  }
0x157: {  	v13 =	vld [tilespmem:s3+$0xFFFFFE80];
	[tilespmem:s0+$0xFFFFFF9E] =	vst v11;
	v8 =	vadd.f32 v12, v4  }
0x158: {  	v12 =	vld [tilespmem:s3+$0xFFFFFEC0];
	[tilespmem:s0+$0xFFFFFFDF] =	vst v6;
	v6 =	vadd.f32 v5, v4  }
.Ltmp4:
0x159: {  	v5 =	vld [tilespmem:s3+$0xFFFFFF00];
	[tilespmem:s0+$0x20] =	vst v8;
	v9 =	vadd.f32 v9, v4;
	(pc) =	sbr.rel @p2 .LBB2_7-.Ltmp4, $4  }
0x15a: {  	v10 =	vadd.f32 v10, v4;
	v8 =	vld [tilespmem:s3+$0xFFFFFF40];
	[tilespmem:s0+$0x61] =	vst v6  }
0x15b: {  	v6 =	vld [tilespmem:s3+$0xFFFFFF80];
	[tilespmem:s0+$0xA2] =	vst v9;
	v14 =	vadd.f32 v7, v1  }
0x15c: {  	[tilespmem:s0+$0xFFFFFF1C] =	vst v10;
	v11 =	vadd.f32 v13, v1;
	v9 =	vld [tilespmem:s3+$0xFFFFFFC0]  }
0x15d: {  	s7 =	simm.s32 $0x0;
	s5 =	simm.s32 $0x180;
	v7 =	vld [tilespmem:s3+$0xFFFFFE40];
	v10 =	vadd.f32 v12, v1;
	[tilespmem:s0+$0xF3] =	vst v14;
	s3 =	sadd.s32 $0x200, s3  }
0x15e: {  	[tilespmem:s0+$0xFFFFFF6D] =	vst v11;
	v2 =	vadd.f32 v5, v1  }
0x15f: {  	s2 =	simm.s32 $0x3;
	[tilespmem:s0+$0xFFFFFFAE] =	vst v10;
	v3 =	vadd.f32 v8, v1  }
0x160: {  	s3 =	simm.s32 $0x1;
	v4 =	vadd.s32 s2, v0;
	[tilespmem:s0+$0xFFFFFFEF] =	vst v2;
	v2 =	vadd.f32 v6, v1  }
0x161: {  	s22 =	simm.s32 $0x2;
	v5 =	vadd.s32 s3, v0;
	[tilespmem:s0+$0x30] =	vst v3;
	v3 =	vadd.f32 v9, v1  }
0x162: {  	v1 =	vadd.f32 v7, v1;
	[tilespmem:s0+$0x71] =	vst v2;
	v2 =	vadd.s32 s22, v0  }
0x163: {  	[tilespmem:s0+$0xB2] =	vst v3  }
0x164: {  	[tilespmem:s0+$0xFFFFFF2C] =	vst v1;
	v1 =	vadd.s32 s7, v0  }
0x165: {  	s24 =	simm.s32 $0x413;
	v3 =	vld.idx.msk [tilespmem:v4+s21+$0x0], $0xffff  }
0x166: {  	s26 =	simm.s32 $0x411;
	s29 =	simm.s32 $0x0;
	v4 =	vld.idx.msk [tilespmem:v5+s21+$0x0], $0xffff;
	v5 =	vadd.s32 s24, v0  }
0x167: {  	s11 =	simm.s32 $0x410;
	s12 =	simm.s32 $0x412;
	s8 =	sand.u32 $0x1C00, s29;
	v6 =	vadd.s32 s26, v0;
	v2 =	vld.idx.msk [tilespmem:v2+s21+$0x0], $0xffff  }
0x168: {  	s13 =	simm.s32 $0x80;
	s18 =	sand.u32 $0x380, s5;
	s8 =	sadd.s32 $0x15680, s8;
	v7 =	vadd.s32 s12, v0  }
0x169: {  	s19 =	simm.s32 $0x100;
	s2 =	sand.u32 $0x280, s13;
	s12 =	sadd.s32 s18, s8;
	v1 =	vld.idx.msk [tilespmem:v1+s21+$0x0], $0xffff  }
0x16a: {  	v8 =	vadd.s32 s11, v0;
	s22 =	sand.u32 $0x300, s19;
	s0 =	sadd.s32 s2, s8;
	[tilespmem:s12+$0x0] =	vst v3  }
0x16b: {  	s3 =	sadd.s32 s22, s8;
	s24 =	simm.s32 $0x823;
	[tilespmem:s0+$0x0] =	vst v4;
	v3 =	vld.idx.msk [tilespmem:v5+s21+$0x0], $0xffff  }
0x16c: {  	s26 =	sand.u32 $0x200, s29;
	s29 =	simm.s32 $0x821;
	v4 =	vld.idx.msk [tilespmem:v6+s21+$0x0], $0xffff;
	[tilespmem:s3+$0x0] =	vst v2;
	v2 =	vadd.s32 s24, v0  }
0x16d: {  	s31 =	sadd.s32 s26, s8;
	s8 =	simm.s32 $0x822;
	v6 =	vadd.s32 s29, v0;
	v5 =	vld.idx.msk [tilespmem:v7+s21+$0x0], $0xffff  }
0x16e: {  	[tilespmem:s31+$0x0] =	vst v1;
	v1 =	vadd.s32 s8, v0  }
0x16f: {  	s11 =	simm.s32 $0x820;
	v7 =	vld.idx.msk [tilespmem:v8+s21+$0x0], $0xffff  }
0x170: {  	v8 =	vadd.s32 s11, v0;
	[tilespmem:s12+$0x10] =	vst v3  }
0x171: {  	s13 =	simm.s32 $0xC33;
	[tilespmem:s0+$0x10] =	vst v4;
	v2 =	vld.idx.msk [tilespmem:v2+s21+$0x0], $0xffff  }
0x172: {  	s18 =	simm.s32 $0xC31;
	v4 =	vadd.s32 s13, v0;
	v3 =	vld.idx.msk [tilespmem:v6+s21+$0x0], $0xffff;
	[tilespmem:s3+$0x10] =	vst v5  }
0x173: {  	s19 =	simm.s32 $0xC32;
	v5 =	vadd.s32 s18, v0;
	v1 =	vld.idx.msk [tilespmem:v1+s21+$0x0], $0xffff  }
0x174: {  	v6 =	vadd.s32 s19, v0;
	s18 =	simm.s32 $0x4;
	[tilespmem:s31+$0x10] =	vst v7  }
0x175: {  	s22 =	simm.s32 $0xC30;
	v7 =	vadd.s32 s18, v0;
	v8 =	vld.idx.msk [tilespmem:v8+s21+$0x0], $0xffff  }
0x176: {  	v9 =	vadd.s32 s22, v0;
	s24 =	simm.s32 $0x5;
	[tilespmem:s12+$0x20] =	vst v2  }
0x177: {  	s26 =	simm.s32 $0x1043;
	v2 =	vadd.s32 s24, v0;
	[tilespmem:s0+$0x20] =	vst v3;
	v3 =	vld.idx.msk [tilespmem:v4+s21+$0x0], $0xffff  }
0x178: {  	s29 =	simm.s32 $0x1041;
	v4 =	vld.idx.msk [tilespmem:v5+s21+$0x0], $0xffff;
	[tilespmem:s3+$0x20] =	vst v1;
	v1 =	vadd.s32 s26, v0  }
0x179: {  	s5 =	simm.s32 $0x1042;
	v5 =	vld.idx.msk [tilespmem:v6+s21+$0x0], $0xffff;
	v6 =	vadd.s32 s29, v0  }
0x17a: {  	s7 =	simm.s32 $0x7;
	v7 =	vld.idx.msk [tilespmem:v7+s21+$0x0], $0xffff;
	[tilespmem:s31+$0x20] =	vst v8;
	v8 =	vadd.s32 s5, v0  }
0x17b: {  	v10 =	vadd.s32 s7, v0;
	s8 =	simm.s32 $0x1040;
	v9 =	vld.idx.msk [tilespmem:v9+s21+$0x0], $0xffff  }
0x17c: {  	s11 =	simm.s32 $0x6;
	v2 =	vld.idx.msk [tilespmem:v2+s21+$0x0], $0xffff;
	[tilespmem:s12+$0x30] =	vst v3;
	v3 =	vadd.s32 s8, v0  }
0x17d: {  	s5 =	simm.s32 $0x8;
	[tilespmem:s0+$0x30] =	vst v4;
	v4 =	vadd.s32 s11, v0;
	v1 =	vld.idx.msk [tilespmem:v1+s21+$0x0], $0xffff  }
0x17e: {  	s13 =	simm.s32 $0x1453;
	v12 =	vadd.s32 s5, v0;
	v6 =	vld.idx.msk [tilespmem:v6+s21+$0x0], $0xffff;
	[tilespmem:s3+$0x30] =	vst v5  }
0x17f: {  	s22 =	simm.s32 $0x1452;
	v5 =	vadd.s32 s13, v0;
	v8 =	vld.idx.msk [tilespmem:v8+s21+$0x0], $0xffff  }
0x180: {  	s2 =	simm.s32 $0x414;
	s7 =	simm.s32 $0x280;
	s19 =	simm.s32 $0x1451;
	[tilespmem:s31+$0x30] =	vst v9;
	v9 =	vld.idx.msk [tilespmem:v10+s21+$0x0], $0xffff;
	v10 =	vadd.s32 s22, v0  }
0x181: {  	s7 =	sand.u32 $0x280, s7;
	v11 =	vadd.s32 s19, v0;
	s24 =	simm.s32 $0x417;
	s22 =	simm.s32 $0x200;
	v3 =	vld.idx.msk [tilespmem:v3+s21+$0x0], $0xffff  }
0x182: {  	s19 =	simm.s32 $0x416;
	v13 =	vadd.s32 s24, v0;
	s26 =	simm.s32 $0x415;
	v4 =	vld.idx.msk [tilespmem:v4+s21+$0x0], $0xffff;
	s24 =	sand.u32 $0x1C00, s22;
	[tilespmem:s12+$0x40] =	vst v1  }
0x183: {  	v14 =	vadd.s32 s26, v0;
	s26 =	simm.s32 $0x300;
	s11 =	simm.s32 $0x380;
	s8 =	sadd.s32 $0x15680, s24;
	v1 =	vld.idx.msk [tilespmem:v12+s21+$0x0], $0xffff;
	[tilespmem:s0+$0x40] =	vst v6  }
0x184: {  	s29 =	sand.u32 $0x380, s11;
	s13 =	simm.s32 $0x1863;
	v12 =	vadd.s32 s2, v0;
	v5 =	vld.idx.msk [tilespmem:v5+s21+$0x0], $0xffff;
	v6 =	vadd.s32 s19, v0;
	s2 =	sadd.s32 s7, s8;
	[tilespmem:s3+$0x40] =	vst v8  }
0x185: {  	s22 =	sand.u32 $0x200, s22;
	s24 =	sand.u32 $0x300, s26;
	s30 =	sadd.s32 s29, s8;
	[tilespmem:s2+$0x0] =	vst v2;
	v8 =	vld.idx.msk [tilespmem:v10+s21+$0x0], $0xffff;
	v10 =	vadd.s32 s13, v0  }
0x186: {  	s26 =	simm.s32 $0x1450;
	s7 =	sadd.s32 s24, s8;
	s8 =	sadd.s32 s22, s8;
	v11 =	vld.idx.msk [tilespmem:v11+s21+$0x0], $0xffff;
	[tilespmem:s30+$0x0] =	vst v9  }
0x187: {  	s29 =	simm.s32 $0x1861;
	[tilespmem:s8+$0x0] =	vst v7;
	v9 =	vadd.s32 s26, v0;
	v2 =	vld.idx.msk [tilespmem:v13+s21+$0x0], $0xffff  }
0x188: {  	s13 =	simm.s32 $0x827;
	v13 =	vld.idx.msk [tilespmem:v14+s21+$0x0], $0xffff;
	[tilespmem:s7+$0x0] =	vst v4;
	v4 =	vadd.s32 s29, v0  }
0x189: {  	s22 =	simm.s32 $0x825;
	v14 =	vadd.s32 s13, v0;
	v6 =	vld.idx.msk [tilespmem:v6+s21+$0x0], $0xffff;
	[tilespmem:s12+$0x50] =	vst v5  }
0x18a: {  	s26 =	simm.s32 $0x826;
	[tilespmem:s31+$0x40] =	vst v3;
	v5 =	vadd.s32 s22, v0;
	v7 =	vld.idx.msk [tilespmem:v10+s21+$0x0], $0xffff  }
0x18b: {  	s29 =	simm.s32 $0x1C73;
	[tilespmem:s0+$0x50] =	vst v11;
	v10 =	vld.idx.msk [tilespmem:v12+s21+$0x0], $0xffff;
	v12 =	vadd.s32 s26, v0  }
0x18c: {  	s13 =	simm.s32 $0x824;
	v3 =	vld.idx.msk [tilespmem:v9+s21+$0x0], $0xffff;
	v9 =	vadd.s32 s29, v0;
	[tilespmem:s3+$0x50] =	vst v8  }
0x18d: {  	s24 =	simm.s32 $0x1862;
	v11 =	vadd.s32 s13, v0;
	[tilespmem:s30+$0x10] =	vst v2;
	v4 =	vld.idx.msk [tilespmem:v4+s21+$0x0], $0xffff  }
0x18e: {  	[tilespmem:s2+$0x10] =	vst v13;
	v13 =	vadd.s32 s24, v0;
	s24 =	simm.s32 $0x9;
	v2 =	vld.idx.msk [tilespmem:v14+s21+$0x0], $0xffff  }
0x18f: {  	s29 =	simm.s32 $0xC37;
	v8 =	vadd.s32 s24, v0;
	v5 =	vld.idx.msk [tilespmem:v5+s21+$0x0], $0xffff;
	[tilespmem:s7+$0x10] =	vst v6  }
0x190: {  	s13 =	simm.s32 $0xC35;
	v14 =	vadd.s32 s29, v0;
	v12 =	vld.idx.msk [tilespmem:v12+s21+$0x0], $0xffff;
	[tilespmem:s12+$0x60] =	vst v7  }
0x191: {  	s26 =	simm.s32 $0x1860;
	[tilespmem:s8+$0x10] =	vst v10;
	v10 =	vadd.s32 s13, v0;
	v9 =	vld.idx.msk [tilespmem:v9+s21+$0x0], $0xffff  }
0x192: {  	s22 =	simm.s32 $0xC36;
	v6 =	vadd.s32 s26, v0;
	v11 =	vld.idx.msk [tilespmem:v11+s21+$0x0], $0xffff  }
0x193: {  	v15 =	vadd.s32 s22, v0;
	s26 =	simm.s32 $0xC34;
	[tilespmem:s31+$0x50] =	vst v3;
	v16 =	vld.idx.msk [tilespmem:v13+s21+$0x0], $0xffff  }
0x194: {  	s29 =	simm.s32 $0x1C71;
	v13 =	vadd.s32 s26, v0;
	[tilespmem:s30+$0x20] =	vst v2;
	v2 =	vld.idx.msk [tilespmem:v8+s21+$0x0], $0xffff  }
0x195: {  	s13 =	simm.s32 $0x1C72;
	[tilespmem:s2+$0x20] =	vst v5;
	v7 =	vld.idx.msk [tilespmem:v14+s21+$0x0], $0xffff;
	v14 =	vadd.s32 s29, v0  }
0x196: {  	s22 =	simm.s32 $0x1047;
	v5 =	vld.idx.msk [tilespmem:v10+s21+$0x0], $0xffff;
	[tilespmem:s7+$0x20] =	vst v12;
	v10 =	vadd.s32 s13, v0  }
0x197: {  	s24 =	simm.s32 $0x1045;
	v3 =	vld.idx.msk [tilespmem:v6+s21+$0x0], $0xffff;
	[tilespmem:s8+$0x20] =	vst v11;
	v11 =	vadd.s32 s22, v0  }
0x198: {  	s26 =	simm.s32 $0x1046;
	[tilespmem:s0+$0x60] =	vst v4;
	v12 =	vadd.s32 s24, v0;
	v6 =	vld.idx.msk [tilespmem:v15+s21+$0x0], $0xffff  }
0x199: {  	s29 =	simm.s32 $0x1C70;
	[tilespmem:s12+$0x70] =	vst v9;
	v8 =	vld.idx.msk [tilespmem:v13+s21+$0x0], $0xffff;
	v13 =	vadd.s32 s26, v0  }
0x19a: {  	s19 =	simm.s32 $0xB;
	v4 =	vadd.s32 s29, v0;
	s12 =	simm.s32 $0xC;
	[tilespmem:s3+$0x60] =	vst v16;
	v9 =	vld.idx.msk [tilespmem:v14+s21+$0x0], $0xffff  }
.LBB2_9:
0x19b: {  	p2 =	slt.u32 s12, $0x3C;
	v14 =	vadd.s32 s19, v0;
	s19 =	sadd.s32 $0x1040, s18;
	[tilespmem:s30+$0x30] =	vst v7;
	v7 =	vld.idx.msk [tilespmem:v10+s21+$0x0], $0xffff  }
0x19c: {  	s22 =	sadd.s32 $0x2, s5;
	v10 =	vadd.s32 s19, v0;
	[tilespmem:s2+$0x30] =	vst v5;
	v5 =	vld.idx.msk [tilespmem:v11+s21+$0x0], $0xffff  }
0x19d: {  	v11 =	vadd.s32 s22, v0;
	s19 =	sadd.s32 $0x1453, s18;
	v12 =	vld.idx.msk [tilespmem:v12+s21+$0x0], $0xffff;
	[tilespmem:s7+$0x30] =	vst v6  }
0x19e: {  	s22 =	sadd.s32 $0x1451, s18;
	v6 =	vld.idx.msk [tilespmem:v13+s21+$0x0], $0xffff;
	v13 =	vadd.s32 s19, v0;
	[tilespmem:s31+$0x60] =	vst v3  }
0x19f: {  	v3 =	vadd.s32 s22, v0;
	s19 =	sadd.s32 $0x1452, s18;
	[tilespmem:s8+$0x30] =	vst v8;
	v4 =	vld.idx.msk [tilespmem:v4+s21+$0x0], $0xffff  }
0x1a0: {  	s24 =	sadd.s32 $0x411, s5;
	s22 =	sadd.s32 $0x410, s5;
	v8 =	vld.idx.msk [tilespmem:v14+s21+$0x0], $0xffff;
	v14 =	vadd.s32 s19, v0;
	[tilespmem:s0+$0x70] =	vst v9;
	s0 =	smov.u32 s2  }
0x1a1: {  	s11 =	sadd.s32 $0x200, s11;
	v9 =	vadd.s32 s12, v0;
	s2 =	sadd.s32 $0x412, s5;
	s19 =	sadd.s32 $0x413, s5;
	v10 =	vld.idx.msk [tilespmem:v10+s21+$0x0], $0xffff;
	[tilespmem:s3+$0x70] =	vst v7  }
0x1a2: {  	s26 =	sadd.s32 $0xFFFFFF00, s11;
	s29 =	sadd.s32 $0xFFFFFF80, s11;
	s3 =	sadd.s32 $0xFFFFFE80, s11;
	v7 =	vld.idx.msk [tilespmem:v11+s21+$0x0], $0xffff;
	v11 =	vadd.s32 s19, v0;
	[tilespmem:s30+$0x40] =	vst v5  }
0x1a3: {  	s26 =	sand.u32 $0x280, s26;
	s19 =	sand.u32 $0x200, s3;
	s3 =	sand.u32 $0x1C00, s3;
	v5 =	vadd.s32 s24, v0;
	[tilespmem:s0+$0x40] =	vst v12;
	v12 =	vld.idx.msk [tilespmem:v13+s21+$0x0], $0xffff  }
0x1a4: {  	s24 =	sadd.s32 $0x1863, s18;
	s3 =	sadd.s32 $0x15680, s3;
	v13 =	vadd.s32 s2, v0;
	s2 =	sand.u32 $0x380, s11;
	v3 =	vld.idx.msk [tilespmem:v3+s21+$0x0], $0xffff;
	[tilespmem:s7+$0x40] =	vst v6  }
0x1a5: {  	s29 =	sand.u32 $0x300, s29;
	s13 =	sadd.s32 s19, s3;
	s19 =	sadd.s32 s2, s3;
	v6 =	vld.idx.msk [tilespmem:v14+s21+$0x0], $0xffff;
	v14 =	vadd.s32 s24, v0;
	[tilespmem:s31+$0x70] =	vst v4  }
0x1a6: {  	s2 =	sadd.s32 s26, s3;
	v4 =	vld.idx.msk [tilespmem:v9+s21+$0x0], $0xffff;
	v9 =	vadd.s32 s22, v0;
	s22 =	sadd.s32 s29, s3;
	[tilespmem:s19+$0x0] =	vst v8;
	s3 =	sadd.s32 $0x1450, s18  }
0x1a7: {  	s31 =	smov.u32 s8;
	s8 =	smov.u32 s13;
	[tilespmem:s2+$0x0] =	vst v2;
	v2 =	vld.idx.msk [tilespmem:v11+s21+$0x0], $0xffff;
	v8 =	vadd.s32 s3, v0;
	s3 =	sadd.s32 $0x1861, s18  }
0x1a8: {  	s13 =	sadd.s32 $0x823, s5;
	v5 =	vld.idx.msk [tilespmem:v5+s21+$0x0], $0xffff;
	[tilespmem:s22+$0x0] =	vst v7;
	v7 =	vadd.s32 s3, v0;
	s3 =	smov.u32 s7;
	s7 =	smov.u32 s22  }
0x1a9: {  	s22 =	sadd.s32 $0x821, s5;
	v11 =	vld.idx.msk [tilespmem:v13+s21+$0x0], $0xffff;
	v13 =	vadd.s32 s13, v0;
	[tilespmem:s30+$0x50] =	vst v12  }
0x1aa: {  	v12 =	vadd.s32 s22, v0;
	s13 =	sadd.s32 $0x822, s5;
	[tilespmem:s8+$0x0] =	vst v1;
	v14 =	vld.idx.msk [tilespmem:v14+s21+$0x0], $0xffff  }
0x1ab: {  	v15 =	vadd.s32 s13, v0;
	s13 =	sadd.s32 $0x1C73, s18;
	v9 =	vld.idx.msk [tilespmem:v9+s21+$0x0], $0xffff;
	[tilespmem:s31+$0x40] =	vst v10  }
0x1ac: {  	s22 =	sadd.s32 $0x820, s5;
	v1 =	vmov v4;
	v8 =	vld.idx.msk [tilespmem:v8+s21+$0x0], $0xffff;
	[tilespmem:s0+$0x50] =	vst v3;
	v3 =	vadd.s32 s13, v0  }
0x1ad: {  	v4 =	vadd.s32 s22, v0;
	s13 =	sadd.s32 $0x1862, s18;
	[tilespmem:s19+$0x10] =	vst v2;
	v16 =	vld.idx.msk [tilespmem:v7+s21+$0x0], $0xffff  }
0x1ae: {  	s22 =	sadd.s32 $0x1860, s18;
	[tilespmem:s2+$0x10] =	vst v5;
	v2 =	vld.idx.msk [tilespmem:v13+s21+$0x0], $0xffff;
	v5 =	vadd.s32 s13, v0  }
0x1af: {  	v10 =	vadd.s32 s22, v0;
	s13 =	sadd.s32 $0xC33, s5;
	v7 =	vld.idx.msk [tilespmem:v12+s21+$0x0], $0xffff;
	[tilespmem:s7+$0x10] =	vst v11  }
0x1b0: {  	s22 =	sadd.s32 $0xC31, s5;
	v12 =	vadd.s32 s13, v0;
	v11 =	vld.idx.msk [tilespmem:v15+s21+$0x0], $0xffff;
	[tilespmem:s30+$0x60] =	vst v14  }
0x1b1: {  	s13 =	sadd.s32 $0xC32, s5;
	[tilespmem:s8+$0x10] =	vst v9;
	v9 =	vadd.s32 s22, v0;
	v13 =	vld.idx.msk [tilespmem:v3+s21+$0x0], $0xffff  }
0x1b2: {  	v14 =	vadd.s32 s13, v0;
	s22 =	sadd.s32 $0x1, s12;
	v4 =	vld.idx.msk [tilespmem:v4+s21+$0x0], $0xffff;
	[tilespmem:s3+$0x50] =	vst v6  }
0x1b3: {  	s13 =	sadd.s32 $0xC30, s5;
	v15 =	vadd.s32 s22, v0;
	[tilespmem:s31+$0x50] =	vst v8;
	v17 =	vld.idx.msk [tilespmem:v5+s21+$0x0], $0xffff  }
0x1b4: {  	v8 =	vadd.s32 s13, v0;
	s13 =	sadd.s32 $0x1C71, s18;
	[tilespmem:s19+$0x20] =	vst v2;
	v3 =	vld.idx.msk [tilespmem:v10+s21+$0x0], $0xffff  }
0x1b5: {  	v18 =	vadd.s32 s13, v0;
	s13 =	sadd.s32 $0x1C72, s18;
	[tilespmem:s2+$0x20] =	vst v7;
	v7 =	vld.idx.msk [tilespmem:v12+s21+$0x0], $0xffff  }
.Ltmp5:
0x1b6: {  	s22 =	sadd.s32 $0x1043, s5;
	v10 =	vadd.s32 s13, v0;
	v5 =	vld.idx.msk [tilespmem:v9+s21+$0x0], $0xffff;
	[tilespmem:s7+$0x20] =	vst v11;
	(pc) =	sbr.rel @p2 .LBB2_9-.Ltmp5, $4  }
0x1b7: {  	s13 =	sadd.s32 $0x1041, s5;
	v11 =	vadd.s32 s22, v0;
	v6 =	vld.idx.msk [tilespmem:v14+s21+$0x0], $0xffff;
	[tilespmem:s30+$0x70] =	vst v13;
	s30 =	smov.u32 s19  }
0x1b8: {  	v12 =	vadd.s32 s13, v0;
	s13 =	sadd.s32 $0x1042, s5;
	v2 =	vld.idx.msk [tilespmem:v15+s21+$0x0], $0xffff;
	[tilespmem:s8+$0x20] =	vst v4  }
0x1b9: {  	v13 =	vadd.s32 s13, v0;
	s13 =	sadd.s32 $0x1C70, s18;
	s18 =	smov.u32 s5;
	s5 =	smov.u32 s12;
	v8 =	vld.idx.msk [tilespmem:v8+s21+$0x0], $0xffff;
	[tilespmem:s0+$0x60] =	vst v16  }
0x1ba: {  	s12 =	sadd.s32 $0x4, s12;
	s19 =	sadd.s32 $0x3, s5;
	v4 =	vadd.s32 s13, v0;
	v9 =	vld.idx.msk [tilespmem:v18+s21+$0x0], $0xffff;
	[tilespmem:s3+$0x60] =	vst v17  }
0x1bb: {  	_ =	sdelay $0x2  }
0x1bc: {  	v14 =	vadd.s32 s19, v0;
	[tilespmem:s30+$0x30] =	vst v7  }
0x1bd: {  	v7 =	vld.idx.msk [tilespmem:v10+s21+$0x0], $0xffff;
	s12 =	sadd.s32 $0x2, s5;
	[tilespmem:s2+$0x30] =	vst v5  }
0x1be: {  	[tilespmem:s31+$0x60] =	vst v3;
	v5 =	vld.idx.msk [tilespmem:v11+s21+$0x0], $0xffff;
	v10 =	vadd.s32 s12, v0  }
0x1bf: {  	[tilespmem:s7+$0x30] =	vst v6;
	v6 =	vld.idx.msk [tilespmem:v12+s21+$0x0], $0xffff  }
0x1c0: {  	s24 =	sadd.s32 $0x1453, s18;
	v3 =	vld.idx.msk [tilespmem:v13+s21+$0x0], $0xffff;
	[tilespmem:s8+$0x30] =	vst v8  }
0x1c1: {  	s26 =	sadd.s32 $0x413, s5;
	s11 =	sadd.s32 $0x200, s11;
	v8 =	vadd.s32 s24, v0;
	[tilespmem:s0+$0x70] =	vst v9;
	v11 =	vld.idx.msk [tilespmem:v14+s21+$0x0], $0xffff  }
0x1c2: {  	s13 =	sadd.s32 $0x411, s5;
	s29 =	sadd.s32 $0x412, s5;
	s19 =	sadd.s32 $0xFFFFFE80, s11;
	[tilespmem:s3+$0x70] =	vst v7;
	v7 =	vadd.s32 s26, v0  }
0x1c3: {  	s12 =	sadd.s32 $0x1040, s18;
	s22 =	sand.u32 $0x1C00, s19;
	s24 =	sadd.s32 $0xFFFFFF00, s11;
	v9 =	vld.idx.msk [tilespmem:v10+s21+$0x0], $0xffff;
	[tilespmem:s30+$0x40] =	vst v5;
	v5 =	vadd.s32 s13, v0  }
0x1c4: {  	s22 =	sadd.s32 $0x15680, s22;
	s3 =	sadd.s32 $0x410, s5;
	s26 =	sand.u32 $0x380, s11;
	[tilespmem:s2+$0x40] =	vst v6;
	v6 =	vadd.s32 s29, v0  }
0x1c5: {  	v4 =	vld.idx.msk [tilespmem:v4+s21+$0x0], $0xffff;
	s11 =	sadd.s32 $0xFFFFFF80, s11;
	s13 =	sand.u32 $0x280, s24;
	s0 =	sadd.s32 s26, s22;
	[tilespmem:s7+$0x40] =	vst v3;
	v3 =	vadd.s32 s3, v0  }
0x1c6: {  	v10 =	vadd.s32 s12, v0;
	s29 =	sadd.s32 $0x1451, s18;
	s11 =	sand.u32 $0x300, s11;
	s3 =	sadd.s32 s13, s22;
	v8 =	vld.idx.msk [tilespmem:v8+s21+$0x0], $0xffff;
	[tilespmem:s0+$0x0] =	vst v11  }
0x1c7: {  	s13 =	sand.u32 $0x200, s19;
	s11 =	sadd.s32 s11, s22;
	s19 =	sadd.s32 $0x823, s5;
	[tilespmem:s3+$0x0] =	vst v2;
	v11 =	vadd.s32 s29, v0;
	v2 =	vld.idx.msk [tilespmem:v7+s21+$0x0], $0xffff  }
0x1c8: {  	s12 =	sadd.s32 s13, s22;
	s22 =	sadd.s32 $0x821, s5;
	v5 =	vld.idx.msk [tilespmem:v5+s21+$0x0], $0xffff;
	[tilespmem:s11+$0x0] =	vst v9;
	v7 =	vadd.s32 s19, v0  }
0x1c9: {  	s24 =	sadd.s32 $0x822, s5;
	[tilespmem:s12+$0x0] =	vst v1;
	v1 =	vadd.s32 s22, v0;
	v6 =	vld.idx.msk [tilespmem:v6+s21+$0x0], $0xffff  }
0x1ca: {  	[tilespmem:s31+$0x70] =	vst v4;
	s26 =	sadd.s32 $0x820, s5;
	v4 =	vadd.s32 s24, v0;
	v3 =	vld.idx.msk [tilespmem:v3+s21+$0x0], $0xffff  }
0x1cb: {  	s29 =	sadd.s32 $0x1863, s18;
	v9 =	vld.idx.msk [tilespmem:v10+s21+$0x0], $0xffff;
	[tilespmem:s30+$0x50] =	vst v8;
	v8 =	vadd.s32 s26, v0  }
0x1cc: {  	s31 =	sadd.s32 $0x1452, s18;
	v10 =	vld.idx.msk [tilespmem:v11+s21+$0x0], $0xffff;
	v11 =	vadd.s32 s29, v0;
	[tilespmem:s0+$0x10] =	vst v2  }
0x1cd: {  	s19 =	sadd.s32 $0xC33, s5;
	v2 =	vadd.s32 s31, v0;
	[tilespmem:s3+$0x10] =	vst v5;
	v5 =	vld.idx.msk [tilespmem:v7+s21+$0x0], $0xffff  }
0x1ce: {  	s22 =	sadd.s32 $0xC31, s5;
	v1 =	vld.idx.msk [tilespmem:v1+s21+$0x0], $0xffff;
	[tilespmem:s11+$0x10] =	vst v6;
	v6 =	vadd.s32 s19, v0  }
0x1cf: {  	s24 =	sadd.s32 $0xC32, s5;
	[tilespmem:s12+$0x10] =	vst v3;
	v3 =	vadd.s32 s22, v0;
	v4 =	vld.idx.msk [tilespmem:v4+s21+$0x0], $0xffff  }
0x1d0: {  	s26 =	sadd.s32 $0xC30, s5;
	[tilespmem:s8+$0x40] =	vst v9;
	v7 =	vld.idx.msk [tilespmem:v8+s21+$0x0], $0xffff;
	v8 =	vadd.s32 s24, v0  }
0x1d1: {  	s29 =	sadd.s32 $0x1450, s18;
	v9 =	vld.idx.msk [tilespmem:v11+s21+$0x0], $0xffff;
	[tilespmem:s2+$0x50] =	vst v10;
	v10 =	vadd.s32 s26, v0  }
0x1d2: {  	s31 =	sadd.s32 $0x1C73, s18;
	v11 =	vadd.s32 s29, v0;
	v2 =	vld.idx.msk [tilespmem:v2+s21+$0x0], $0xffff;
	[tilespmem:s0+$0x20] =	vst v5  }
0x1d3: {  	s19 =	sadd.s32 $0x1043, s5;
	v5 =	vadd.s32 s31, v0;
	[tilespmem:s3+$0x20] =	vst v1;
	v1 =	vld.idx.msk [tilespmem:v6+s21+$0x0], $0xffff  }
0x1d4: {  	s22 =	sadd.s32 $0x1041, s5;
	v3 =	vld.idx.msk [tilespmem:v3+s21+$0x0], $0xffff;
	[tilespmem:s11+$0x20] =	vst v4;
	v4 =	vadd.s32 s19, v0  }
0x1d5: {  	s24 =	sadd.s32 $0x1042, s5;
	[tilespmem:s12+$0x20] =	vst v7;
	v7 =	vadd.s32 s22, v0;
	v6 =	vld.idx.msk [tilespmem:v8+s21+$0x0], $0xffff  }
0x1d6: {  	s26 =	sadd.s32 $0x1040, s5;
	[tilespmem:s30+$0x60] =	vst v9;
	v8 =	vld.idx.msk [tilespmem:v10+s21+$0x0], $0xffff;
	v9 =	vadd.s32 s24, v0  }
0x1d7: {  	s29 =	sadd.s32 $0x1861, s18;
	v10 =	vld.idx.msk [tilespmem:v11+s21+$0x0], $0xffff;
	[tilespmem:s7+$0x50] =	vst v2;
	v2 =	vadd.s32 s26, v0  }
0x1d8: {  	s31 =	sadd.s32 $0x1862, s18;
	v11 =	vadd.s32 s29, v0;
	v5 =	vld.idx.msk [tilespmem:v5+s21+$0x0], $0xffff;
	[tilespmem:s0+$0x30] =	vst v1  }
0x1d9: {  	s19 =	sadd.s32 $0x1453, s5;
	v1 =	vadd.s32 s31, v0;
	[tilespmem:s3+$0x30] =	vst v3;
	v3 =	vld.idx.msk [tilespmem:v4+s21+$0x0], $0xffff  }
0x1da: {  	s22 =	sadd.s32 $0x1451, s5;
	v4 =	vld.idx.msk [tilespmem:v7+s21+$0x0], $0xffff;
	[tilespmem:s11+$0x30] =	vst v6;
	v6 =	vadd.s32 s19, v0  }
0x1db: {  	s24 =	sadd.s32 $0x1452, s5;
	v7 =	vld.idx.msk [tilespmem:v9+s21+$0x0], $0xffff;
	[tilespmem:s12+$0x30] =	vst v8;
	v8 =	vadd.s32 s22, v0  }
0x1dc: {  	s26 =	sadd.s32 $0x1450, s5;
	[tilespmem:s8+$0x50] =	vst v10;
	v9 =	vadd.s32 s24, v0;
	v2 =	vld.idx.msk [tilespmem:v2+s21+$0x0], $0xffff  }
0x1dd: {  	s29 =	sadd.s32 $0x1860, s18;
	v10 =	vld.idx.msk [tilespmem:v11+s21+$0x0], $0xffff;
	[tilespmem:s30+$0x70] =	vst v5;
	v5 =	vadd.s32 s26, v0  }
0x1de: {  	s31 =	sadd.s32 $0x1C71, s18;
	v11 =	vadd.s32 s29, v0;
	v1 =	vld.idx.msk [tilespmem:v1+s21+$0x0], $0xffff;
	[tilespmem:s0+$0x40] =	vst v3  }
0x1df: {  	s19 =	sadd.s32 $0x1863, s5;
	v3 =	vadd.s32 s31, v0;
	[tilespmem:s3+$0x40] =	vst v4;
	v4 =	vld.idx.msk [tilespmem:v6+s21+$0x0], $0xffff  }
0x1e0: {  	s22 =	sadd.s32 $0x1861, s5;
	v6 =	vld.idx.msk [tilespmem:v8+s21+$0x0], $0xffff;
	[tilespmem:s11+$0x40] =	vst v7;
	v7 =	vadd.s32 s19, v0  }
0x1e1: {  	s24 =	sadd.s32 $0x1862, s5;
	v8 =	vld.idx.msk [tilespmem:v9+s21+$0x0], $0xffff;
	v9 =	vadd.s32 s22, v0;
	[tilespmem:s12+$0x40] =	vst v2  }
0x1e2: {  	s26 =	sadd.s32 $0x1860, s5;
	[tilespmem:s2+$0x60] =	vst v10;
	v2 =	vld.idx.msk [tilespmem:v5+s21+$0x0], $0xffff;
	v5 =	vadd.s32 s24, v0  }
0x1e3: {  	s29 =	sadd.s32 $0x1C72, s18;
	v10 =	vld.idx.msk [tilespmem:v11+s21+$0x0], $0xffff;
	[tilespmem:s7+$0x60] =	vst v1;
	v1 =	vadd.s32 s26, v0  }
0x1e4: {  	s30 =	sadd.s32 $0x1C70, s18;
	v11 =	vadd.s32 s29, v0;
	v3 =	vld.idx.msk [tilespmem:v3+s21+$0x0], $0xffff;
	[tilespmem:s0+$0x50] =	vst v4  }
0x1e5: {  	s31 =	sadd.s32 $0x1C73, s5;
	v4 =	vadd.s32 s30, v0;
	[tilespmem:s3+$0x50] =	vst v6;
	v7 =	vld.idx.msk [tilespmem:v7+s21+$0x0], $0xffff  }
0x1e6: {  	s18 =	sadd.s32 $0x1C71, s5;
	v6 =	vadd.s32 s31, v0;
	v9 =	vld.idx.msk [tilespmem:v9+s21+$0x0], $0xffff;
	[tilespmem:s11+$0x50] =	vst v8  }
0x1e7: {  	s19 =	sadd.s32 $0x1C72, s5;
	[tilespmem:s12+$0x50] =	vst v2;
	v2 =	vld.idx.msk [tilespmem:v5+s21+$0x0], $0xffff;
	v5 =	vadd.s32 s18, v0  }
0x1e8: {  	s22 =	sadd.s32 $0x1C70, s5;
	[tilespmem:s8+$0x60] =	vst v10;
	v8 =	vadd.s32 s19, v0;
	v1 =	vld.idx.msk [tilespmem:v1+s21+$0x0], $0xffff  }
0x1e9: {  	v10 =	vld.idx.msk [tilespmem:v11+s21+$0x0], $0xffff;
	[tilespmem:s2+$0x70] =	vst v3;
	v3 =	vadd.s32 s22, v0  }
0x1ea: {  	v4 =	vld.idx.msk [tilespmem:v4+s21+$0x0], $0xffff;
	[tilespmem:s0+$0x60] =	vst v7  }
0x1eb: {  	[tilespmem:s3+$0x60] =	vst v9;
	v6 =	vld.idx.msk [tilespmem:v6+s21+$0x0], $0xffff  }
0x1ec: {  	v5 =	vld.idx.msk [tilespmem:v5+s21+$0x0], $0xffff;
	[tilespmem:s11+$0x60] =	vst v2  }
0x1ed: {  	v2 =	vld.idx.msk [tilespmem:v8+s21+$0x0], $0xffff;
	[tilespmem:s12+$0x60] =	vst v1  }
0x1ee: {  	[tilespmem:s7+$0x70] =	vst v10;
	v1 =	vld.idx.msk [tilespmem:v3+s21+$0x0], $0xffff  }
0x1ef: {  	[tilespmem:s8+$0x70] =	vst v4  }
0x1f0: {  	[tilespmem:s0+$0x70] =	vst v6  }
0x1f1: {  	s24 =	sshll.u32 s17, $0xF;
	[tilespmem:s3+$0x70] =	vst v5  }
0x1f2: {  	s0 =	sadd.s32 s1, s24;
	[tilespmem:s11+$0x70] =	vst v2  }
0x1f3: {  	s26 =	simm.s32 $0x15680;
	s0 =	sadd.s32 s6, s0;
	[tilespmem:s12+$0x70] =	vst v1  }
0x1f4: {  	[hbm4b:s0+s9] =	stream.strided.scatter [tilespmem:s26], [sflag:$0x6], $0x2000, s10, s9, $0x38;
	[tilespmem:$0x1B680] =	vst v63  }
0x1f5: {  	s0 =	sadd.s32 @!p1 $0x280, s16  }
0x1f6: {  	s2 =	simm.s32 @!p1 $0x80;
	s3 =	simm.s32 @!p1 $0xB600;
	s0 =	sand.u32 @!p1 $0xFE80, s0  }
0x1f7: {  	[tilespmem:s3], [sflag:$0x2] =	stream.indirect.gather @!p1 [hbm4b:s4+s2], $0x40, s0, s2, $0xb8;
	[tilespmem:$0x1B680] =	vst v63  }
0x1f8: {  	_ =	swait.ge [sflag:s25], $0x2000  }
0x1f9: {  	[sflag:s25] =	ssyncset.done $0x0  }
0x1fa: {  	s0 =	simm.s32 @!p0 $0x7;
	[sflag:s25] =	ssyncadd.s32 $0xFFFFE000  }
0x1fb: {  	s17 =	sor.u32 $0x2, s15;
	_ =	swait.ge @!p0 [sflag:s0], $0x2000  }
0x1fc: {  	s29 =	sshll.u32 s17, $0x6;
	[sflag:s0] =	ssyncset.done @!p0 $0x0  }
0x1fd: {  	s30 =	sand.u32 $0x3FFFFFC0, s29;
	[sflag:s0] =	ssyncadd.s32 @!p0 $0xFFFFE000  }
0x1fe: {  	v2 =	vld [tilespmem:s30+$0x6400]  }
0x1ff: {  	v3 =	vld [tilespmem:s30+$0x6410]  }
0x200: {  	v4 =	vld [tilespmem:s30+$0x6420]  }
0x201: {  	s31 =	simm.s32 $0xD7F0;
	v1 =	vld [tilespmem:s30+$0x6430]  }
0x202: {  	v5 =	vld [tilespmem:s31+$0xFFFFFFD0]  }
0x203: {  	v6 =	vld [tilespmem:s31+$0xFFFFFE50]  }
0x204: {  	v7 =	vld [tilespmem:s31+$0xFFFFFE90]  }
0x205: {  	v8 =	vld [tilespmem:s31+$0xFFFFFED0]  }
0x206: {  	v9 =	vld [tilespmem:s31+$0xFFFFFF10]  }
0x207: {  	v10 =	vld [tilespmem:s31+$0xFFFFFF50];
	v5 =	vadd.f32 v5, v2  }
0x208: {  	s0 =	simm.s32 $0x11704;
	v11 =	vld [tilespmem:s31+$0xFFFFFF90];
	v6 =	vadd.f32 v6, v2  }
0x209: {  	v59 =	vld [tilespmem:s31+$0xFFFFFE10];
	v7 =	vadd.f32 v7, v2;
	[tilespmem:s0+$0xC3] =	vst v5  }
0x20a: {  	[tilespmem:s0+$0xFFFFFF3D] =	vst v6;
	v5 =	vadd.f32 v8, v2;
	v6 =	vld [tilespmem:s31+$0xFFFFFFE0]  }
0x20b: {  	[tilespmem:s0+$0xFFFFFF7E] =	vst v7;
	v7 =	vadd.f32 v9, v2;
	v8 =	vld [tilespmem:s31+$0xFFFFFE60]  }
0x20c: {  	v9 =	vld [tilespmem:s31+$0xFFFFFEA0];
	[tilespmem:s0+$0xFFFFFFBF] =	vst v5;
	v5 =	vadd.f32 v10, v2  }
0x20d: {  	[tilespmem:s0+$0x0] =	vst v7;
	v7 =	vadd.f32 v11, v2;
	v10 =	vld [tilespmem:s31+$0xFFFFFEE0]  }
0x20e: {  	v11 =	vadd.f32 v59, v2;
	v60 =	vld [tilespmem:s31+$0xFFFFFF20];
	[tilespmem:s0+$0x41] =	vst v5  }
0x20f: {  	[tilespmem:s0+$0x82] =	vst v7;
	v5 =	vld [tilespmem:s31+$0xFFFFFF60];
	v6 =	vadd.f32 v6, v3  }
0x210: {  	[tilespmem:s0+$0xFFFFFEFC] =	vst v11;
	v7 =	vadd.f32 v8, v3;
	v8 =	vld [tilespmem:s31+$0xFFFFFFA0]  }
0x211: {  	v11 =	vld [tilespmem:s31+$0xFFFFFE20];
	v9 =	vadd.f32 v9, v3;
	[tilespmem:s0+$0xD3] =	vst v6  }
0x212: {  	[tilespmem:s0+$0xFFFFFF4D] =	vst v7;
	v6 =	vadd.f32 v10, v3;
	v7 =	vld [tilespmem:s31+$0xFFFFFFF0]  }
0x213: {  	[tilespmem:s0+$0xFFFFFF8E] =	vst v9;
	v9 =	vadd.f32 v60, v3;
	v10 =	vld [tilespmem:s31+$0xFFFFFE70]  }
0x214: {  	v61 =	vld [tilespmem:s31+$0xFFFFFEB0];
	[tilespmem:s0+$0xFFFFFFCF] =	vst v6;
	v5 =	vadd.f32 v5, v3  }
0x215: {  	[tilespmem:s0+$0x10] =	vst v9;
	v6 =	vld [tilespmem:s31+$0xFFFFFEF0];
	v8 =	vadd.f32 v8, v3  }
0x216: {  	v9 =	vadd.f32 v11, v3;
	v11 =	vld [tilespmem:s31+$0xFFFFFF30];
	[tilespmem:s0+$0x51] =	vst v5  }
0x217: {  	v5 =	vld [tilespmem:s31+$0xFFFFFF70];
	[tilespmem:s0+$0x92] =	vst v8;
	v7 =	vadd.f32 v7, v4  }
0x218: {  	[tilespmem:s0+$0xFFFFFF0C] =	vst v9;
	v8 =	vadd.f32 v10, v4;
	v9 =	vld [tilespmem:s31+$0xFFFFFFB0]  }
0x219: {  	v10 =	vld [tilespmem:s31+$0xFFFFFE30];
	v12 =	vadd.f32 v61, v4;
	[tilespmem:s0+$0xE3] =	vst v7  }
0x21a: {  	[tilespmem:s0+$0xFFFFFF5D] =	vst v8;
	v6 =	vadd.f32 v6, v4;
	v7 =	vld [tilespmem:s31+$0x0]  }
0x21b: {  	[tilespmem:s0+$0xFFFFFF9E] =	vst v12;
	v8 =	vadd.f32 v11, v4;
	v62 =	vld [tilespmem:s31+$0xFFFFFE80]  }
0x21c: {  	v12 =	vld [tilespmem:s31+$0xFFFFFEC0];
	[tilespmem:s0+$0xFFFFFFDF] =	vst v6;
	v6 =	vadd.f32 v5, v4  }
0x21d: {  	[tilespmem:s0+$0x20] =	vst v8;
	v5 =	vld [tilespmem:s31+$0xFFFFFF00];
	v9 =	vadd.f32 v9, v4  }
0x21e: {  	v10 =	vadd.f32 v10, v4;
	v8 =	vld [tilespmem:s31+$0xFFFFFF40];
	[tilespmem:s0+$0x61] =	vst v6  }
0x21f: {  	v6 =	vld [tilespmem:s31+$0xFFFFFF80];
	[tilespmem:s0+$0xA2] =	vst v9;
	v63 =	vadd.f32 v7, v1  }
0x220: {  	[tilespmem:s0+$0xFFFFFF1C] =	vst v10;
	v9 =	vld [tilespmem:s31+$0xFFFFFFC0];
	v11 =	vadd.f32 v62, v1  }
0x221: {  	s2 =	simm.s32 $0x0;
	s3 =	simm.s32 $0xD9F0;
	v7 =	vld [tilespmem:s31+$0xFFFFFE40];
	v10 =	vadd.f32 v12, v1;
	[tilespmem:s0+$0xF3] =	vst v63  }
.LBB2_11:
0x222: {  	v12 =	vld [tilespmem:s3+$0xFFFFFFD0];
	s2 =	sadd.s32 $0x8, s2;
	[tilespmem:s0+$0xFFFFFF6D] =	vst v11;
	v5 =	vadd.f32 v5, v1  }
0x223: {  	v11 =	vld [tilespmem:s3+$0xFFFFFE50];
	p2 =	slt.u32 s2, $0x78;
	[tilespmem:s0+$0xFFFFFFAE] =	vst v10;
	v8 =	vadd.f32 v8, v1  }
0x224: {  	v10 =	vld [tilespmem:s3+$0xFFFFFE90];
	[tilespmem:s0+$0xFFFFFFEF] =	vst v5;
	v5 =	vadd.f32 v6, v1  }
0x225: {  	v6 =	vld [tilespmem:s3+$0xFFFFFED0];
	[tilespmem:s0+$0x30] =	vst v8;
	v8 =	vadd.f32 v9, v1  }
0x226: {  	v9 =	vld [tilespmem:s3+$0xFFFFFF10];
	v7 =	vadd.f32 v7, v1;
	[tilespmem:s0+$0x71] =	vst v5  }
0x227: {  	v5 =	vld [tilespmem:s3+$0xFFFFFF50];
	v12 =	vadd.f32 v12, v2;
	[tilespmem:s0+$0xB2] =	vst v8  }
0x228: {  	v8 =	vadd.f32 v11, v2;
	v11 =	vld [tilespmem:s3+$0xFFFFFF90];
	[tilespmem:s0+$0xFFFFFF2C] =	vst v7;
	s0 =	sadd.s32 $0x208, s0  }
0x229: {  	v7 =	vld [tilespmem:s3+$0xFFFFFE10];
	v10 =	vadd.f32 v10, v2;
	[tilespmem:s0+$0xC3] =	vst v12  }
0x22a: {  	[tilespmem:s0+$0xFFFFFF3D] =	vst v8;
	v6 =	vadd.f32 v6, v2;
	v8 =	vld [tilespmem:s3+$0xFFFFFFE0]  }
0x22b: {  	v12 =	vld [tilespmem:s3+$0xFFFFFE60];
	[tilespmem:s0+$0xFFFFFF7E] =	vst v10;
	v9 =	vadd.f32 v9, v2  }
0x22c: {  	v10 =	vld [tilespmem:s3+$0xFFFFFEA0];
	[tilespmem:s0+$0xFFFFFFBF] =	vst v6;
	v5 =	vadd.f32 v5, v2  }
0x22d: {  	v6 =	vld [tilespmem:s3+$0xFFFFFEE0];
	[tilespmem:s0+$0x0] =	vst v9;
	v9 =	vadd.f32 v11, v2  }
0x22e: {  	v7 =	vadd.f32 v7, v2;
	v11 =	vld [tilespmem:s3+$0xFFFFFF20];
	[tilespmem:s0+$0x41] =	vst v5  }
0x22f: {  	v5 =	vld [tilespmem:s3+$0xFFFFFF60];
	[tilespmem:s0+$0x82] =	vst v9;
	v8 =	vadd.f32 v8, v3  }
0x230: {  	[tilespmem:s0+$0xFFFFFEFC] =	vst v7;
	v7 =	vadd.f32 v12, v3;
	v9 =	vld [tilespmem:s3+$0xFFFFFFA0]  }
0x231: {  	v12 =	vld [tilespmem:s3+$0xFFFFFE20];
	v10 =	vadd.f32 v10, v3;
	[tilespmem:s0+$0xD3] =	vst v8  }
0x232: {  	[tilespmem:s0+$0xFFFFFF4D] =	vst v7;
	v6 =	vadd.f32 v6, v3;
	v7 =	vld [tilespmem:s3+$0xFFFFFFF0]  }
0x233: {  	v8 =	vld [tilespmem:s3+$0xFFFFFE70];
	[tilespmem:s0+$0xFFFFFF8E] =	vst v10;
	v10 =	vadd.f32 v11, v3  }
0x234: {  	v11 =	vld [tilespmem:s3+$0xFFFFFEB0];
	[tilespmem:s0+$0xFFFFFFCF] =	vst v6;
	v5 =	vadd.f32 v5, v3  }
0x235: {  	v6 =	vld [tilespmem:s3+$0xFFFFFEF0];
	[tilespmem:s0+$0x10] =	vst v10;
	v9 =	vadd.f32 v9, v3  }
0x236: {  	v10 =	vadd.f32 v12, v3;
	v12 =	vld [tilespmem:s3+$0xFFFFFF30];
	[tilespmem:s0+$0x51] =	vst v5  }
0x237: {  	v5 =	vld [tilespmem:s3+$0xFFFFFF70];
	[tilespmem:s0+$0x92] =	vst v9;
	v7 =	vadd.f32 v7, v4  }
0x238: {  	[tilespmem:s0+$0xFFFFFF0C] =	vst v10;
	v8 =	vadd.f32 v8, v4;
	v9 =	vld [tilespmem:s3+$0xFFFFFFB0]  }
0x239: {  	v10 =	vld [tilespmem:s3+$0xFFFFFE30];
	v11 =	vadd.f32 v11, v4;
	[tilespmem:s0+$0xE3] =	vst v7  }
0x23a: {  	[tilespmem:s0+$0xFFFFFF5D] =	vst v8;
	v6 =	vadd.f32 v6, v4;
	v7 =	vld [tilespmem:s3+$0x0]  }
0x23b: {  	v13 =	vld [tilespmem:s3+$0xFFFFFE80];
	[tilespmem:s0+$0xFFFFFF9E] =	vst v11;
	v8 =	vadd.f32 v12, v4  }
0x23c: {  	v12 =	vld [tilespmem:s3+$0xFFFFFEC0];
	[tilespmem:s0+$0xFFFFFFDF] =	vst v6;
	v6 =	vadd.f32 v5, v4  }
.Ltmp6:
0x23d: {  	v5 =	vld [tilespmem:s3+$0xFFFFFF00];
	[tilespmem:s0+$0x20] =	vst v8;
	v9 =	vadd.f32 v9, v4;
	(pc) =	sbr.rel @p2 .LBB2_11-.Ltmp6, $4  }
0x23e: {  	v10 =	vadd.f32 v10, v4;
	v8 =	vld [tilespmem:s3+$0xFFFFFF40];
	[tilespmem:s0+$0x61] =	vst v6  }
0x23f: {  	v6 =	vld [tilespmem:s3+$0xFFFFFF80];
	[tilespmem:s0+$0xA2] =	vst v9;
	v14 =	vadd.f32 v7, v1  }
0x240: {  	[tilespmem:s0+$0xFFFFFF1C] =	vst v10;
	v11 =	vadd.f32 v13, v1;
	v9 =	vld [tilespmem:s3+$0xFFFFFFC0]  }
0x241: {  	s7 =	simm.s32 $0x0;
	s5 =	simm.s32 $0x180;
	v7 =	vld [tilespmem:s3+$0xFFFFFE40];
	v10 =	vadd.f32 v12, v1;
	[tilespmem:s0+$0xF3] =	vst v14;
	s3 =	sadd.s32 $0x200, s3  }
0x242: {  	[tilespmem:s0+$0xFFFFFF6D] =	vst v11;
	v2 =	vadd.f32 v5, v1  }
0x243: {  	s2 =	simm.s32 $0x3;
	[tilespmem:s0+$0xFFFFFFAE] =	vst v10;
	v3 =	vadd.f32 v8, v1  }
0x244: {  	s3 =	simm.s32 $0x1;
	v4 =	vadd.s32 s2, v0;
	[tilespmem:s0+$0xFFFFFFEF] =	vst v2;
	v2 =	vadd.f32 v6, v1  }
0x245: {  	s22 =	simm.s32 $0x2;
	v5 =	vadd.s32 s3, v0;
	[tilespmem:s0+$0x30] =	vst v3;
	v3 =	vadd.f32 v9, v1  }
0x246: {  	v1 =	vadd.f32 v7, v1;
	[tilespmem:s0+$0x71] =	vst v2;
	v2 =	vadd.s32 s22, v0  }
0x247: {  	[tilespmem:s0+$0xB2] =	vst v3  }
0x248: {  	[tilespmem:s0+$0xFFFFFF2C] =	vst v1;
	v1 =	vadd.s32 s7, v0  }
0x249: {  	s24 =	simm.s32 $0x413;
	v3 =	vld.idx.msk [tilespmem:v4+s21+$0x0], $0xffff  }
0x24a: {  	s26 =	simm.s32 $0x411;
	s29 =	simm.s32 $0x0;
	v4 =	vld.idx.msk [tilespmem:v5+s21+$0x0], $0xffff;
	v5 =	vadd.s32 s24, v0  }
0x24b: {  	s11 =	simm.s32 $0x410;
	s12 =	simm.s32 $0x412;
	s8 =	sand.u32 $0x1C00, s29;
	v6 =	vadd.s32 s26, v0;
	v2 =	vld.idx.msk [tilespmem:v2+s21+$0x0], $0xffff  }
0x24c: {  	s13 =	simm.s32 $0x80;
	s18 =	sand.u32 $0x380, s5;
	s8 =	sadd.s32 $0x17680, s8;
	v7 =	vadd.s32 s12, v0  }
0x24d: {  	s19 =	simm.s32 $0x100;
	s2 =	sand.u32 $0x280, s13;
	s12 =	sadd.s32 s18, s8;
	v1 =	vld.idx.msk [tilespmem:v1+s21+$0x0], $0xffff  }
0x24e: {  	v8 =	vadd.s32 s11, v0;
	s22 =	sand.u32 $0x300, s19;
	s0 =	sadd.s32 s2, s8;
	[tilespmem:s12+$0x0] =	vst v3  }
0x24f: {  	s3 =	sadd.s32 s22, s8;
	s24 =	simm.s32 $0x823;
	[tilespmem:s0+$0x0] =	vst v4;
	v3 =	vld.idx.msk [tilespmem:v5+s21+$0x0], $0xffff  }
0x250: {  	s26 =	sand.u32 $0x200, s29;
	s29 =	simm.s32 $0x821;
	v4 =	vld.idx.msk [tilespmem:v6+s21+$0x0], $0xffff;
	[tilespmem:s3+$0x0] =	vst v2;
	v2 =	vadd.s32 s24, v0  }
0x251: {  	s5 =	simm.s32 $0x822;
	s31 =	sadd.s32 s26, s8;
	v6 =	vadd.s32 s29, v0;
	v5 =	vld.idx.msk [tilespmem:v7+s21+$0x0], $0xffff  }
0x252: {  	[tilespmem:s31+$0x0] =	vst v1;
	v1 =	vadd.s32 s5, v0  }
0x253: {  	s7 =	simm.s32 $0x820;
	v7 =	vld.idx.msk [tilespmem:v8+s21+$0x0], $0xffff  }
0x254: {  	v8 =	vadd.s32 s7, v0;
	[tilespmem:s12+$0x10] =	vst v3  }
0x255: {  	s8 =	simm.s32 $0xC33;
	[tilespmem:s0+$0x10] =	vst v4;
	v2 =	vld.idx.msk [tilespmem:v2+s21+$0x0], $0xffff  }
0x256: {  	s11 =	simm.s32 $0xC31;
	v4 =	vadd.s32 s8, v0;
	v3 =	vld.idx.msk [tilespmem:v6+s21+$0x0], $0xffff;
	[tilespmem:s3+$0x10] =	vst v5  }
0x257: {  	s13 =	simm.s32 $0xC32;
	v5 =	vadd.s32 s11, v0;
	v1 =	vld.idx.msk [tilespmem:v1+s21+$0x0], $0xffff  }
0x258: {  	s18 =	simm.s32 $0x4;
	v6 =	vadd.s32 s13, v0;
	[tilespmem:s31+$0x10] =	vst v7  }
0x259: {  	s19 =	simm.s32 $0xC30;
	v7 =	vadd.s32 s18, v0;
	v8 =	vld.idx.msk [tilespmem:v8+s21+$0x0], $0xffff  }
0x25a: {  	s22 =	simm.s32 $0x5;
	v9 =	vadd.s32 s19, v0;
	[tilespmem:s12+$0x20] =	vst v2  }
0x25b: {  	s24 =	simm.s32 $0x1043;
	v2 =	vadd.s32 s22, v0;
	[tilespmem:s0+$0x20] =	vst v3;
	v3 =	vld.idx.msk [tilespmem:v4+s21+$0x0], $0xffff  }
0x25c: {  	s26 =	simm.s32 $0x1041;
	v4 =	vld.idx.msk [tilespmem:v5+s21+$0x0], $0xffff;
	[tilespmem:s3+$0x20] =	vst v1;
	v1 =	vadd.s32 s24, v0  }
0x25d: {  	s29 =	simm.s32 $0x1042;
	v5 =	vld.idx.msk [tilespmem:v6+s21+$0x0], $0xffff;
	v6 =	vadd.s32 s26, v0  }
0x25e: {  	s5 =	simm.s32 $0x7;
	v7 =	vld.idx.msk [tilespmem:v7+s21+$0x0], $0xffff;
	[tilespmem:s31+$0x20] =	vst v8;
	v8 =	vadd.s32 s29, v0  }
0x25f: {  	v10 =	vadd.s32 s5, v0;
	s7 =	simm.s32 $0x1040;
	v9 =	vld.idx.msk [tilespmem:v9+s21+$0x0], $0xffff  }
0x260: {  	s8 =	simm.s32 $0x6;
	v2 =	vld.idx.msk [tilespmem:v2+s21+$0x0], $0xffff;
	[tilespmem:s12+$0x30] =	vst v3;
	v3 =	vadd.s32 s7, v0  }
0x261: {  	s5 =	simm.s32 $0x8;
	[tilespmem:s0+$0x30] =	vst v4;
	v4 =	vadd.s32 s8, v0;
	v1 =	vld.idx.msk [tilespmem:v1+s21+$0x0], $0xffff  }
0x262: {  	v12 =	vadd.s32 s5, v0;
	s11 =	simm.s32 $0x1453;
	v6 =	vld.idx.msk [tilespmem:v6+s21+$0x0], $0xffff;
	[tilespmem:s3+$0x30] =	vst v5  }
0x263: {  	s19 =	simm.s32 $0x1452;
	v5 =	vadd.s32 s11, v0;
	v8 =	vld.idx.msk [tilespmem:v8+s21+$0x0], $0xffff  }
0x264: {  	s13 =	simm.s32 $0x1451;
	[tilespmem:s31+$0x30] =	vst v9;
	v9 =	vld.idx.msk [tilespmem:v10+s21+$0x0], $0xffff;
	v10 =	vadd.s32 s19, v0  }
0x265: {  	s2 =	simm.s32 $0x414;
	v11 =	vadd.s32 s13, v0;
	s22 =	simm.s32 $0x417;
	v3 =	vld.idx.msk [tilespmem:v3+s21+$0x0], $0xffff  }
0x266: {  	s13 =	simm.s32 $0x416;
	v13 =	vadd.s32 s22, v0;
	s24 =	simm.s32 $0x415;
	s19 =	simm.s32 $0x200;
	v4 =	vld.idx.msk [tilespmem:v4+s21+$0x0], $0xffff;
	[tilespmem:s12+$0x40] =	vst v1  }
0x267: {  	v14 =	vadd.s32 s24, v0;
	s29 =	simm.s32 $0x1863;
	s11 =	simm.s32 $0x380;
	s22 =	sand.u32 $0x1C00, s19;
	v1 =	vld.idx.msk [tilespmem:v12+s21+$0x0], $0xffff;
	[tilespmem:s0+$0x40] =	vst v6  }
0x268: {  	s7 =	simm.s32 $0x280;
	s26 =	sand.u32 $0x380, s11;
	s8 =	sadd.s32 $0x17680, s22;
	v5 =	vld.idx.msk [tilespmem:v5+s21+$0x0], $0xffff;
	v6 =	vadd.s32 s13, v0;
	[tilespmem:s3+$0x40] =	vst v8  }
0x269: {  	s24 =	simm.s32 $0x300;
	s7 =	sand.u32 $0x280, s7;
	s30 =	sadd.s32 s26, s8;
	v8 =	vld.idx.msk [tilespmem:v10+s21+$0x0], $0xffff;
	v10 =	vadd.s32 s29, v0  }
0x26a: {  	s22 =	sand.u32 $0x300, s24;
	v12 =	vadd.s32 s2, v0;
	s24 =	simm.s32 $0x1450;
	s2 =	sadd.s32 s7, s8;
	v11 =	vld.idx.msk [tilespmem:v11+s21+$0x0], $0xffff;
	[tilespmem:s30+$0x0] =	vst v9  }
0x26b: {  	s7 =	sadd.s32 s22, s8;
	s26 =	simm.s32 $0x1861;
	[tilespmem:s2+$0x0] =	vst v2;
	v9 =	vadd.s32 s24, v0;
	v2 =	vld.idx.msk [tilespmem:v13+s21+$0x0], $0xffff  }
0x26c: {  	s19 =	sand.u32 $0x200, s19;
	s29 =	simm.s32 $0x827;
	v13 =	vld.idx.msk [tilespmem:v14+s21+$0x0], $0xffff;
	[tilespmem:s7+$0x0] =	vst v4;
	v4 =	vadd.s32 s26, v0  }
0x26d: {  	s8 =	sadd.s32 s19, s8;
	s19 =	simm.s32 $0x825;
	v14 =	vadd.s32 s29, v0;
	v6 =	vld.idx.msk [tilespmem:v6+s21+$0x0], $0xffff;
	[tilespmem:s12+$0x50] =	vst v5  }
0x26e: {  	[tilespmem:s8+$0x0] =	vst v7;
	s24 =	simm.s32 $0x826;
	v5 =	vadd.s32 s19, v0;
	v7 =	vld.idx.msk [tilespmem:v10+s21+$0x0], $0xffff  }
0x26f: {  	[tilespmem:s31+$0x40] =	vst v3;
	s26 =	simm.s32 $0x1C73;
	v10 =	vld.idx.msk [tilespmem:v12+s21+$0x0], $0xffff;
	v12 =	vadd.s32 s24, v0  }
0x270: {  	s29 =	simm.s32 $0x824;
	[tilespmem:s0+$0x50] =	vst v11;
	v3 =	vld.idx.msk [tilespmem:v9+s21+$0x0], $0xffff;
	v9 =	vadd.s32 s26, v0  }
0x271: {  	s22 =	simm.s32 $0x1862;
	v11 =	vadd.s32 s29, v0;
	[tilespmem:s30+$0x10] =	vst v2;
	v4 =	vld.idx.msk [tilespmem:v4+s21+$0x0], $0xffff  }
0x272: {  	s24 =	simm.s32 $0x1860;
	[tilespmem:s2+$0x10] =	vst v13;
	v13 =	vadd.s32 s22, v0;
	v2 =	vld.idx.msk [tilespmem:v14+s21+$0x0], $0xffff  }
0x273: {  	s26 =	simm.s32 $0xC37;
	v5 =	vld.idx.msk [tilespmem:v5+s21+$0x0], $0xffff;
	[tilespmem:s7+$0x10] =	vst v6;
	v6 =	vadd.s32 s24, v0  }
0x274: {  	s29 =	simm.s32 $0xC35;
	v14 =	vadd.s32 s26, v0;
	v12 =	vld.idx.msk [tilespmem:v12+s21+$0x0], $0xffff;
	[tilespmem:s12+$0x60] =	vst v7  }
0x275: {  	s24 =	simm.s32 $0x9;
	[tilespmem:s8+$0x10] =	vst v10;
	v10 =	vadd.s32 s29, v0;
	v9 =	vld.idx.msk [tilespmem:v9+s21+$0x0], $0xffff  }
0x276: {  	[tilespmem:s3+$0x50] =	vst v8;
	s22 =	simm.s32 $0xC36;
	v8 =	vadd.s32 s24, v0;
	v11 =	vld.idx.msk [tilespmem:v11+s21+$0x0], $0xffff  }
0x277: {  	v15 =	vadd.s32 s22, v0;
	s26 =	simm.s32 $0xC34;
	[tilespmem:s31+$0x50] =	vst v3;
	v16 =	vld.idx.msk [tilespmem:v13+s21+$0x0], $0xffff  }
0x278: {  	s29 =	simm.s32 $0x1C71;
	v13 =	vadd.s32 s26, v0;
	[tilespmem:s30+$0x20] =	vst v2;
	v3 =	vld.idx.msk [tilespmem:v6+s21+$0x0], $0xffff  }
0x279: {  	s19 =	simm.s32 $0x1C72;
	[tilespmem:s2+$0x20] =	vst v5;
	v7 =	vld.idx.msk [tilespmem:v14+s21+$0x0], $0xffff;
	v14 =	vadd.s32 s29, v0  }
0x27a: {  	s22 =	simm.s32 $0x1047;
	v5 =	vld.idx.msk [tilespmem:v10+s21+$0x0], $0xffff;
	[tilespmem:s7+$0x20] =	vst v12;
	v10 =	vadd.s32 s19, v0  }
0x27b: {  	s24 =	simm.s32 $0x1045;
	v2 =	vld.idx.msk [tilespmem:v8+s21+$0x0], $0xffff;
	[tilespmem:s8+$0x20] =	vst v11;
	v11 =	vadd.s32 s22, v0  }
0x27c: {  	s26 =	simm.s32 $0x1046;
	[tilespmem:s0+$0x60] =	vst v4;
	v12 =	vadd.s32 s24, v0;
	v6 =	vld.idx.msk [tilespmem:v15+s21+$0x0], $0xffff  }
0x27d: {  	s29 =	simm.s32 $0x1C70;
	[tilespmem:s12+$0x70] =	vst v9;
	v8 =	vld.idx.msk [tilespmem:v13+s21+$0x0], $0xffff;
	v13 =	vadd.s32 s26, v0  }
0x27e: {  	v4 =	vadd.s32 s29, v0;
	s19 =	simm.s32 $0xB;
	s12 =	simm.s32 $0xC;
	[tilespmem:s3+$0x60] =	vst v16;
	v9 =	vld.idx.msk [tilespmem:v14+s21+$0x0], $0xffff  }
.LBB2_13:
0x27f: {  	p2 =	slt.u32 s12, $0x3C;
	v14 =	vadd.s32 s19, v0;
	s13 =	sadd.s32 $0x1040, s18;
	[tilespmem:s30+$0x30] =	vst v7;
	v7 =	vld.idx.msk [tilespmem:v10+s21+$0x0], $0xffff  }
0x280: {  	s19 =	sadd.s32 $0x2, s5;
	v10 =	vadd.s32 s13, v0;
	[tilespmem:s2+$0x30] =	vst v5;
	v5 =	vld.idx.msk [tilespmem:v11+s21+$0x0], $0xffff  }
0x281: {  	v11 =	vadd.s32 s19, v0;
	s13 =	sadd.s32 $0x1453, s18;
	v12 =	vld.idx.msk [tilespmem:v12+s21+$0x0], $0xffff;
	[tilespmem:s7+$0x30] =	vst v6  }
0x282: {  	s19 =	sadd.s32 $0x1451, s18;
	v6 =	vld.idx.msk [tilespmem:v13+s21+$0x0], $0xffff;
	v13 =	vadd.s32 s13, v0;
	[tilespmem:s31+$0x60] =	vst v3  }
0x283: {  	v3 =	vadd.s32 s19, v0;
	s13 =	sadd.s32 $0x1452, s18;
	[tilespmem:s8+$0x30] =	vst v8;
	v4 =	vld.idx.msk [tilespmem:v4+s21+$0x0], $0xffff  }
0x284: {  	s22 =	sadd.s32 $0x410, s5;
	s19 =	sadd.s32 $0x411, s5;
	v8 =	vld.idx.msk [tilespmem:v14+s21+$0x0], $0xffff;
	v14 =	vadd.s32 s13, v0;
	[tilespmem:s0+$0x70] =	vst v9;
	s0 =	smov.u32 s2  }
0x285: {  	s11 =	sadd.s32 $0x200, s11;
	v9 =	vadd.s32 s12, v0;
	s2 =	sadd.s32 $0x412, s5;
	s13 =	sadd.s32 $0x413, s5;
	v10 =	vld.idx.msk [tilespmem:v10+s21+$0x0], $0xffff;
	[tilespmem:s3+$0x70] =	vst v7  }
0x286: {  	s24 =	sadd.s32 $0xFFFFFF00, s11;
	s26 =	sadd.s32 $0xFFFFFF80, s11;
	s3 =	sadd.s32 $0xFFFFFE80, s11;
	v7 =	vld.idx.msk [tilespmem:v11+s21+$0x0], $0xffff;
	v11 =	vadd.s32 s13, v0;
	[tilespmem:s30+$0x40] =	vst v5  }
0x287: {  	s24 =	sand.u32 $0x280, s24;
	s13 =	sand.u32 $0x200, s3;
	s3 =	sand.u32 $0x1C00, s3;
	v5 =	vadd.s32 s19, v0;
	[tilespmem:s0+$0x40] =	vst v12;
	v12 =	vld.idx.msk [tilespmem:v13+s21+$0x0], $0xffff  }
0x288: {  	s29 =	sadd.s32 $0x1863, s18;
	s3 =	sadd.s32 $0x17680, s3;
	v13 =	vadd.s32 s2, v0;
	s2 =	sand.u32 $0x380, s11;
	v3 =	vld.idx.msk [tilespmem:v3+s21+$0x0], $0xffff;
	[tilespmem:s7+$0x40] =	vst v6  }
0x289: {  	s26 =	sand.u32 $0x300, s26;
	s13 =	sadd.s32 s13, s3;
	s19 =	sadd.s32 s2, s3;
	v6 =	vld.idx.msk [tilespmem:v14+s21+$0x0], $0xffff;
	v14 =	vadd.s32 s29, v0;
	[tilespmem:s31+$0x70] =	vst v4  }
0x28a: {  	s2 =	sadd.s32 s24, s3;
	v4 =	vld.idx.msk [tilespmem:v9+s21+$0x0], $0xffff;
	v9 =	vadd.s32 s22, v0;
	s22 =	sadd.s32 s26, s3;
	[tilespmem:s19+$0x0] =	vst v8;
	s3 =	sadd.s32 $0x1450, s18  }
0x28b: {  	s31 =	smov.u32 s8;
	s8 =	smov.u32 s13;
	[tilespmem:s2+$0x0] =	vst v2;
	v2 =	vld.idx.msk [tilespmem:v11+s21+$0x0], $0xffff;
	v8 =	vadd.s32 s3, v0;
	s3 =	sadd.s32 $0x1861, s18  }
0x28c: {  	s13 =	sadd.s32 $0x823, s5;
	v5 =	vld.idx.msk [tilespmem:v5+s21+$0x0], $0xffff;
	[tilespmem:s22+$0x0] =	vst v7;
	v7 =	vadd.s32 s3, v0;
	s3 =	smov.u32 s7;
	s7 =	smov.u32 s22  }
0x28d: {  	s22 =	sadd.s32 $0x821, s5;
	v11 =	vld.idx.msk [tilespmem:v13+s21+$0x0], $0xffff;
	v13 =	vadd.s32 s13, v0;
	[tilespmem:s30+$0x50] =	vst v12  }
0x28e: {  	v12 =	vadd.s32 s22, v0;
	s13 =	sadd.s32 $0x822, s5;
	[tilespmem:s8+$0x0] =	vst v1;
	v14 =	vld.idx.msk [tilespmem:v14+s21+$0x0], $0xffff  }
0x28f: {  	v15 =	vadd.s32 s13, v0;
	s13 =	sadd.s32 $0x1C73, s18;
	v9 =	vld.idx.msk [tilespmem:v9+s21+$0x0], $0xffff;
	[tilespmem:s31+$0x40] =	vst v10  }
0x290: {  	s22 =	sadd.s32 $0x820, s5;
	v1 =	vmov v4;
	v8 =	vld.idx.msk [tilespmem:v8+s21+$0x0], $0xffff;
	[tilespmem:s0+$0x50] =	vst v3;
	v3 =	vadd.s32 s13, v0  }
0x291: {  	v4 =	vadd.s32 s22, v0;
	s13 =	sadd.s32 $0x1862, s18;
	[tilespmem:s19+$0x10] =	vst v2;
	v16 =	vld.idx.msk [tilespmem:v7+s21+$0x0], $0xffff  }
0x292: {  	s22 =	sadd.s32 $0x1860, s18;
	[tilespmem:s2+$0x10] =	vst v5;
	v2 =	vld.idx.msk [tilespmem:v13+s21+$0x0], $0xffff;
	v5 =	vadd.s32 s13, v0  }
0x293: {  	v10 =	vadd.s32 s22, v0;
	s13 =	sadd.s32 $0xC33, s5;
	v7 =	vld.idx.msk [tilespmem:v12+s21+$0x0], $0xffff;
	[tilespmem:s7+$0x10] =	vst v11  }
0x294: {  	s22 =	sadd.s32 $0xC31, s5;
	v12 =	vadd.s32 s13, v0;
	v11 =	vld.idx.msk [tilespmem:v15+s21+$0x0], $0xffff;
	[tilespmem:s30+$0x60] =	vst v14  }
0x295: {  	s13 =	sadd.s32 $0xC32, s5;
	[tilespmem:s8+$0x10] =	vst v9;
	v9 =	vadd.s32 s22, v0;
	v13 =	vld.idx.msk [tilespmem:v3+s21+$0x0], $0xffff  }
0x296: {  	v14 =	vadd.s32 s13, v0;
	s22 =	sadd.s32 $0x1, s12;
	v4 =	vld.idx.msk [tilespmem:v4+s21+$0x0], $0xffff;
	[tilespmem:s3+$0x50] =	vst v6  }
0x297: {  	s13 =	sadd.s32 $0xC30, s5;
	v15 =	vadd.s32 s22, v0;
	[tilespmem:s31+$0x50] =	vst v8;
	v17 =	vld.idx.msk [tilespmem:v5+s21+$0x0], $0xffff  }
0x298: {  	v8 =	vadd.s32 s13, v0;
	s13 =	sadd.s32 $0x1C71, s18;
	[tilespmem:s19+$0x20] =	vst v2;
	v3 =	vld.idx.msk [tilespmem:v10+s21+$0x0], $0xffff  }
0x299: {  	v18 =	vadd.s32 s13, v0;
	s13 =	sadd.s32 $0x1C72, s18;
	[tilespmem:s2+$0x20] =	vst v7;
	v7 =	vld.idx.msk [tilespmem:v12+s21+$0x0], $0xffff  }
.Ltmp7:
0x29a: {  	s22 =	sadd.s32 $0x1043, s5;
	v10 =	vadd.s32 s13, v0;
	v5 =	vld.idx.msk [tilespmem:v9+s21+$0x0], $0xffff;
	[tilespmem:s7+$0x20] =	vst v11;
	(pc) =	sbr.rel @p2 .LBB2_13-.Ltmp7, $4  }
0x29b: {  	s13 =	sadd.s32 $0x1041, s5;
	v11 =	vadd.s32 s22, v0;
	v6 =	vld.idx.msk [tilespmem:v14+s21+$0x0], $0xffff;
	[tilespmem:s30+$0x70] =	vst v13;
	s30 =	smov.u32 s19  }
0x29c: {  	v12 =	vadd.s32 s13, v0;
	s13 =	sadd.s32 $0x1042, s5;
	v2 =	vld.idx.msk [tilespmem:v15+s21+$0x0], $0xffff;
	[tilespmem:s8+$0x20] =	vst v4  }
0x29d: {  	v13 =	vadd.s32 s13, v0;
	s13 =	sadd.s32 $0x1C70, s18;
	s18 =	smov.u32 s5;
	s5 =	smov.u32 s12;
	v8 =	vld.idx.msk [tilespmem:v8+s21+$0x0], $0xffff;
	[tilespmem:s0+$0x60] =	vst v16  }
0x29e: {  	s12 =	sadd.s32 $0x4, s12;
	s19 =	sadd.s32 $0x3, s5;
	v4 =	vadd.s32 s13, v0;
	v9 =	vld.idx.msk [tilespmem:v18+s21+$0x0], $0xffff;
	[tilespmem:s3+$0x60] =	vst v17  }
0x29f: {  	_ =	sdelay $0x2  }
0x2a0: {  	v14 =	vadd.s32 s19, v0;
	[tilespmem:s30+$0x30] =	vst v7  }
0x2a1: {  	v7 =	vld.idx.msk [tilespmem:v10+s21+$0x0], $0xffff;
	s12 =	sadd.s32 $0x2, s5;
	[tilespmem:s2+$0x30] =	vst v5  }
0x2a2: {  	[tilespmem:s31+$0x60] =	vst v3;
	v5 =	vld.idx.msk [tilespmem:v11+s21+$0x0], $0xffff;
	v10 =	vadd.s32 s12, v0  }
0x2a3: {  	[tilespmem:s7+$0x30] =	vst v6;
	v6 =	vld.idx.msk [tilespmem:v12+s21+$0x0], $0xffff  }
0x2a4: {  	s24 =	sadd.s32 $0x1453, s18;
	v3 =	vld.idx.msk [tilespmem:v13+s21+$0x0], $0xffff;
	[tilespmem:s8+$0x30] =	vst v8  }
0x2a5: {  	s26 =	sadd.s32 $0x413, s5;
	s11 =	sadd.s32 $0x200, s11;
	v8 =	vadd.s32 s24, v0;
	[tilespmem:s0+$0x70] =	vst v9;
	v11 =	vld.idx.msk [tilespmem:v14+s21+$0x0], $0xffff  }
0x2a6: {  	s13 =	sadd.s32 $0x411, s5;
	s29 =	sadd.s32 $0x412, s5;
	s19 =	sadd.s32 $0xFFFFFE80, s11;
	[tilespmem:s3+$0x70] =	vst v7;
	v7 =	vadd.s32 s26, v0  }
0x2a7: {  	s12 =	sadd.s32 $0x1040, s18;
	s22 =	sand.u32 $0x1C00, s19;
	s24 =	sadd.s32 $0xFFFFFF00, s11;
	v9 =	vld.idx.msk [tilespmem:v10+s21+$0x0], $0xffff;
	[tilespmem:s30+$0x40] =	vst v5;
	v5 =	vadd.s32 s13, v0  }
0x2a8: {  	s22 =	sadd.s32 $0x17680, s22;
	s3 =	sadd.s32 $0x410, s5;
	s26 =	sand.u32 $0x380, s11;
	[tilespmem:s2+$0x40] =	vst v6;
	v6 =	vadd.s32 s29, v0  }
0x2a9: {  	v4 =	vld.idx.msk [tilespmem:v4+s21+$0x0], $0xffff;
	s11 =	sadd.s32 $0xFFFFFF80, s11;
	s13 =	sand.u32 $0x280, s24;
	s0 =	sadd.s32 s26, s22;
	[tilespmem:s7+$0x40] =	vst v3;
	v3 =	vadd.s32 s3, v0  }
0x2aa: {  	v10 =	vadd.s32 s12, v0;
	s29 =	sadd.s32 $0x1451, s18;
	s11 =	sand.u32 $0x300, s11;
	s3 =	sadd.s32 s13, s22;
	v8 =	vld.idx.msk [tilespmem:v8+s21+$0x0], $0xffff;
	[tilespmem:s0+$0x0] =	vst v11  }
0x2ab: {  	s13 =	sand.u32 $0x200, s19;
	s11 =	sadd.s32 s11, s22;
	s19 =	sadd.s32 $0x823, s5;
	[tilespmem:s3+$0x0] =	vst v2;
	v11 =	vadd.s32 s29, v0;
	v2 =	vld.idx.msk [tilespmem:v7+s21+$0x0], $0xffff  }
0x2ac: {  	s12 =	sadd.s32 s13, s22;
	s22 =	sadd.s32 $0x821, s5;
	v5 =	vld.idx.msk [tilespmem:v5+s21+$0x0], $0xffff;
	[tilespmem:s11+$0x0] =	vst v9;
	v7 =	vadd.s32 s19, v0  }
0x2ad: {  	s24 =	sadd.s32 $0x822, s5;
	[tilespmem:s12+$0x0] =	vst v1;
	v1 =	vadd.s32 s22, v0;
	v6 =	vld.idx.msk [tilespmem:v6+s21+$0x0], $0xffff  }
0x2ae: {  	[tilespmem:s31+$0x70] =	vst v4;
	s26 =	sadd.s32 $0x820, s5;
	v4 =	vadd.s32 s24, v0;
	v3 =	vld.idx.msk [tilespmem:v3+s21+$0x0], $0xffff  }
0x2af: {  	s29 =	sadd.s32 $0x1863, s18;
	v9 =	vld.idx.msk [tilespmem:v10+s21+$0x0], $0xffff;
	[tilespmem:s30+$0x50] =	vst v8;
	v8 =	vadd.s32 s26, v0  }
0x2b0: {  	s31 =	sadd.s32 $0x1452, s18;
	v10 =	vld.idx.msk [tilespmem:v11+s21+$0x0], $0xffff;
	v11 =	vadd.s32 s29, v0;
	[tilespmem:s0+$0x10] =	vst v2  }
0x2b1: {  	s19 =	sadd.s32 $0xC33, s5;
	v2 =	vadd.s32 s31, v0;
	[tilespmem:s3+$0x10] =	vst v5;
	v5 =	vld.idx.msk [tilespmem:v7+s21+$0x0], $0xffff  }
0x2b2: {  	s22 =	sadd.s32 $0xC31, s5;
	v1 =	vld.idx.msk [tilespmem:v1+s21+$0x0], $0xffff;
	[tilespmem:s11+$0x10] =	vst v6;
	v6 =	vadd.s32 s19, v0  }
0x2b3: {  	s24 =	sadd.s32 $0xC32, s5;
	[tilespmem:s12+$0x10] =	vst v3;
	v3 =	vadd.s32 s22, v0;
	v4 =	vld.idx.msk [tilespmem:v4+s21+$0x0], $0xffff  }
0x2b4: {  	s26 =	sadd.s32 $0xC30, s5;
	[tilespmem:s8+$0x40] =	vst v9;
	v7 =	vld.idx.msk [tilespmem:v8+s21+$0x0], $0xffff;
	v8 =	vadd.s32 s24, v0  }
0x2b5: {  	s29 =	sadd.s32 $0x1450, s18;
	v9 =	vld.idx.msk [tilespmem:v11+s21+$0x0], $0xffff;
	[tilespmem:s2+$0x50] =	vst v10;
	v10 =	vadd.s32 s26, v0  }
0x2b6: {  	s31 =	sadd.s32 $0x1C73, s18;
	v11 =	vadd.s32 s29, v0;
	v2 =	vld.idx.msk [tilespmem:v2+s21+$0x0], $0xffff;
	[tilespmem:s0+$0x20] =	vst v5  }
0x2b7: {  	s19 =	sadd.s32 $0x1043, s5;
	v5 =	vadd.s32 s31, v0;
	[tilespmem:s3+$0x20] =	vst v1;
	v1 =	vld.idx.msk [tilespmem:v6+s21+$0x0], $0xffff  }
0x2b8: {  	s22 =	sadd.s32 $0x1041, s5;
	v3 =	vld.idx.msk [tilespmem:v3+s21+$0x0], $0xffff;
	[tilespmem:s11+$0x20] =	vst v4;
	v4 =	vadd.s32 s19, v0  }
0x2b9: {  	s24 =	sadd.s32 $0x1042, s5;
	[tilespmem:s12+$0x20] =	vst v7;
	v7 =	vadd.s32 s22, v0;
	v6 =	vld.idx.msk [tilespmem:v8+s21+$0x0], $0xffff  }
0x2ba: {  	s26 =	sadd.s32 $0x1040, s5;
	[tilespmem:s30+$0x60] =	vst v9;
	v8 =	vld.idx.msk [tilespmem:v10+s21+$0x0], $0xffff;
	v9 =	vadd.s32 s24, v0  }
0x2bb: {  	s29 =	sadd.s32 $0x1861, s18;
	v10 =	vld.idx.msk [tilespmem:v11+s21+$0x0], $0xffff;
	[tilespmem:s7+$0x50] =	vst v2;
	v2 =	vadd.s32 s26, v0  }
0x2bc: {  	s31 =	sadd.s32 $0x1862, s18;
	v11 =	vadd.s32 s29, v0;
	v5 =	vld.idx.msk [tilespmem:v5+s21+$0x0], $0xffff;
	[tilespmem:s0+$0x30] =	vst v1  }
0x2bd: {  	s19 =	sadd.s32 $0x1453, s5;
	v1 =	vadd.s32 s31, v0;
	[tilespmem:s3+$0x30] =	vst v3;
	v3 =	vld.idx.msk [tilespmem:v4+s21+$0x0], $0xffff  }
0x2be: {  	s22 =	sadd.s32 $0x1451, s5;
	v4 =	vld.idx.msk [tilespmem:v7+s21+$0x0], $0xffff;
	[tilespmem:s11+$0x30] =	vst v6;
	v6 =	vadd.s32 s19, v0  }
0x2bf: {  	s24 =	sadd.s32 $0x1452, s5;
	v7 =	vld.idx.msk [tilespmem:v9+s21+$0x0], $0xffff;
	[tilespmem:s12+$0x30] =	vst v8;
	v8 =	vadd.s32 s22, v0  }
0x2c0: {  	s26 =	sadd.s32 $0x1450, s5;
	[tilespmem:s8+$0x50] =	vst v10;
	v9 =	vadd.s32 s24, v0;
	v2 =	vld.idx.msk [tilespmem:v2+s21+$0x0], $0xffff  }
0x2c1: {  	s29 =	sadd.s32 $0x1860, s18;
	v10 =	vld.idx.msk [tilespmem:v11+s21+$0x0], $0xffff;
	[tilespmem:s30+$0x70] =	vst v5;
	v5 =	vadd.s32 s26, v0  }
0x2c2: {  	s31 =	sadd.s32 $0x1C71, s18;
	v11 =	vadd.s32 s29, v0;
	v1 =	vld.idx.msk [tilespmem:v1+s21+$0x0], $0xffff;
	[tilespmem:s0+$0x40] =	vst v3  }
0x2c3: {  	s19 =	sadd.s32 $0x1863, s5;
	v3 =	vadd.s32 s31, v0;
	[tilespmem:s3+$0x40] =	vst v4;
	v4 =	vld.idx.msk [tilespmem:v6+s21+$0x0], $0xffff  }
0x2c4: {  	s22 =	sadd.s32 $0x1861, s5;
	v6 =	vld.idx.msk [tilespmem:v8+s21+$0x0], $0xffff;
	[tilespmem:s11+$0x40] =	vst v7;
	v7 =	vadd.s32 s19, v0  }
0x2c5: {  	s24 =	sadd.s32 $0x1862, s5;
	v8 =	vld.idx.msk [tilespmem:v9+s21+$0x0], $0xffff;
	v9 =	vadd.s32 s22, v0;
	[tilespmem:s12+$0x40] =	vst v2  }
0x2c6: {  	s26 =	sadd.s32 $0x1860, s5;
	[tilespmem:s2+$0x60] =	vst v10;
	v2 =	vld.idx.msk [tilespmem:v5+s21+$0x0], $0xffff;
	v5 =	vadd.s32 s24, v0  }
0x2c7: {  	s29 =	sadd.s32 $0x1C72, s18;
	v10 =	vld.idx.msk [tilespmem:v11+s21+$0x0], $0xffff;
	[tilespmem:s7+$0x60] =	vst v1;
	v1 =	vadd.s32 s26, v0  }
0x2c8: {  	s30 =	sadd.s32 $0x1C70, s18;
	v11 =	vadd.s32 s29, v0;
	v3 =	vld.idx.msk [tilespmem:v3+s21+$0x0], $0xffff;
	[tilespmem:s0+$0x50] =	vst v4  }
0x2c9: {  	s31 =	sadd.s32 $0x1C73, s5;
	v4 =	vadd.s32 s30, v0;
	[tilespmem:s3+$0x50] =	vst v6;
	v7 =	vld.idx.msk [tilespmem:v7+s21+$0x0], $0xffff  }
0x2ca: {  	s18 =	sadd.s32 $0x1C71, s5;
	v6 =	vadd.s32 s31, v0;
	v9 =	vld.idx.msk [tilespmem:v9+s21+$0x0], $0xffff;
	[tilespmem:s11+$0x50] =	vst v8  }
0x2cb: {  	s19 =	sadd.s32 $0x1C72, s5;
	[tilespmem:s12+$0x50] =	vst v2;
	v2 =	vld.idx.msk [tilespmem:v5+s21+$0x0], $0xffff;
	v5 =	vadd.s32 s18, v0  }
0x2cc: {  	s22 =	sadd.s32 $0x1C70, s5;
	[tilespmem:s8+$0x60] =	vst v10;
	v8 =	vadd.s32 s19, v0;
	v1 =	vld.idx.msk [tilespmem:v1+s21+$0x0], $0xffff  }
0x2cd: {  	v10 =	vld.idx.msk [tilespmem:v11+s21+$0x0], $0xffff;
	[tilespmem:s2+$0x70] =	vst v3;
	v3 =	vadd.s32 s22, v0  }
0x2ce: {  	v4 =	vld.idx.msk [tilespmem:v4+s21+$0x0], $0xffff;
	[tilespmem:s0+$0x60] =	vst v7  }
0x2cf: {  	[tilespmem:s3+$0x60] =	vst v9;
	v6 =	vld.idx.msk [tilespmem:v6+s21+$0x0], $0xffff  }
0x2d0: {  	v5 =	vld.idx.msk [tilespmem:v5+s21+$0x0], $0xffff;
	[tilespmem:s11+$0x60] =	vst v2  }
0x2d1: {  	v2 =	vld.idx.msk [tilespmem:v8+s21+$0x0], $0xffff;
	[tilespmem:s12+$0x60] =	vst v1  }
0x2d2: {  	[tilespmem:s7+$0x70] =	vst v10;
	v1 =	vld.idx.msk [tilespmem:v3+s21+$0x0], $0xffff  }
0x2d3: {  	[tilespmem:s8+$0x70] =	vst v4  }
0x2d4: {  	[tilespmem:s0+$0x70] =	vst v6  }
0x2d5: {  	s24 =	sshll.u32 s17, $0xF;
	[tilespmem:s3+$0x70] =	vst v5  }
0x2d6: {  	s0 =	sadd.s32 s1, s24;
	[tilespmem:s11+$0x70] =	vst v2  }
0x2d7: {  	s26 =	simm.s32 $0x17680;
	s0 =	sadd.s32 s6, s0;
	[tilespmem:s12+$0x70] =	vst v1  }
0x2d8: {  	[hbm4b:s0+s9] =	stream.strided.scatter [tilespmem:s26], [sflag:$0x7], $0x2000, s10, s9, $0x38;
	[tilespmem:$0x1B680] =	vst v63  }
0x2d9: {  	s0 =	sadd.s32 @!p1 $0x300, s16  }
0x2da: {  	s2 =	simm.s32 @!p1 $0x80;
	s3 =	simm.s32 @!p1 $0xD600;
	s0 =	sand.u32 @!p1 $0xFF00, s0  }
0x2db: {  	[tilespmem:s3], [sflag:$0x3] =	stream.indirect.gather @!p1 [hbm4b:s4+s2], $0x40, s0, s2, $0xb8;
	[tilespmem:$0x1B680] =	vst v63  }
0x2dc: {  	_ =	swait.ge [sflag:s28], $0x2000  }
0x2dd: {  	[sflag:s28] =	ssyncset.done $0x0  }
0x2de: {  	s0 =	simm.s32 @!p0 $0x8;
	[sflag:s28] =	ssyncadd.s32 $0xFFFFE000  }
0x2df: {  	s16 =	sor.u32 $0x3, s15;
	_ =	swait.ge @!p0 [sflag:s0], $0x2000  }
0x2e0: {  	s29 =	sshll.u32 s16, $0x6;
	[sflag:s0] =	ssyncset.done @!p0 $0x0  }
0x2e1: {  	s30 =	sand.u32 $0x3FFFFFC0, s29;
	[sflag:s0] =	ssyncadd.s32 @!p0 $0xFFFFE000  }
0x2e2: {  	v2 =	vld [tilespmem:s30+$0x6400]  }
0x2e3: {  	v3 =	vld [tilespmem:s30+$0x6410]  }
0x2e4: {  	v4 =	vld [tilespmem:s30+$0x6420]  }
0x2e5: {  	s31 =	simm.s32 $0xF7F0;
	v1 =	vld [tilespmem:s30+$0x6430]  }
0x2e6: {  	v5 =	vld [tilespmem:s31+$0xFFFFFFD0]  }
0x2e7: {  	v6 =	vld [tilespmem:s31+$0xFFFFFE50]  }
0x2e8: {  	v7 =	vld [tilespmem:s31+$0xFFFFFE90]  }
0x2e9: {  	v8 =	vld [tilespmem:s31+$0xFFFFFED0]  }
0x2ea: {  	v9 =	vld [tilespmem:s31+$0xFFFFFF10]  }
0x2eb: {  	v10 =	vld [tilespmem:s31+$0xFFFFFF50];
	v5 =	vadd.f32 v5, v2  }
0x2ec: {  	s0 =	simm.s32 $0x11704;
	v11 =	vld [tilespmem:s31+$0xFFFFFF90];
	v6 =	vadd.f32 v6, v2  }
0x2ed: {  	v59 =	vld [tilespmem:s31+$0xFFFFFE10];
	v7 =	vadd.f32 v7, v2;
	[tilespmem:s0+$0xC3] =	vst v5  }
0x2ee: {  	[tilespmem:s0+$0xFFFFFF3D] =	vst v6;
	v5 =	vadd.f32 v8, v2;
	v6 =	vld [tilespmem:s31+$0xFFFFFFE0]  }
0x2ef: {  	[tilespmem:s0+$0xFFFFFF7E] =	vst v7;
	v7 =	vadd.f32 v9, v2;
	v8 =	vld [tilespmem:s31+$0xFFFFFE60]  }
0x2f0: {  	v9 =	vld [tilespmem:s31+$0xFFFFFEA0];
	[tilespmem:s0+$0xFFFFFFBF] =	vst v5;
	v5 =	vadd.f32 v10, v2  }
0x2f1: {  	[tilespmem:s0+$0x0] =	vst v7;
	v7 =	vadd.f32 v11, v2;
	v10 =	vld [tilespmem:s31+$0xFFFFFEE0]  }
0x2f2: {  	v11 =	vadd.f32 v59, v2;
	v60 =	vld [tilespmem:s31+$0xFFFFFF20];
	[tilespmem:s0+$0x41] =	vst v5  }
0x2f3: {  	[tilespmem:s0+$0x82] =	vst v7;
	v5 =	vld [tilespmem:s31+$0xFFFFFF60];
	v6 =	vadd.f32 v6, v3  }
0x2f4: {  	[tilespmem:s0+$0xFFFFFEFC] =	vst v11;
	v7 =	vadd.f32 v8, v3;
	v8 =	vld [tilespmem:s31+$0xFFFFFFA0]  }
0x2f5: {  	v11 =	vld [tilespmem:s31+$0xFFFFFE20];
	v9 =	vadd.f32 v9, v3;
	[tilespmem:s0+$0xD3] =	vst v6  }
0x2f6: {  	[tilespmem:s0+$0xFFFFFF4D] =	vst v7;
	v6 =	vadd.f32 v10, v3;
	v7 =	vld [tilespmem:s31+$0xFFFFFFF0]  }
0x2f7: {  	[tilespmem:s0+$0xFFFFFF8E] =	vst v9;
	v9 =	vadd.f32 v60, v3;
	v10 =	vld [tilespmem:s31+$0xFFFFFE70]  }
0x2f8: {  	v61 =	vld [tilespmem:s31+$0xFFFFFEB0];
	[tilespmem:s0+$0xFFFFFFCF] =	vst v6;
	v5 =	vadd.f32 v5, v3  }
0x2f9: {  	[tilespmem:s0+$0x10] =	vst v9;
	v6 =	vld [tilespmem:s31+$0xFFFFFEF0];
	v8 =	vadd.f32 v8, v3  }
0x2fa: {  	v9 =	vadd.f32 v11, v3;
	v11 =	vld [tilespmem:s31+$0xFFFFFF30];
	[tilespmem:s0+$0x51] =	vst v5  }
0x2fb: {  	v5 =	vld [tilespmem:s31+$0xFFFFFF70];
	[tilespmem:s0+$0x92] =	vst v8;
	v7 =	vadd.f32 v7, v4  }
0x2fc: {  	[tilespmem:s0+$0xFFFFFF0C] =	vst v9;
	v8 =	vadd.f32 v10, v4;
	v9 =	vld [tilespmem:s31+$0xFFFFFFB0]  }
0x2fd: {  	v10 =	vld [tilespmem:s31+$0xFFFFFE30];
	v12 =	vadd.f32 v61, v4;
	[tilespmem:s0+$0xE3] =	vst v7  }
0x2fe: {  	[tilespmem:s0+$0xFFFFFF5D] =	vst v8;
	v6 =	vadd.f32 v6, v4;
	v7 =	vld [tilespmem:s31+$0x0]  }
0x2ff: {  	[tilespmem:s0+$0xFFFFFF9E] =	vst v12;
	v8 =	vadd.f32 v11, v4;
	v62 =	vld [tilespmem:s31+$0xFFFFFE80]  }
0x300: {  	v12 =	vld [tilespmem:s31+$0xFFFFFEC0];
	[tilespmem:s0+$0xFFFFFFDF] =	vst v6;
	v6 =	vadd.f32 v5, v4  }
0x301: {  	[tilespmem:s0+$0x20] =	vst v8;
	v5 =	vld [tilespmem:s31+$0xFFFFFF00];
	v9 =	vadd.f32 v9, v4  }
0x302: {  	v10 =	vadd.f32 v10, v4;
	v8 =	vld [tilespmem:s31+$0xFFFFFF40];
	[tilespmem:s0+$0x61] =	vst v6  }
0x303: {  	v6 =	vld [tilespmem:s31+$0xFFFFFF80];
	[tilespmem:s0+$0xA2] =	vst v9;
	v63 =	vadd.f32 v7, v1  }
0x304: {  	[tilespmem:s0+$0xFFFFFF1C] =	vst v10;
	v9 =	vld [tilespmem:s31+$0xFFFFFFC0];
	v11 =	vadd.f32 v62, v1  }
0x305: {  	s2 =	simm.s32 $0x0;
	s3 =	simm.s32 $0xF9F0;
	v7 =	vld [tilespmem:s31+$0xFFFFFE40];
	v10 =	vadd.f32 v12, v1;
	[tilespmem:s0+$0xF3] =	vst v63  }
.LBB2_15:
0x306: {  	v12 =	vld [tilespmem:s3+$0xFFFFFFD0];
	s2 =	sadd.s32 $0x8, s2;
	[tilespmem:s0+$0xFFFFFF6D] =	vst v11;
	v5 =	vadd.f32 v5, v1  }
0x307: {  	v11 =	vld [tilespmem:s3+$0xFFFFFE50];
	p0 =	slt.u32 s2, $0x78;
	[tilespmem:s0+$0xFFFFFFAE] =	vst v10;
	v8 =	vadd.f32 v8, v1  }
0x308: {  	v10 =	vld [tilespmem:s3+$0xFFFFFE90];
	[tilespmem:s0+$0xFFFFFFEF] =	vst v5;
	v5 =	vadd.f32 v6, v1  }
0x309: {  	v6 =	vld [tilespmem:s3+$0xFFFFFED0];
	[tilespmem:s0+$0x30] =	vst v8;
	v8 =	vadd.f32 v9, v1  }
0x30a: {  	v9 =	vld [tilespmem:s3+$0xFFFFFF10];
	v7 =	vadd.f32 v7, v1;
	[tilespmem:s0+$0x71] =	vst v5  }
0x30b: {  	v5 =	vld [tilespmem:s3+$0xFFFFFF50];
	v12 =	vadd.f32 v12, v2;
	[tilespmem:s0+$0xB2] =	vst v8  }
0x30c: {  	v8 =	vadd.f32 v11, v2;
	v11 =	vld [tilespmem:s3+$0xFFFFFF90];
	[tilespmem:s0+$0xFFFFFF2C] =	vst v7;
	s0 =	sadd.s32 $0x208, s0  }
0x30d: {  	v7 =	vld [tilespmem:s3+$0xFFFFFE10];
	v10 =	vadd.f32 v10, v2;
	[tilespmem:s0+$0xC3] =	vst v12  }
0x30e: {  	[tilespmem:s0+$0xFFFFFF3D] =	vst v8;
	v6 =	vadd.f32 v6, v2;
	v8 =	vld [tilespmem:s3+$0xFFFFFFE0]  }
0x30f: {  	v12 =	vld [tilespmem:s3+$0xFFFFFE60];
	[tilespmem:s0+$0xFFFFFF7E] =	vst v10;
	v9 =	vadd.f32 v9, v2  }
0x310: {  	v10 =	vld [tilespmem:s3+$0xFFFFFEA0];
	[tilespmem:s0+$0xFFFFFFBF] =	vst v6;
	v5 =	vadd.f32 v5, v2  }
0x311: {  	v6 =	vld [tilespmem:s3+$0xFFFFFEE0];
	[tilespmem:s0+$0x0] =	vst v9;
	v9 =	vadd.f32 v11, v2  }
0x312: {  	v7 =	vadd.f32 v7, v2;
	v11 =	vld [tilespmem:s3+$0xFFFFFF20];
	[tilespmem:s0+$0x41] =	vst v5  }
0x313: {  	v5 =	vld [tilespmem:s3+$0xFFFFFF60];
	[tilespmem:s0+$0x82] =	vst v9;
	v8 =	vadd.f32 v8, v3  }
0x314: {  	[tilespmem:s0+$0xFFFFFEFC] =	vst v7;
	v7 =	vadd.f32 v12, v3;
	v9 =	vld [tilespmem:s3+$0xFFFFFFA0]  }
0x315: {  	v12 =	vld [tilespmem:s3+$0xFFFFFE20];
	v10 =	vadd.f32 v10, v3;
	[tilespmem:s0+$0xD3] =	vst v8  }
0x316: {  	[tilespmem:s0+$0xFFFFFF4D] =	vst v7;
	v6 =	vadd.f32 v6, v3;
	v7 =	vld [tilespmem:s3+$0xFFFFFFF0]  }
0x317: {  	v8 =	vld [tilespmem:s3+$0xFFFFFE70];
	[tilespmem:s0+$0xFFFFFF8E] =	vst v10;
	v10 =	vadd.f32 v11, v3  }
0x318: {  	v11 =	vld [tilespmem:s3+$0xFFFFFEB0];
	[tilespmem:s0+$0xFFFFFFCF] =	vst v6;
	v5 =	vadd.f32 v5, v3  }
0x319: {  	v6 =	vld [tilespmem:s3+$0xFFFFFEF0];
	[tilespmem:s0+$0x10] =	vst v10;
	v9 =	vadd.f32 v9, v3  }
0x31a: {  	v10 =	vadd.f32 v12, v3;
	v12 =	vld [tilespmem:s3+$0xFFFFFF30];
	[tilespmem:s0+$0x51] =	vst v5  }
0x31b: {  	v5 =	vld [tilespmem:s3+$0xFFFFFF70];
	[tilespmem:s0+$0x92] =	vst v9;
	v7 =	vadd.f32 v7, v4  }
0x31c: {  	[tilespmem:s0+$0xFFFFFF0C] =	vst v10;
	v8 =	vadd.f32 v8, v4;
	v9 =	vld [tilespmem:s3+$0xFFFFFFB0]  }
0x31d: {  	v10 =	vld [tilespmem:s3+$0xFFFFFE30];
	v11 =	vadd.f32 v11, v4;
	[tilespmem:s0+$0xE3] =	vst v7  }
0x31e: {  	[tilespmem:s0+$0xFFFFFF5D] =	vst v8;
	v6 =	vadd.f32 v6, v4;
	v7 =	vld [tilespmem:s3+$0x0]  }
0x31f: {  	v13 =	vld [tilespmem:s3+$0xFFFFFE80];
	[tilespmem:s0+$0xFFFFFF9E] =	vst v11;
	v8 =	vadd.f32 v12, v4  }
0x320: {  	v12 =	vld [tilespmem:s3+$0xFFFFFEC0];
	[tilespmem:s0+$0xFFFFFFDF] =	vst v6;
	v6 =	vadd.f32 v5, v4  }
.Ltmp8:
0x321: {  	v5 =	vld [tilespmem:s3+$0xFFFFFF00];
	[tilespmem:s0+$0x20] =	vst v8;
	v9 =	vadd.f32 v9, v4;
	(pc) =	sbr.rel @p0 .LBB2_15-.Ltmp8, $4  }
0x322: {  	v10 =	vadd.f32 v10, v4;
	v8 =	vld [tilespmem:s3+$0xFFFFFF40];
	[tilespmem:s0+$0x61] =	vst v6  }
0x323: {  	v6 =	vld [tilespmem:s3+$0xFFFFFF80];
	[tilespmem:s0+$0xA2] =	vst v9;
	v14 =	vadd.f32 v7, v1  }
0x324: {  	[tilespmem:s0+$0xFFFFFF1C] =	vst v10;
	v11 =	vadd.f32 v13, v1;
	v9 =	vld [tilespmem:s3+$0xFFFFFFC0]  }
0x325: {  	s7 =	simm.s32 $0x0;
	s5 =	simm.s32 $0x180;
	v7 =	vld [tilespmem:s3+$0xFFFFFE40];
	v10 =	vadd.f32 v12, v1;
	[tilespmem:s0+$0xF3] =	vst v14;
	s3 =	sadd.s32 $0x200, s3  }
0x326: {  	[tilespmem:s0+$0xFFFFFF6D] =	vst v11;
	v2 =	vadd.f32 v5, v1  }
0x327: {  	s2 =	simm.s32 $0x3;
	[tilespmem:s0+$0xFFFFFFAE] =	vst v10;
	v3 =	vadd.f32 v8, v1  }
0x328: {  	s3 =	simm.s32 $0x1;
	v4 =	vadd.s32 s2, v0;
	[tilespmem:s0+$0xFFFFFFEF] =	vst v2;
	v2 =	vadd.f32 v6, v1  }
0x329: {  	s13 =	simm.s32 $0x2;
	v5 =	vadd.s32 s3, v0;
	[tilespmem:s0+$0x30] =	vst v3;
	v3 =	vadd.f32 v9, v1  }
0x32a: {  	v1 =	vadd.f32 v7, v1;
	[tilespmem:s0+$0x71] =	vst v2;
	v2 =	vadd.s32 s13, v0  }
0x32b: {  	[tilespmem:s0+$0xB2] =	vst v3  }
0x32c: {  	[tilespmem:s0+$0xFFFFFF2C] =	vst v1;
	v1 =	vadd.s32 s7, v0  }
0x32d: {  	s17 =	simm.s32 $0x413;
	v3 =	vld.idx.msk [tilespmem:v4+s21+$0x0], $0xffff  }
0x32e: {  	s18 =	simm.s32 $0x411;
	s19 =	simm.s32 $0x0;
	v4 =	vld.idx.msk [tilespmem:v5+s21+$0x0], $0xffff;
	v5 =	vadd.s32 s17, v0  }
0x32f: {  	s22 =	simm.s32 $0x410;
	s24 =	simm.s32 $0x412;
	s8 =	sand.u32 $0x1C00, s19;
	v6 =	vadd.s32 s18, v0;
	v2 =	vld.idx.msk [tilespmem:v2+s21+$0x0], $0xffff  }
0x330: {  	s26 =	simm.s32 $0x80;
	s29 =	sand.u32 $0x380, s5;
	s8 =	sadd.s32 $0x19680, s8;
	v7 =	vadd.s32 s24, v0  }
0x331: {  	s31 =	simm.s32 $0x100;
	s2 =	sand.u32 $0x280, s26;
	s12 =	sadd.s32 s29, s8;
	v1 =	vld.idx.msk [tilespmem:v1+s21+$0x0], $0xffff  }
0x332: {  	s5 =	sand.u32 $0x300, s31;
	v8 =	vadd.s32 s22, v0;
	s0 =	sadd.s32 s2, s8;
	[tilespmem:s12+$0x0] =	vst v3  }
0x333: {  	s11 =	simm.s32 $0x823;
	s3 =	sadd.s32 s5, s8;
	[tilespmem:s0+$0x0] =	vst v4;
	v3 =	vld.idx.msk [tilespmem:v5+s21+$0x0], $0xffff  }
0x334: {  	s13 =	sand.u32 $0x200, s19;
	s17 =	simm.s32 $0x821;
	v4 =	vld.idx.msk [tilespmem:v6+s21+$0x0], $0xffff;
	[tilespmem:s3+$0x0] =	vst v2;
	v2 =	vadd.s32 s11, v0  }
0x335: {  	s18 =	simm.s32 $0x822;
	s30 =	sadd.s32 s13, s8;
	v6 =	vadd.s32 s17, v0;
	v5 =	vld.idx.msk [tilespmem:v7+s21+$0x0], $0xffff  }
0x336: {  	[tilespmem:s30+$0x0] =	vst v1;
	v1 =	vadd.s32 s18, v0  }
0x337: {  	s19 =	simm.s32 $0x820;
	v7 =	vld.idx.msk [tilespmem:v8+s21+$0x0], $0xffff  }
0x338: {  	v8 =	vadd.s32 s19, v0;
	[tilespmem:s12+$0x10] =	vst v3  }
0x339: {  	s22 =	simm.s32 $0xC33;
	[tilespmem:s0+$0x10] =	vst v4;
	v2 =	vld.idx.msk [tilespmem:v2+s21+$0x0], $0xffff  }
0x33a: {  	s24 =	simm.s32 $0xC31;
	v4 =	vadd.s32 s22, v0;
	v3 =	vld.idx.msk [tilespmem:v6+s21+$0x0], $0xffff;
	[tilespmem:s3+$0x10] =	vst v5  }
0x33b: {  	s26 =	simm.s32 $0xC32;
	v5 =	vadd.s32 s24, v0;
	v1 =	vld.idx.msk [tilespmem:v1+s21+$0x0], $0xffff  }
0x33c: {  	s17 =	simm.s32 $0x4;
	v6 =	vadd.s32 s26, v0;
	[tilespmem:s30+$0x10] =	vst v7  }
0x33d: {  	s29 =	simm.s32 $0xC30;
	v7 =	vadd.s32 s17, v0;
	v8 =	vld.idx.msk [tilespmem:v8+s21+$0x0], $0xffff  }
0x33e: {  	s31 =	simm.s32 $0x5;
	v9 =	vadd.s32 s29, v0;
	[tilespmem:s12+$0x20] =	vst v2  }
0x33f: {  	s5 =	simm.s32 $0x1043;
	v2 =	vadd.s32 s31, v0;
	[tilespmem:s0+$0x20] =	vst v3;
	v3 =	vld.idx.msk [tilespmem:v4+s21+$0x0], $0xffff  }
0x340: {  	s7 =	simm.s32 $0x1041;
	v4 =	vld.idx.msk [tilespmem:v5+s21+$0x0], $0xffff;
	[tilespmem:s3+$0x20] =	vst v1;
	v1 =	vadd.s32 s5, v0  }
0x341: {  	s8 =	simm.s32 $0x1042;
	v5 =	vld.idx.msk [tilespmem:v6+s21+$0x0], $0xffff;
	v6 =	vadd.s32 s7, v0  }
0x342: {  	s11 =	simm.s32 $0x7;
	v7 =	vld.idx.msk [tilespmem:v7+s21+$0x0], $0xffff;
	[tilespmem:s30+$0x20] =	vst v8;
	v8 =	vadd.s32 s8, v0  }
0x343: {  	s13 =	simm.s32 $0x1040;
	v10 =	vadd.s32 s11, v0;
	v9 =	vld.idx.msk [tilespmem:v9+s21+$0x0], $0xffff  }
0x344: {  	s18 =	simm.s32 $0x6;
	v2 =	vld.idx.msk [tilespmem:v2+s21+$0x0], $0xffff;
	[tilespmem:s12+$0x30] =	vst v3;
	v3 =	vadd.s32 s13, v0  }
0x345: {  	s5 =	simm.s32 $0x8;
	[tilespmem:s0+$0x30] =	vst v4;
	v4 =	vadd.s32 s18, v0;
	v1 =	vld.idx.msk [tilespmem:v1+s21+$0x0], $0xffff  }
0x346: {  	s19 =	simm.s32 $0x1453;
	v12 =	vadd.s32 s5, v0;
	v6 =	vld.idx.msk [tilespmem:v6+s21+$0x0], $0xffff;
	[tilespmem:s3+$0x30] =	vst v5  }
0x347: {  	s24 =	simm.s32 $0x1452;
	v5 =	vadd.s32 s19, v0;
	v8 =	vld.idx.msk [tilespmem:v8+s21+$0x0], $0xffff  }
0x348: {  	s29 =	simm.s32 $0x415;
	s2 =	simm.s32 $0x414;
	s22 =	simm.s32 $0x1451;
	[tilespmem:s30+$0x30] =	vst v9;
	v9 =	vld.idx.msk [tilespmem:v10+s21+$0x0], $0xffff;
	v10 =	vadd.s32 s24, v0  }
0x349: {  	s11 =	simm.s32 $0x380;
	v11 =	vadd.s32 s22, v0;
	s26 =	simm.s32 $0x417;
	s19 =	simm.s32 $0x200;
	v3 =	vld.idx.msk [tilespmem:v3+s21+$0x0], $0xffff  }
0x34a: {  	s22 =	simm.s32 $0x1863;
	v13 =	vadd.s32 s26, v0;
	s31 =	simm.s32 $0x280;
	s18 =	sand.u32 $0x1C00, s19;
	v4 =	vld.idx.msk [tilespmem:v4+s21+$0x0], $0xffff;
	[tilespmem:s12+$0x40] =	vst v1  }
0x34b: {  	v14 =	vadd.s32 s29, v0;
	s7 =	sand.u32 $0x280, s31;
	s13 =	simm.s32 $0x416;
	s8 =	sadd.s32 $0x19680, s18;
	v1 =	vld.idx.msk [tilespmem:v12+s21+$0x0], $0xffff;
	[tilespmem:s0+$0x40] =	vst v6  }
0x34c: {  	s18 =	sand.u32 $0x380, s11;
	s24 =	simm.s32 $0x300;
	v12 =	vadd.s32 s2, v0;
	s2 =	sadd.s32 s7, s8;
	v5 =	vld.idx.msk [tilespmem:v5+s21+$0x0], $0xffff;
	v6 =	vadd.s32 s13, v0;
	[tilespmem:s3+$0x40] =	vst v8  }
0x34d: {  	s19 =	sand.u32 $0x200, s19;
	s18 =	sadd.s32 s18, s8;
	s24 =	sand.u32 $0x300, s24;
	[tilespmem:s2+$0x0] =	vst v2;
	v8 =	vld.idx.msk [tilespmem:v10+s21+$0x0], $0xffff;
	v10 =	vadd.s32 s22, v0  }
0x34e: {  	s26 =	simm.s32 $0x1450;
	s7 =	sadd.s32 s24, s8;
	s8 =	sadd.s32 s19, s8;
	v11 =	vld.idx.msk [tilespmem:v11+s21+$0x0], $0xffff;
	[tilespmem:s18+$0x0] =	vst v9  }
0x34f: {  	s29 =	simm.s32 $0x1861;
	[tilespmem:s8+$0x0] =	vst v7;
	v9 =	vadd.s32 s26, v0;
	v2 =	vld.idx.msk [tilespmem:v13+s21+$0x0], $0xffff  }
0x350: {  	s31 =	simm.s32 $0x827;
	v13 =	vld.idx.msk [tilespmem:v14+s21+$0x0], $0xffff;
	[tilespmem:s7+$0x0] =	vst v4;
	v4 =	vadd.s32 s29, v0  }
0x351: {  	s19 =	simm.s32 $0x825;
	v14 =	vadd.s32 s31, v0;
	v6 =	vld.idx.msk [tilespmem:v6+s21+$0x0], $0xffff;
	[tilespmem:s12+$0x50] =	vst v5  }
0x352: {  	s22 =	simm.s32 $0x826;
	[tilespmem:s30+$0x40] =	vst v3;
	v5 =	vadd.s32 s19, v0;
	v7 =	vld.idx.msk [tilespmem:v10+s21+$0x0], $0xffff  }
0x353: {  	s24 =	simm.s32 $0x1C73;
	[tilespmem:s0+$0x50] =	vst v11;
	v10 =	vld.idx.msk [tilespmem:v12+s21+$0x0], $0xffff;
	v12 =	vadd.s32 s22, v0  }
0x354: {  	s26 =	simm.s32 $0x824;
	v3 =	vld.idx.msk [tilespmem:v9+s21+$0x0], $0xffff;
	v9 =	vadd.s32 s24, v0;
	[tilespmem:s3+$0x50] =	vst v8  }
0x355: {  	s29 =	simm.s32 $0x1862;
	v11 =	vadd.s32 s26, v0;
	[tilespmem:s18+$0x10] =	vst v2;
	v4 =	vld.idx.msk [tilespmem:v4+s21+$0x0], $0xffff  }
0x356: {  	[tilespmem:s2+$0x10] =	vst v13;
	v13 =	vadd.s32 s29, v0;
	s29 =	simm.s32 $0x9;
	v2 =	vld.idx.msk [tilespmem:v14+s21+$0x0], $0xffff  }
0x357: {  	s22 =	simm.s32 $0xC37;
	v8 =	vadd.s32 s29, v0;
	v5 =	vld.idx.msk [tilespmem:v5+s21+$0x0], $0xffff;
	[tilespmem:s7+$0x10] =	vst v6  }
0x358: {  	s24 =	simm.s32 $0xC35;
	v14 =	vadd.s32 s22, v0;
	v12 =	vld.idx.msk [tilespmem:v12+s21+$0x0], $0xffff;
	[tilespmem:s12+$0x60] =	vst v7  }
0x359: {  	s31 =	simm.s32 $0x1860;
	[tilespmem:s8+$0x10] =	vst v10;
	v10 =	vadd.s32 s24, v0;
	v9 =	vld.idx.msk [tilespmem:v9+s21+$0x0], $0xffff  }
0x35a: {  	s26 =	simm.s32 $0xC36;
	v6 =	vadd.s32 s31, v0;
	v11 =	vld.idx.msk [tilespmem:v11+s21+$0x0], $0xffff  }
0x35b: {  	v15 =	vadd.s32 s26, v0;
	s31 =	simm.s32 $0xC34;
	[tilespmem:s30+$0x50] =	vst v3;
	v16 =	vld.idx.msk [tilespmem:v13+s21+$0x0], $0xffff  }
0x35c: {  	s19 =	simm.s32 $0x1C71;
	v13 =	vadd.s32 s31, v0;
	[tilespmem:s18+$0x20] =	vst v2;
	v2 =	vld.idx.msk [tilespmem:v8+s21+$0x0], $0xffff  }
0x35d: {  	s22 =	simm.s32 $0x1C72;
	[tilespmem:s2+$0x20] =	vst v5;
	v7 =	vld.idx.msk [tilespmem:v14+s21+$0x0], $0xffff;
	v14 =	vadd.s32 s19, v0  }
0x35e: {  	s24 =	simm.s32 $0x1047;
	v5 =	vld.idx.msk [tilespmem:v10+s21+$0x0], $0xffff;
	[tilespmem:s7+$0x20] =	vst v12;
	v10 =	vadd.s32 s22, v0  }
0x35f: {  	s26 =	simm.s32 $0x1045;
	v3 =	vld.idx.msk [tilespmem:v6+s21+$0x0], $0xffff;
	[tilespmem:s8+$0x20] =	vst v11;
	v11 =	vadd.s32 s24, v0  }
0x360: {  	s29 =	simm.s32 $0x1046;
	[tilespmem:s0+$0x60] =	vst v4;
	v12 =	vadd.s32 s26, v0;
	v6 =	vld.idx.msk [tilespmem:v15+s21+$0x0], $0xffff  }
0x361: {  	s31 =	simm.s32 $0x1C70;
	[tilespmem:s12+$0x70] =	vst v9;
	v8 =	vld.idx.msk [tilespmem:v13+s21+$0x0], $0xffff;
	v13 =	vadd.s32 s29, v0  }
0x362: {  	v4 =	vadd.s32 s31, v0;
	s19 =	simm.s32 $0xB;
	s12 =	simm.s32 $0xC;
	[tilespmem:s3+$0x60] =	vst v16;
	v9 =	vld.idx.msk [tilespmem:v14+s21+$0x0], $0xffff  }
.LBB2_17:
0x363: {  	p0 =	slt.u32 s12, $0x3C;
	v14 =	vadd.s32 s19, v0;
	s13 =	sadd.s32 $0x1040, s17;
	[tilespmem:s18+$0x30] =	vst v7;
	v7 =	vld.idx.msk [tilespmem:v10+s21+$0x0], $0xffff  }
0x364: {  	s19 =	sadd.s32 $0x2, s5;
	v10 =	vadd.s32 s13, v0;
	[tilespmem:s2+$0x30] =	vst v5;
	v5 =	vld.idx.msk [tilespmem:v11+s21+$0x0], $0xffff  }
0x365: {  	v11 =	vadd.s32 s19, v0;
	s13 =	sadd.s32 $0x1453, s17;
	v12 =	vld.idx.msk [tilespmem:v12+s21+$0x0], $0xffff;
	[tilespmem:s7+$0x30] =	vst v6  }
0x366: {  	s19 =	sadd.s32 $0x1451, s17;
	v6 =	vld.idx.msk [tilespmem:v13+s21+$0x0], $0xffff;
	v13 =	vadd.s32 s13, v0;
	[tilespmem:s30+$0x60] =	vst v3  }
0x367: {  	v3 =	vadd.s32 s19, v0;
	s13 =	sadd.s32 $0x1452, s17;
	[tilespmem:s8+$0x30] =	vst v8;
	v4 =	vld.idx.msk [tilespmem:v4+s21+$0x0], $0xffff  }
0x368: {  	s22 =	sadd.s32 $0x410, s5;
	s19 =	sadd.s32 $0x411, s5;
	v8 =	vld.idx.msk [tilespmem:v14+s21+$0x0], $0xffff;
	v14 =	vadd.s32 s13, v0;
	[tilespmem:s0+$0x70] =	vst v9;
	s0 =	smov.u32 s2  }
0x369: {  	s11 =	sadd.s32 $0x200, s11;
	v9 =	vadd.s32 s12, v0;
	s2 =	sadd.s32 $0x412, s5;
	s13 =	sadd.s32 $0x413, s5;
	v10 =	vld.idx.msk [tilespmem:v10+s21+$0x0], $0xffff;
	[tilespmem:s3+$0x70] =	vst v7  }
0x36a: {  	s24 =	sadd.s32 $0xFFFFFF00, s11;
	s26 =	sadd.s32 $0xFFFFFF80, s11;
	s3 =	sadd.s32 $0xFFFFFE80, s11;
	v7 =	vld.idx.msk [tilespmem:v11+s21+$0x0], $0xffff;
	v11 =	vadd.s32 s13, v0;
	[tilespmem:s18+$0x40] =	vst v5  }
0x36b: {  	s24 =	sand.u32 $0x280, s24;
	s13 =	sand.u32 $0x200, s3;
	s3 =	sand.u32 $0x1C00, s3;
	v5 =	vadd.s32 s19, v0;
	[tilespmem:s0+$0x40] =	vst v12;
	v12 =	vld.idx.msk [tilespmem:v13+s21+$0x0], $0xffff  }
0x36c: {  	s29 =	sadd.s32 $0x1863, s17;
	s3 =	sadd.s32 $0x19680, s3;
	v13 =	vadd.s32 s2, v0;
	s2 =	sand.u32 $0x380, s11;
	v3 =	vld.idx.msk [tilespmem:v3+s21+$0x0], $0xffff;
	[tilespmem:s7+$0x40] =	vst v6  }
0x36d: {  	s26 =	sand.u32 $0x300, s26;
	s13 =	sadd.s32 s13, s3;
	s19 =	sadd.s32 s2, s3;
	v6 =	vld.idx.msk [tilespmem:v14+s21+$0x0], $0xffff;
	v14 =	vadd.s32 s29, v0;
	[tilespmem:s30+$0x70] =	vst v4  }
0x36e: {  	s2 =	sadd.s32 s24, s3;
	v4 =	vld.idx.msk [tilespmem:v9+s21+$0x0], $0xffff;
	v9 =	vadd.s32 s22, v0;
	s22 =	sadd.s32 s26, s3;
	[tilespmem:s19+$0x0] =	vst v8;
	s3 =	sadd.s32 $0x1450, s17  }
0x36f: {  	s30 =	smov.u32 s8;
	s8 =	smov.u32 s13;
	[tilespmem:s2+$0x0] =	vst v2;
	v2 =	vld.idx.msk [tilespmem:v11+s21+$0x0], $0xffff;
	v8 =	vadd.s32 s3, v0;
	s3 =	sadd.s32 $0x1861, s17  }
0x370: {  	s13 =	sadd.s32 $0x823, s5;
	v5 =	vld.idx.msk [tilespmem:v5+s21+$0x0], $0xffff;
	[tilespmem:s22+$0x0] =	vst v7;
	v7 =	vadd.s32 s3, v0;
	s3 =	smov.u32 s7;
	s7 =	smov.u32 s22  }
0x371: {  	s22 =	sadd.s32 $0x821, s5;
	v11 =	vld.idx.msk [tilespmem:v13+s21+$0x0], $0xffff;
	v13 =	vadd.s32 s13, v0;
	[tilespmem:s18+$0x50] =	vst v12  }
0x372: {  	v12 =	vadd.s32 s22, v0;
	s13 =	sadd.s32 $0x822, s5;
	[tilespmem:s8+$0x0] =	vst v1;
	v14 =	vld.idx.msk [tilespmem:v14+s21+$0x0], $0xffff  }
0x373: {  	v15 =	vadd.s32 s13, v0;
	s13 =	sadd.s32 $0x1C73, s17;
	v9 =	vld.idx.msk [tilespmem:v9+s21+$0x0], $0xffff;
	[tilespmem:s30+$0x40] =	vst v10  }
0x374: {  	s22 =	sadd.s32 $0x820, s5;
	v1 =	vmov v4;
	v8 =	vld.idx.msk [tilespmem:v8+s21+$0x0], $0xffff;
	[tilespmem:s0+$0x50] =	vst v3;
	v3 =	vadd.s32 s13, v0  }
0x375: {  	v4 =	vadd.s32 s22, v0;
	s13 =	sadd.s32 $0x1862, s17;
	[tilespmem:s19+$0x10] =	vst v2;
	v16 =	vld.idx.msk [tilespmem:v7+s21+$0x0], $0xffff  }
0x376: {  	s22 =	sadd.s32 $0x1860, s17;
	[tilespmem:s2+$0x10] =	vst v5;
	v2 =	vld.idx.msk [tilespmem:v13+s21+$0x0], $0xffff;
	v5 =	vadd.s32 s13, v0  }
0x377: {  	v10 =	vadd.s32 s22, v0;
	s13 =	sadd.s32 $0xC33, s5;
	v7 =	vld.idx.msk [tilespmem:v12+s21+$0x0], $0xffff;
	[tilespmem:s7+$0x10] =	vst v11  }
0x378: {  	s22 =	sadd.s32 $0xC31, s5;
	v12 =	vadd.s32 s13, v0;
	v11 =	vld.idx.msk [tilespmem:v15+s21+$0x0], $0xffff;
	[tilespmem:s18+$0x60] =	vst v14  }
0x379: {  	s13 =	sadd.s32 $0xC32, s5;
	[tilespmem:s8+$0x10] =	vst v9;
	v9 =	vadd.s32 s22, v0;
	v13 =	vld.idx.msk [tilespmem:v3+s21+$0x0], $0xffff  }
0x37a: {  	v14 =	vadd.s32 s13, v0;
	s22 =	sadd.s32 $0x1, s12;
	v4 =	vld.idx.msk [tilespmem:v4+s21+$0x0], $0xffff;
	[tilespmem:s3+$0x50] =	vst v6  }
0x37b: {  	s13 =	sadd.s32 $0xC30, s5;
	v15 =	vadd.s32 s22, v0;
	[tilespmem:s30+$0x50] =	vst v8;
	v17 =	vld.idx.msk [tilespmem:v5+s21+$0x0], $0xffff  }
0x37c: {  	v8 =	vadd.s32 s13, v0;
	s13 =	sadd.s32 $0x1C71, s17;
	[tilespmem:s19+$0x20] =	vst v2;
	v3 =	vld.idx.msk [tilespmem:v10+s21+$0x0], $0xffff  }
0x37d: {  	v18 =	vadd.s32 s13, v0;
	s13 =	sadd.s32 $0x1C72, s17;
	[tilespmem:s2+$0x20] =	vst v7;
	v7 =	vld.idx.msk [tilespmem:v12+s21+$0x0], $0xffff  }
.Ltmp9:
0x37e: {  	s22 =	sadd.s32 $0x1043, s5;
	v10 =	vadd.s32 s13, v0;
	v5 =	vld.idx.msk [tilespmem:v9+s21+$0x0], $0xffff;
	[tilespmem:s7+$0x20] =	vst v11;
	(pc) =	sbr.rel @p0 .LBB2_17-.Ltmp9, $4  }
0x37f: {  	s13 =	sadd.s32 $0x1041, s5;
	v11 =	vadd.s32 s22, v0;
	v6 =	vld.idx.msk [tilespmem:v14+s21+$0x0], $0xffff;
	[tilespmem:s18+$0x70] =	vst v13;
	s18 =	smov.u32 s19  }
0x380: {  	v12 =	vadd.s32 s13, v0;
	s13 =	sadd.s32 $0x1042, s5;
	v2 =	vld.idx.msk [tilespmem:v15+s21+$0x0], $0xffff;
	[tilespmem:s8+$0x20] =	vst v4  }
0x381: {  	v13 =	vadd.s32 s13, v0;
	s13 =	sadd.s32 $0x1C70, s17;
	s17 =	smov.u32 s5;
	s5 =	smov.u32 s12;
	v8 =	vld.idx.msk [tilespmem:v8+s21+$0x0], $0xffff;
	[tilespmem:s0+$0x60] =	vst v16  }
0x382: {  	s12 =	sadd.s32 $0x4, s12;
	s19 =	sadd.s32 $0x3, s5;
	v4 =	vadd.s32 s13, v0;
	v9 =	vld.idx.msk [tilespmem:v18+s21+$0x0], $0xffff;
	[tilespmem:s3+$0x60] =	vst v17  }
0x383: {  	_ =	sdelay $0x2  }
0x384: {  	v14 =	vadd.s32 s19, v0;
	[tilespmem:s18+$0x30] =	vst v7;
	s12 =	sadd.s32 $0x2, s5  }
0x385: {  	v61 =	vld.idx.msk [tilespmem:v10+s21+$0x0], $0xffff;
	[tilespmem:s2+$0x30] =	vst v5;
	v63 =	vadd.s32 s12, v0  }
0x386: {  	s11 =	sadd.s32 $0x200, s11;
	[tilespmem:s7+$0x30] =	vst v6  }
0x387: {  	[tilespmem:s30+$0x60] =	vst v3;
	s26 =	sadd.s32 $0x1453, s17;
	s19 =	sadd.s32 $0xFFFFFE80, s11;
	v3 =	vld.idx.msk [tilespmem:v13+s21+$0x0], $0xffff  }
0x388: {  	s29 =	sadd.s32 $0x413, s5;
	s13 =	sadd.s32 $0x411, s5;
	s22 =	sand.u32 $0x1C00, s19;
	[tilespmem:s8+$0x30] =	vst v8  }
0x389: {  	s12 =	sadd.s32 $0x1040, s17;
	v16 =	vadd.s32 s29, v0;
	v18 =	vadd.s32 s13, v0;
	s19 =	sand.u32 $0x200, s19;
	s22 =	sadd.s32 $0x19680, s22;
	[tilespmem:s0+$0x70] =	vst v9;
	v15 =	vld.idx.msk [tilespmem:v14+s21+$0x0], $0xffff  }
0x38a: {  	s24 =	sadd.s32 $0x412, s5;
	v13 =	vadd.s32 s26, v0;
	s26 =	sadd.s32 $0xFFFFFF00, s11;
	v20 =	vadd.s32 s12, v0;
	s12 =	sadd.s32 s19, s22;
	[tilespmem:s3+$0x70] =	vst v61;
	v17 =	vld.idx.msk [tilespmem:v63+s21+$0x0], $0xffff  }
0x38b: {  	s31 =	sadd.s32 $0x410, s5;
	v62 =	vld.idx.msk [tilespmem:v11+s21+$0x0], $0xffff;
	v19 =	vadd.s32 s24, v0;
	s13 =	sand.u32 $0x280, s26;
	[tilespmem:s12+$0x0] =	vst v1  }
0x38c: {  	v12 =	vld.idx.msk [tilespmem:v12+s21+$0x0], $0xffff;
	s29 =	sand.u32 $0x380, s11;
	s11 =	sadd.s32 $0xFFFFFF80, s11;
	s3 =	sadd.s32 s13, s22;
	[tilespmem:s7+$0x40] =	vst v3;
	v3 =	vadd.s32 s31, v0  }
0x38d: {  	v4 =	vld.idx.msk [tilespmem:v4+s21+$0x0], $0xffff;
	s11 =	sand.u32 $0x300, s11;
	s0 =	sadd.s32 s29, s22;
	[tilespmem:s3+$0x0] =	vst v2  }
0x38e: {  	s11 =	sadd.s32 s11, s22;
	s31 =	sadd.s32 $0x1451, s17;
	v5 =	vld.idx.msk [tilespmem:v18+s21+$0x0], $0xffff;
	[tilespmem:s0+$0x0] =	vst v15  }
0x38f: {  	s26 =	sadd.s32 $0x821, s5;
	v21 =	vadd.s32 s31, v0;
	v2 =	vld.idx.msk [tilespmem:v16+s21+$0x0], $0xffff;
	[tilespmem:s11+$0x0] =	vst v17  }
0x390: {  	s24 =	sadd.s32 $0x823, s5;
	v1 =	vadd.s32 s26, v0;
	[tilespmem:s18+$0x40] =	vst v62;
	v6 =	vld.idx.msk [tilespmem:v19+s21+$0x0], $0xffff  }
0x391: {  	v22 =	vadd.s32 s24, v0;
	s29 =	sadd.s32 $0x822, s5;
	[tilespmem:s2+$0x40] =	vst v12;
	v3 =	vld.idx.msk [tilespmem:v3+s21+$0x0], $0xffff  }
0x392: {  	v23 =	vadd.s32 s29, v0;
	[tilespmem:s30+$0x70] =	vst v4;
	s30 =	sadd.s32 $0x820, s5;
	v8 =	vld.idx.msk [tilespmem:v13+s21+$0x0], $0xffff  }
0x393: {  	v24 =	vld.idx.msk [tilespmem:v20+s21+$0x0], $0xffff;
	v25 =	vadd.s32 s30, v0;
	s31 =	sadd.s32 $0x1863, s17;
	[tilespmem:s3+$0x10] =	vst v5  }
0x394: {  	s22 =	sadd.s32 $0x1452, s17;
	v27 =	vadd.s32 s31, v0;
	v26 =	vld.idx.msk [tilespmem:v21+s21+$0x0], $0xffff;
	[tilespmem:s0+$0x10] =	vst v2  }
0x395: {  	s26 =	sadd.s32 $0xC31, s5;
	v1 =	vld.idx.msk [tilespmem:v1+s21+$0x0], $0xffff;
	v2 =	vadd.s32 s22, v0;
	[tilespmem:s11+$0x10] =	vst v6  }
0x396: {  	s24 =	sadd.s32 $0xC33, s5;
	v28 =	vld.idx.msk [tilespmem:v22+s21+$0x0], $0xffff;
	[tilespmem:s12+$0x10] =	vst v3;
	v3 =	vadd.s32 s26, v0  }
0x397: {  	v29 =	vadd.s32 s24, v0;
	s29 =	sadd.s32 $0xC32, s5;
	[tilespmem:s18+$0x50] =	vst v8;
	v4 =	vld.idx.msk [tilespmem:v23+s21+$0x0], $0xffff  }
0x398: {  	v31 =	vadd.s32 s29, v0;
	s30 =	sadd.s32 $0xC30, s5;
	[tilespmem:s8+$0x40] =	vst v24;
	v30 =	vld.idx.msk [tilespmem:v25+s21+$0x0], $0xffff  }
0x399: {  	v33 =	vadd.s32 s30, v0;
	s31 =	sadd.s32 $0x1450, s17;
	v32 =	vld.idx.msk [tilespmem:v27+s21+$0x0], $0xffff;
	[tilespmem:s2+$0x50] =	vst v26  }
0x39a: {  	v34 =	vadd.s32 s31, v0;
	s31 =	sadd.s32 $0x1861, s17;
	[tilespmem:s3+$0x20] =	vst v1;
	v2 =	vld.idx.msk [tilespmem:v2+s21+$0x0], $0xffff  }
0x39b: {  	v42 =	vadd.s32 s31, v0;
	s26 =	sadd.s32 $0x1041, s5;
	[tilespmem:s0+$0x20] =	vst v28;
	v3 =	vld.idx.msk [tilespmem:v3+s21+$0x0], $0xffff  }
0x39c: {  	s24 =	sadd.s32 $0x1043, s5;
	v38 =	vadd.s32 s26, v0;
	v1 =	vld.idx.msk [tilespmem:v29+s21+$0x0], $0xffff;
	[tilespmem:s11+$0x20] =	vst v4  }
0x39d: {  	v36 =	vadd.s32 s24, v0;
	s29 =	sadd.s32 $0x1042, s5;
	[tilespmem:s12+$0x20] =	vst v30;
	v37 =	vld.idx.msk [tilespmem:v31+s21+$0x0], $0xffff  }
0x39e: {  	v40 =	vadd.s32 s29, v0;
	s30 =	sadd.s32 $0x1040, s5;
	[tilespmem:s18+$0x60] =	vst v32;
	v39 =	vld.idx.msk [tilespmem:v33+s21+$0x0], $0xffff  }
0x39f: {  	s31 =	sadd.s32 $0x1860, s17;
	v41 =	vld.idx.msk [tilespmem:v34+s21+$0x0], $0xffff;
	s22 =	sadd.s32 $0x1C73, s17;
	[tilespmem:s7+$0x50] =	vst v2;
	v2 =	vadd.s32 s30, v0  }
0x3a0: {  	v50 =	vadd.s32 s31, v0;
	v35 =	vadd.s32 s22, v0;
	s22 =	sadd.s32 $0x1862, s17;
	v48 =	vld.idx.msk [tilespmem:v42+s21+$0x0], $0xffff;
	[tilespmem:s3+$0x30] =	vst v3  }
0x3a1: {  	s26 =	sadd.s32 $0x1451, s5;
	[tilespmem:s0+$0x30] =	vst v1;
	v1 =	vadd.s32 s22, v0;
	v43 =	vld.idx.msk [tilespmem:v38+s21+$0x0], $0xffff  }
0x3a2: {  	s24 =	sadd.s32 $0x1453, s5;
	v46 =	vadd.s32 s26, v0;
	v3 =	vld.idx.msk [tilespmem:v36+s21+$0x0], $0xffff;
	[tilespmem:s11+$0x30] =	vst v37  }
0x3a3: {  	v44 =	vadd.s32 s24, v0;
	s29 =	sadd.s32 $0x1452, s5;
	[tilespmem:s12+$0x30] =	vst v39;
	v45 =	vld.idx.msk [tilespmem:v40+s21+$0x0], $0xffff  }
0x3a4: {  	v47 =	vadd.s32 s29, v0;
	[tilespmem:s8+$0x50] =	vst v41;
	s30 =	sadd.s32 $0x1450, s5;
	v2 =	vld.idx.msk [tilespmem:v2+s21+$0x0], $0xffff  }
0x3a5: {  	v57 =	vld.idx.msk [tilespmem:v50+s21+$0x0], $0xffff;
	[tilespmem:s2+$0x60] =	vst v48;
	v49 =	vadd.s32 s30, v0  }
0x3a6: {  	s22 =	sadd.s32 $0x1C71, s17;
	v1 =	vld.idx.msk [tilespmem:v1+s21+$0x0], $0xffff;
	[tilespmem:s3+$0x40] =	vst v43  }
0x3a7: {  	s26 =	sadd.s32 $0x1861, s5;
	[tilespmem:s0+$0x40] =	vst v3;
	v3 =	vadd.s32 s22, v0;
	v52 =	vld.idx.msk [tilespmem:v46+s21+$0x0], $0xffff  }
0x3a8: {  	s24 =	sadd.s32 $0x1863, s5;
	v55 =	vadd.s32 s26, v0;
	v51 =	vld.idx.msk [tilespmem:v44+s21+$0x0], $0xffff;
	[tilespmem:s11+$0x40] =	vst v45  }
0x3a9: {  	v53 =	vadd.s32 s24, v0;
	s29 =	sadd.s32 $0x1862, s5;
	v54 =	vld.idx.msk [tilespmem:v47+s21+$0x0], $0xffff;
	[tilespmem:s12+$0x40] =	vst v2  }
0x3aa: {  	v56 =	vadd.s32 s29, v0;
	[tilespmem:s8+$0x60] =	vst v57;
	s30 =	sadd.s32 $0x1860, s5;
	v2 =	vld.idx.msk [tilespmem:v49+s21+$0x0], $0xffff  }
0x3ab: {  	s19 =	sadd.s32 $0x1C70, s17;
	v5 =	vld.idx.msk [tilespmem:v35+s21+$0x0], $0xffff;
	[tilespmem:s7+$0x60] =	vst v1;
	v1 =	vadd.s32 s30, v0  }
0x3ac: {  	v59 =	vadd.s32 s19, v0;
	s31 =	sadd.s32 $0x1C72, s17;
	v3 =	vld.idx.msk [tilespmem:v3+s21+$0x0], $0xffff;
	[tilespmem:s3+$0x50] =	vst v52  }
0x3ad: {  	s24 =	sadd.s32 $0x1C71, s5;
	v58 =	vadd.s32 s31, v0;
	[tilespmem:s0+$0x50] =	vst v51;
	v9 =	vld.idx.msk [tilespmem:v55+s21+$0x0], $0xffff  }
0x3ae: {  	v61 =	vadd.s32 s24, v0;
	s22 =	sadd.s32 $0x1C73, s5;
	v7 =	vld.idx.msk [tilespmem:v53+s21+$0x0], $0xffff;
	[tilespmem:s11+$0x50] =	vst v54  }
0x3af: {  	s26 =	sadd.s32 $0x1C72, s5;
	v60 =	vadd.s32 s22, v0;
	[tilespmem:s12+$0x50] =	vst v2;
	v2 =	vld.idx.msk [tilespmem:v56+s21+$0x0], $0xffff  }
0x3b0: {  	s29 =	sadd.s32 $0x1C70, s5;
	v62 =	vadd.s32 s26, v0;
	[tilespmem:s18+$0x70] =	vst v5;
	v1 =	vld.idx.msk [tilespmem:v1+s21+$0x0], $0xffff  }
0x3b1: {  	v4 =	vld.idx.msk [tilespmem:v59+s21+$0x0], $0xffff;
	[tilespmem:s2+$0x70] =	vst v3;
	v3 =	vadd.s32 s29, v0  }
0x3b2: {  	v63 =	vld.idx.msk [tilespmem:v58+s21+$0x0], $0xffff;
	[tilespmem:s3+$0x60] =	vst v9  }
0x3b3: {  	[tilespmem:s0+$0x60] =	vst v7;
	v5 =	vld.idx.msk [tilespmem:v61+s21+$0x0], $0xffff  }
0x3b4: {  	v6 =	vld.idx.msk [tilespmem:v60+s21+$0x0], $0xffff;
	[tilespmem:s11+$0x60] =	vst v2  }
0x3b5: {  	v2 =	vld.idx.msk [tilespmem:v62+s21+$0x0], $0xffff;
	[tilespmem:s12+$0x60] =	vst v1  }
0x3b6: {  	[tilespmem:s8+$0x70] =	vst v4;
	v1 =	vld.idx.msk [tilespmem:v3+s21+$0x0], $0xffff  }
0x3b7: {  	[tilespmem:s7+$0x70] =	vst v63  }
.Ltmp10:
0x3b8: {  	[tilespmem:s3+$0x70] =	vst v5;
	(pc) =	sbr.rel @p1 .LBB2_20-.Ltmp10, $4  }
0x3b9: {  	s30 =	sshll.u32 s16, $0xF;
	[tilespmem:s0+$0x70] =	vst v6  }
0x3ba: {  	s0 =	sadd.s32 s1, s30;
	[tilespmem:s11+$0x70] =	vst v2  }
0x3bb: {  	s31 =	simm.s32 $0x19680;
	s0 =	sadd.s32 s6, s0;
	[tilespmem:s12+$0x70] =	vst v1  }
0x3bc: {  	[hbm4b:s0+s9] =	stream.strided.scatter [tilespmem:s31], [sflag:$0x8], $0x2000, s10, s9, $0x38;
	[tilespmem:$0x1B680] =	vst v63  }
.Ltmp11:
0x3bd: {  	(pc) =	sbr.rel .LBB2_2-.Ltmp11, $4  }
0x3be: {  	s0 =	sshll.u32 s15, $0x7  }
0x3bf: {  	s2 =	simm.s32 $0x80;
	s0 =	sadd.s32 $0x380, s0  }
0x3c0: {  	s3 =	simm.s32 $0xF600;
	s14 =	sadd.s32 $0x1, s14;
	s0 =	sand.u32 $0xFF80, s0  }
0x3c1: {  	[tilespmem:s3], [sflag:$0x4] =	stream.indirect.gather [hbm4b:s4+s2], $0x40, s0, s2, $0xb8;
	[tilespmem:$0x1B680] =	vst v63  }
.LBB2_21:
0x3c2: {  	_ =	sfence.sel $0x180000  }
0x3c3: {  	[bflag:$0x0] =	sbarrier.arrive $0xFFFF  }
0x3c4: {  	_ =	strace $0x90000047  }
0x3c5: {  	s0 =	stileid.u32;
	[bflag:$0x2] =	sbarrier.arrive $0xFFFF  }
0x3c6: {  	p0 =	sne.s32 s0, $0x0;
	s0 =	rddreg [dreg:$0x3]  }
0x3c7: {  	s0 =	sadd.s32 @!p0 $0x100000, s0  }
0x3c8: {  	[sflag:s0] =	ssyncadd.tile.s32 @!p0 $0x1;
	_ =	shalt  }
.Lfunc_end2:
_tile_overlayer_lowered:
.L_overlay_start_2:
0x3c9: {  	(tag) =	ssettag $0x2  }
0x3ca: {  	s0 =	rddreg [dreg:$0x0];
	s2 =	stileid.u32  }
0x3cb: {  	s1 =	rddreg [dreg:$0x1];
	p0 =	sne.s32 s2, $0x0  }
0x3cc: {  	s3 =	rddreg [dreg:$0x2];
	[bflag:$0x3] =	sbarrier.arrive $0xFFFF;
	s2 =	simm.s32 @!p0 $0x1C09  }
0x3cd: {  	[timem:s3], [sflag:s2] =	dma.local @!p0 [hbm:s0], s1  }
0x3ce: {  	s0 =	simm.s32 @!p0 $0x9  }
0x3cf: {  	_ =	swait.ge @!p0 [sflag:s0], s1  }
0x3d0: {  	s1 =	ssub.s32 @!p0 $0x0, s1;
	[sflag:s0] =	ssyncset.done @!p0 $0x0  }
0x3d1: {  	[sflag:s0] =	ssyncadd.s32 @!p0 s1  }
0x3d2: {  	[bflag:$0x3] =	sbarrier.arrive $0xFFFF  }
0x3d3: {  	_ =	shalt  }

</sc_bundles>
